<compile_context>
chip_gen: v7x
topology: tpu7x:2x2x1
jax: 0.10.2.dev20260603
libtpu: 0.0.44.dev20260713+nightly
codegen_flags: <defaults>
</compile_context>

<pallas_src>
import functools

import jax
import jax.numpy as jnp
from jax import lax
from jax.experimental import pallas as pl
from jax.experimental.pallas import tpu as pltpu
from jax.experimental.pallas import tpu_sc as plsc

NC, NS = 2, 16
NW = NC * NS
N = 10000
E = 320000
D = 128
NG = 64
CH = 128
NCHUNK = 80
EPW = CH * NCHUNK
EPAD = NW * EPW
TOTCH = EPAD // CH
PARTS = NC
C0 = 120
C1 = 40
NPAD = 10240
RPS = NPAD // NS
ZB = 128


def _mesh():
    return plsc.VectorSubcoreMesh(
        core_axis_name="c", subcore_axis_name="s",
        num_cores=NC, num_subcores=NS)


@functools.cache
def _sc_degree_kernel():
    return pl.kernel(
        _sc_degree_body,
        out_type=jax.ShapeDtypeStruct((NC, NPAD, D), jnp.float32),
        mesh=_mesh(),
        scratch_types=[
            pltpu.VMEM((CH,), jnp.int32),
            pltpu.VMEM((CH, D), jnp.float32),
            pltpu.VMEM_SHARED((NPAD, D), jnp.float32),
        ],
    )


def _sc_degree(dstz):
    return _sc_degree_kernel()(dstz)


def _sc_degree_body(dstz_hbm, out_hbm, idx_d, buf, acc_sh):
    c = lax.axis_index("c")
    s = lax.axis_index("s")
    wid = s * NC + c

    def _fill(val):
        def _f(k, _):
            buf[k // 8, pl.ds((k % 8) * 16, 16)] = jnp.full((16,), val,
                                                            jnp.float32)
            return 0
        return _f

    lax.fori_loop(0, CH * (D // 16), _fill(0.0), 0)

    def _z(k, _):
        pltpu.sync_copy(buf, acc_sh.at[pl.ds(s * RPS + k * CH, CH)])
        return 0
    lax.fori_loop(0, RPS // CH, _z, 0)
    plsc.subcore_barrier()

    lax.fori_loop(0, CH * (D // 16), _fill(1.0), 0)

    def _chunk(j, _):
        pltpu.sync_copy(dstz_hbm.at[wid * NCHUNK + j], idx_d)
        pltpu.sync_copy(buf, acc_sh.at[idx_d], add=True)
        return 0
    lax.fori_loop(0, NCHUNK, _chunk, 0)
    plsc.subcore_barrier()

    pltpu.sync_copy(acc_sh.at[pl.ds(s * RPS, RPS)],
                    out_hbm.at[c, pl.ds(s * RPS, RPS)])


@functools.cache
def _sc_scatter_kernel():
    return pl.kernel(
        _sc_scatter_body,
        out_type=jax.ShapeDtypeStruct((PARTS, NPAD, D), jnp.float32),
        mesh=plsc.VectorSubcoreMesh(core_axis_name="c", subcore_axis_name="s",
                                    num_cores=PARTS, num_subcores=NS),
        scratch_types=[
            pltpu.VMEM((CH,), jnp.int32),
            pltpu.VMEM((CH,), jnp.int32),
            pltpu.VMEM((CH,), jnp.int32),
            pltpu.VMEM((CH,), jnp.int32),
            pltpu.VMEM((CH, D), jnp.float32),
            pltpu.VMEM((CH, D), jnp.float32),
            pltpu.VMEM_SHARED((NPAD, D), jnp.float32),
            pltpu.SemaphoreType.DMA,
            pltpu.SemaphoreType.DMA,
        ],
    )


def _sc_scatter(g, srcz, dstz):
    return _sc_scatter_kernel()(g, srcz, dstz)


def _sc_scatter_body(g_hbm, srcz_hbm, dstz_hbm, out_hbm, idx_s0, idx_d0,
                     idx_s1, idx_d1, rows0, rows1, acc_sh, sem0, sem1):
    c = lax.axis_index("c")
    s = lax.axis_index("s")
    start = jnp.where(c == 0, s * C0, NS * C0 + s * C1)
    cnt = jnp.where(c == 0, C0, C1)
    idx_s = (idx_s0, idx_s1)
    idx_d = (idx_d0, idx_d1)
    rows = (rows0, rows1)
    sems = (sem0, sem1)

    def _zb(k, _):
        rows0[k // 8, pl.ds((k % 8) * 16, 16)] = jnp.zeros((16,), jnp.float32)
        return 0
    lax.fori_loop(0, CH * (D // 16), _zb, 0)

    def _z(k, _):
        pltpu.sync_copy(rows0, acc_sh.at[pl.ds(s * RPS + k * CH, CH)])
        return 0
    lax.fori_loop(0, RPS // CH, _z, 0)
    plsc.subcore_barrier()

    for b in range(2):
        pltpu.sync_copy(srcz_hbm.at[start + b], idx_s[b])
        pltpu.sync_copy(dstz_hbm.at[start + b], idx_d[b])
        pltpu.async_copy(g_hbm.at[idx_s[b]], rows[b], sems[b])

    def _grp(gi, _):
        for b in range(2):
            j = gi * 2 + b
            pltpu.make_async_copy(g_hbm.at[idx_s[b]], rows[b], sems[b]).wait()
            pltpu.sync_copy(rows[b], acc_sh.at[idx_d[b]], add=True)
            pltpu.sync_copy(srcz_hbm.at[start + j + 2], idx_s[b])
            pltpu.sync_copy(dstz_hbm.at[start + j + 2], idx_d[b])
            pltpu.async_copy(g_hbm.at[idx_s[b]], rows[b], sems[b])
        return 0
    lax.fori_loop(0, cnt // 2 - 1, _grp, 0)

    for b in range(2):
        pltpu.make_async_copy(g_hbm.at[idx_s[b]], rows[b], sems[b]).wait()
        pltpu.sync_copy(rows[b], acc_sh.at[idx_d[b]], add=True)
    plsc.subcore_barrier()

    pltpu.sync_copy(acc_sh.at[pl.ds(s * RPS, RPS)],
                    out_hbm.at[c, pl.ds(s * RPS, RPS)])



_BLK = 1000
_GRID = N // _BLK


def _tc_prep_body(degp_ref, x_ref, w_ref, dinv_ref, g_ref):
    deg = degp_ref[0, :, :16] + degp_ref[1, :, :16] + 1.0
    dinv = lax.rsqrt(deg)
    dinv_ref[...] = dinv
    hw = jnp.dot(x_ref[...], w_ref[...], preferred_element_type=jnp.float32)
    g_ref[...] = hw * dinv[:, :1]


def _tc_prep(degp, x, w1):
    return pl.pallas_call(
        _tc_prep_body,
        grid=(_GRID,),
        in_specs=[
            pl.BlockSpec((NC, _BLK, D), lambda i: (0, i, 0)),
            pl.BlockSpec((_BLK, D), lambda i: (i, 0)),
            pl.BlockSpec((D, D), lambda i: (0, 0)),
        ],
        out_specs=[
            pl.BlockSpec((_BLK, 16), lambda i: (i, 0)),
            pl.BlockSpec((_BLK, D), lambda i: (i, 0)),
        ],
        out_shape=[
            jax.ShapeDtypeStruct((N, 16), jnp.float32),
            jax.ShapeDtypeStruct((N, D), jnp.float32),
        ],
    )(degp, x, w1)


def _psum(p_ref):
    s = p_ref[0]
    for k in range(1, p_ref.shape[0]):
        s = s + p_ref[k]
    return s


def _tc_mid_body(p_ref, g_ref, dinv_ref, b_ref, w_ref, gn_ref):
    dv = dinv_ref[:, :1]
    pre = (_psum(p_ref) + g_ref[...]) * dv + b_ref[...]
    h = jnp.maximum(pre, 0.0)
    gn_ref[...] = jnp.dot(h, w_ref[...],
                          preferred_element_type=jnp.float32) * dv


def _tc_mid(p, g, dinv, b, w):
    return pl.pallas_call(
        _tc_mid_body,
        grid=(_GRID,),
        in_specs=[
            pl.BlockSpec((PARTS, _BLK, D), lambda i: (0, i, 0)),
            pl.BlockSpec((_BLK, D), lambda i: (i, 0)),
            pl.BlockSpec((_BLK, 16), lambda i: (i, 0)),
            pl.BlockSpec((1, D), lambda i: (0, 0)),
            pl.BlockSpec((D, D), lambda i: (0, 0)),
        ],
        out_specs=pl.BlockSpec((_BLK, D), lambda i: (i, 0)),
        out_shape=jax.ShapeDtypeStruct((N, D), jnp.float32),
    )(p, g, dinv, b.reshape(1, D), w)


def _tc_final_body(p_ref, g_ref, dinv_ref, b_ref, batch_ref, wl_ref, bl_ref,
                   out_ref, sums_scr, cnt_scr):
    i = pl.program_id(0)

    @pl.when(i == 0)
    def _():
        sums_scr[...] = jnp.zeros_like(sums_scr)
        cnt_scr[...] = jnp.zeros_like(cnt_scr)

    dv = dinv_ref[:, :1]
    h5 = (_psum(p_ref) + g_ref[...]) * dv + b_ref[...]
    gid = batch_ref[:, :1]
    oneh = (gid == lax.broadcasted_iota(jnp.int32, (1, NG), 1))
    oneh = oneh.astype(jnp.float32)
    dn = (((0,), (0,)), ((), ()))
    sums_scr[...] += lax.dot_general(oneh, h5, dn,
                                     preferred_element_type=jnp.float32)
    cnt_scr[...] += lax.dot_general(oneh, jnp.ones_like(h5), dn,
                                    preferred_element_type=jnp.float32)

    @pl.when(i == pl.num_programs(0) - 1)
    def _():
        pooled = sums_scr[...] / jnp.maximum(cnt_scr[...], 1.0)
        out_ref[...] = jnp.dot(pooled, wl_ref[...],
                               preferred_element_type=jnp.float32) + bl_ref[...]


def _tc_final(p, g, dinv, b5, batch16, w_lin, b_lin):
    ncls = w_lin.shape[1]
    return pl.pallas_call(
        _tc_final_body,
        grid=(_GRID,),
        in_specs=[
            pl.BlockSpec((PARTS, _BLK, D), lambda i: (0, i, 0)),
            pl.BlockSpec((_BLK, D), lambda i: (i, 0)),
            pl.BlockSpec((_BLK, 16), lambda i: (i, 0)),
            pl.BlockSpec((1, D), lambda i: (0, 0)),
            pl.BlockSpec((_BLK, 16), lambda i: (i, 0)),
            pl.BlockSpec((D, ncls), lambda i: (0, 0)),
            pl.BlockSpec((1, ncls), lambda i: (0, 0)),
        ],
        out_specs=pl.BlockSpec((NG, ncls), lambda i: (0, 0)),
        out_shape=jax.ShapeDtypeStruct((NG, ncls), jnp.float32),
        scratch_shapes=[
            pltpu.VMEM((NG, D), jnp.float32),
            pltpu.VMEM((NG, D), jnp.float32),
        ],
    )(p, g, dinv, b5.reshape(1, D), batch16, w_lin, b_lin.reshape(1, ncls))



@jax.jit
def kernel(x, edge_index, batch, W1, b1, W2, b2, W3, b3, W4, b4, W5, b5,
           W_lin, b_lin):
    src = edge_index[0].astype(jnp.int32)
    dst = edge_index[1].astype(jnp.int32)
    npd = EPAD - E
    pad_src = jnp.zeros((npd,), jnp.int32)
    pad_dst = N + (jnp.arange(npd, dtype=jnp.int32) % (NPAD - N))
    srcz = jnp.concatenate([src, pad_src]).reshape(TOTCH, CH)
    dstz = jnp.concatenate([dst, pad_dst]).reshape(TOTCH, CH)
    batch16 = jnp.broadcast_to(batch.astype(jnp.int32)[:, None], (N, 16))

    degp = _sc_degree(dstz)
    dinv, g = _tc_prep(degp, x, W1)
    for b, w in ((b1, W2), (b2, W3), (b3, W4), (b4, W5)):
        p = _sc_scatter(g, srcz, dstz)
        g = _tc_mid(p, g, dinv, b, w)
    p = _sc_scatter(g, srcz, dstz)
    return _tc_final(p, g, dinv, b5, batch16, W_lin, b_lin)

# --- scband reference (transcript-rebuilt; emitter-appended) ---
"""Pipeline reference for scband-gcn5-55181739819509 (READ-ONLY COPY).

The authoritative reference and input builder live on the scoring server;
editing this copy changes nothing except your own understanding.
"""

import jax, jax.numpy as jnp
import numpy as np

N_NODES = 10000
N_EDGES = 320000
D_IN = 128
HID = 128
N_CLASSES = 10
N_GRAPHS = 64


def setup_inputs(seed: int = 0) -> dict:
    key = jax.random.key(seed)
    ks = jax.random.split(key, 16)
    x = jax.random.normal(ks[0], (N_NODES, D_IN), dtype=jnp.float32)
    edge_index = jax.random.randint(ks[1], (2, N_EDGES), 0, N_NODES)
    batch = jnp.sort(jax.random.randint(ks[2], (N_NODES,), 0, N_GRAPHS))
    def mk_w(k, shape):
        return jax.random.normal(k, shape, dtype=jnp.float32) * 0.05
    inp = {
        'x': x,
        'edge_index': edge_index,
        'batch': batch,
        'W1': mk_w(ks[3], (D_IN, HID)),  'b1': jnp.zeros((HID,), jnp.float32),
        'W2': mk_w(ks[4], (HID, HID)),   'b2': jnp.zeros((HID,), jnp.float32),
        'W3': mk_w(ks[5], (HID, HID)),   'b3': jnp.zeros((HID,), jnp.float32),
        'W4': mk_w(ks[6], (HID, HID)),   'b4': jnp.zeros((HID,), jnp.float32),
        'W5': mk_w(ks[7], (HID, HID)),   'b5': jnp.zeros((HID,), jnp.float32),
        'W_lin': mk_w(ks[8], (HID, N_CLASSES)), 'b_lin': jnp.zeros((N_CLASSES,), jnp.float32),
    }
    return inp


def reference(x, edge_index, batch, W1, b1, W2, b2, W3, b3, W4, b4, W5, b5, W_lin, b_lin):
    n = x.shape[0]
    src = edge_index[0]
    dst = edge_index[1]
    # GCNConv adds self-loops and applies symmetric normalization
    loop = jnp.arange(n)
    src_f = jnp.concatenate([src, loop])
    dst_f = jnp.concatenate([dst, loop])
    deg = jax.ops.segment_sum(jnp.ones_like(dst_f, dtype=jnp.float32), dst_f, num_segments=n)
    dinv = jnp.where(deg > 0, 1.0 / jnp.sqrt(deg), 0.0)
    norm = dinv[src_f] * dinv[dst_f]

    def gcn_conv(h, W, b):
        hw = h @ W
        msg = hw[src_f] * norm[:, None]
        agg = jax.ops.segment_sum(msg, dst_f, num_segments=n)
        return agg + b

    h = jax.nn.relu(gcn_conv(x, W1, b1))
    h = jax.nn.relu(gcn_conv(h, W2, b2))
    h = jax.nn.relu(gcn_conv(h, W3, b3))
    h = jax.nn.relu(gcn_conv(h, W4, b4))
    h = gcn_conv(h, W5, b5)
    # global mean pool over graphs
    sums = jax.ops.segment_sum(h, batch, num_segments=N_GRAPHS)
    cnt = jax.ops.segment_sum(jnp.ones((n,), jnp.float32), batch, num_segments=N_GRAPHS)
    pooled = sums / jnp.maximum(cnt, 1.0)[:, None]
    # dropout is identity in eval mode
    out = pooled @ W_lin + b_lin
    return out

if __name__ == "__main__":
    import jax
    _d = setup_inputs()
    print(jax.jit(kernel)(*tuple(_d.values())))

</pallas_src>

<mosaic_0001>
#map = affine_map<(d0, d1) -> (0, 0)>
#map1 = affine_map<(d0, d1) -> (0, 0, 0)>
module attributes {stable_mosaic.version = 14 : i64} {
  func.func @_sc_degree_body(%arg0: i32, %arg1: i32, %arg2: memref<2560x128xi32, #tpu.memory_space<hbm>>, %arg3: memref<2x10240x128xf32, #tpu.memory_space<hbm>>, %arg4: memref<128xi32, #tpu.memory_space<vmem>>, %arg5: memref<128x128xf32, #tpu.memory_space<vmem>>, %arg6: memref<10240x128xf32, #tpu.memory_space<vmem_shared>>) attributes {dimension_semantics = [#tpu.dimension_semantics<core_parallel>, #tpu.dimension_semantics<subcore_parallel>], iteration_bounds = array<i64: 2, 16>, scalar_prefetch = 0 : i64, scratch_operands = 3 : i64, tpu.core_type = #tpu.core_type<sc_vector_subcore>, window_params = [{transform_indices = #map}, {transform_indices = #map1}]} {
    %mul3A = arith.constant 2 : i32
    %mul3A_0 = arith.muli %arg1, %mul3A : i32
    %add3A = arith.addi %mul3A_0, %arg0 : i32
    %scan3A = arith.constant 0 : i32
    %scan3A_1 = arith.constant 0 : i32
    %scan3A_2 = arith.constant 1024 : i32
    %scan3A_3 = arith.addi %scan3A_1, %scan3A_2 : i32
    %scan3A_4 = arith.constant 1 : i32
    %scan3A_5 = scf.for %scan3A_33 = %scan3A_1 to %scan3A_3 step %scan3A_4 iter_args(%scan3A_34 = %scan3A) -> (i32)  : i32 {
      %broadcast_in_dim3A = arith.constant 0.000000e+00 : f32
      %broadcast_in_dim3A_35 = vector.broadcast %broadcast_in_dim3A : f32 to vector<16xf32>
      %jit3A = arith.constant 8 : i32
      %div3A = arith.divsi %scan3A_33, %jit3A : i32
      %sign3A = arith.constant 0 : i32
      %sign3A_36 = arith.cmpi sgt, %scan3A_33, %sign3A : i32
      %sign3A_37 = arith.extui %sign3A_36 : i1 to i32
      %sign3A_38 = arith.constant 0 : i32
      %sign3A_39 = arith.cmpi slt, %scan3A_33, %sign3A_38 : i32
      %sign3A_40 = arith.extui %sign3A_39 : i1 to i32
      %sign3A_41 = arith.subi %sign3A_37, %sign3A_40 : i32
      %sign3A_42 = arith.constant 0 : i32
      %sign3A_43 = arith.cmpi sgt, %jit3A, %sign3A_42 : i32
      %sign3A_44 = arith.extui %sign3A_43 : i1 to i32
      %sign3A_45 = arith.constant 0 : i32
      %sign3A_46 = arith.cmpi slt, %jit3A, %sign3A_45 : i32
      %sign3A_47 = arith.extui %sign3A_46 : i1 to i32
      %sign3A_48 = arith.subi %sign3A_44, %sign3A_47 : i32
      %ne3A = arith.cmpi ne, %sign3A_41, %sign3A_48 : i32
      %rem3A = arith.remsi %scan3A_33, %jit3A : i32
      %ne3A_49 = arith.constant 0 : i32
      %ne3A_50 = arith.cmpi ne, %rem3A, %ne3A_49 : i32
      %and3A = arith.andi %ne3A, %ne3A_50 : i1
      %sub3A = arith.constant 1 : i32
      %sub3A_51 = arith.subi %div3A, %sub3A : i32
      %select_n3A = arith.select %and3A, %sub3A_51, %div3A : i32
      %jit3A_52 = arith.constant 8 : i32
      %eq3A = arith.constant 0 : i32
      %eq3A_53 = arith.cmpi eq, %jit3A_52, %eq3A : i32
      %jit3A_54 = arith.constant 1 : i32
      %select_n3A_55 = arith.select %eq3A_53, %jit3A_54, %jit3A_52 : i32
      %rem3A_56 = arith.remsi %scan3A_33, %select_n3A_55 : i32
      %ne3A_57 = arith.constant 0 : i32
      %ne3A_58 = arith.cmpi ne, %rem3A_56, %ne3A_57 : i32
      %lt3A = arith.constant 0 : i32
      %lt3A_59 = arith.cmpi slt, %rem3A_56, %lt3A : i32
      %lt3A_60 = arith.constant 0 : i32
      %lt3A_61 = arith.cmpi slt, %select_n3A_55, %lt3A_60 : i32
      %ne3A_62 = arith.xori %lt3A_59, %lt3A_61 : i1
      %and3A_63 = arith.andi %ne3A_62, %ne3A_58 : i1
      %add3A_64 = arith.addi %rem3A_56, %select_n3A_55 : i32
      %select_n3A_65 = arith.select %and3A_63, %add3A_64, %rem3A_56 : i32
      %mul3A_66 = arith.constant 16 : i32
      %mul3A_67 = arith.muli %select_n3A_65, %mul3A_66 : i32
      %swap3A = arith.index_cast %select_n3A : i32 to index
      %swap3A_68 = arith.index_cast %mul3A_67 : i32 to index
      %swap3A_69 = tpu.vector_load %arg5[%swap3A, %swap3A_68] {strides = array<i32>} : memref<128x128xf32, #tpu.memory_space<vmem>>, vector<1x16xf32>,
      %swap3A_70 = vector.shape_cast %swap3A_69 : vector<1x16xf32> to vector<16xf32>
      %swap3A_71 = vector.shape_cast %broadcast_in_dim3A_35 : vector<16xf32> to vector<1x16xf32>
      tpu.vector_store %arg5[%swap3A, %swap3A_68], %swap3A_71 {strides = array<i32>} : memref<128x128xf32, #tpu.memory_space<vmem>>, vector<1x16xf32>,
      %scan3A_72 = arith.constant 0 : i32
      scf.yield %scan3A_72 : i32
    }
    %scan3A_6 = arith.constant 1024 : i32
    %scan3A_7 = arith.constant 0 : i32
    %scan3A_8 = arith.constant 0 : i32
    %scan3A_9 = arith.constant 5 : i32
    %scan3A_10 = arith.addi %scan3A_8, %scan3A_9 : i32
    %scan3A_11 = arith.constant 1 : i32
    %scan3A_12 = scf.for %scan3A_33 = %scan3A_8 to %scan3A_10 step %scan3A_11 iter_args(%scan3A_34 = %scan3A_7) -> (i32)  : i32 {
      %mul3A_35 = arith.constant 640 : i32
      %mul3A_36 = arith.muli %arg1, %mul3A_35 : i32
      %mul3A_37 = arith.constant 128 : i32
      %mul3A_38 = arith.muli %scan3A_33, %mul3A_37 : i32
      %add3A_39 = arith.addi %mul3A_36, %mul3A_38 : i32
      "tpu.region"() ({
        %run_scoped3A = tpu.sem_alloc : memref<!tpu.dma_semaphore, #tpu.memory_space<semaphore_mem>>
        %dma_start3A = arith.constant 0 : i32
        %dma_start3A_41 = tpu.memref_slice %arg6[%add3A_39, %dma_start3A] : memref<10240x128xf32, #tpu.memory_space<vmem_shared>> -> memref<128x128xf32, #tpu.memory_space<vmem_shared>>
        %dma_start3A_42 = arith.constant 0 : i32
        %dma_start3A_43 = tpu.memref_slice %arg6[%add3A_39, %dma_start3A_42] : memref<10240x128xf32, #tpu.memory_space<vmem_shared>> -> memref<128x128xf32, #tpu.memory_space<vmem_shared>>
        tpu.enqueue_dma source(%arg5 : memref<128x128xf32, #tpu.memory_space<vmem>>) target(%dma_start3A_43 : memref<128x128xf32, #tpu.memory_space<vmem_shared>>) target_semaphore(%run_scoped3A : memref<!tpu.dma_semaphore, #tpu.memory_space<semaphore_mem>>)
        %dma_wait3A = arith.constant 0 : i32
        %dma_wait3A_44 = tpu.memref_slice %arg6[%add3A_39, %dma_wait3A] : memref<10240x128xf32, #tpu.memory_space<vmem_shared>> -> memref<128x128xf32, #tpu.memory_space<vmem_shared>>
        %dma_wait3A_45 = arith.constant 0 : i32
        %dma_wait3A_46 = tpu.memref_slice %arg6[%add3A_39, %dma_wait3A_45] : memref<10240x128xf32, #tpu.memory_space<vmem_shared>> -> memref<128x128xf32, #tpu.memory_space<vmem_shared>>
        tpu.wait_dma2 semaphore(%run_scoped3A : memref<!tpu.dma_semaphore, #tpu.memory_space<semaphore_mem>>) src(%arg5 : memref<128x128xf32, #tpu.memory_space<vmem>>) dst(%dma_wait3A_46 : memref<128x128xf32, #tpu.memory_space<vmem_shared>>)
        tpu.yield
      }) : () -> ()
      %scan3A_40 = arith.constant 0 : i32
      scf.yield %scan3A_40 : i32
    }
    %scan3A_13 = arith.constant 5 : i32
    %barrier3A = arith.constant 0 : index
    tpu.barrier barrier_id(%barrier3A)
    %scan3A_14 = arith.constant 0 : i32
    %scan3A_15 = arith.constant 0 : i32
    %scan3A_16 = arith.constant 1024 : i32
    %scan3A_17 = arith.addi %scan3A_15, %scan3A_16 : i32
    %scan3A_18 = arith.constant 1 : i32
    %scan3A_19 = scf.for %scan3A_33 = %scan3A_15 to %scan3A_17 step %scan3A_18 iter_args(%scan3A_34 = %scan3A_14) -> (i32)  : i32 {
      %broadcast_in_dim3A = arith.constant 1.000000e+00 : f32
      %broadcast_in_dim3A_35 = vector.broadcast %broadcast_in_dim3A : f32 to vector<16xf32>
      %jit3A = arith.constant 8 : i32
      %div3A = arith.divsi %scan3A_33, %jit3A : i32
      %sign3A = arith.constant 0 : i32
      %sign3A_36 = arith.cmpi sgt, %scan3A_33, %sign3A : i32
      %sign3A_37 = arith.extui %sign3A_36 : i1 to i32
      %sign3A_38 = arith.constant 0 : i32
      %sign3A_39 = arith.cmpi slt, %scan3A_33, %sign3A_38 : i32
      %sign3A_40 = arith.extui %sign3A_39 : i1 to i32
      %sign3A_41 = arith.subi %sign3A_37, %sign3A_40 : i32
      %sign3A_42 = arith.constant 0 : i32
      %sign3A_43 = arith.cmpi sgt, %jit3A, %sign3A_42 : i32
      %sign3A_44 = arith.extui %sign3A_43 : i1 to i32
      %sign3A_45 = arith.constant 0 : i32
      %sign3A_46 = arith.cmpi slt, %jit3A, %sign3A_45 : i32
      %sign3A_47 = arith.extui %sign3A_46 : i1 to i32
      %sign3A_48 = arith.subi %sign3A_44, %sign3A_47 : i32
      %ne3A = arith.cmpi ne, %sign3A_41, %sign3A_48 : i32
      %rem3A = arith.remsi %scan3A_33, %jit3A : i32
      %ne3A_49 = arith.constant 0 : i32
      %ne3A_50 = arith.cmpi ne, %rem3A, %ne3A_49 : i32
      %and3A = arith.andi %ne3A, %ne3A_50 : i1
      %sub3A = arith.constant 1 : i32
      %sub3A_51 = arith.subi %div3A, %sub3A : i32
      %select_n3A = arith.select %and3A, %sub3A_51, %div3A : i32
      %jit3A_52 = arith.constant 8 : i32
      %eq3A = arith.constant 0 : i32
      %eq3A_53 = arith.cmpi eq, %jit3A_52, %eq3A : i32
      %jit3A_54 = arith.constant 1 : i32
      %select_n3A_55 = arith.select %eq3A_53, %jit3A_54, %jit3A_52 : i32
      %rem3A_56 = arith.remsi %scan3A_33, %select_n3A_55 : i32
      %ne3A_57 = arith.constant 0 : i32
      %ne3A_58 = arith.cmpi ne, %rem3A_56, %ne3A_57 : i32
      %lt3A = arith.constant 0 : i32
      %lt3A_59 = arith.cmpi slt, %rem3A_56, %lt3A : i32
      %lt3A_60 = arith.constant 0 : i32
      %lt3A_61 = arith.cmpi slt, %select_n3A_55, %lt3A_60 : i32
      %ne3A_62 = arith.xori %lt3A_59, %lt3A_61 : i1
      %and3A_63 = arith.andi %ne3A_62, %ne3A_58 : i1
      %add3A_64 = arith.addi %rem3A_56, %select_n3A_55 : i32
      %select_n3A_65 = arith.select %and3A_63, %add3A_64, %rem3A_56 : i32
      %mul3A_66 = arith.constant 16 : i32
      %mul3A_67 = arith.muli %select_n3A_65, %mul3A_66 : i32
      %swap3A = arith.index_cast %select_n3A : i32 to index
      %swap3A_68 = arith.index_cast %mul3A_67 : i32 to index
      %swap3A_69 = tpu.vector_load %arg5[%swap3A, %swap3A_68] {strides = array<i32>} : memref<128x128xf32, #tpu.memory_space<vmem>>, vector<1x16xf32>,
      %swap3A_70 = vector.shape_cast %swap3A_69 : vector<1x16xf32> to vector<16xf32>
      %swap3A_71 = vector.shape_cast %broadcast_in_dim3A_35 : vector<16xf32> to vector<1x16xf32>
      tpu.vector_store %arg5[%swap3A, %swap3A_68], %swap3A_71 {strides = array<i32>} : memref<128x128xf32, #tpu.memory_space<vmem>>, vector<1x16xf32>,
      %scan3A_72 = arith.constant 0 : i32
      scf.yield %scan3A_72 : i32
    }
    %scan3A_20 = arith.constant 1024 : i32
    %scan3A_21 = arith.constant 0 : i32
    %scan3A_22 = arith.constant 0 : i32
    %scan3A_23 = arith.constant 80 : i32
    %scan3A_24 = arith.addi %scan3A_22, %scan3A_23 : i32
    %scan3A_25 = arith.constant 1 : i32
    %scan3A_26 = scf.for %scan3A_33 = %scan3A_22 to %scan3A_24 step %scan3A_25 iter_args(%scan3A_34 = %scan3A_21) -> (i32)  : i32 {
      %mul3A_35 = arith.constant 80 : i32
      %mul3A_36 = arith.muli %add3A, %mul3A_35 : i32
      %add3A_37 = arith.addi %mul3A_36, %scan3A_33 : i32
      "tpu.region"() ({
        %run_scoped3A = tpu.sem_alloc : memref<!tpu.dma_semaphore, #tpu.memory_space<semaphore_mem>>
        %dma_start3A = arith.constant 0 : i32
        %dma_start3A_39 = tpu.memref_slice %arg2[%add3A_37, %dma_start3A] : memref<2560x128xi32, #tpu.memory_space<hbm>> -> memref<1x128xi32, #tpu.memory_space<hbm>>
        %dma_start3A_40 = tpu.memref_squeeze %dma_start3A_39 : memref<1x128xi32, #tpu.memory_space<hbm>> -> memref<128xi32, #tpu.memory_space<hbm>>
        %dma_start3A_41 = arith.constant 0 : i32
        %dma_start3A_42 = tpu.memref_slice %arg2[%add3A_37, %dma_start3A_41] : memref<2560x128xi32, #tpu.memory_space<hbm>> -> memref<1x128xi32, #tpu.memory_space<hbm>>
        %dma_start3A_43 = tpu.memref_squeeze %dma_start3A_42 : memref<1x128xi32, #tpu.memory_space<hbm>> -> memref<128xi32, #tpu.memory_space<hbm>>
        tpu.enqueue_dma source(%dma_start3A_43 : memref<128xi32, #tpu.memory_space<hbm>>) target(%arg4 : memref<128xi32, #tpu.memory_space<vmem>>) target_semaphore(%run_scoped3A : memref<!tpu.dma_semaphore, #tpu.memory_space<semaphore_mem>>)
        %dma_wait3A = arith.constant 0 : i32
        %dma_wait3A_44 = tpu.memref_slice %arg2[%add3A_37, %dma_wait3A] : memref<2560x128xi32, #tpu.memory_space<hbm>> -> memref<1x128xi32, #tpu.memory_space<hbm>>
        %dma_wait3A_45 = tpu.memref_squeeze %dma_wait3A_44 : memref<1x128xi32, #tpu.memory_space<hbm>> -> memref<128xi32, #tpu.memory_space<hbm>>
        %dma_wait3A_46 = arith.constant 0 : i32
        %dma_wait3A_47 = tpu.memref_slice %arg2[%add3A_37, %dma_wait3A_46] : memref<2560x128xi32, #tpu.memory_space<hbm>> -> memref<1x128xi32, #tpu.memory_space<hbm>>
        %dma_wait3A_48 = tpu.memref_squeeze %dma_wait3A_47 : memref<1x128xi32, #tpu.memory_space<hbm>> -> memref<128xi32, #tpu.memory_space<hbm>>
        tpu.wait_dma2 semaphore(%run_scoped3A : memref<!tpu.dma_semaphore, #tpu.memory_space<semaphore_mem>>) src(%dma_wait3A_48 : memref<128xi32, #tpu.memory_space<hbm>>) dst(%arg4 : memref<128xi32, #tpu.memory_space<vmem>>)
        tpu.yield
      }) : () -> ()
      "tpu.region"() ({
        %run_scoped3A = tpu.sem_alloc : memref<!tpu.dma_semaphore, #tpu.memory_space<semaphore_mem>>
        %dma_start3A = arith.constant 0 : i32
        %dma_start3A_39 = arith.constant 0 : i32
        %dma_start3A_40 = tpu.memref_slice %arg6[%dma_start3A, %dma_start3A_39] : memref<10240x128xf32, #tpu.memory_space<vmem_shared>> -> memref<10240x128xf32, #tpu.memory_space<vmem_shared>>
        tpu.enqueue_indirect_dma source(%arg5 : memref<128x128xf32, #tpu.memory_space<vmem>>) target(%dma_start3A_40 : memref<10240x128xf32, #tpu.memory_space<vmem_shared>>) offsets(%arg4 : memref<128xi32, #tpu.memory_space<vmem>>) semaphore(%run_scoped3A : memref<!tpu.dma_semaphore, #tpu.memory_space<semaphore_mem>>) {add = true}
        %dma_wait3A = arith.constant 0 : i32
        %dma_wait3A_41 = arith.constant 0 : i32
        %dma_wait3A_42 = tpu.memref_slice %arg6[%dma_wait3A, %dma_wait3A_41] : memref<10240x128xf32, #tpu.memory_space<vmem_shared>> -> memref<10240x128xf32, #tpu.memory_space<vmem_shared>>
        tpu.wait_indirect_dma semaphore(%run_scoped3A : memref<!tpu.dma_semaphore, #tpu.memory_space<semaphore_mem>>) src(%arg5 : memref<128x128xf32, #tpu.memory_space<vmem>>) dst(%dma_wait3A_42 : memref<10240x128xf32, #tpu.memory_space<vmem_shared>>)
        tpu.yield
      }) : () -> ()
      %scan3A_38 = arith.constant 0 : i32
      scf.yield %scan3A_38 : i32
    }
    %scan3A_27 = arith.constant 80 : i32
    %barrier3A_28 = arith.constant 0 : index
    tpu.barrier barrier_id(%barrier3A_28)
    %mul3A_29 = arith.constant 640 : i32
    %mul3A_30 = arith.muli %arg1, %mul3A_29 : i32
    %mul3A_31 = arith.constant 640 : i32
    %mul3A_32 = arith.muli %arg1, %mul3A_31 : i32
    "tpu.region"() ({
      %run_scoped3A = tpu.sem_alloc : memref<!tpu.dma_semaphore, #tpu.memory_space<semaphore_mem>>
      %dma_start3A = arith.constant 0 : i32
      %dma_start3A_33 = tpu.memref_slice %arg3[%arg0, %mul3A_32, %dma_start3A] : memref<2x10240x128xf32, #tpu.memory_space<hbm>> -> memref<1x640x128xf32, #tpu.memory_space<hbm>>
      %dma_start3A_34 = tpu.memref_squeeze %dma_start3A_33 : memref<1x640x128xf32, #tpu.memory_space<hbm>> -> memref<640x128xf32, #tpu.memory_space<hbm>>
      %dma_start3A_35 = arith.constant 0 : i32
      %dma_start3A_36 = tpu.memref_slice %arg6[%mul3A_30, %dma_start3A_35] : memref<10240x128xf32, #tpu.memory_space<vmem_shared>> -> memref<640x128xf32, #tpu.memory_space<vmem_shared>>
      tpu.enqueue_dma source(%dma_start3A_36 : memref<640x128xf32, #tpu.memory_space<vmem_shared>>) target(%dma_start3A_34 : memref<640x128xf32, #tpu.memory_space<hbm>>) target_semaphore(%run_scoped3A : memref<!tpu.dma_semaphore, #tpu.memory_space<semaphore_mem>>)
      %dma_wait3A = arith.constant 0 : i32
      %dma_wait3A_37 = tpu.memref_slice %arg3[%arg0, %mul3A_32, %dma_wait3A] : memref<2x10240x128xf32, #tpu.memory_space<hbm>> -> memref<1x640x128xf32, #tpu.memory_space<hbm>>
      %dma_wait3A_38 = tpu.memref_squeeze %dma_wait3A_37 : memref<1x640x128xf32, #tpu.memory_space<hbm>> -> memref<640x128xf32, #tpu.memory_space<hbm>>
      %dma_wait3A_39 = arith.constant 0 : i32
      %dma_wait3A_40 = tpu.memref_slice %arg6[%mul3A_30, %dma_wait3A_39] : memref<10240x128xf32, #tpu.memory_space<vmem_shared>> -> memref<640x128xf32, #tpu.memory_space<vmem_shared>>
      tpu.wait_dma2 semaphore(%run_scoped3A : memref<!tpu.dma_semaphore, #tpu.memory_space<semaphore_mem>>) src(%dma_wait3A_40 : memref<640x128xf32, #tpu.memory_space<vmem_shared>>) dst(%dma_wait3A_38 : memref<640x128xf32, #tpu.memory_space<hbm>>)
      tpu.yield
    }) : () -> ()
    return
  }
}

#map = affine_map<(d0, d1) -> (0, 0)>
#map1 = affine_map<(d0, d1) -> (0, 0, 0)>
module attributes {stable_mosaic.version = 14 : i64} {
  func.func @_sc_scatter_body(%arg0: i32, %arg1: i32, %arg2: memref<10000x128xf32, #tpu.memory_space<hbm>>, %arg3: memref<2560x128xi32, #tpu.memory_space<hbm>>, %arg4: memref<2560x128xi32, #tpu.memory_space<hbm>>, %arg5: memref<2x10240x128xf32, #tpu.memory_space<hbm>>, %arg6: memref<128xi32, #tpu.memory_space<vmem>>, %arg7: memref<128xi32, #tpu.memory_space<vmem>>, %arg8: memref<128xi32, #tpu.memory_space<vmem>>, %arg9: memref<128xi32, #tpu.memory_space<vmem>>, %arg10: memref<128x128xf32, #tpu.memory_space<vmem>>, %arg11: memref<128x128xf32, #tpu.memory_space<vmem>>, %arg12: memref<10240x128xf32, #tpu.memory_space<vmem_shared>>, %arg13: memref<!tpu.dma_semaphore, #tpu.memory_space<semaphore_mem>>, %arg14: memref<!tpu.dma_semaphore, #tpu.memory_space<semaphore_mem>>) attributes {dimension_semantics = [#tpu.dimension_semantics<core_parallel>, #tpu.dimension_semantics<subcore_parallel>], iteration_bounds = array<i64: 2, 16>, scalar_prefetch = 0 : i64, scratch_operands = 9 : i64, tpu.core_type = #tpu.core_type<sc_vector_subcore>, window_params = [{transform_indices = #map}, {transform_indices = #map}, {transform_indices = #map}, {transform_indices = #map1}]} {
    %eq3A = arith.constant 0 : i32
    %eq3A_0 = arith.cmpi eq, %arg0, %eq3A : i32
    %mul3A = arith.constant 120 : i32
    %mul3A_1 = arith.muli %arg1, %mul3A : i32
    %mul3A_2 = arith.constant 40 : i32
    %mul3A_3 = arith.muli %arg1, %mul3A_2 : i32
    %add3A = arith.constant 1920 : i32
    %add3A_4 = arith.addi %add3A, %mul3A_3 : i32
    %select_n3A = arith.select %eq3A_0, %mul3A_1, %add3A_4 : i32
    %eq3A_5 = arith.constant 0 : i32
    %eq3A_6 = arith.cmpi eq, %arg0, %eq3A_5 : i32
    %jit3A = arith.constant 120 : i32
    %jit3A_7 = arith.constant 40 : i32
    %select_n3A_8 = arith.select %eq3A_6, %jit3A, %jit3A_7 : i32
    %scan3A = arith.constant 0 : i32
    %scan3A_9 = arith.constant 0 : i32
    %scan3A_10 = arith.constant 1024 : i32
    %scan3A_11 = arith.addi %scan3A_9, %scan3A_10 : i32
    %scan3A_12 = arith.constant 1 : i32
    %scan3A_13 = scf.for %scan3A_76 = %scan3A_9 to %scan3A_11 step %scan3A_12 iter_args(%scan3A_77 = %scan3A) -> (i32)  : i32 {
      %broadcast_in_dim3A = arith.constant 0.000000e+00 : f32
      %broadcast_in_dim3A_78 = vector.broadcast %broadcast_in_dim3A : f32 to vector<16xf32>
      %jit3A_79 = arith.constant 8 : i32
      %div3A_80 = arith.divsi %scan3A_76, %jit3A_79 : i32
      %sign3A_81 = arith.constant 0 : i32
      %sign3A_82 = arith.cmpi sgt, %scan3A_76, %sign3A_81 : i32
      %sign3A_83 = arith.extui %sign3A_82 : i1 to i32
      %sign3A_84 = arith.constant 0 : i32
      %sign3A_85 = arith.cmpi slt, %scan3A_76, %sign3A_84 : i32
      %sign3A_86 = arith.extui %sign3A_85 : i1 to i32
      %sign3A_87 = arith.subi %sign3A_83, %sign3A_86 : i32
      %sign3A_88 = arith.constant 0 : i32
      %sign3A_89 = arith.cmpi sgt, %jit3A_79, %sign3A_88 : i32
      %sign3A_90 = arith.extui %sign3A_89 : i1 to i32
      %sign3A_91 = arith.constant 0 : i32
      %sign3A_92 = arith.cmpi slt, %jit3A_79, %sign3A_91 : i32
      %sign3A_93 = arith.extui %sign3A_92 : i1 to i32
      %sign3A_94 = arith.subi %sign3A_90, %sign3A_93 : i32
      %ne3A_95 = arith.cmpi ne, %sign3A_87, %sign3A_94 : i32
      %rem3A_96 = arith.remsi %scan3A_76, %jit3A_79 : i32
      %ne3A_97 = arith.constant 0 : i32
      %ne3A_98 = arith.cmpi ne, %rem3A_96, %ne3A_97 : i32
      %and3A_99 = arith.andi %ne3A_95, %ne3A_98 : i1
      %sub3A_100 = arith.constant 1 : i32
      %sub3A_101 = arith.subi %div3A_80, %sub3A_100 : i32
      %select_n3A_102 = arith.select %and3A_99, %sub3A_101, %div3A_80 : i32
      %jit3A_103 = arith.constant 8 : i32
      %eq3A_104 = arith.constant 0 : i32
      %eq3A_105 = arith.cmpi eq, %jit3A_103, %eq3A_104 : i32
      %jit3A_106 = arith.constant 1 : i32
      %select_n3A_107 = arith.select %eq3A_105, %jit3A_106, %jit3A_103 : i32
      %rem3A_108 = arith.remsi %scan3A_76, %select_n3A_107 : i32
      %ne3A_109 = arith.constant 0 : i32
      %ne3A_110 = arith.cmpi ne, %rem3A_108, %ne3A_109 : i32
      %lt3A = arith.constant 0 : i32
      %lt3A_111 = arith.cmpi slt, %rem3A_108, %lt3A : i32
      %lt3A_112 = arith.constant 0 : i32
      %lt3A_113 = arith.cmpi slt, %select_n3A_107, %lt3A_112 : i32
      %ne3A_114 = arith.xori %lt3A_111, %lt3A_113 : i1
      %and3A_115 = arith.andi %ne3A_114, %ne3A_110 : i1
      %add3A_116 = arith.addi %rem3A_108, %select_n3A_107 : i32
      %select_n3A_117 = arith.select %and3A_115, %add3A_116, %rem3A_108 : i32
      %mul3A_118 = arith.constant 16 : i32
      %mul3A_119 = arith.muli %select_n3A_117, %mul3A_118 : i32
      %swap3A = arith.index_cast %select_n3A_102 : i32 to index
      %swap3A_120 = arith.index_cast %mul3A_119 : i32 to index
      %swap3A_121 = tpu.vector_load %arg10[%swap3A, %swap3A_120] {strides = array<i32>} : memref<128x128xf32, #tpu.memory_space<vmem>>, vector<1x16xf32>,
      %swap3A_122 = vector.shape_cast %swap3A_121 : vector<1x16xf32> to vector<16xf32>
      %swap3A_123 = vector.shape_cast %broadcast_in_dim3A_78 : vector<16xf32> to vector<1x16xf32>
      tpu.vector_store %arg10[%swap3A, %swap3A_120], %swap3A_123 {strides = array<i32>} : memref<128x128xf32, #tpu.memory_space<vmem>>, vector<1x16xf32>,
      %scan3A_124 = arith.constant 0 : i32
      scf.yield %scan3A_124 : i32
    }
    %scan3A_14 = arith.constant 1024 : i32
    %scan3A_15 = arith.constant 0 : i32
    %scan3A_16 = arith.constant 0 : i32
    %scan3A_17 = arith.constant 5 : i32
    %scan3A_18 = arith.addi %scan3A_16, %scan3A_17 : i32
    %scan3A_19 = arith.constant 1 : i32
    %scan3A_20 = scf.for %scan3A_76 = %scan3A_16 to %scan3A_18 step %scan3A_19 iter_args(%scan3A_77 = %scan3A_15) -> (i32)  : i32 {
      %mul3A_78 = arith.constant 640 : i32
      %mul3A_79 = arith.muli %arg1, %mul3A_78 : i32
      %mul3A_80 = arith.constant 128 : i32
      %mul3A_81 = arith.muli %scan3A_76, %mul3A_80 : i32
      %add3A_82 = arith.addi %mul3A_79, %mul3A_81 : i32
      "tpu.region"() ({
        %run_scoped3A = tpu.sem_alloc : memref<!tpu.dma_semaphore, #tpu.memory_space<semaphore_mem>>
        %dma_start3A_84 = arith.constant 0 : i32
        %dma_start3A_85 = tpu.memref_slice %arg12[%add3A_82, %dma_start3A_84] : memref<10240x128xf32, #tpu.memory_space<vmem_shared>> -> memref<128x128xf32, #tpu.memory_space<vmem_shared>>
        %dma_start3A_86 = arith.constant 0 : i32
        %dma_start3A_87 = tpu.memref_slice %arg12[%add3A_82, %dma_start3A_86] : memref<10240x128xf32, #tpu.memory_space<vmem_shared>> -> memref<128x128xf32, #tpu.memory_space<vmem_shared>>
        tpu.enqueue_dma source(%arg10 : memref<128x128xf32, #tpu.memory_space<vmem>>) target(%dma_start3A_87 : memref<128x128xf32, #tpu.memory_space<vmem_shared>>) target_semaphore(%run_scoped3A : memref<!tpu.dma_semaphore, #tpu.memory_space<semaphore_mem>>)
        %dma_wait3A_88 = arith.constant 0 : i32
        %dma_wait3A_89 = tpu.memref_slice %arg12[%add3A_82, %dma_wait3A_88] : memref<10240x128xf32, #tpu.memory_space<vmem_shared>> -> memref<128x128xf32, #tpu.memory_space<vmem_shared>>
        %dma_wait3A_90 = arith.constant 0 : i32
        %dma_wait3A_91 = tpu.memref_slice %arg12[%add3A_82, %dma_wait3A_90] : memref<10240x128xf32, #tpu.memory_space<vmem_shared>> -> memref<128x128xf32, #tpu.memory_space<vmem_shared>>
        tpu.wait_dma2 semaphore(%run_scoped3A : memref<!tpu.dma_semaphore, #tpu.memory_space<semaphore_mem>>) src(%arg10 : memref<128x128xf32, #tpu.memory_space<vmem>>) dst(%dma_wait3A_91 : memref<128x128xf32, #tpu.memory_space<vmem_shared>>)
        tpu.yield
      }) : () -> ()
      %scan3A_83 = arith.constant 0 : i32
      scf.yield %scan3A_83 : i32
    }
    %scan3A_21 = arith.constant 5 : i32
    %barrier3A = arith.constant 0 : index
    tpu.barrier barrier_id(%barrier3A)
    %add3A_22 = arith.constant 0 : i32
    %add3A_23 = arith.addi %select_n3A, %add3A_22 : i32
    "tpu.region"() ({
      %run_scoped3A = tpu.sem_alloc : memref<!tpu.dma_semaphore, #tpu.memory_space<semaphore_mem>>
      %dma_start3A_76 = arith.constant 0 : i32
      %dma_start3A_77 = tpu.memref_slice %arg3[%add3A_23, %dma_start3A_76] : memref<2560x128xi32, #tpu.memory_space<hbm>> -> memref<1x128xi32, #tpu.memory_space<hbm>>
      %dma_start3A_78 = tpu.memref_squeeze %dma_start3A_77 : memref<1x128xi32, #tpu.memory_space<hbm>> -> memref<128xi32, #tpu.memory_space<hbm>>
      %dma_start3A_79 = arith.constant 0 : i32
      %dma_start3A_80 = tpu.memref_slice %arg3[%add3A_23, %dma_start3A_79] : memref<2560x128xi32, #tpu.memory_space<hbm>> -> memref<1x128xi32, #tpu.memory_space<hbm>>
      %dma_start3A_81 = tpu.memref_squeeze %dma_start3A_80 : memref<1x128xi32, #tpu.memory_space<hbm>> -> memref<128xi32, #tpu.memory_space<hbm>>
      tpu.enqueue_dma source(%dma_start3A_81 : memref<128xi32, #tpu.memory_space<hbm>>) target(%arg6 : memref<128xi32, #tpu.memory_space<vmem>>) target_semaphore(%run_scoped3A : memref<!tpu.dma_semaphore, #tpu.memory_space<semaphore_mem>>)
      %dma_wait3A_82 = arith.constant 0 : i32
      %dma_wait3A_83 = tpu.memref_slice %arg3[%add3A_23, %dma_wait3A_82] : memref<2560x128xi32, #tpu.memory_space<hbm>> -> memref<1x128xi32, #tpu.memory_space<hbm>>
      %dma_wait3A_84 = tpu.memref_squeeze %dma_wait3A_83 : memref<1x128xi32, #tpu.memory_space<hbm>> -> memref<128xi32, #tpu.memory_space<hbm>>
      %dma_wait3A_85 = arith.constant 0 : i32
      %dma_wait3A_86 = tpu.memref_slice %arg3[%add3A_23, %dma_wait3A_85] : memref<2560x128xi32, #tpu.memory_space<hbm>> -> memref<1x128xi32, #tpu.memory_space<hbm>>
      %dma_wait3A_87 = tpu.memref_squeeze %dma_wait3A_86 : memref<1x128xi32, #tpu.memory_space<hbm>> -> memref<128xi32, #tpu.memory_space<hbm>>
      tpu.wait_dma2 semaphore(%run_scoped3A : memref<!tpu.dma_semaphore, #tpu.memory_space<semaphore_mem>>) src(%dma_wait3A_87 : memref<128xi32, #tpu.memory_space<hbm>>) dst(%arg6 : memref<128xi32, #tpu.memory_space<vmem>>)
      tpu.yield
    }) : () -> ()
    %add3A_24 = arith.constant 0 : i32
    %add3A_25 = arith.addi %select_n3A, %add3A_24 : i32
    "tpu.region"() ({
      %run_scoped3A = tpu.sem_alloc : memref<!tpu.dma_semaphore, #tpu.memory_space<semaphore_mem>>
      %dma_start3A_76 = arith.constant 0 : i32
      %dma_start3A_77 = tpu.memref_slice %arg4[%add3A_25, %dma_start3A_76] : memref<2560x128xi32, #tpu.memory_space<hbm>> -> memref<1x128xi32, #tpu.memory_space<hbm>>
      %dma_start3A_78 = tpu.memref_squeeze %dma_start3A_77 : memref<1x128xi32, #tpu.memory_space<hbm>> -> memref<128xi32, #tpu.memory_space<hbm>>
      %dma_start3A_79 = arith.constant 0 : i32
      %dma_start3A_80 = tpu.memref_slice %arg4[%add3A_25, %dma_start3A_79] : memref<2560x128xi32, #tpu.memory_space<hbm>> -> memref<1x128xi32, #tpu.memory_space<hbm>>
      %dma_start3A_81 = tpu.memref_squeeze %dma_start3A_80 : memref<1x128xi32, #tpu.memory_space<hbm>> -> memref<128xi32, #tpu.memory_space<hbm>>
      tpu.enqueue_dma source(%dma_start3A_81 : memref<128xi32, #tpu.memory_space<hbm>>) target(%arg7 : memref<128xi32, #tpu.memory_space<vmem>>) target_semaphore(%run_scoped3A : memref<!tpu.dma_semaphore, #tpu.memory_space<semaphore_mem>>)
      %dma_wait3A_82 = arith.constant 0 : i32
      %dma_wait3A_83 = tpu.memref_slice %arg4[%add3A_25, %dma_wait3A_82] : memref<2560x128xi32, #tpu.memory_space<hbm>> -> memref<1x128xi32, #tpu.memory_space<hbm>>
      %dma_wait3A_84 = tpu.memref_squeeze %dma_wait3A_83 : memref<1x128xi32, #tpu.memory_space<hbm>> -> memref<128xi32, #tpu.memory_space<hbm>>
      %dma_wait3A_85 = arith.constant 0 : i32
      %dma_wait3A_86 = tpu.memref_slice %arg4[%add3A_25, %dma_wait3A_85] : memref<2560x128xi32, #tpu.memory_space<hbm>> -> memref<1x128xi32, #tpu.memory_space<hbm>>
      %dma_wait3A_87 = tpu.memref_squeeze %dma_wait3A_86 : memref<1x128xi32, #tpu.memory_space<hbm>> -> memref<128xi32, #tpu.memory_space<hbm>>
      tpu.wait_dma2 semaphore(%run_scoped3A : memref<!tpu.dma_semaphore, #tpu.memory_space<semaphore_mem>>) src(%dma_wait3A_87 : memref<128xi32, #tpu.memory_space<hbm>>) dst(%arg7 : memref<128xi32, #tpu.memory_space<vmem>>)
      tpu.yield
    }) : () -> ()
    %dma_start3A = arith.constant 0 : i32
    %dma_start3A_26 = arith.constant 0 : i32
    %dma_start3A_27 = tpu.memref_slice %arg2[%dma_start3A, %dma_start3A_26] : memref<10000x128xf32, #tpu.memory_space<hbm>> -> memref<10000x128xf32, #tpu.memory_space<hbm>>
    tpu.enqueue_indirect_dma source(%dma_start3A_27 : memref<10000x128xf32, #tpu.memory_space<hbm>>) target(%arg10 : memref<128x128xf32, #tpu.memory_space<vmem>>) offsets(%arg6 : memref<128xi32, #tpu.memory_space<vmem>>) semaphore(%arg13 : memref<!tpu.dma_semaphore, #tpu.memory_space<semaphore_mem>>)
    %add3A_28 = arith.constant 1 : i32
    %add3A_29 = arith.addi %select_n3A, %add3A_28 : i32
    "tpu.region"() ({
      %run_scoped3A = tpu.sem_alloc : memref<!tpu.dma_semaphore, #tpu.memory_space<semaphore_mem>>
      %dma_start3A_76 = arith.constant 0 : i32
      %dma_start3A_77 = tpu.memref_slice %arg3[%add3A_29, %dma_start3A_76] : memref<2560x128xi32, #tpu.memory_space<hbm>> -> memref<1x128xi32, #tpu.memory_space<hbm>>
      %dma_start3A_78 = tpu.memref_squeeze %dma_start3A_77 : memref<1x128xi32, #tpu.memory_space<hbm>> -> memref<128xi32, #tpu.memory_space<hbm>>
      %dma_start3A_79 = arith.constant 0 : i32
      %dma_start3A_80 = tpu.memref_slice %arg3[%add3A_29, %dma_start3A_79] : memref<2560x128xi32, #tpu.memory_space<hbm>> -> memref<1x128xi32, #tpu.memory_space<hbm>>
      %dma_start3A_81 = tpu.memref_squeeze %dma_start3A_80 : memref<1x128xi32, #tpu.memory_space<hbm>> -> memref<128xi32, #tpu.memory_space<hbm>>
      tpu.enqueue_dma source(%dma_start3A_81 : memref<128xi32, #tpu.memory_space<hbm>>) target(%arg8 : memref<128xi32, #tpu.memory_space<vmem>>) target_semaphore(%run_scoped3A : memref<!tpu.dma_semaphore, #tpu.memory_space<semaphore_mem>>)
      %dma_wait3A_82 = arith.constant 0 : i32
      %dma_wait3A_83 = tpu.memref_slice %arg3[%add3A_29, %dma_wait3A_82] : memref<2560x128xi32, #tpu.memory_space<hbm>> -> memref<1x128xi32, #tpu.memory_space<hbm>>
      %dma_wait3A_84 = tpu.memref_squeeze %dma_wait3A_83 : memref<1x128xi32, #tpu.memory_space<hbm>> -> memref<128xi32, #tpu.memory_space<hbm>>
      %dma_wait3A_85 = arith.constant 0 : i32
      %dma_wait3A_86 = tpu.memref_slice %arg3[%add3A_29, %dma_wait3A_85] : memref<2560x128xi32, #tpu.memory_space<hbm>> -> memref<1x128xi32, #tpu.memory_space<hbm>>
      %dma_wait3A_87 = tpu.memref_squeeze %dma_wait3A_86 : memref<1x128xi32, #tpu.memory_space<hbm>> -> memref<128xi32, #tpu.memory_space<hbm>>
      tpu.wait_dma2 semaphore(%run_scoped3A : memref<!tpu.dma_semaphore, #tpu.memory_space<semaphore_mem>>) src(%dma_wait3A_87 : memref<128xi32, #tpu.memory_space<hbm>>) dst(%arg8 : memref<128xi32, #tpu.memory_space<vmem>>)
      tpu.yield
    }) : () -> ()
    %add3A_30 = arith.constant 1 : i32
    %add3A_31 = arith.addi %select_n3A, %add3A_30 : i32
    "tpu.region"() ({
      %run_scoped3A = tpu.sem_alloc : memref<!tpu.dma_semaphore, #tpu.memory_space<semaphore_mem>>
      %dma_start3A_76 = arith.constant 0 : i32
      %dma_start3A_77 = tpu.memref_slice %arg4[%add3A_31, %dma_start3A_76] : memref<2560x128xi32, #tpu.memory_space<hbm>> -> memref<1x128xi32, #tpu.memory_space<hbm>>
      %dma_start3A_78 = tpu.memref_squeeze %dma_start3A_77 : memref<1x128xi32, #tpu.memory_space<hbm>> -> memref<128xi32, #tpu.memory_space<hbm>>
      %dma_start3A_79 = arith.constant 0 : i32
      %dma_start3A_80 = tpu.memref_slice %arg4[%add3A_31, %dma_start3A_79] : memref<2560x128xi32, #tpu.memory_space<hbm>> -> memref<1x128xi32, #tpu.memory_space<hbm>>
      %dma_start3A_81 = tpu.memref_squeeze %dma_start3A_80 : memref<1x128xi32, #tpu.memory_space<hbm>> -> memref<128xi32, #tpu.memory_space<hbm>>
      tpu.enqueue_dma source(%dma_start3A_81 : memref<128xi32, #tpu.memory_space<hbm>>) target(%arg9 : memref<128xi32, #tpu.memory_space<vmem>>) target_semaphore(%run_scoped3A : memref<!tpu.dma_semaphore, #tpu.memory_space<semaphore_mem>>)
      %dma_wait3A_82 = arith.constant 0 : i32
      %dma_wait3A_83 = tpu.memref_slice %arg4[%add3A_31, %dma_wait3A_82] : memref<2560x128xi32, #tpu.memory_space<hbm>> -> memref<1x128xi32, #tpu.memory_space<hbm>>
      %dma_wait3A_84 = tpu.memref_squeeze %dma_wait3A_83 : memref<1x128xi32, #tpu.memory_space<hbm>> -> memref<128xi32, #tpu.memory_space<hbm>>
      %dma_wait3A_85 = arith.constant 0 : i32
      %dma_wait3A_86 = tpu.memref_slice %arg4[%add3A_31, %dma_wait3A_85] : memref<2560x128xi32, #tpu.memory_space<hbm>> -> memref<1x128xi32, #tpu.memory_space<hbm>>
      %dma_wait3A_87 = tpu.memref_squeeze %dma_wait3A_86 : memref<1x128xi32, #tpu.memory_space<hbm>> -> memref<128xi32, #tpu.memory_space<hbm>>
      tpu.wait_dma2 semaphore(%run_scoped3A : memref<!tpu.dma_semaphore, #tpu.memory_space<semaphore_mem>>) src(%dma_wait3A_87 : memref<128xi32, #tpu.memory_space<hbm>>) dst(%arg9 : memref<128xi32, #tpu.memory_space<vmem>>)
      tpu.yield
    }) : () -> ()
    %dma_start3A_32 = arith.constant 0 : i32
    %dma_start3A_33 = arith.constant 0 : i32
    %dma_start3A_34 = tpu.memref_slice %arg2[%dma_start3A_32, %dma_start3A_33] : memref<10000x128xf32, #tpu.memory_space<hbm>> -> memref<10000x128xf32, #tpu.memory_space<hbm>>
    tpu.enqueue_indirect_dma source(%dma_start3A_34 : memref<10000x128xf32, #tpu.memory_space<hbm>>) target(%arg11 : memref<128x128xf32, #tpu.memory_space<vmem>>) offsets(%arg8 : memref<128xi32, #tpu.memory_space<vmem>>) semaphore(%arg14 : memref<!tpu.dma_semaphore, #tpu.memory_space<semaphore_mem>>)
    %jit3A_35 = arith.constant 2 : i32
    %div3A = arith.divsi %select_n3A_8, %jit3A_35 : i32
    %sign3A = arith.constant 0 : i32
    %sign3A_36 = arith.cmpi sgt, %select_n3A_8, %sign3A : i32
    %sign3A_37 = arith.extui %sign3A_36 : i1 to i32
    %sign3A_38 = arith.constant 0 : i32
    %sign3A_39 = arith.cmpi slt, %select_n3A_8, %sign3A_38 : i32
    %sign3A_40 = arith.extui %sign3A_39 : i1 to i32
    %sign3A_41 = arith.subi %sign3A_37, %sign3A_40 : i32
    %sign3A_42 = arith.constant 0 : i32
    %sign3A_43 = arith.cmpi sgt, %jit3A_35, %sign3A_42 : i32
    %sign3A_44 = arith.extui %sign3A_43 : i1 to i32
    %sign3A_45 = arith.constant 0 : i32
    %sign3A_46 = arith.cmpi slt, %jit3A_35, %sign3A_45 : i32
    %sign3A_47 = arith.extui %sign3A_46 : i1 to i32
    %sign3A_48 = arith.subi %sign3A_44, %sign3A_47 : i32
    %ne3A = arith.cmpi ne, %sign3A_41, %sign3A_48 : i32
    %rem3A = arith.remsi %select_n3A_8, %jit3A_35 : i32
    %ne3A_49 = arith.constant 0 : i32
    %ne3A_50 = arith.cmpi ne, %rem3A, %ne3A_49 : i32
    %and3A = arith.andi %ne3A, %ne3A_50 : i1
    %sub3A = arith.constant 1 : i32
    %sub3A_51 = arith.subi %div3A, %sub3A : i32
    %select_n3A_52 = arith.select %and3A, %sub3A_51, %div3A : i32
    %sub3A_53 = arith.constant 1 : i32
    %sub3A_54 = arith.subi %select_n3A_52, %sub3A_53 : i32
    %while3A = arith.constant 0 : i32
    %while3A_55 = arith.constant 0 : i32
    %while3A_56 = arith.subi %sub3A_54, %while3A : i32
    %while3A_57 = arith.addi %while3A, %while3A_56 : i32
    %while3A_58 = arith.constant 1 : i32
    %while3A_59 = arith.divsi %while3A_56, %while3A_58 : i32
    %while3A_60 = arith.muli %while3A_59, %while3A_58 : i32
    %while3A_61 = arith.addi %while3A, %while3A_60 : i32
    %while3A_62 = arith.constant 1 : i32
    %while3A_63 = scf.for %while3A_76 = %while3A to %while3A_61 step %while3A_62 iter_args(%while3A_77 = %while3A_55) -> (i32)  : i32 {
      %mul3A_78 = arith.constant 2 : i32
      %mul3A_79 = arith.muli %while3A_76, %mul3A_78 : i32
      %add3A_80 = arith.constant 0 : i32
      %add3A_81 = arith.addi %mul3A_79, %add3A_80 : i32
      %dma_wait3A_82 = arith.constant 0 : i32
      %dma_wait3A_83 = arith.constant 0 : i32
      %dma_wait3A_84 = tpu.memref_slice %arg2[%dma_wait3A_82, %dma_wait3A_83] : memref<10000x128xf32, #tpu.memory_space<hbm>> -> memref<10000x128xf32, #tpu.memory_space<hbm>>
      tpu.wait_indirect_dma semaphore(%arg13 : memref<!tpu.dma_semaphore, #tpu.memory_space<semaphore_mem>>) src(%dma_wait3A_84 : memref<10000x128xf32, #tpu.memory_space<hbm>>) dst(%arg10 : memref<128x128xf32, #tpu.memory_space<vmem>>)
      "tpu.region"() ({
        %run_scoped3A = tpu.sem_alloc : memref<!tpu.dma_semaphore, #tpu.memory_space<semaphore_mem>>
        %dma_start3A_111 = arith.constant 0 : i32
        %dma_start3A_112 = arith.constant 0 : i32
        %dma_start3A_113 = tpu.memref_slice %arg12[%dma_start3A_111, %dma_start3A_112] : memref<10240x128xf32, #tpu.memory_space<vmem_shared>> -> memref<10240x128xf32, #tpu.memory_space<vmem_shared>>
        tpu.enqueue_indirect_dma source(%arg10 : memref<128x128xf32, #tpu.memory_space<vmem>>) target(%dma_start3A_113 : memref<10240x128xf32, #tpu.memory_space<vmem_shared>>) offsets(%arg7 : memref<128xi32, #tpu.memory_space<vmem>>) semaphore(%run_scoped3A : memref<!tpu.dma_semaphore, #tpu.memory_space<semaphore_mem>>) {add = true}
        %dma_wait3A_114 = arith.constant 0 : i32
        %dma_wait3A_115 = arith.constant 0 : i32
        %dma_wait3A_116 = tpu.memref_slice %arg12[%dma_wait3A_114, %dma_wait3A_115] : memref<10240x128xf32, #tpu.memory_space<vmem_shared>> -> memref<10240x128xf32, #tpu.memory_space<vmem_shared>>
        tpu.wait_indirect_dma semaphore(%run_scoped3A : memref<!tpu.dma_semaphore, #tpu.memory_space<semaphore_mem>>) src(%arg10 : memref<128x128xf32, #tpu.memory_space<vmem>>) dst(%dma_wait3A_116 : memref<10240x128xf32, #tpu.memory_space<vmem_shared>>)
        tpu.yield
      }) : () -> ()
      %add3A_85 = arith.addi %select_n3A, %add3A_81 : i32
      %add3A_86 = arith.constant 2 : i32
      %add3A_87 = arith.addi %add3A_85, %add3A_86 : i32
      "tpu.region"() ({
        %run_scoped3A = tpu.sem_alloc : memref<!tpu.dma_semaphore, #tpu.memory_space<semaphore_mem>>
        %dma_start3A_111 = arith.constant 0 : i32
        %dma_start3A_112 = tpu.memref_slice %arg3[%add3A_87, %dma_start3A_111] : memref<2560x128xi32, #tpu.memory_space<hbm>> -> memref<1x128xi32, #tpu.memory_space<hbm>>
        %dma_start3A_113 = tpu.memref_squeeze %dma_start3A_112 : memref<1x128xi32, #tpu.memory_space<hbm>> -> memref<128xi32, #tpu.memory_space<hbm>>
        %dma_start3A_114 = arith.constant 0 : i32
        %dma_start3A_115 = tpu.memref_slice %arg3[%add3A_87, %dma_start3A_114] : memref<2560x128xi32, #tpu.memory_space<hbm>> -> memref<1x128xi32, #tpu.memory_space<hbm>>
        %dma_start3A_116 = tpu.memref_squeeze %dma_start3A_115 : memref<1x128xi32, #tpu.memory_space<hbm>> -> memref<128xi32, #tpu.memory_space<hbm>>
        tpu.enqueue_dma source(%dma_start3A_116 : memref<128xi32, #tpu.memory_space<hbm>>) target(%arg6 : memref<128xi32, #tpu.memory_space<vmem>>) target_semaphore(%run_scoped3A : memref<!tpu.dma_semaphore, #tpu.memory_space<semaphore_mem>>)
        %dma_wait3A_117 = arith.constant 0 : i32
        %dma_wait3A_118 = tpu.memref_slice %arg3[%add3A_87, %dma_wait3A_117] : memref<2560x128xi32, #tpu.memory_space<hbm>> -> memref<1x128xi32, #tpu.memory_space<hbm>>
        %dma_wait3A_119 = tpu.memref_squeeze %dma_wait3A_118 : memref<1x128xi32, #tpu.memory_space<hbm>> -> memref<128xi32, #tpu.memory_space<hbm>>
        %dma_wait3A_120 = arith.constant 0 : i32
        %dma_wait3A_121 = tpu.memref_slice %arg3[%add3A_87, %dma_wait3A_120] : memref<2560x128xi32, #tpu.memory_space<hbm>> -> memref<1x128xi32, #tpu.memory_space<hbm>>
        %dma_wait3A_122 = tpu.memref_squeeze %dma_wait3A_121 : memref<1x128xi32, #tpu.memory_space<hbm>> -> memref<128xi32, #tpu.memory_space<hbm>>
        tpu.wait_dma2 semaphore(%run_scoped3A : memref<!tpu.dma_semaphore, #tpu.memory_space<semaphore_mem>>) src(%dma_wait3A_122 : memref<128xi32, #tpu.memory_space<hbm>>) dst(%arg6 : memref<128xi32, #tpu.memory_space<vmem>>)
        tpu.yield
      }) : () -> ()
      %add3A_88 = arith.addi %select_n3A, %add3A_81 : i32
      %add3A_89 = arith.constant 2 : i32
      %add3A_90 = arith.addi %add3A_88, %add3A_89 : i32
      "tpu.region"() ({
        %run_scoped3A = tpu.sem_alloc : memref<!tpu.dma_semaphore, #tpu.memory_space<semaphore_mem>>
        %dma_start3A_111 = arith.constant 0 : i32
        %dma_start3A_112 = tpu.memref_slice %arg4[%add3A_90, %dma_start3A_111] : memref<2560x128xi32, #tpu.memory_space<hbm>> -> memref<1x128xi32, #tpu.memory_space<hbm>>
        %dma_start3A_113 = tpu.memref_squeeze %dma_start3A_112 : memref<1x128xi32, #tpu.memory_space<hbm>> -> memref<128xi32, #tpu.memory_space<hbm>>
        %dma_start3A_114 = arith.constant 0 : i32
        %dma_start3A_115 = tpu.memref_slice %arg4[%add3A_90, %dma_start3A_114] : memref<2560x128xi32, #tpu.memory_space<hbm>> -> memref<1x128xi32, #tpu.memory_space<hbm>>
        %dma_start3A_116 = tpu.memref_squeeze %dma_start3A_115 : memref<1x128xi32, #tpu.memory_space<hbm>> -> memref<128xi32, #tpu.memory_space<hbm>>
        tpu.enqueue_dma source(%dma_start3A_116 : memref<128xi32, #tpu.memory_space<hbm>>) target(%arg7 : memref<128xi32, #tpu.memory_space<vmem>>) target_semaphore(%run_scoped3A : memref<!tpu.dma_semaphore, #tpu.memory_space<semaphore_mem>>)
        %dma_wait3A_117 = arith.constant 0 : i32
        %dma_wait3A_118 = tpu.memref_slice %arg4[%add3A_90, %dma_wait3A_117] : memref<2560x128xi32, #tpu.memory_space<hbm>> -> memref<1x128xi32, #tpu.memory_space<hbm>>
        %dma_wait3A_119 = tpu.memref_squeeze %dma_wait3A_118 : memref<1x128xi32, #tpu.memory_space<hbm>> -> memref<128xi32, #tpu.memory_space<hbm>>
        %dma_wait3A_120 = arith.constant 0 : i32
        %dma_wait3A_121 = tpu.memref_slice %arg4[%add3A_90, %dma_wait3A_120] : memref<2560x128xi32, #tpu.memory_space<hbm>> -> memref<1x128xi32, #tpu.memory_space<hbm>>
        %dma_wait3A_122 = tpu.memref_squeeze %dma_wait3A_121 : memref<1x128xi32, #tpu.memory_space<hbm>> -> memref<128xi32, #tpu.memory_space<hbm>>
        tpu.wait_dma2 semaphore(%run_scoped3A : memref<!tpu.dma_semaphore, #tpu.memory_space<semaphore_mem>>) src(%dma_wait3A_122 : memref<128xi32, #tpu.memory_space<hbm>>) dst(%arg7 : memref<128xi32, #tpu.memory_space<vmem>>)
        tpu.yield
      }) : () -> ()
      %dma_start3A_91 = arith.constant 0 : i32
      %dma_start3A_92 = arith.constant 0 : i32
      %dma_start3A_93 = tpu.memref_slice %arg2[%dma_start3A_91, %dma_start3A_92] : memref<10000x128xf32, #tpu.memory_space<hbm>> -> memref<10000x128xf32, #tpu.memory_space<hbm>>
      tpu.enqueue_indirect_dma source(%dma_start3A_93 : memref<10000x128xf32, #tpu.memory_space<hbm>>) target(%arg10 : memref<128x128xf32, #tpu.memory_space<vmem>>) offsets(%arg6 : memref<128xi32, #tpu.memory_space<vmem>>) semaphore(%arg13 : memref<!tpu.dma_semaphore, #tpu.memory_space<semaphore_mem>>)
      %mul3A_94 = arith.constant 2 : i32
      %mul3A_95 = arith.muli %while3A_76, %mul3A_94 : i32
      %add3A_96 = arith.constant 1 : i32
      %add3A_97 = arith.addi %mul3A_95, %add3A_96 : i32
      %dma_wait3A_98 = arith.constant 0 : i32
      %dma_wait3A_99 = arith.constant 0 : i32
      %dma_wait3A_100 = tpu.memref_slice %arg2[%dma_wait3A_98, %dma_wait3A_99] : memref<10000x128xf32, #tpu.memory_space<hbm>> -> memref<10000x128xf32, #tpu.memory_space<hbm>>
      tpu.wait_indirect_dma semaphore(%arg14 : memref<!tpu.dma_semaphore, #tpu.memory_space<semaphore_mem>>) src(%dma_wait3A_100 : memref<10000x128xf32, #tpu.memory_space<hbm>>) dst(%arg11 : memref<128x128xf32, #tpu.memory_space<vmem>>)
      "tpu.region"() ({
        %run_scoped3A = tpu.sem_alloc : memref<!tpu.dma_semaphore, #tpu.memory_space<semaphore_mem>>
        %dma_start3A_111 = arith.constant 0 : i32
        %dma_start3A_112 = arith.constant 0 : i32
        %dma_start3A_113 = tpu.memref_slice %arg12[%dma_start3A_111, %dma_start3A_112] : memref<10240x128xf32, #tpu.memory_space<vmem_shared>> -> memref<10240x128xf32, #tpu.memory_space<vmem_shared>>
        tpu.enqueue_indirect_dma source(%arg11 : memref<128x128xf32, #tpu.memory_space<vmem>>) target(%dma_start3A_113 : memref<10240x128xf32, #tpu.memory_space<vmem_shared>>) offsets(%arg9 : memref<128xi32, #tpu.memory_space<vmem>>) semaphore(%run_scoped3A : memref<!tpu.dma_semaphore, #tpu.memory_space<semaphore_mem>>) {add = true}
        %dma_wait3A_114 = arith.constant 0 : i32
        %dma_wait3A_115 = arith.constant 0 : i32
        %dma_wait3A_116 = tpu.memref_slice %arg12[%dma_wait3A_114, %dma_wait3A_115] : memref<10240x128xf32, #tpu.memory_space<vmem_shared>> -> memref<10240x128xf32, #tpu.memory_space<vmem_shared>>
        tpu.wait_indirect_dma semaphore(%run_scoped3A : memref<!tpu.dma_semaphore, #tpu.memory_space<semaphore_mem>>) src(%arg11 : memref<128x128xf32, #tpu.memory_space<vmem>>) dst(%dma_wait3A_116 : memref<10240x128xf32, #tpu.memory_space<vmem_shared>>)
        tpu.yield
      }) : () -> ()
      %add3A_101 = arith.addi %select_n3A, %add3A_97 : i32
      %add3A_102 = arith.constant 2 : i32
      %add3A_103 = arith.addi %add3A_101, %add3A_102 : i32
      "tpu.region"() ({
        %run_scoped3A = tpu.sem_alloc : memref<!tpu.dma_semaphore, #tpu.memory_space<semaphore_mem>>
        %dma_start3A_111 = arith.constant 0 : i32
        %dma_start3A_112 = tpu.memref_slice %arg3[%add3A_103, %dma_start3A_111] : memref<2560x128xi32, #tpu.memory_space<hbm>> -> memref<1x128xi32, #tpu.memory_space<hbm>>
        %dma_start3A_113 = tpu.memref_squeeze %dma_start3A_112 : memref<1x128xi32, #tpu.memory_space<hbm>> -> memref<128xi32, #tpu.memory_space<hbm>>
        %dma_start3A_114 = arith.constant 0 : i32
        %dma_start3A_115 = tpu.memref_slice %arg3[%add3A_103, %dma_start3A_114] : memref<2560x128xi32, #tpu.memory_space<hbm>> -> memref<1x128xi32, #tpu.memory_space<hbm>>
        %dma_start3A_116 = tpu.memref_squeeze %dma_start3A_115 : memref<1x128xi32, #tpu.memory_space<hbm>> -> memref<128xi32, #tpu.memory_space<hbm>>
        tpu.enqueue_dma source(%dma_start3A_116 : memref<128xi32, #tpu.memory_space<hbm>>) target(%arg8 : memref<128xi32, #tpu.memory_space<vmem>>) target_semaphore(%run_scoped3A : memref<!tpu.dma_semaphore, #tpu.memory_space<semaphore_mem>>)
        %dma_wait3A_117 = arith.constant 0 : i32
        %dma_wait3A_118 = tpu.memref_slice %arg3[%add3A_103, %dma_wait3A_117] : memref<2560x128xi32, #tpu.memory_space<hbm>> -> memref<1x128xi32, #tpu.memory_space<hbm>>
        %dma_wait3A_119 = tpu.memref_squeeze %dma_wait3A_118 : memref<1x128xi32, #tpu.memory_space<hbm>> -> memref<128xi32, #tpu.memory_space<hbm>>
        %dma_wait3A_120 = arith.constant 0 : i32
        %dma_wait3A_121 = tpu.memref_slice %arg3[%add3A_103, %dma_wait3A_120] : memref<2560x128xi32, #tpu.memory_space<hbm>> -> memref<1x128xi32, #tpu.memory_space<hbm>>
        %dma_wait3A_122 = tpu.memref_squeeze %dma_wait3A_121 : memref<1x128xi32, #tpu.memory_space<hbm>> -> memref<128xi32, #tpu.memory_space<hbm>>
        tpu.wait_dma2 semaphore(%run_scoped3A : memref<!tpu.dma_semaphore, #tpu.memory_space<semaphore_mem>>) src(%dma_wait3A_122 : memref<128xi32, #tpu.memory_space<hbm>>) dst(%arg8 : memref<128xi32, #tpu.memory_space<vmem>>)
        tpu.yield
      }) : () -> ()
      %add3A_104 = arith.addi %select_n3A, %add3A_97 : i32
      %add3A_105 = arith.constant 2 : i32
      %add3A_106 = arith.addi %add3A_104, %add3A_105 : i32
      "tpu.region"() ({
        %run_scoped3A = tpu.sem_alloc : memref<!tpu.dma_semaphore, #tpu.memory_space<semaphore_mem>>
        %dma_start3A_111 = arith.constant 0 : i32
        %dma_start3A_112 = tpu.memref_slice %arg4[%add3A_106, %dma_start3A_111] : memref<2560x128xi32, #tpu.memory_space<hbm>> -> memref<1x128xi32, #tpu.memory_space<hbm>>
        %dma_start3A_113 = tpu.memref_squeeze %dma_start3A_112 : memref<1x128xi32, #tpu.memory_space<hbm>> -> memref<128xi32, #tpu.memory_space<hbm>>
        %dma_start3A_114 = arith.constant 0 : i32
        %dma_start3A_115 = tpu.memref_slice %arg4[%add3A_106, %dma_start3A_114] : memref<2560x128xi32, #tpu.memory_space<hbm>> -> memref<1x128xi32, #tpu.memory_space<hbm>>
        %dma_start3A_116 = tpu.memref_squeeze %dma_start3A_115 : memref<1x128xi32, #tpu.memory_space<hbm>> -> memref<128xi32, #tpu.memory_space<hbm>>
        tpu.enqueue_dma source(%dma_start3A_116 : memref<128xi32, #tpu.memory_space<hbm>>) target(%arg9 : memref<128xi32, #tpu.memory_space<vmem>>) target_semaphore(%run_scoped3A : memref<!tpu.dma_semaphore, #tpu.memory_space<semaphore_mem>>)
        %dma_wait3A_117 = arith.constant 0 : i32
        %dma_wait3A_118 = tpu.memref_slice %arg4[%add3A_106, %dma_wait3A_117] : memref<2560x128xi32, #tpu.memory_space<hbm>> -> memref<1x128xi32, #tpu.memory_space<hbm>>
        %dma_wait3A_119 = tpu.memref_squeeze %dma_wait3A_118 : memref<1x128xi32, #tpu.memory_space<hbm>> -> memref<128xi32, #tpu.memory_space<hbm>>
        %dma_wait3A_120 = arith.constant 0 : i32
        %dma_wait3A_121 = tpu.memref_slice %arg4[%add3A_106, %dma_wait3A_120] : memref<2560x128xi32, #tpu.memory_space<hbm>> -> memref<1x128xi32, #tpu.memory_space<hbm>>
        %dma_wait3A_122 = tpu.memref_squeeze %dma_wait3A_121 : memref<1x128xi32, #tpu.memory_space<hbm>> -> memref<128xi32, #tpu.memory_space<hbm>>
        tpu.wait_dma2 semaphore(%run_scoped3A : memref<!tpu.dma_semaphore, #tpu.memory_space<semaphore_mem>>) src(%dma_wait3A_122 : memref<128xi32, #tpu.memory_space<hbm>>) dst(%arg9 : memref<128xi32, #tpu.memory_space<vmem>>)
        tpu.yield
      }) : () -> ()
      %dma_start3A_107 = arith.constant 0 : i32
      %dma_start3A_108 = arith.constant 0 : i32
      %dma_start3A_109 = tpu.memref_slice %arg2[%dma_start3A_107, %dma_start3A_108] : memref<10000x128xf32, #tpu.memory_space<hbm>> -> memref<10000x128xf32, #tpu.memory_space<hbm>>
      tpu.enqueue_indirect_dma source(%dma_start3A_109 : memref<10000x128xf32, #tpu.memory_space<hbm>>) target(%arg11 : memref<128x128xf32, #tpu.memory_space<vmem>>) offsets(%arg8 : memref<128xi32, #tpu.memory_space<vmem>>) semaphore(%arg14 : memref<!tpu.dma_semaphore, #tpu.memory_space<semaphore_mem>>)
      %while3A_110 = arith.constant 0 : i32
      scf.yield %while3A_110 : i32
    }
    %while3A_64 = arith.constant 1 : i32
    %while3A_65 = scf.for %while3A_76 = %while3A_61 to %while3A_57 step %while3A_64 iter_args(%while3A_77 = %while3A_63) -> (i32)  : i32 {
      %mul3A_78 = arith.constant 2 : i32
      %mul3A_79 = arith.muli %while3A_76, %mul3A_78 : i32
      %add3A_80 = arith.constant 0 : i32
      %add3A_81 = arith.addi %mul3A_79, %add3A_80 : i32
      %dma_wait3A_82 = arith.constant 0 : i32
      %dma_wait3A_83 = arith.constant 0 : i32
      %dma_wait3A_84 = tpu.memref_slice %arg2[%dma_wait3A_82, %dma_wait3A_83] : memref<10000x128xf32, #tpu.memory_space<hbm>> -> memref<10000x128xf32, #tpu.memory_space<hbm>>
      tpu.wait_indirect_dma semaphore(%arg13 : memref<!tpu.dma_semaphore, #tpu.memory_space<semaphore_mem>>) src(%dma_wait3A_84 : memref<10000x128xf32, #tpu.memory_space<hbm>>) dst(%arg10 : memref<128x128xf32, #tpu.memory_space<vmem>>)
      "tpu.region"() ({
        %run_scoped3A = tpu.sem_alloc : memref<!tpu.dma_semaphore, #tpu.memory_space<semaphore_mem>>
        %dma_start3A_111 = arith.constant 0 : i32
        %dma_start3A_112 = arith.constant 0 : i32
        %dma_start3A_113 = tpu.memref_slice %arg12[%dma_start3A_111, %dma_start3A_112] : memref<10240x128xf32, #tpu.memory_space<vmem_shared>> -> memref<10240x128xf32, #tpu.memory_space<vmem_shared>>
        tpu.enqueue_indirect_dma source(%arg10 : memref<128x128xf32, #tpu.memory_space<vmem>>) target(%dma_start3A_113 : memref<10240x128xf32, #tpu.memory_space<vmem_shared>>) offsets(%arg7 : memref<128xi32, #tpu.memory_space<vmem>>) semaphore(%run_scoped3A : memref<!tpu.dma_semaphore, #tpu.memory_space<semaphore_mem>>) {add = true}
        %dma_wait3A_114 = arith.constant 0 : i32
        %dma_wait3A_115 = arith.constant 0 : i32
        %dma_wait3A_116 = tpu.memref_slice %arg12[%dma_wait3A_114, %dma_wait3A_115] : memref<10240x128xf32, #tpu.memory_space<vmem_shared>> -> memref<10240x128xf32, #tpu.memory_space<vmem_shared>>
        tpu.wait_indirect_dma semaphore(%run_scoped3A : memref<!tpu.dma_semaphore, #tpu.memory_space<semaphore_mem>>) src(%arg10 : memref<128x128xf32, #tpu.memory_space<vmem>>) dst(%dma_wait3A_116 : memref<10240x128xf32, #tpu.memory_space<vmem_shared>>)
        tpu.yield
      }) : () -> ()
      %add3A_85 = arith.addi %select_n3A, %add3A_81 : i32
      %add3A_86 = arith.constant 2 : i32
      %add3A_87 = arith.addi %add3A_85, %add3A_86 : i32
      "tpu.region"() ({
        %run_scoped3A = tpu.sem_alloc : memref<!tpu.dma_semaphore, #tpu.memory_space<semaphore_mem>>
        %dma_start3A_111 = arith.constant 0 : i32
        %dma_start3A_112 = tpu.memref_slice %arg3[%add3A_87, %dma_start3A_111] : memref<2560x128xi32, #tpu.memory_space<hbm>> -> memref<1x128xi32, #tpu.memory_space<hbm>>
        %dma_start3A_113 = tpu.memref_squeeze %dma_start3A_112 : memref<1x128xi32, #tpu.memory_space<hbm>> -> memref<128xi32, #tpu.memory_space<hbm>>
        %dma_start3A_114 = arith.constant 0 : i32
        %dma_start3A_115 = tpu.memref_slice %arg3[%add3A_87, %dma_start3A_114] : memref<2560x128xi32, #tpu.memory_space<hbm>> -> memref<1x128xi32, #tpu.memory_space<hbm>>
        %dma_start3A_116 = tpu.memref_squeeze %dma_start3A_115 : memref<1x128xi32, #tpu.memory_space<hbm>> -> memref<128xi32, #tpu.memory_space<hbm>>
        tpu.enqueue_dma source(%dma_start3A_116 : memref<128xi32, #tpu.memory_space<hbm>>) target(%arg6 : memref<128xi32, #tpu.memory_space<vmem>>) target_semaphore(%run_scoped3A : memref<!tpu.dma_semaphore, #tpu.memory_space<semaphore_mem>>)
        %dma_wait3A_117 = arith.constant 0 : i32
        %dma_wait3A_118 = tpu.memref_slice %arg3[%add3A_87, %dma_wait3A_117] : memref<2560x128xi32, #tpu.memory_space<hbm>> -> memref<1x128xi32, #tpu.memory_space<hbm>>
        %dma_wait3A_119 = tpu.memref_squeeze %dma_wait3A_118 : memref<1x128xi32, #tpu.memory_space<hbm>> -> memref<128xi32, #tpu.memory_space<hbm>>
        %dma_wait3A_120 = arith.constant 0 : i32
        %dma_wait3A_121 = tpu.memref_slice %arg3[%add3A_87, %dma_wait3A_120] : memref<2560x128xi32, #tpu.memory_space<hbm>> -> memref<1x128xi32, #tpu.memory_space<hbm>>
        %dma_wait3A_122 = tpu.memref_squeeze %dma_wait3A_121 : memref<1x128xi32, #tpu.memory_space<hbm>> -> memref<128xi32, #tpu.memory_space<hbm>>
        tpu.wait_dma2 semaphore(%run_scoped3A : memref<!tpu.dma_semaphore, #tpu.memory_space<semaphore_mem>>) src(%dma_wait3A_122 : memref<128xi32, #tpu.memory_space<hbm>>) dst(%arg6 : memref<128xi32, #tpu.memory_space<vmem>>)
        tpu.yield
      }) : () -> ()
      %add3A_88 = arith.addi %select_n3A, %add3A_81 : i32
      %add3A_89 = arith.constant 2 : i32
      %add3A_90 = arith.addi %add3A_88, %add3A_89 : i32
      "tpu.region"() ({
        %run_scoped3A = tpu.sem_alloc : memref<!tpu.dma_semaphore, #tpu.memory_space<semaphore_mem>>
        %dma_start3A_111 = arith.constant 0 : i32
        %dma_start3A_112 = tpu.memref_slice %arg4[%add3A_90, %dma_start3A_111] : memref<2560x128xi32, #tpu.memory_space<hbm>> -> memref<1x128xi32, #tpu.memory_space<hbm>>
        %dma_start3A_113 = tpu.memref_squeeze %dma_start3A_112 : memref<1x128xi32, #tpu.memory_space<hbm>> -> memref<128xi32, #tpu.memory_space<hbm>>
        %dma_start3A_114 = arith.constant 0 : i32
        %dma_start3A_115 = tpu.memref_slice %arg4[%add3A_90, %dma_start3A_114] : memref<2560x128xi32, #tpu.memory_space<hbm>> -> memref<1x128xi32, #tpu.memory_space<hbm>>
        %dma_start3A_116 = tpu.memref_squeeze %dma_start3A_115 : memref<1x128xi32, #tpu.memory_space<hbm>> -> memref<128xi32, #tpu.memory_space<hbm>>
        tpu.enqueue_dma source(%dma_start3A_116 : memref<128xi32, #tpu.memory_space<hbm>>) target(%arg7 : memref<128xi32, #tpu.memory_space<vmem>>) target_semaphore(%run_scoped3A : memref<!tpu.dma_semaphore, #tpu.memory_space<semaphore_mem>>)
        %dma_wait3A_117 = arith.constant 0 : i32
        %dma_wait3A_118 = tpu.memref_slice %arg4[%add3A_90, %dma_wait3A_117] : memref<2560x128xi32, #tpu.memory_space<hbm>> -> memref<1x128xi32, #tpu.memory_space<hbm>>
        %dma_wait3A_119 = tpu.memref_squeeze %dma_wait3A_118 : memref<1x128xi32, #tpu.memory_space<hbm>> -> memref<128xi32, #tpu.memory_space<hbm>>
        %dma_wait3A_120 = arith.constant 0 : i32
        %dma_wait3A_121 = tpu.memref_slice %arg4[%add3A_90, %dma_wait3A_120] : memref<2560x128xi32, #tpu.memory_space<hbm>> -> memref<1x128xi32, #tpu.memory_space<hbm>>
        %dma_wait3A_122 = tpu.memref_squeeze %dma_wait3A_121 : memref<1x128xi32, #tpu.memory_space<hbm>> -> memref<128xi32, #tpu.memory_space<hbm>>
        tpu.wait_dma2 semaphore(%run_scoped3A : memref<!tpu.dma_semaphore, #tpu.memory_space<semaphore_mem>>) src(%dma_wait3A_122 : memref<128xi32, #tpu.memory_space<hbm>>) dst(%arg7 : memref<128xi32, #tpu.memory_space<vmem>>)
        tpu.yield
      }) : () -> ()
      %dma_start3A_91 = arith.constant 0 : i32
      %dma_start3A_92 = arith.constant 0 : i32
      %dma_start3A_93 = tpu.memref_slice %arg2[%dma_start3A_91, %dma_start3A_92] : memref<10000x128xf32, #tpu.memory_space<hbm>> -> memref<10000x128xf32, #tpu.memory_space<hbm>>
      tpu.enqueue_indirect_dma source(%dma_start3A_93 : memref<10000x128xf32, #tpu.memory_space<hbm>>) target(%arg10 : memref<128x128xf32, #tpu.memory_space<vmem>>) offsets(%arg6 : memref<128xi32, #tpu.memory_space<vmem>>) semaphore(%arg13 : memref<!tpu.dma_semaphore, #tpu.memory_space<semaphore_mem>>)
      %mul3A_94 = arith.constant 2 : i32
      %mul3A_95 = arith.muli %while3A_76, %mul3A_94 : i32
      %add3A_96 = arith.constant 1 : i32
      %add3A_97 = arith.addi %mul3A_95, %add3A_96 : i32
      %dma_wait3A_98 = arith.constant 0 : i32
      %dma_wait3A_99 = arith.constant 0 : i32
      %dma_wait3A_100 = tpu.memref_slice %arg2[%dma_wait3A_98, %dma_wait3A_99] : memref<10000x128xf32, #tpu.memory_space<hbm>> -> memref<10000x128xf32, #tpu.memory_space<hbm>>
      tpu.wait_indirect_dma semaphore(%arg14 : memref<!tpu.dma_semaphore, #tpu.memory_space<semaphore_mem>>) src(%dma_wait3A_100 : memref<10000x128xf32, #tpu.memory_space<hbm>>) dst(%arg11 : memref<128x128xf32, #tpu.memory_space<vmem>>)
      "tpu.region"() ({
        %run_scoped3A = tpu.sem_alloc : memref<!tpu.dma_semaphore, #tpu.memory_space<semaphore_mem>>
        %dma_start3A_111 = arith.constant 0 : i32
        %dma_start3A_112 = arith.constant 0 : i32
        %dma_start3A_113 = tpu.memref_slice %arg12[%dma_start3A_111, %dma_start3A_112] : memref<10240x128xf32, #tpu.memory_space<vmem_shared>> -> memref<10240x128xf32, #tpu.memory_space<vmem_shared>>
        tpu.enqueue_indirect_dma source(%arg11 : memref<128x128xf32, #tpu.memory_space<vmem>>) target(%dma_start3A_113 : memref<10240x128xf32, #tpu.memory_space<vmem_shared>>) offsets(%arg9 : memref<128xi32, #tpu.memory_space<vmem>>) semaphore(%run_scoped3A : memref<!tpu.dma_semaphore, #tpu.memory_space<semaphore_mem>>) {add = true}
        %dma_wait3A_114 = arith.constant 0 : i32
        %dma_wait3A_115 = arith.constant 0 : i32
        %dma_wait3A_116 = tpu.memref_slice %arg12[%dma_wait3A_114, %dma_wait3A_115] : memref<10240x128xf32, #tpu.memory_space<vmem_shared>> -> memref<10240x128xf32, #tpu.memory_space<vmem_shared>>
        tpu.wait_indirect_dma semaphore(%run_scoped3A : memref<!tpu.dma_semaphore, #tpu.memory_space<semaphore_mem>>) src(%arg11 : memref<128x128xf32, #tpu.memory_space<vmem>>) dst(%dma_wait3A_116 : memref<10240x128xf32, #tpu.memory_space<vmem_shared>>)
        tpu.yield
      }) : () -> ()
      %add3A_101 = arith.addi %select_n3A, %add3A_97 : i32
      %add3A_102 = arith.constant 2 : i32
      %add3A_103 = arith.addi %add3A_101, %add3A_102 : i32
      "tpu.region"() ({
        %run_scoped3A = tpu.sem_alloc : memref<!tpu.dma_semaphore, #tpu.memory_space<semaphore_mem>>
        %dma_start3A_111 = arith.constant 0 : i32
        %dma_start3A_112 = tpu.memref_slice %arg3[%add3A_103, %dma_start3A_111] : memref<2560x128xi32, #tpu.memory_space<hbm>> -> memref<1x128xi32, #tpu.memory_space<hbm>>
        %dma_start3A_113 = tpu.memref_squeeze %dma_start3A_112 : memref<1x128xi32, #tpu.memory_space<hbm>> -> memref<128xi32, #tpu.memory_space<hbm>>
        %dma_start3A_114 = arith.constant 0 : i32
        %dma_start3A_115 = tpu.memref_slice %arg3[%add3A_103, %dma_start3A_114] : memref<2560x128xi32, #tpu.memory_space<hbm>> -> memref<1x128xi32, #tpu.memory_space<hbm>>
        %dma_start3A_116 = tpu.memref_squeeze %dma_start3A_115 : memref<1x128xi32, #tpu.memory_space<hbm>> -> memref<128xi32, #tpu.memory_space<hbm>>
        tpu.enqueue_dma source(%dma_start3A_116 : memref<128xi32, #tpu.memory_space<hbm>>) target(%arg8 : memref<128xi32, #tpu.memory_space<vmem>>) target_semaphore(%run_scoped3A : memref<!tpu.dma_semaphore, #tpu.memory_space<semaphore_mem>>)
        %dma_wait3A_117 = arith.constant 0 : i32
        %dma_wait3A_118 = tpu.memref_slice %arg3[%add3A_103, %dma_wait3A_117] : memref<2560x128xi32, #tpu.memory_space<hbm>> -> memref<1x128xi32, #tpu.memory_space<hbm>>
        %dma_wait3A_119 = tpu.memref_squeeze %dma_wait3A_118 : memref<1x128xi32, #tpu.memory_space<hbm>> -> memref<128xi32, #tpu.memory_space<hbm>>
        %dma_wait3A_120 = arith.constant 0 : i32
        %dma_wait3A_121 = tpu.memref_slice %arg3[%add3A_103, %dma_wait3A_120] : memref<2560x128xi32, #tpu.memory_space<hbm>> -> memref<1x128xi32, #tpu.memory_space<hbm>>
        %dma_wait3A_122 = tpu.memref_squeeze %dma_wait3A_121 : memref<1x128xi32, #tpu.memory_space<hbm>> -> memref<128xi32, #tpu.memory_space<hbm>>
        tpu.wait_dma2 semaphore(%run_scoped3A : memref<!tpu.dma_semaphore, #tpu.memory_space<semaphore_mem>>) src(%dma_wait3A_122 : memref<128xi32, #tpu.memory_space<hbm>>) dst(%arg8 : memref<128xi32, #tpu.memory_space<vmem>>)
        tpu.yield
      }) : () -> ()
      %add3A_104 = arith.addi %select_n3A, %add3A_97 : i32
      %add3A_105 = arith.constant 2 : i32
      %add3A_106 = arith.addi %add3A_104, %add3A_105 : i32
      "tpu.region"() ({
        %run_scoped3A = tpu.sem_alloc : memref<!tpu.dma_semaphore, #tpu.memory_space<semaphore_mem>>
        %dma_start3A_111 = arith.constant 0 : i32
        %dma_start3A_112 = tpu.memref_slice %arg4[%add3A_106, %dma_start3A_111] : memref<2560x128xi32, #tpu.memory_space<hbm>> -> memref<1x128xi32, #tpu.memory_space<hbm>>
        %dma_start3A_113 = tpu.memref_squeeze %dma_start3A_112 : memref<1x128xi32, #tpu.memory_space<hbm>> -> memref<128xi32, #tpu.memory_space<hbm>>
        %dma_start3A_114 = arith.constant 0 : i32
        %dma_start3A_115 = tpu.memref_slice %arg4[%add3A_106, %dma_start3A_114] : memref<2560x128xi32, #tpu.memory_space<hbm>> -> memref<1x128xi32, #tpu.memory_space<hbm>>
        %dma_start3A_116 = tpu.memref_squeeze %dma_start3A_115 : memref<1x128xi32, #tpu.memory_space<hbm>> -> memref<128xi32, #tpu.memory_space<hbm>>
        tpu.enqueue_dma source(%dma_start3A_116 : memref<128xi32, #tpu.memory_space<hbm>>) target(%arg9 : memref<128xi32, #tpu.memory_space<vmem>>) target_semaphore(%run_scoped3A : memref<!tpu.dma_semaphore, #tpu.memory_space<semaphore_mem>>)
        %dma_wait3A_117 = arith.constant 0 : i32
        %dma_wait3A_118 = tpu.memref_slice %arg4[%add3A_106, %dma_wait3A_117] : memref<2560x128xi32, #tpu.memory_space<hbm>> -> memref<1x128xi32, #tpu.memory_space<hbm>>
        %dma_wait3A_119 = tpu.memref_squeeze %dma_wait3A_118 : memref<1x128xi32, #tpu.memory_space<hbm>> -> memref<128xi32, #tpu.memory_space<hbm>>
        %dma_wait3A_120 = arith.constant 0 : i32
        %dma_wait3A_121 = tpu.memref_slice %arg4[%add3A_106, %dma_wait3A_120] : memref<2560x128xi32, #tpu.memory_space<hbm>> -> memref<1x128xi32, #tpu.memory_space<hbm>>
        %dma_wait3A_122 = tpu.memref_squeeze %dma_wait3A_121 : memref<1x128xi32, #tpu.memory_space<hbm>> -> memref<128xi32, #tpu.memory_space<hbm>>
        tpu.wait_dma2 semaphore(%run_scoped3A : memref<!tpu.dma_semaphore, #tpu.memory_space<semaphore_mem>>) src(%dma_wait3A_122 : memref<128xi32, #tpu.memory_space<hbm>>) dst(%arg9 : memref<128xi32, #tpu.memory_space<vmem>>)
        tpu.yield
      }) : () -> ()
      %dma_start3A_107 = arith.constant 0 : i32
      %dma_start3A_108 = arith.constant 0 : i32
      %dma_start3A_109 = tpu.memref_slice %arg2[%dma_start3A_107, %dma_start3A_108] : memref<10000x128xf32, #tpu.memory_space<hbm>> -> memref<10000x128xf32, #tpu.memory_space<hbm>>
      tpu.enqueue_indirect_dma source(%dma_start3A_109 : memref<10000x128xf32, #tpu.memory_space<hbm>>) target(%arg11 : memref<128x128xf32, #tpu.memory_space<vmem>>) offsets(%arg8 : memref<128xi32, #tpu.memory_space<vmem>>) semaphore(%arg14 : memref<!tpu.dma_semaphore, #tpu.memory_space<semaphore_mem>>)
      %while3A_110 = arith.constant 0 : i32
      scf.yield %while3A_110 : i32
    }
    %dma_wait3A = arith.constant 0 : i32
    %dma_wait3A_66 = arith.constant 0 : i32
    %dma_wait3A_67 = tpu.memref_slice %arg2[%dma_wait3A, %dma_wait3A_66] : memref<10000x128xf32, #tpu.memory_space<hbm>> -> memref<10000x128xf32, #tpu.memory_space<hbm>>
    tpu.wait_indirect_dma semaphore(%arg13 : memref<!tpu.dma_semaphore, #tpu.memory_space<semaphore_mem>>) src(%dma_wait3A_67 : memref<10000x128xf32, #tpu.memory_space<hbm>>) dst(%arg10 : memref<128x128xf32, #tpu.memory_space<vmem>>)
    "tpu.region"() ({
      %run_scoped3A = tpu.sem_alloc : memref<!tpu.dma_semaphore, #tpu.memory_space<semaphore_mem>>
      %dma_start3A_76 = arith.constant 0 : i32
      %dma_start3A_77 = arith.constant 0 : i32
      %dma_start3A_78 = tpu.memref_slice %arg12[%dma_start3A_76, %dma_start3A_77] : memref<10240x128xf32, #tpu.memory_space<vmem_shared>> -> memref<10240x128xf32, #tpu.memory_space<vmem_shared>>
      tpu.enqueue_indirect_dma source(%arg10 : memref<128x128xf32, #tpu.memory_space<vmem>>) target(%dma_start3A_78 : memref<10240x128xf32, #tpu.memory_space<vmem_shared>>) offsets(%arg7 : memref<128xi32, #tpu.memory_space<vmem>>) semaphore(%run_scoped3A : memref<!tpu.dma_semaphore, #tpu.memory_space<semaphore_mem>>) {add = true}
      %dma_wait3A_79 = arith.constant 0 : i32
      %dma_wait3A_80 = arith.constant 0 : i32
      %dma_wait3A_81 = tpu.memref_slice %arg12[%dma_wait3A_79, %dma_wait3A_80] : memref<10240x128xf32, #tpu.memory_space<vmem_shared>> -> memref<10240x128xf32, #tpu.memory_space<vmem_shared>>
      tpu.wait_indirect_dma semaphore(%run_scoped3A : memref<!tpu.dma_semaphore, #tpu.memory_space<semaphore_mem>>) src(%arg10 : memref<128x128xf32, #tpu.memory_space<vmem>>) dst(%dma_wait3A_81 : memref<10240x128xf32, #tpu.memory_space<vmem_shared>>)
      tpu.yield
    }) : () -> ()
    %dma_wait3A_68 = arith.constant 0 : i32
    %dma_wait3A_69 = arith.constant 0 : i32
    %dma_wait3A_70 = tpu.memref_slice %arg2[%dma_wait3A_68, %dma_wait3A_69] : memref<10000x128xf32, #tpu.memory_space<hbm>> -> memref<10000x128xf32, #tpu.memory_space<hbm>>
    tpu.wait_indirect_dma semaphore(%arg14 : memref<!tpu.dma_semaphore, #tpu.memory_space<semaphore_mem>>) src(%dma_wait3A_70 : memref<10000x128xf32, #tpu.memory_space<hbm>>) dst(%arg11 : memref<128x128xf32, #tpu.memory_space<vmem>>)
    "tpu.region"() ({
      %run_scoped3A = tpu.sem_alloc : memref<!tpu.dma_semaphore, #tpu.memory_space<semaphore_mem>>
      %dma_start3A_76 = arith.constant 0 : i32
      %dma_start3A_77 = arith.constant 0 : i32
      %dma_start3A_78 = tpu.memref_slice %arg12[%dma_start3A_76, %dma_start3A_77] : memref<10240x128xf32, #tpu.memory_space<vmem_shared>> -> memref<10240x128xf32, #tpu.memory_space<vmem_shared>>
      tpu.enqueue_indirect_dma source(%arg11 : memref<128x128xf32, #tpu.memory_space<vmem>>) target(%dma_start3A_78 : memref<10240x128xf32, #tpu.memory_space<vmem_shared>>) offsets(%arg9 : memref<128xi32, #tpu.memory_space<vmem>>) semaphore(%run_scoped3A : memref<!tpu.dma_semaphore, #tpu.memory_space<semaphore_mem>>) {add = true}
      %dma_wait3A_79 = arith.constant 0 : i32
      %dma_wait3A_80 = arith.constant 0 : i32
      %dma_wait3A_81 = tpu.memref_slice %arg12[%dma_wait3A_79, %dma_wait3A_80] : memref<10240x128xf32, #tpu.memory_space<vmem_shared>> -> memref<10240x128xf32, #tpu.memory_space<vmem_shared>>
      tpu.wait_indirect_dma semaphore(%run_scoped3A : memref<!tpu.dma_semaphore, #tpu.memory_space<semaphore_mem>>) src(%arg11 : memref<128x128xf32, #tpu.memory_space<vmem>>) dst(%dma_wait3A_81 : memref<10240x128xf32, #tpu.memory_space<vmem_shared>>)
      tpu.yield
    }) : () -> ()
    %barrier3A_71 = arith.constant 0 : index
    tpu.barrier barrier_id(%barrier3A_71)
    %mul3A_72 = arith.constant 640 : i32
    %mul3A_73 = arith.muli %arg1, %mul3A_72 : i32
    %mul3A_74 = arith.constant 640 : i32
    %mul3A_75 = arith.muli %arg1, %mul3A_74 : i32
    "tpu.region"() ({
      %run_scoped3A = tpu.sem_alloc : memref<!tpu.dma_semaphore, #tpu.memory_space<semaphore_mem>>
      %dma_start3A_76 = arith.constant 0 : i32
      %dma_start3A_77 = tpu.memref_slice %arg5[%arg0, %mul3A_75, %dma_start3A_76] : memref<2x10240x128xf32, #tpu.memory_space<hbm>> -> memref<1x640x128xf32, #tpu.memory_space<hbm>>
      %dma_start3A_78 = tpu.memref_squeeze %dma_start3A_77 : memref<1x640x128xf32, #tpu.memory_space<hbm>> -> memref<640x128xf32, #tpu.memory_space<hbm>>
      %dma_start3A_79 = arith.constant 0 : i32
      %dma_start3A_80 = tpu.memref_slice %arg12[%mul3A_73, %dma_start3A_79] : memref<10240x128xf32, #tpu.memory_space<vmem_shared>> -> memref<640x128xf32, #tpu.memory_space<vmem_shared>>
      tpu.enqueue_dma source(%dma_start3A_80 : memref<640x128xf32, #tpu.memory_space<vmem_shared>>) target(%dma_start3A_78 : memref<640x128xf32, #tpu.memory_space<hbm>>) target_semaphore(%run_scoped3A : memref<!tpu.dma_semaphore, #tpu.memory_space<semaphore_mem>>)
      %dma_wait3A_81 = arith.constant 0 : i32
      %dma_wait3A_82 = tpu.memref_slice %arg5[%arg0, %mul3A_75, %dma_wait3A_81] : memref<2x10240x128xf32, #tpu.memory_space<hbm>> -> memref<1x640x128xf32, #tpu.memory_space<hbm>>
      %dma_wait3A_83 = tpu.memref_squeeze %dma_wait3A_82 : memref<1x640x128xf32, #tpu.memory_space<hbm>> -> memref<640x128xf32, #tpu.memory_space<hbm>>
      %dma_wait3A_84 = arith.constant 0 : i32
      %dma_wait3A_85 = tpu.memref_slice %arg12[%mul3A_73, %dma_wait3A_84] : memref<10240x128xf32, #tpu.memory_space<vmem_shared>> -> memref<640x128xf32, #tpu.memory_space<vmem_shared>>
      tpu.wait_dma2 semaphore(%run_scoped3A : memref<!tpu.dma_semaphore, #tpu.memory_space<semaphore_mem>>) src(%dma_wait3A_85 : memref<640x128xf32, #tpu.memory_space<vmem_shared>>) dst(%dma_wait3A_83 : memref<640x128xf32, #tpu.memory_space<hbm>>)
      tpu.yield
    }) : () -> ()
    return
  }
}

#map = affine_map<(d0, d1) -> (0, 0)>
#map1 = affine_map<(d0, d1) -> (0, 0, 0)>
module attributes {stable_mosaic.version = 14 : i64} {
  func.func @_sc_scatter_body(%arg0: i32, %arg1: i32, %arg2: memref<10000x128xf32, #tpu.memory_space<hbm>>, %arg3: memref<2560x128xi32, #tpu.memory_space<hbm>>, %arg4: memref<2560x128xi32, #tpu.memory_space<hbm>>, %arg5: memref<2x10240x128xf32, #tpu.memory_space<hbm>>, %arg6: memref<128xi32, #tpu.memory_space<vmem>>, %arg7: memref<128xi32, #tpu.memory_space<vmem>>, %arg8: memref<128xi32, #tpu.memory_space<vmem>>, %arg9: memref<128xi32, #tpu.memory_space<vmem>>, %arg10: memref<128x128xf32, #tpu.memory_space<vmem>>, %arg11: memref<128x128xf32, #tpu.memory_space<vmem>>, %arg12: memref<10240x128xf32, #tpu.memory_space<vmem_shared>>, %arg13: memref<!tpu.dma_semaphore, #tpu.memory_space<semaphore_mem>>, %arg14: memref<!tpu.dma_semaphore, #tpu.memory_space<semaphore_mem>>) attributes {dimension_semantics = [#tpu.dimension_semantics<core_parallel>, #tpu.dimension_semantics<subcore_parallel>], iteration_bounds = array<i64: 2, 16>, scalar_prefetch = 0 : i64, scratch_operands = 9 : i64, tpu.core_type = #tpu.core_type<sc_vector_subcore>, window_params = [{transform_indices = #map}, {transform_indices = #map}, {transform_indices = #map}, {transform_indices = #map1}]} {
    %eq3A = arith.constant 0 : i32
    %eq3A_0 = arith.cmpi eq, %arg0, %eq3A : i32
    %mul3A = arith.constant 120 : i32
    %mul3A_1 = arith.muli %arg1, %mul3A : i32
    %mul3A_2 = arith.constant 40 : i32
    %mul3A_3 = arith.muli %arg1, %mul3A_2 : i32
    %add3A = arith.constant 1920 : i32
    %add3A_4 = arith.addi %add3A, %mul3A_3 : i32
    %select_n3A = arith.select %eq3A_0, %mul3A_1, %add3A_4 : i32
    %eq3A_5 = arith.constant 0 : i32
    %eq3A_6 = arith.cmpi eq, %arg0, %eq3A_5 : i32
    %jit3A = arith.constant 120 : i32
    %jit3A_7 = arith.constant 40 : i32
    %select_n3A_8 = arith.select %eq3A_6, %jit3A, %jit3A_7 : i32
    %scan3A = arith.constant 0 : i32
    %scan3A_9 = arith.constant 0 : i32
    %scan3A_10 = arith.constant 1024 : i32
    %scan3A_11 = arith.addi %scan3A_9, %scan3A_10 : i32
    %scan3A_12 = arith.constant 1 : i32
    %scan3A_13 = scf.for %scan3A_76 = %scan3A_9 to %scan3A_11 step %scan3A_12 iter_args(%scan3A_77 = %scan3A) -> (i32)  : i32 {
      %broadcast_in_dim3A = arith.constant 0.000000e+00 : f32
      %broadcast_in_dim3A_78 = vector.broadcast %broadcast_in_dim3A : f32 to vector<16xf32>
      %jit3A_79 = arith.constant 8 : i32
      %div3A_80 = arith.divsi %scan3A_76, %jit3A_79 : i32
      %sign3A_81 = arith.constant 0 : i32
      %sign3A_82 = arith.cmpi sgt, %scan3A_76, %sign3A_81 : i32
      %sign3A_83 = arith.extui %sign3A_82 : i1 to i32
      %sign3A_84 = arith.constant 0 : i32
      %sign3A_85 = arith.cmpi slt, %scan3A_76, %sign3A_84 : i32
      %sign3A_86 = arith.extui %sign3A_85 : i1 to i32
      %sign3A_87 = arith.subi %sign3A_83, %sign3A_86 : i32
      %sign3A_88 = arith.constant 0 : i32
      %sign3A_89 = arith.cmpi sgt, %jit3A_79, %sign3A_88 : i32
      %sign3A_90 = arith.extui %sign3A_89 : i1 to i32
      %sign3A_91 = arith.constant 0 : i32
      %sign3A_92 = arith.cmpi slt, %jit3A_79, %sign3A_91 : i32
      %sign3A_93 = arith.extui %sign3A_92 : i1 to i32
      %sign3A_94 = arith.subi %sign3A_90, %sign3A_93 : i32
      %ne3A_95 = arith.cmpi ne, %sign3A_87, %sign3A_94 : i32
      %rem3A_96 = arith.remsi %scan3A_76, %jit3A_79 : i32
      %ne3A_97 = arith.constant 0 : i32
      %ne3A_98 = arith.cmpi ne, %rem3A_96, %ne3A_97 : i32
      %and3A_99 = arith.andi %ne3A_95, %ne3A_98 : i1
      %sub3A_100 = arith.constant 1 : i32
      %sub3A_101 = arith.subi %div3A_80, %sub3A_100 : i32
      %select_n3A_102 = arith.select %and3A_99, %sub3A_101, %div3A_80 : i32
      %jit3A_103 = arith.constant 8 : i32
      %eq3A_104 = arith.constant 0 : i32
      %eq3A_105 = arith.cmpi eq, %jit3A_103, %eq3A_104 : i32
      %jit3A_106 = arith.constant 1 : i32
      %select_n3A_107 = arith.select %eq3A_105, %jit3A_106, %jit3A_103 : i32
      %rem3A_108 = arith.remsi %scan3A_76, %select_n3A_107 : i32
      %ne3A_109 = arith.constant 0 : i32
      %ne3A_110 = arith.cmpi ne, %rem3A_108, %ne3A_109 : i32
      %lt3A = arith.constant 0 : i32
      %lt3A_111 = arith.cmpi slt, %rem3A_108, %lt3A : i32
      %lt3A_112 = arith.constant 0 : i32
      %lt3A_113 = arith.cmpi slt, %select_n3A_107, %lt3A_112 : i32
      %ne3A_114 = arith.xori %lt3A_111, %lt3A_113 : i1
      %and3A_115 = arith.andi %ne3A_114, %ne3A_110 : i1
      %add3A_116 = arith.addi %rem3A_108, %select_n3A_107 : i32
      %select_n3A_117 = arith.select %and3A_115, %add3A_116, %rem3A_108 : i32
      %mul3A_118 = arith.constant 16 : i32
      %mul3A_119 = arith.muli %select_n3A_117, %mul3A_118 : i32
      %swap3A = arith.index_cast %select_n3A_102 : i32 to index
      %swap3A_120 = arith.index_cast %mul3A_119 : i32 to index
      %swap3A_121 = tpu.vector_load %arg10[%swap3A, %swap3A_120] {strides = array<i32>} : memref<128x128xf32, #tpu.memory_space<vmem>>, vector<1x16xf32>,
      %swap3A_122 = vector.shape_cast %swap3A_121 : vector<1x16xf32> to vector<16xf32>
      %swap3A_123 = vector.shape_cast %broadcast_in_dim3A_78 : vector<16xf32> to vector<1x16xf32>
      tpu.vector_store %arg10[%swap3A, %swap3A_120], %swap3A_123 {strides = array<i32>} : memref<128x128xf32, #tpu.memory_space<vmem>>, vector<1x16xf32>,
      %scan3A_124 = arith.constant 0 : i32
      scf.yield %scan3A_124 : i32
    }
    %scan3A_14 = arith.constant 1024 : i32
    %scan3A_15 = arith.constant 0 : i32
    %scan3A_16 = arith.constant 0 : i32
    %scan3A_17 = arith.constant 5 : i32
    %scan3A_18 = arith.addi %scan3A_16, %scan3A_17 : i32
    %scan3A_19 = arith.constant 1 : i32
    %scan3A_20 = scf.for %scan3A_76 = %scan3A_16 to %scan3A_18 step %scan3A_19 iter_args(%scan3A_77 = %scan3A_15) -> (i32)  : i32 {
      %mul3A_78 = arith.constant 640 : i32
      %mul3A_79 = arith.muli %arg1, %mul3A_78 : i32
      %mul3A_80 = arith.constant 128 : i32
      %mul3A_81 = arith.muli %scan3A_76, %mul3A_80 : i32
      %add3A_82 = arith.addi %mul3A_79, %mul3A_81 : i32
      "tpu.region"() ({
        %run_scoped3A = tpu.sem_alloc : memref<!tpu.dma_semaphore, #tpu.memory_space<semaphore_mem>>
        %dma_start3A_84 = arith.constant 0 : i32
        %dma_start3A_85 = tpu.memref_slice %arg12[%add3A_82, %dma_start3A_84] : memref<10240x128xf32, #tpu.memory_space<vmem_shared>> -> memref<128x128xf32, #tpu.memory_space<vmem_shared>>
        %dma_start3A_86 = arith.constant 0 : i32
        %dma_start3A_87 = tpu.memref_slice %arg12[%add3A_82, %dma_start3A_86] : memref<10240x128xf32, #tpu.memory_space<vmem_shared>> -> memref<128x128xf32, #tpu.memory_space<vmem_shared>>
        tpu.enqueue_dma source(%arg10 : memref<128x128xf32, #tpu.memory_space<vmem>>) target(%dma_start3A_87 : memref<128x128xf32, #tpu.memory_space<vmem_shared>>) target_semaphore(%run_scoped3A : memref<!tpu.dma_semaphore, #tpu.memory_space<semaphore_mem>>)
        %dma_wait3A_88 = arith.constant 0 : i32
        %dma_wait3A_89 = tpu.memref_slice %arg12[%add3A_82, %dma_wait3A_88] : memref<10240x128xf32, #tpu.memory_space<vmem_shared>> -> memref<128x128xf32, #tpu.memory_space<vmem_shared>>
        %dma_wait3A_90 = arith.constant 0 : i32
        %dma_wait3A_91 = tpu.memref_slice %arg12[%add3A_82, %dma_wait3A_90] : memref<10240x128xf32, #tpu.memory_space<vmem_shared>> -> memref<128x128xf32, #tpu.memory_space<vmem_shared>>
        tpu.wait_dma2 semaphore(%run_scoped3A : memref<!tpu.dma_semaphore, #tpu.memory_space<semaphore_mem>>) src(%arg10 : memref<128x128xf32, #tpu.memory_space<vmem>>) dst(%dma_wait3A_91 : memref<128x128xf32, #tpu.memory_space<vmem_shared>>)
        tpu.yield
      }) : () -> ()
      %scan3A_83 = arith.constant 0 : i32
      scf.yield %scan3A_83 : i32
    }
    %scan3A_21 = arith.constant 5 : i32
    %barrier3A = arith.constant 0 : index
    tpu.barrier barrier_id(%barrier3A)
    %add3A_22 = arith.constant 0 : i32
    %add3A_23 = arith.addi %select_n3A, %add3A_22 : i32
    "tpu.region"() ({
      %run_scoped3A = tpu.sem_alloc : memref<!tpu.dma_semaphore, #tpu.memory_space<semaphore_mem>>
      %dma_start3A_76 = arith.constant 0 : i32
      %dma_start3A_77 = tpu.memref_slice %arg3[%add3A_23, %dma_start3A_76] : memref<2560x128xi32, #tpu.memory_space<hbm>> -> memref<1x128xi32, #tpu.memory_space<hbm>>
      %dma_start3A_78 = tpu.memref_squeeze %dma_start3A_77 : memref<1x128xi32, #tpu.memory_space<hbm>> -> memref<128xi32, #tpu.memory_space<hbm>>
      %dma_start3A_79 = arith.constant 0 : i32
      %dma_start3A_80 = tpu.memref_slice %arg3[%add3A_23, %dma_start3A_79] : memref<2560x128xi32, #tpu.memory_space<hbm>> -> memref<1x128xi32, #tpu.memory_space<hbm>>
      %dma_start3A_81 = tpu.memref_squeeze %dma_start3A_80 : memref<1x128xi32, #tpu.memory_space<hbm>> -> memref<128xi32, #tpu.memory_space<hbm>>
      tpu.enqueue_dma source(%dma_start3A_81 : memref<128xi32, #tpu.memory_space<hbm>>) target(%arg6 : memref<128xi32, #tpu.memory_space<vmem>>) target_semaphore(%run_scoped3A : memref<!tpu.dma_semaphore, #tpu.memory_space<semaphore_mem>>)
      %dma_wait3A_82 = arith.constant 0 : i32
      %dma_wait3A_83 = tpu.memref_slice %arg3[%add3A_23, %dma_wait3A_82] : memref<2560x128xi32, #tpu.memory_space<hbm>> -> memref<1x128xi32, #tpu.memory_space<hbm>>
      %dma_wait3A_84 = tpu.memref_squeeze %dma_wait3A_83 : memref<1x128xi32, #tpu.memory_space<hbm>> -> memref<128xi32, #tpu.memory_space<hbm>>
      %dma_wait3A_85 = arith.constant 0 : i32
      %dma_wait3A_86 = tpu.memref_slice %arg3[%add3A_23, %dma_wait3A_85] : memref<2560x128xi32, #tpu.memory_space<hbm>> -> memref<1x128xi32, #tpu.memory_space<hbm>>
      %dma_wait3A_87 = tpu.memref_squeeze %dma_wait3A_86 : memref<1x128xi32, #tpu.memory_space<hbm>> -> memref<128xi32, #tpu.memory_space<hbm>>
      tpu.wait_dma2 semaphore(%run_scoped3A : memref<!tpu.dma_semaphore, #tpu.memory_space<semaphore_mem>>) src(%dma_wait3A_87 : memref<128xi32, #tpu.memory_space<hbm>>) dst(%arg6 : memref<128xi32, #tpu.memory_space<vmem>>)
      tpu.yield
    }) : () -> ()
    %add3A_24 = arith.constant 0 : i32
    %add3A_25 = arith.addi %select_n3A, %add3A_24 : i32
    "tpu.region"() ({
      %run_scoped3A = tpu.sem_alloc : memref<!tpu.dma_semaphore, #tpu.memory_space<semaphore_mem>>
      %dma_start3A_76 = arith.constant 0 : i32
      %dma_start3A_77 = tpu.memref_slice %arg4[%add3A_25, %dma_start3A_76] : memref<2560x128xi32, #tpu.memory_space<hbm>> -> memref<1x128xi32, #tpu.memory_space<hbm>>
      %dma_start3A_78 = tpu.memref_squeeze %dma_start3A_77 : memref<1x128xi32, #tpu.memory_space<hbm>> -> memref<128xi32, #tpu.memory_space<hbm>>
      %dma_start3A_79 = arith.constant 0 : i32
      %dma_start3A_80 = tpu.memref_slice %arg4[%add3A_25, %dma_start3A_79] : memref<2560x128xi32, #tpu.memory_space<hbm>> -> memref<1x128xi32, #tpu.memory_space<hbm>>
      %dma_start3A_81 = tpu.memref_squeeze %dma_start3A_80 : memref<1x128xi32, #tpu.memory_space<hbm>> -> memref<128xi32, #tpu.memory_space<hbm>>
      tpu.enqueue_dma source(%dma_start3A_81 : memref<128xi32, #tpu.memory_space<hbm>>) target(%arg7 : memref<128xi32, #tpu.memory_space<vmem>>) target_semaphore(%run_scoped3A : memref<!tpu.dma_semaphore, #tpu.memory_space<semaphore_mem>>)
      %dma_wait3A_82 = arith.constant 0 : i32
      %dma_wait3A_83 = tpu.memref_slice %arg4[%add3A_25, %dma_wait3A_82] : memref<2560x128xi32, #tpu.memory_space<hbm>> -> memref<1x128xi32, #tpu.memory_space<hbm>>
      %dma_wait3A_84 = tpu.memref_squeeze %dma_wait3A_83 : memref<1x128xi32, #tpu.memory_space<hbm>> -> memref<128xi32, #tpu.memory_space<hbm>>
      %dma_wait3A_85 = arith.constant 0 : i32
      %dma_wait3A_86 = tpu.memref_slice %arg4[%add3A_25, %dma_wait3A_85] : memref<2560x128xi32, #tpu.memory_space<hbm>> -> memref<1x128xi32, #tpu.memory_space<hbm>>
      %dma_wait3A_87 = tpu.memref_squeeze %dma_wait3A_86 : memref<1x128xi32, #tpu.memory_space<hbm>> -> memref<128xi32, #tpu.memory_space<hbm>>
      tpu.wait_dma2 semaphore(%run_scoped3A : memref<!tpu.dma_semaphore, #tpu.memory_space<semaphore_mem>>) src(%dma_wait3A_87 : memref<128xi32, #tpu.memory_space<hbm>>) dst(%arg7 : memref<128xi32, #tpu.memory_space<vmem>>)
      tpu.yield
    }) : () -> ()
    %dma_start3A = arith.constant 0 : i32
    %dma_start3A_26 = arith.constant 0 : i32
    %dma_start3A_27 = tpu.memref_slice %arg2[%dma_start3A, %dma_start3A_26] : memref<10000x128xf32, #tpu.memory_space<hbm>> -> memref<10000x128xf32, #tpu.memory_space<hbm>>
    tpu.enqueue_indirect_dma source(%dma_start3A_27 : memref<10000x128xf32, #tpu.memory_space<hbm>>) target(%arg10 : memref<128x128xf32, #tpu.memory_space<vmem>>) offsets(%arg6 : memref<128xi32, #tpu.memory_space<vmem>>) semaphore(%arg13 : memref<!tpu.dma_semaphore, #tpu.memory_space<semaphore_mem>>)
    %add3A_28 = arith.constant 1 : i32
    %add3A_29 = arith.addi %select_n3A, %add3A_28 : i32
    "tpu.region"() ({
      %run_scoped3A = tpu.sem_alloc : memref<!tpu.dma_semaphore, #tpu.memory_space<semaphore_mem>>
      %dma_start3A_76 = arith.constant 0 : i32
      %dma_start3A_77 = tpu.memref_slice %arg3[%add3A_29, %dma_start3A_76] : memref<2560x128xi32, #tpu.memory_space<hbm>> -> memref<1x128xi32, #tpu.memory_space<hbm>>
      %dma_start3A_78 = tpu.memref_squeeze %dma_start3A_77 : memref<1x128xi32, #tpu.memory_space<hbm>> -> memref<128xi32, #tpu.memory_space<hbm>>
      %dma_start3A_79 = arith.constant 0 : i32
      %dma_start3A_80 = tpu.memref_slice %arg3[%add3A_29, %dma_start3A_79] : memref<2560x128xi32, #tpu.memory_space<hbm>> -> memref<1x128xi32, #tpu.memory_space<hbm>>
      %dma_start3A_81 = tpu.memref_squeeze %dma_start3A_80 : memref<1x128xi32, #tpu.memory_space<hbm>> -> memref<128xi32, #tpu.memory_space<hbm>>
      tpu.enqueue_dma source(%dma_start3A_81 : memref<128xi32, #tpu.memory_space<hbm>>) target(%arg8 : memref<128xi32, #tpu.memory_space<vmem>>) target_semaphore(%run_scoped3A : memref<!tpu.dma_semaphore, #tpu.memory_space<semaphore_mem>>)
      %dma_wait3A_82 = arith.constant 0 : i32
      %dma_wait3A_83 = tpu.memref_slice %arg3[%add3A_29, %dma_wait3A_82] : memref<2560x128xi32, #tpu.memory_space<hbm>> -> memref<1x128xi32, #tpu.memory_space<hbm>>
      %dma_wait3A_84 = tpu.memref_squeeze %dma_wait3A_83 : memref<1x128xi32, #tpu.memory_space<hbm>> -> memref<128xi32, #tpu.memory_space<hbm>>
      %dma_wait3A_85 = arith.constant 0 : i32
      %dma_wait3A_86 = tpu.memref_slice %arg3[%add3A_29, %dma_wait3A_85] : memref<2560x128xi32, #tpu.memory_space<hbm>> -> memref<1x128xi32, #tpu.memory_space<hbm>>
      %dma_wait3A_87 = tpu.memref_squeeze %dma_wait3A_86 : memref<1x128xi32, #tpu.memory_space<hbm>> -> memref<128xi32, #tpu.memory_space<hbm>>
      tpu.wait_dma2 semaphore(%run_scoped3A : memref<!tpu.dma_semaphore, #tpu.memory_space<semaphore_mem>>) src(%dma_wait3A_87 : memref<128xi32, #tpu.memory_space<hbm>>) dst(%arg8 : memref<128xi32, #tpu.memory_space<vmem>>)
      tpu.yield
    }) : () -> ()
    %add3A_30 = arith.constant 1 : i32
    %add3A_31 = arith.addi %select_n3A, %add3A_30 : i32
    "tpu.region"() ({
      %run_scoped3A = tpu.sem_alloc : memref<!tpu.dma_semaphore, #tpu.memory_space<semaphore_mem>>
      %dma_start3A_76 = arith.constant 0 : i32
      %dma_start3A_77 = tpu.memref_slice %arg4[%add3A_31, %dma_start3A_76] : memref<2560x128xi32, #tpu.memory_space<hbm>> -> memref<1x128xi32, #tpu.memory_space<hbm>>
      %dma_start3A_78 = tpu.memref_squeeze %dma_start3A_77 : memref<1x128xi32, #tpu.memory_space<hbm>> -> memref<128xi32, #tpu.memory_space<hbm>>
      %dma_start3A_79 = arith.constant 0 : i32
      %dma_start3A_80 = tpu.memref_slice %arg4[%add3A_31, %dma_start3A_79] : memref<2560x128xi32, #tpu.memory_space<hbm>> -> memref<1x128xi32, #tpu.memory_space<hbm>>
      %dma_start3A_81 = tpu.memref_squeeze %dma_start3A_80 : memref<1x128xi32, #tpu.memory_space<hbm>> -> memref<128xi32, #tpu.memory_space<hbm>>
      tpu.enqueue_dma source(%dma_start3A_81 : memref<128xi32, #tpu.memory_space<hbm>>) target(%arg9 : memref<128xi32, #tpu.memory_space<vmem>>) target_semaphore(%run_scoped3A : memref<!tpu.dma_semaphore, #tpu.memory_space<semaphore_mem>>)
      %dma_wait3A_82 = arith.constant 0 : i32
      %dma_wait3A_83 = tpu.memref_slice %arg4[%add3A_31, %dma_wait3A_82] : memref<2560x128xi32, #tpu.memory_space<hbm>> -> memref<1x128xi32, #tpu.memory_space<hbm>>
      %dma_wait3A_84 = tpu.memref_squeeze %dma_wait3A_83 : memref<1x128xi32, #tpu.memory_space<hbm>> -> memref<128xi32, #tpu.memory_space<hbm>>
      %dma_wait3A_85 = arith.constant 0 : i32
      %dma_wait3A_86 = tpu.memref_slice %arg4[%add3A_31, %dma_wait3A_85] : memref<2560x128xi32, #tpu.memory_space<hbm>> -> memref<1x128xi32, #tpu.memory_space<hbm>>
      %dma_wait3A_87 = tpu.memref_squeeze %dma_wait3A_86 : memref<1x128xi32, #tpu.memory_space<hbm>> -> memref<128xi32, #tpu.memory_space<hbm>>
      tpu.wait_dma2 semaphore(%run_scoped3A : memref<!tpu.dma_semaphore, #tpu.memory_space<semaphore_mem>>) src(%dma_wait3A_87 : memref<128xi32, #tpu.memory_space<hbm>>) dst(%arg9 : memref<128xi32, #tpu.memory_space<vmem>>)
      tpu.yield
    }) : () -> ()
    %dma_start3A_32 = arith.constant 0 : i32
    %dma_start3A_33 = arith.constant 0 : i32
    %dma_start3A_34 = tpu.memref_slice %arg2[%dma_start3A_32, %dma_start3A_33] : memref<10000x128xf32, #tpu.memory_space<hbm>> -> memref<10000x128xf32, #tpu.memory_space<hbm>>
    tpu.enqueue_indirect_dma source(%dma_start3A_34 : memref<10000x128xf32, #tpu.memory_space<hbm>>) target(%arg11 : memref<128x128xf32, #tpu.memory_space<vmem>>) offsets(%arg8 : memref<128xi32, #tpu.memory_space<vmem>>) semaphore(%arg14 : memref<!tpu.dma_semaphore, #tpu.memory_space<semaphore_mem>>)
    %jit3A_35 = arith.constant 2 : i32
    %div3A = arith.divsi %select_n3A_8, %jit3A_35 : i32
    %sign3A = arith.constant 0 : i32
    %sign3A_36 = arith.cmpi sgt, %select_n3A_8, %sign3A : i32
    %sign3A_37 = arith.extui %sign3A_36 : i1 to i32
    %sign3A_38 = arith.constant 0 : i32
    %sign3A_39 = arith.cmpi slt, %select_n3A_8, %sign3A_38 : i32
    %sign3A_40 = arith.extui %sign3A_39 : i1 to i32
    %sign3A_41 = arith.subi %sign3A_37, %sign3A_40 : i32
    %sign3A_42 = arith.constant 0 : i32
    %sign3A_43 = arith.cmpi sgt, %jit3A_35, %sign3A_42 : i32
    %sign3A_44 = arith.extui %sign3A_43 : i1 to i32
    %sign3A_45 = arith.constant 0 : i32
    %sign3A_46 = arith.cmpi slt, %jit3A_35, %sign3A_45 : i32
    %sign3A_47 = arith.extui %sign3A_46 : i1 to i32
    %sign3A_48 = arith.subi %sign3A_44, %sign3A_47 : i32
    %ne3A = arith.cmpi ne, %sign3A_41, %sign3A_48 : i32
    %rem3A = arith.remsi %select_n3A_8, %jit3A_35 : i32
    %ne3A_49 = arith.constant 0 : i32
    %ne3A_50 = arith.cmpi ne, %rem3A, %ne3A_49 : i32
    %and3A = arith.andi %ne3A, %ne3A_50 : i1
    %sub3A = arith.constant 1 : i32
    %sub3A_51 = arith.subi %div3A, %sub3A : i32
    %select_n3A_52 = arith.select %and3A, %sub3A_51, %div3A : i32
    %sub3A_53 = arith.constant 1 : i32
    %sub3A_54 = arith.subi %select_n3A_52, %sub3A_53 : i32
    %while3A = arith.constant 0 : i32
    %while3A_55 = arith.constant 0 : i32
    %while3A_56 = arith.subi %sub3A_54, %while3A : i32
    %while3A_57 = arith.addi %while3A, %while3A_56 : i32
    %while3A_58 = arith.constant 1 : i32
    %while3A_59 = arith.divsi %while3A_56, %while3A_58 : i32
    %while3A_60 = arith.muli %while3A_59, %while3A_58 : i32
    %while3A_61 = arith.addi %while3A, %while3A_60 : i32
    %while3A_62 = arith.constant 1 : i32
    %while3A_63 = scf.for %while3A_76 = %while3A to %while3A_61 step %while3A_62 iter_args(%while3A_77 = %while3A_55) -> (i32)  : i32 {
      %mul3A_78 = arith.constant 2 : i32
      %mul3A_79 = arith.muli %while3A_76, %mul3A_78 : i32
      %add3A_80 = arith.constant 0 : i32
      %add3A_81 = arith.addi %mul3A_79, %add3A_80 : i32
      %dma_wait3A_82 = arith.constant 0 : i32
      %dma_wait3A_83 = arith.constant 0 : i32
      %dma_wait3A_84 = tpu.memref_slice %arg2[%dma_wait3A_82, %dma_wait3A_83] : memref<10000x128xf32, #tpu.memory_space<hbm>> -> memref<10000x128xf32, #tpu.memory_space<hbm>>
      tpu.wait_indirect_dma semaphore(%arg13 : memref<!tpu.dma_semaphore, #tpu.memory_space<semaphore_mem>>) src(%dma_wait3A_84 : memref<10000x128xf32, #tpu.memory_space<hbm>>) dst(%arg10 : memref<128x128xf32, #tpu.memory_space<vmem>>)
      "tpu.region"() ({
        %run_scoped3A = tpu.sem_alloc : memref<!tpu.dma_semaphore, #tpu.memory_space<semaphore_mem>>
        %dma_start3A_111 = arith.constant 0 : i32
        %dma_start3A_112 = arith.constant 0 : i32
        %dma_start3A_113 = tpu.memref_slice %arg12[%dma_start3A_111, %dma_start3A_112] : memref<10240x128xf32, #tpu.memory_space<vmem_shared>> -> memref<10240x128xf32, #tpu.memory_space<vmem_shared>>
        tpu.enqueue_indirect_dma source(%arg10 : memref<128x128xf32, #tpu.memory_space<vmem>>) target(%dma_start3A_113 : memref<10240x128xf32, #tpu.memory_space<vmem_shared>>) offsets(%arg7 : memref<128xi32, #tpu.memory_space<vmem>>) semaphore(%run_scoped3A : memref<!tpu.dma_semaphore, #tpu.memory_space<semaphore_mem>>) {add = true}
        %dma_wait3A_114 = arith.constant 0 : i32
        %dma_wait3A_115 = arith.constant 0 : i32
        %dma_wait3A_116 = tpu.memref_slice %arg12[%dma_wait3A_114, %dma_wait3A_115] : memref<10240x128xf32, #tpu.memory_space<vmem_shared>> -> memref<10240x128xf32, #tpu.memory_space<vmem_shared>>
        tpu.wait_indirect_dma semaphore(%run_scoped3A : memref<!tpu.dma_semaphore, #tpu.memory_space<semaphore_mem>>) src(%arg10 : memref<128x128xf32, #tpu.memory_space<vmem>>) dst(%dma_wait3A_116 : memref<10240x128xf32, #tpu.memory_space<vmem_shared>>)
        tpu.yield
      }) : () -> ()
      %add3A_85 = arith.addi %select_n3A, %add3A_81 : i32
      %add3A_86 = arith.constant 2 : i32
      %add3A_87 = arith.addi %add3A_85, %add3A_86 : i32
      "tpu.region"() ({
        %run_scoped3A = tpu.sem_alloc : memref<!tpu.dma_semaphore, #tpu.memory_space<semaphore_mem>>
        %dma_start3A_111 = arith.constant 0 : i32
        %dma_start3A_112 = tpu.memref_slice %arg3[%add3A_87, %dma_start3A_111] : memref<2560x128xi32, #tpu.memory_space<hbm>> -> memref<1x128xi32, #tpu.memory_space<hbm>>
        %dma_start3A_113 = tpu.memref_squeeze %dma_start3A_112 : memref<1x128xi32, #tpu.memory_space<hbm>> -> memref<128xi32, #tpu.memory_space<hbm>>
        %dma_start3A_114 = arith.constant 0 : i32
        %dma_start3A_115 = tpu.memref_slice %arg3[%add3A_87, %dma_start3A_114] : memref<2560x128xi32, #tpu.memory_space<hbm>> -> memref<1x128xi32, #tpu.memory_space<hbm>>
        %dma_start3A_116 = tpu.memref_squeeze %dma_start3A_115 : memref<1x128xi32, #tpu.memory_space<hbm>> -> memref<128xi32, #tpu.memory_space<hbm>>
        tpu.enqueue_dma source(%dma_start3A_116 : memref<128xi32, #tpu.memory_space<hbm>>) target(%arg6 : memref<128xi32, #tpu.memory_space<vmem>>) target_semaphore(%run_scoped3A : memref<!tpu.dma_semaphore, #tpu.memory_space<semaphore_mem>>)
        %dma_wait3A_117 = arith.constant 0 : i32
        %dma_wait3A_118 = tpu.memref_slice %arg3[%add3A_87, %dma_wait3A_117] : memref<2560x128xi32, #tpu.memory_space<hbm>> -> memref<1x128xi32, #tpu.memory_space<hbm>>
        %dma_wait3A_119 = tpu.memref_squeeze %dma_wait3A_118 : memref<1x128xi32, #tpu.memory_space<hbm>> -> memref<128xi32, #tpu.memory_space<hbm>>
        %dma_wait3A_120 = arith.constant 0 : i32
        %dma_wait3A_121 = tpu.memref_slice %arg3[%add3A_87, %dma_wait3A_120] : memref<2560x128xi32, #tpu.memory_space<hbm>> -> memref<1x128xi32, #tpu.memory_space<hbm>>
        %dma_wait3A_122 = tpu.memref_squeeze %dma_wait3A_121 : memref<1x128xi32, #tpu.memory_space<hbm>> -> memref<128xi32, #tpu.memory_space<hbm>>
        tpu.wait_dma2 semaphore(%run_scoped3A : memref<!tpu.dma_semaphore, #tpu.memory_space<semaphore_mem>>) src(%dma_wait3A_122 : memref<128xi32, #tpu.memory_space<hbm>>) dst(%arg6 : memref<128xi32, #tpu.memory_space<vmem>>)
        tpu.yield
      }) : () -> ()
      %add3A_88 = arith.addi %select_n3A, %add3A_81 : i32
      %add3A_89 = arith.constant 2 : i32
      %add3A_90 = arith.addi %add3A_88, %add3A_89 : i32
      "tpu.region"() ({
        %run_scoped3A = tpu.sem_alloc : memref<!tpu.dma_semaphore, #tpu.memory_space<semaphore_mem>>
        %dma_start3A_111 = arith.constant 0 : i32
        %dma_start3A_112 = tpu.memref_slice %arg4[%add3A_90, %dma_start3A_111] : memref<2560x128xi32, #tpu.memory_space<hbm>> -> memref<1x128xi32, #tpu.memory_space<hbm>>
        %dma_start3A_113 = tpu.memref_squeeze %dma_start3A_112 : memref<1x128xi32, #tpu.memory_space<hbm>> -> memref<128xi32, #tpu.memory_space<hbm>>
        %dma_start3A_114 = arith.constant 0 : i32
        %dma_start3A_115 = tpu.memref_slice %arg4[%add3A_90, %dma_start3A_114] : memref<2560x128xi32, #tpu.memory_space<hbm>> -> memref<1x128xi32, #tpu.memory_space<hbm>>
        %dma_start3A_116 = tpu.memref_squeeze %dma_start3A_115 : memref<1x128xi32, #tpu.memory_space<hbm>> -> memref<128xi32, #tpu.memory_space<hbm>>
        tpu.enqueue_dma source(%dma_start3A_116 : memref<128xi32, #tpu.memory_space<hbm>>) target(%arg7 : memref<128xi32, #tpu.memory_space<vmem>>) target_semaphore(%run_scoped3A : memref<!tpu.dma_semaphore, #tpu.memory_space<semaphore_mem>>)
        %dma_wait3A_117 = arith.constant 0 : i32
        %dma_wait3A_118 = tpu.memref_slice %arg4[%add3A_90, %dma_wait3A_117] : memref<2560x128xi32, #tpu.memory_space<hbm>> -> memref<1x128xi32, #tpu.memory_space<hbm>>
        %dma_wait3A_119 = tpu.memref_squeeze %dma_wait3A_118 : memref<1x128xi32, #tpu.memory_space<hbm>> -> memref<128xi32, #tpu.memory_space<hbm>>
        %dma_wait3A_120 = arith.constant 0 : i32
        %dma_wait3A_121 = tpu.memref_slice %arg4[%add3A_90, %dma_wait3A_120] : memref<2560x128xi32, #tpu.memory_space<hbm>> -> memref<1x128xi32, #tpu.memory_space<hbm>>
        %dma_wait3A_122 = tpu.memref_squeeze %dma_wait3A_121 : memref<1x128xi32, #tpu.memory_space<hbm>> -> memref<128xi32, #tpu.memory_space<hbm>>
        tpu.wait_dma2 semaphore(%run_scoped3A : memref<!tpu.dma_semaphore, #tpu.memory_space<semaphore_mem>>) src(%dma_wait3A_122 : memref<128xi32, #tpu.memory_space<hbm>>) dst(%arg7 : memref<128xi32, #tpu.memory_space<vmem>>)
        tpu.yield
      }) : () -> ()
      %dma_start3A_91 = arith.constant 0 : i32
      %dma_start3A_92 = arith.constant 0 : i32
      %dma_start3A_93 = tpu.memref_slice %arg2[%dma_start3A_91, %dma_start3A_92] : memref<10000x128xf32, #tpu.memory_space<hbm>> -> memref<10000x128xf32, #tpu.memory_space<hbm>>
      tpu.enqueue_indirect_dma source(%dma_start3A_93 : memref<10000x128xf32, #tpu.memory_space<hbm>>) target(%arg10 : memref<128x128xf32, #tpu.memory_space<vmem>>) offsets(%arg6 : memref<128xi32, #tpu.memory_space<vmem>>) semaphore(%arg13 : memref<!tpu.dma_semaphore, #tpu.memory_space<semaphore_mem>>)
      %mul3A_94 = arith.constant 2 : i32
      %mul3A_95 = arith.muli %while3A_76, %mul3A_94 : i32
      %add3A_96 = arith.constant 1 : i32
      %add3A_97 = arith.addi %mul3A_95, %add3A_96 : i32
      %dma_wait3A_98 = arith.constant 0 : i32
      %dma_wait3A_99 = arith.constant 0 : i32
      %dma_wait3A_100 = tpu.memref_slice %arg2[%dma_wait3A_98, %dma_wait3A_99] : memref<10000x128xf32, #tpu.memory_space<hbm>> -> memref<10000x128xf32, #tpu.memory_space<hbm>>
      tpu.wait_indirect_dma semaphore(%arg14 : memref<!tpu.dma_semaphore, #tpu.memory_space<semaphore_mem>>) src(%dma_wait3A_100 : memref<10000x128xf32, #tpu.memory_space<hbm>>) dst(%arg11 : memref<128x128xf32, #tpu.memory_space<vmem>>)
      "tpu.region"() ({
        %run_scoped3A = tpu.sem_alloc : memref<!tpu.dma_semaphore, #tpu.memory_space<semaphore_mem>>
        %dma_start3A_111 = arith.constant 0 : i32
        %dma_start3A_112 = arith.constant 0 : i32
        %dma_start3A_113 = tpu.memref_slice %arg12[%dma_start3A_111, %dma_start3A_112] : memref<10240x128xf32, #tpu.memory_space<vmem_shared>> -> memref<10240x128xf32, #tpu.memory_space<vmem_shared>>
        tpu.enqueue_indirect_dma source(%arg11 : memref<128x128xf32, #tpu.memory_space<vmem>>) target(%dma_start3A_113 : memref<10240x128xf32, #tpu.memory_space<vmem_shared>>) offsets(%arg9 : memref<128xi32, #tpu.memory_space<vmem>>) semaphore(%run_scoped3A : memref<!tpu.dma_semaphore, #tpu.memory_space<semaphore_mem>>) {add = true}
        %dma_wait3A_114 = arith.constant 0 : i32
        %dma_wait3A_115 = arith.constant 0 : i32
        %dma_wait3A_116 = tpu.memref_slice %arg12[%dma_wait3A_114, %dma_wait3A_115] : memref<10240x128xf32, #tpu.memory_space<vmem_shared>> -> memref<10240x128xf32, #tpu.memory_space<vmem_shared>>
        tpu.wait_indirect_dma semaphore(%run_scoped3A : memref<!tpu.dma_semaphore, #tpu.memory_space<semaphore_mem>>) src(%arg11 : memref<128x128xf32, #tpu.memory_space<vmem>>) dst(%dma_wait3A_116 : memref<10240x128xf32, #tpu.memory_space<vmem_shared>>)
        tpu.yield
      }) : () -> ()
      %add3A_101 = arith.addi %select_n3A, %add3A_97 : i32
      %add3A_102 = arith.constant 2 : i32
      %add3A_103 = arith.addi %add3A_101, %add3A_102 : i32
      "tpu.region"() ({
        %run_scoped3A = tpu.sem_alloc : memref<!tpu.dma_semaphore, #tpu.memory_space<semaphore_mem>>
        %dma_start3A_111 = arith.constant 0 : i32
        %dma_start3A_112 = tpu.memref_slice %arg3[%add3A_103, %dma_start3A_111] : memref<2560x128xi32, #tpu.memory_space<hbm>> -> memref<1x128xi32, #tpu.memory_space<hbm>>
        %dma_start3A_113 = tpu.memref_squeeze %dma_start3A_112 : memref<1x128xi32, #tpu.memory_space<hbm>> -> memref<128xi32, #tpu.memory_space<hbm>>
        %dma_start3A_114 = arith.constant 0 : i32
        %dma_start3A_115 = tpu.memref_slice %arg3[%add3A_103, %dma_start3A_114] : memref<2560x128xi32, #tpu.memory_space<hbm>> -> memref<1x128xi32, #tpu.memory_space<hbm>>
        %dma_start3A_116 = tpu.memref_squeeze %dma_start3A_115 : memref<1x128xi32, #tpu.memory_space<hbm>> -> memref<128xi32, #tpu.memory_space<hbm>>
        tpu.enqueue_dma source(%dma_start3A_116 : memref<128xi32, #tpu.memory_space<hbm>>) target(%arg8 : memref<128xi32, #tpu.memory_space<vmem>>) target_semaphore(%run_scoped3A : memref<!tpu.dma_semaphore, #tpu.memory_space<semaphore_mem>>)
        %dma_wait3A_117 = arith.constant 0 : i32
        %dma_wait3A_118 = tpu.memref_slice %arg3[%add3A_103, %dma_wait3A_117] : memref<2560x128xi32, #tpu.memory_space<hbm>> -> memref<1x128xi32, #tpu.memory_space<hbm>>
        %dma_wait3A_119 = tpu.memref_squeeze %dma_wait3A_118 : memref<1x128xi32, #tpu.memory_space<hbm>> -> memref<128xi32, #tpu.memory_space<hbm>>
        %dma_wait3A_120 = arith.constant 0 : i32
        %dma_wait3A_121 = tpu.memref_slice %arg3[%add3A_103, %dma_wait3A_120] : memref<2560x128xi32, #tpu.memory_space<hbm>> -> memref<1x128xi32, #tpu.memory_space<hbm>>
        %dma_wait3A_122 = tpu.memref_squeeze %dma_wait3A_121 : memref<1x128xi32, #tpu.memory_space<hbm>> -> memref<128xi32, #tpu.memory_space<hbm>>
        tpu.wait_dma2 semaphore(%run_scoped3A : memref<!tpu.dma_semaphore, #tpu.memory_space<semaphore_mem>>) src(%dma_wait3A_122 : memref<128xi32, #tpu.memory_space<hbm>>) dst(%arg8 : memref<128xi32, #tpu.memory_space<vmem>>)
        tpu.yield
      }) : () -> ()
      %add3A_104 = arith.addi %select_n3A, %add3A_97 : i32
      %add3A_105 = arith.constant 2 : i32
      %add3A_106 = arith.addi %add3A_104, %add3A_105 : i32
      "tpu.region"() ({
        %run_scoped3A = tpu.sem_alloc : memref<!tpu.dma_semaphore, #tpu.memory_space<semaphore_mem>>
        %dma_start3A_111 = arith.constant 0 : i32
        %dma_start3A_112 = tpu.memref_slice %arg4[%add3A_106, %dma_start3A_111] : memref<2560x128xi32, #tpu.memory_space<hbm>> -> memref<1x128xi32, #tpu.memory_space<hbm>>
        %dma_start3A_113 = tpu.memref_squeeze %dma_start3A_112 : memref<1x128xi32, #tpu.memory_space<hbm>> -> memref<128xi32, #tpu.memory_space<hbm>>
        %dma_start3A_114 = arith.constant 0 : i32
        %dma_start3A_115 = tpu.memref_slice %arg4[%add3A_106, %dma_start3A_114] : memref<2560x128xi32, #tpu.memory_space<hbm>> -> memref<1x128xi32, #tpu.memory_space<hbm>>
        %dma_start3A_116 = tpu.memref_squeeze %dma_start3A_115 : memref<1x128xi32, #tpu.memory_space<hbm>> -> memref<128xi32, #tpu.memory_space<hbm>>
        tpu.enqueue_dma source(%dma_start3A_116 : memref<128xi32, #tpu.memory_space<hbm>>) target(%arg9 : memref<128xi32, #tpu.memory_space<vmem>>) target_semaphore(%run_scoped3A : memref<!tpu.dma_semaphore, #tpu.memory_space<semaphore_mem>>)
        %dma_wait3A_117 = arith.constant 0 : i32
        %dma_wait3A_118 = tpu.memref_slice %arg4[%add3A_106, %dma_wait3A_117] : memref<2560x128xi32, #tpu.memory_space<hbm>> -> memref<1x128xi32, #tpu.memory_space<hbm>>
        %dma_wait3A_119 = tpu.memref_squeeze %dma_wait3A_118 : memref<1x128xi32, #tpu.memory_space<hbm>> -> memref<128xi32, #tpu.memory_space<hbm>>
        %dma_wait3A_120 = arith.constant 0 : i32
        %dma_wait3A_121 = tpu.memref_slice %arg4[%add3A_106, %dma_wait3A_120] : memref<2560x128xi32, #tpu.memory_space<hbm>> -> memref<1x128xi32, #tpu.memory_space<hbm>>
        %dma_wait3A_122 = tpu.memref_squeeze %dma_wait3A_121 : memref<1x128xi32, #tpu.memory_space<hbm>> -> memref<128xi32, #tpu.memory_space<hbm>>
        tpu.wait_dma2 semaphore(%run_scoped3A : memref<!tpu.dma_semaphore, #tpu.memory_space<semaphore_mem>>) src(%dma_wait3A_122 : memref<128xi32, #tpu.memory_space<hbm>>) dst(%arg9 : memref<128xi32, #tpu.memory_space<vmem>>)
        tpu.yield
      }) : () -> ()
      %dma_start3A_107 = arith.constant 0 : i32
      %dma_start3A_108 = arith.constant 0 : i32
      %dma_start3A_109 = tpu.memref_slice %arg2[%dma_start3A_107, %dma_start3A_108] : memref<10000x128xf32, #tpu.memory_space<hbm>> -> memref<10000x128xf32, #tpu.memory_space<hbm>>
      tpu.enqueue_indirect_dma source(%dma_start3A_109 : memref<10000x128xf32, #tpu.memory_space<hbm>>) target(%arg11 : memref<128x128xf32, #tpu.memory_space<vmem>>) offsets(%arg8 : memref<128xi32, #tpu.memory_space<vmem>>) semaphore(%arg14 : memref<!tpu.dma_semaphore, #tpu.memory_space<semaphore_mem>>)
      %while3A_110 = arith.constant 0 : i32
      scf.yield %while3A_110 : i32
    }
    %while3A_64 = arith.constant 1 : i32
    %while3A_65 = scf.for %while3A_76 = %while3A_61 to %while3A_57 step %while3A_64 iter_args(%while3A_77 = %while3A_63) -> (i32)  : i32 {
      %mul3A_78 = arith.constant 2 : i32
      %mul3A_79 = arith.muli %while3A_76, %mul3A_78 : i32
      %add3A_80 = arith.constant 0 : i32
      %add3A_81 = arith.addi %mul3A_79, %add3A_80 : i32
      %dma_wait3A_82 = arith.constant 0 : i32
      %dma_wait3A_83 = arith.constant 0 : i32
      %dma_wait3A_84 = tpu.memref_slice %arg2[%dma_wait3A_82, %dma_wait3A_83] : memref<10000x128xf32, #tpu.memory_space<hbm>> -> memref<10000x128xf32, #tpu.memory_space<hbm>>
      tpu.wait_indirect_dma semaphore(%arg13 : memref<!tpu.dma_semaphore, #tpu.memory_space<semaphore_mem>>) src(%dma_wait3A_84 : memref<10000x128xf32, #tpu.memory_space<hbm>>) dst(%arg10 : memref<128x128xf32, #tpu.memory_space<vmem>>)
      "tpu.region"() ({
        %run_scoped3A = tpu.sem_alloc : memref<!tpu.dma_semaphore, #tpu.memory_space<semaphore_mem>>
        %dma_start3A_111 = arith.constant 0 : i32
        %dma_start3A_112 = arith.constant 0 : i32
        %dma_start3A_113 = tpu.memref_slice %arg12[%dma_start3A_111, %dma_start3A_112] : memref<10240x128xf32, #tpu.memory_space<vmem_shared>> -> memref<10240x128xf32, #tpu.memory_space<vmem_shared>>
        tpu.enqueue_indirect_dma source(%arg10 : memref<128x128xf32, #tpu.memory_space<vmem>>) target(%dma_start3A_113 : memref<10240x128xf32, #tpu.memory_space<vmem_shared>>) offsets(%arg7 : memref<128xi32, #tpu.memory_space<vmem>>) semaphore(%run_scoped3A : memref<!tpu.dma_semaphore, #tpu.memory_space<semaphore_mem>>) {add = true}
        %dma_wait3A_114 = arith.constant 0 : i32
        %dma_wait3A_115 = arith.constant 0 : i32
        %dma_wait3A_116 = tpu.memref_slice %arg12[%dma_wait3A_114, %dma_wait3A_115] : memref<10240x128xf32, #tpu.memory_space<vmem_shared>> -> memref<10240x128xf32, #tpu.memory_space<vmem_shared>>
        tpu.wait_indirect_dma semaphore(%run_scoped3A : memref<!tpu.dma_semaphore, #tpu.memory_space<semaphore_mem>>) src(%arg10 : memref<128x128xf32, #tpu.memory_space<vmem>>) dst(%dma_wait3A_116 : memref<10240x128xf32, #tpu.memory_space<vmem_shared>>)
        tpu.yield
      }) : () -> ()
      %add3A_85 = arith.addi %select_n3A, %add3A_81 : i32
      %add3A_86 = arith.constant 2 : i32
      %add3A_87 = arith.addi %add3A_85, %add3A_86 : i32
      "tpu.region"() ({
        %run_scoped3A = tpu.sem_alloc : memref<!tpu.dma_semaphore, #tpu.memory_space<semaphore_mem>>
        %dma_start3A_111 = arith.constant 0 : i32
        %dma_start3A_112 = tpu.memref_slice %arg3[%add3A_87, %dma_start3A_111] : memref<2560x128xi32, #tpu.memory_space<hbm>> -> memref<1x128xi32, #tpu.memory_space<hbm>>
        %dma_start3A_113 = tpu.memref_squeeze %dma_start3A_112 : memref<1x128xi32, #tpu.memory_space<hbm>> -> memref<128xi32, #tpu.memory_space<hbm>>
        %dma_start3A_114 = arith.constant 0 : i32
        %dma_start3A_115 = tpu.memref_slice %arg3[%add3A_87, %dma_start3A_114] : memref<2560x128xi32, #tpu.memory_space<hbm>> -> memref<1x128xi32, #tpu.memory_space<hbm>>
        %dma_start3A_116 = tpu.memref_squeeze %dma_start3A_115 : memref<1x128xi32, #tpu.memory_space<hbm>> -> memref<128xi32, #tpu.memory_space<hbm>>
        tpu.enqueue_dma source(%dma_start3A_116 : memref<128xi32, #tpu.memory_space<hbm>>) target(%arg6 : memref<128xi32, #tpu.memory_space<vmem>>) target_semaphore(%run_scoped3A : memref<!tpu.dma_semaphore, #tpu.memory_space<semaphore_mem>>)
        %dma_wait3A_117 = arith.constant 0 : i32
        %dma_wait3A_118 = tpu.memref_slice %arg3[%add3A_87, %dma_wait3A_117] : memref<2560x128xi32, #tpu.memory_space<hbm>> -> memref<1x128xi32, #tpu.memory_space<hbm>>
        %dma_wait3A_119 = tpu.memref_squeeze %dma_wait3A_118 : memref<1x128xi32, #tpu.memory_space<hbm>> -> memref<128xi32, #tpu.memory_space<hbm>>
        %dma_wait3A_120 = arith.constant 0 : i32
        %dma_wait3A_121 = tpu.memref_slice %arg3[%add3A_87, %dma_wait3A_120] : memref<2560x128xi32, #tpu.memory_space<hbm>> -> memref<1x128xi32, #tpu.memory_space<hbm>>
        %dma_wait3A_122 = tpu.memref_squeeze %dma_wait3A_121 : memref<1x128xi32, #tpu.memory_space<hbm>> -> memref<128xi32, #tpu.memory_space<hbm>>
        tpu.wait_dma2 semaphore(%run_scoped3A : memref<!tpu.dma_semaphore, #tpu.memory_space<semaphore_mem>>) src(%dma_wait3A_122 : memref<128xi32, #tpu.memory_space<hbm>>) dst(%arg6 : memref<128xi32, #tpu.memory_space<vmem>>)
        tpu.yield
      }) : () -> ()
      %add3A_88 = arith.addi %select_n3A, %add3A_81 : i32
      %add3A_89 = arith.constant 2 : i32
      %add3A_90 = arith.addi %add3A_88, %add3A_89 : i32
      "tpu.region"() ({
        %run_scoped3A = tpu.sem_alloc : memref<!tpu.dma_semaphore, #tpu.memory_space<semaphore_mem>>
        %dma_start3A_111 = arith.constant 0 : i32
        %dma_start3A_112 = tpu.memref_slice %arg4[%add3A_90, %dma_start3A_111] : memref<2560x128xi32, #tpu.memory_space<hbm>> -> memref<1x128xi32, #tpu.memory_space<hbm>>
        %dma_start3A_113 = tpu.memref_squeeze %dma_start3A_112 : memref<1x128xi32, #tpu.memory_space<hbm>> -> memref<128xi32, #tpu.memory_space<hbm>>
        %dma_start3A_114 = arith.constant 0 : i32
        %dma_start3A_115 = tpu.memref_slice %arg4[%add3A_90, %dma_start3A_114] : memref<2560x128xi32, #tpu.memory_space<hbm>> -> memref<1x128xi32, #tpu.memory_space<hbm>>
        %dma_start3A_116 = tpu.memref_squeeze %dma_start3A_115 : memref<1x128xi32, #tpu.memory_space<hbm>> -> memref<128xi32, #tpu.memory_space<hbm>>
        tpu.enqueue_dma source(%dma_start3A_116 : memref<128xi32, #tpu.memory_space<hbm>>) target(%arg7 : memref<128xi32, #tpu.memory_space<vmem>>) target_semaphore(%run_scoped3A : memref<!tpu.dma_semaphore, #tpu.memory_space<semaphore_mem>>)
        %dma_wait3A_117 = arith.constant 0 : i32
        %dma_wait3A_118 = tpu.memref_slice %arg4[%add3A_90, %dma_wait3A_117] : memref<2560x128xi32, #tpu.memory_space<hbm>> -> memref<1x128xi32, #tpu.memory_space<hbm>>
        %dma_wait3A_119 = tpu.memref_squeeze %dma_wait3A_118 : memref<1x128xi32, #tpu.memory_space<hbm>> -> memref<128xi32, #tpu.memory_space<hbm>>
        %dma_wait3A_120 = arith.constant 0 : i32
        %dma_wait3A_121 = tpu.memref_slice %arg4[%add3A_90, %dma_wait3A_120] : memref<2560x128xi32, #tpu.memory_space<hbm>> -> memref<1x128xi32, #tpu.memory_space<hbm>>
        %dma_wait3A_122 = tpu.memref_squeeze %dma_wait3A_121 : memref<1x128xi32, #tpu.memory_space<hbm>> -> memref<128xi32, #tpu.memory_space<hbm>>
        tpu.wait_dma2 semaphore(%run_scoped3A : memref<!tpu.dma_semaphore, #tpu.memory_space<semaphore_mem>>) src(%dma_wait3A_122 : memref<128xi32, #tpu.memory_space<hbm>>) dst(%arg7 : memref<128xi32, #tpu.memory_space<vmem>>)
        tpu.yield
      }) : () -> ()
      %dma_start3A_91 = arith.constant 0 : i32
      %dma_start3A_92 = arith.constant 0 : i32
      %dma_start3A_93 = tpu.memref_slice %arg2[%dma_start3A_91, %dma_start3A_92] : memref<10000x128xf32, #tpu.memory_space<hbm>> -> memref<10000x128xf32, #tpu.memory_space<hbm>>
      tpu.enqueue_indirect_dma source(%dma_start3A_93 : memref<10000x128xf32, #tpu.memory_space<hbm>>) target(%arg10 : memref<128x128xf32, #tpu.memory_space<vmem>>) offsets(%arg6 : memref<128xi32, #tpu.memory_space<vmem>>) semaphore(%arg13 : memref<!tpu.dma_semaphore, #tpu.memory_space<semaphore_mem>>)
      %mul3A_94 = arith.constant 2 : i32
      %mul3A_95 = arith.muli %while3A_76, %mul3A_94 : i32
      %add3A_96 = arith.constant 1 : i32
      %add3A_97 = arith.addi %mul3A_95, %add3A_96 : i32
      %dma_wait3A_98 = arith.constant 0 : i32
      %dma_wait3A_99 = arith.constant 0 : i32
      %dma_wait3A_100 = tpu.memref_slice %arg2[%dma_wait3A_98, %dma_wait3A_99] : memref<10000x128xf32, #tpu.memory_space<hbm>> -> memref<10000x128xf32, #tpu.memory_space<hbm>>
      tpu.wait_indirect_dma semaphore(%arg14 : memref<!tpu.dma_semaphore, #tpu.memory_space<semaphore_mem>>) src(%dma_wait3A_100 : memref<10000x128xf32, #tpu.memory_space<hbm>>) dst(%arg11 : memref<128x128xf32, #tpu.memory_space<vmem>>)
      "tpu.region"() ({
        %run_scoped3A = tpu.sem_alloc : memref<!tpu.dma_semaphore, #tpu.memory_space<semaphore_mem>>
        %dma_start3A_111 = arith.constant 0 : i32
        %dma_start3A_112 = arith.constant 0 : i32
        %dma_start3A_113 = tpu.memref_slice %arg12[%dma_start3A_111, %dma_start3A_112] : memref<10240x128xf32, #tpu.memory_space<vmem_shared>> -> memref<10240x128xf32, #tpu.memory_space<vmem_shared>>
        tpu.enqueue_indirect_dma source(%arg11 : memref<128x128xf32, #tpu.memory_space<vmem>>) target(%dma_start3A_113 : memref<10240x128xf32, #tpu.memory_space<vmem_shared>>) offsets(%arg9 : memref<128xi32, #tpu.memory_space<vmem>>) semaphore(%run_scoped3A : memref<!tpu.dma_semaphore, #tpu.memory_space<semaphore_mem>>) {add = true}
        %dma_wait3A_114 = arith.constant 0 : i32
        %dma_wait3A_115 = arith.constant 0 : i32
        %dma_wait3A_116 = tpu.memref_slice %arg12[%dma_wait3A_114, %dma_wait3A_115] : memref<10240x128xf32, #tpu.memory_space<vmem_shared>> -> memref<10240x128xf32, #tpu.memory_space<vmem_shared>>
        tpu.wait_indirect_dma semaphore(%run_scoped3A : memref<!tpu.dma_semaphore, #tpu.memory_space<semaphore_mem>>) src(%arg11 : memref<128x128xf32, #tpu.memory_space<vmem>>) dst(%dma_wait3A_116 : memref<10240x128xf32, #tpu.memory_space<vmem_shared>>)
        tpu.yield
      }) : () -> ()
      %add3A_101 = arith.addi %select_n3A, %add3A_97 : i32
      %add3A_102 = arith.constant 2 : i32
      %add3A_103 = arith.addi %add3A_101, %add3A_102 : i32
      "tpu.region"() ({
        %run_scoped3A = tpu.sem_alloc : memref<!tpu.dma_semaphore, #tpu.memory_space<semaphore_mem>>
        %dma_start3A_111 = arith.constant 0 : i32
        %dma_start3A_112 = tpu.memref_slice %arg3[%add3A_103, %dma_start3A_111] : memref<2560x128xi32, #tpu.memory_space<hbm>> -> memref<1x128xi32, #tpu.memory_space<hbm>>
        %dma_start3A_113 = tpu.memref_squeeze %dma_start3A_112 : memref<1x128xi32, #tpu.memory_space<hbm>> -> memref<128xi32, #tpu.memory_space<hbm>>
        %dma_start3A_114 = arith.constant 0 : i32
        %dma_start3A_115 = tpu.memref_slice %arg3[%add3A_103, %dma_start3A_114] : memref<2560x128xi32, #tpu.memory_space<hbm>> -> memref<1x128xi32, #tpu.memory_space<hbm>>
        %dma_start3A_116 = tpu.memref_squeeze %dma_start3A_115 : memref<1x128xi32, #tpu.memory_space<hbm>> -> memref<128xi32, #tpu.memory_space<hbm>>
        tpu.enqueue_dma source(%dma_start3A_116 : memref<128xi32, #tpu.memory_space<hbm>>) target(%arg8 : memref<128xi32, #tpu.memory_space<vmem>>) target_semaphore(%run_scoped3A : memref<!tpu.dma_semaphore, #tpu.memory_space<semaphore_mem>>)
        %dma_wait3A_117 = arith.constant 0 : i32
        %dma_wait3A_118 = tpu.memref_slice %arg3[%add3A_103, %dma_wait3A_117] : memref<2560x128xi32, #tpu.memory_space<hbm>> -> memref<1x128xi32, #tpu.memory_space<hbm>>
        %dma_wait3A_119 = tpu.memref_squeeze %dma_wait3A_118 : memref<1x128xi32, #tpu.memory_space<hbm>> -> memref<128xi32, #tpu.memory_space<hbm>>
        %dma_wait3A_120 = arith.constant 0 : i32
        %dma_wait3A_121 = tpu.memref_slice %arg3[%add3A_103, %dma_wait3A_120] : memref<2560x128xi32, #tpu.memory_space<hbm>> -> memref<1x128xi32, #tpu.memory_space<hbm>>
        %dma_wait3A_122 = tpu.memref_squeeze %dma_wait3A_121 : memref<1x128xi32, #tpu.memory_space<hbm>> -> memref<128xi32, #tpu.memory_space<hbm>>
        tpu.wait_dma2 semaphore(%run_scoped3A : memref<!tpu.dma_semaphore, #tpu.memory_space<semaphore_mem>>) src(%dma_wait3A_122 : memref<128xi32, #tpu.memory_space<hbm>>) dst(%arg8 : memref<128xi32, #tpu.memory_space<vmem>>)
        tpu.yield
      }) : () -> ()
      %add3A_104 = arith.addi %select_n3A, %add3A_97 : i32
      %add3A_105 = arith.constant 2 : i32
      %add3A_106 = arith.addi %add3A_104, %add3A_105 : i32
      "tpu.region"() ({
        %run_scoped3A = tpu.sem_alloc : memref<!tpu.dma_semaphore, #tpu.memory_space<semaphore_mem>>
        %dma_start3A_111 = arith.constant 0 : i32
        %dma_start3A_112 = tpu.memref_slice %arg4[%add3A_106, %dma_start3A_111] : memref<2560x128xi32, #tpu.memory_space<hbm>> -> memref<1x128xi32, #tpu.memory_space<hbm>>
        %dma_start3A_113 = tpu.memref_squeeze %dma_start3A_112 : memref<1x128xi32, #tpu.memory_space<hbm>> -> memref<128xi32, #tpu.memory_space<hbm>>
        %dma_start3A_114 = arith.constant 0 : i32
        %dma_start3A_115 = tpu.memref_slice %arg4[%add3A_106, %dma_start3A_114] : memref<2560x128xi32, #tpu.memory_space<hbm>> -> memref<1x128xi32, #tpu.memory_space<hbm>>
        %dma_start3A_116 = tpu.memref_squeeze %dma_start3A_115 : memref<1x128xi32, #tpu.memory_space<hbm>> -> memref<128xi32, #tpu.memory_space<hbm>>
        tpu.enqueue_dma source(%dma_start3A_116 : memref<128xi32, #tpu.memory_space<hbm>>) target(%arg9 : memref<128xi32, #tpu.memory_space<vmem>>) target_semaphore(%run_scoped3A : memref<!tpu.dma_semaphore, #tpu.memory_space<semaphore_mem>>)
        %dma_wait3A_117 = arith.constant 0 : i32
        %dma_wait3A_118 = tpu.memref_slice %arg4[%add3A_106, %dma_wait3A_117] : memref<2560x128xi32, #tpu.memory_space<hbm>> -> memref<1x128xi32, #tpu.memory_space<hbm>>
        %dma_wait3A_119 = tpu.memref_squeeze %dma_wait3A_118 : memref<1x128xi32, #tpu.memory_space<hbm>> -> memref<128xi32, #tpu.memory_space<hbm>>
        %dma_wait3A_120 = arith.constant 0 : i32
        %dma_wait3A_121 = tpu.memref_slice %arg4[%add3A_106, %dma_wait3A_120] : memref<2560x128xi32, #tpu.memory_space<hbm>> -> memref<1x128xi32, #tpu.memory_space<hbm>>
        %dma_wait3A_122 = tpu.memref_squeeze %dma_wait3A_121 : memref<1x128xi32, #tpu.memory_space<hbm>> -> memref<128xi32, #tpu.memory_space<hbm>>
        tpu.wait_dma2 semaphore(%run_scoped3A : memref<!tpu.dma_semaphore, #tpu.memory_space<semaphore_mem>>) src(%dma_wait3A_122 : memref<128xi32, #tpu.memory_space<hbm>>) dst(%arg9 : memref<128xi32, #tpu.memory_space<vmem>>)
        tpu.yield
      }) : () -> ()
      %dma_start3A_107 = arith.constant 0 : i32
      %dma_start3A_108 = arith.constant 0 : i32
      %dma_start3A_109 = tpu.memref_slice %arg2[%dma_start3A_107, %dma_start3A_108] : memref<10000x128xf32, #tpu.memory_space<hbm>> -> memref<10000x128xf32, #tpu.memory_space<hbm>>
      tpu.enqueue_indirect_dma source(%dma_start3A_109 : memref<10000x128xf32, #tpu.memory_space<hbm>>) target(%arg11 : memref<128x128xf32, #tpu.memory_space<vmem>>) offsets(%arg8 : memref<128xi32, #tpu.memory_space<vmem>>) semaphore(%arg14 : memref<!tpu.dma_semaphore, #tpu.memory_space<semaphore_mem>>)
      %while3A_110 = arith.constant 0 : i32
      scf.yield %while3A_110 : i32
    }
    %dma_wait3A = arith.constant 0 : i32
    %dma_wait3A_66 = arith.constant 0 : i32
    %dma_wait3A_67 = tpu.memref_slice %arg2[%dma_wait3A, %dma_wait3A_66] : memref<10000x128xf32, #tpu.memory_space<hbm>> -> memref<10000x128xf32, #tpu.memory_space<hbm>>
    tpu.wait_indirect_dma semaphore(%arg13 : memref<!tpu.dma_semaphore, #tpu.memory_space<semaphore_mem>>) src(%dma_wait3A_67 : memref<10000x128xf32, #tpu.memory_space<hbm>>) dst(%arg10 : memref<128x128xf32, #tpu.memory_space<vmem>>)
    "tpu.region"() ({
      %run_scoped3A = tpu.sem_alloc : memref<!tpu.dma_semaphore, #tpu.memory_space<semaphore_mem>>
      %dma_start3A_76 = arith.constant 0 : i32
      %dma_start3A_77 = arith.constant 0 : i32
      %dma_start3A_78 = tpu.memref_slice %arg12[%dma_start3A_76, %dma_start3A_77] : memref<10240x128xf32, #tpu.memory_space<vmem_shared>> -> memref<10240x128xf32, #tpu.memory_space<vmem_shared>>
      tpu.enqueue_indirect_dma source(%arg10 : memref<128x128xf32, #tpu.memory_space<vmem>>) target(%dma_start3A_78 : memref<10240x128xf32, #tpu.memory_space<vmem_shared>>) offsets(%arg7 : memref<128xi32, #tpu.memory_space<vmem>>) semaphore(%run_scoped3A : memref<!tpu.dma_semaphore, #tpu.memory_space<semaphore_mem>>) {add = true}
      %dma_wait3A_79 = arith.constant 0 : i32
      %dma_wait3A_80 = arith.constant 0 : i32
      %dma_wait3A_81 = tpu.memref_slice %arg12[%dma_wait3A_79, %dma_wait3A_80] : memref<10240x128xf32, #tpu.memory_space<vmem_shared>> -> memref<10240x128xf32, #tpu.memory_space<vmem_shared>>
      tpu.wait_indirect_dma semaphore(%run_scoped3A : memref<!tpu.dma_semaphore, #tpu.memory_space<semaphore_mem>>) src(%arg10 : memref<128x128xf32, #tpu.memory_space<vmem>>) dst(%dma_wait3A_81 : memref<10240x128xf32, #tpu.memory_space<vmem_shared>>)
      tpu.yield
    }) : () -> ()
    %dma_wait3A_68 = arith.constant 0 : i32
    %dma_wait3A_69 = arith.constant 0 : i32
    %dma_wait3A_70 = tpu.memref_slice %arg2[%dma_wait3A_68, %dma_wait3A_69] : memref<10000x128xf32, #tpu.memory_space<hbm>> -> memref<10000x128xf32, #tpu.memory_space<hbm>>
    tpu.wait_indirect_dma semaphore(%arg14 : memref<!tpu.dma_semaphore, #tpu.memory_space<semaphore_mem>>) src(%dma_wait3A_70 : memref<10000x128xf32, #tpu.memory_space<hbm>>) dst(%arg11 : memref<128x128xf32, #tpu.memory_space<vmem>>)
    "tpu.region"() ({
      %run_scoped3A = tpu.sem_alloc : memref<!tpu.dma_semaphore, #tpu.memory_space<semaphore_mem>>
      %dma_start3A_76 = arith.constant 0 : i32
      %dma_start3A_77 = arith.constant 0 : i32
      %dma_start3A_78 = tpu.memref_slice %arg12[%dma_start3A_76, %dma_start3A_77] : memref<10240x128xf32, #tpu.memory_space<vmem_shared>> -> memref<10240x128xf32, #tpu.memory_space<vmem_shared>>
      tpu.enqueue_indirect_dma source(%arg11 : memref<128x128xf32, #tpu.memory_space<vmem>>) target(%dma_start3A_78 : memref<10240x128xf32, #tpu.memory_space<vmem_shared>>) offsets(%arg9 : memref<128xi32, #tpu.memory_space<vmem>>) semaphore(%run_scoped3A : memref<!tpu.dma_semaphore, #tpu.memory_space<semaphore_mem>>) {add = true}
      %dma_wait3A_79 = arith.constant 0 : i32
      %dma_wait3A_80 = arith.constant 0 : i32
      %dma_wait3A_81 = tpu.memref_slice %arg12[%dma_wait3A_79, %dma_wait3A_80] : memref<10240x128xf32, #tpu.memory_space<vmem_shared>> -> memref<10240x128xf32, #tpu.memory_space<vmem_shared>>
      tpu.wait_indirect_dma semaphore(%run_scoped3A : memref<!tpu.dma_semaphore, #tpu.memory_space<semaphore_mem>>) src(%arg11 : memref<128x128xf32, #tpu.memory_space<vmem>>) dst(%dma_wait3A_81 : memref<10240x128xf32, #tpu.memory_space<vmem_shared>>)
      tpu.yield
    }) : () -> ()
    %barrier3A_71 = arith.constant 0 : index
    tpu.barrier barrier_id(%barrier3A_71)
    %mul3A_72 = arith.constant 640 : i32
    %mul3A_73 = arith.muli %arg1, %mul3A_72 : i32
    %mul3A_74 = arith.constant 640 : i32
    %mul3A_75 = arith.muli %arg1, %mul3A_74 : i32
    "tpu.region"() ({
      %run_scoped3A = tpu.sem_alloc : memref<!tpu.dma_semaphore, #tpu.memory_space<semaphore_mem>>
      %dma_start3A_76 = arith.constant 0 : i32
      %dma_start3A_77 = tpu.memref_slice %arg5[%arg0, %mul3A_75, %dma_start3A_76] : memref<2x10240x128xf32, #tpu.memory_space<hbm>> -> memref<1x640x128xf32, #tpu.memory_space<hbm>>
      %dma_start3A_78 = tpu.memref_squeeze %dma_start3A_77 : memref<1x640x128xf32, #tpu.memory_space<hbm>> -> memref<640x128xf32, #tpu.memory_space<hbm>>
      %dma_start3A_79 = arith.constant 0 : i32
      %dma_start3A_80 = tpu.memref_slice %arg12[%mul3A_73, %dma_start3A_79] : memref<10240x128xf32, #tpu.memory_space<vmem_shared>> -> memref<640x128xf32, #tpu.memory_space<vmem_shared>>
      tpu.enqueue_dma source(%dma_start3A_80 : memref<640x128xf32, #tpu.memory_space<vmem_shared>>) target(%dma_start3A_78 : memref<640x128xf32, #tpu.memory_space<hbm>>) target_semaphore(%run_scoped3A : memref<!tpu.dma_semaphore, #tpu.memory_space<semaphore_mem>>)
      %dma_wait3A_81 = arith.constant 0 : i32
      %dma_wait3A_82 = tpu.memref_slice %arg5[%arg0, %mul3A_75, %dma_wait3A_81] : memref<2x10240x128xf32, #tpu.memory_space<hbm>> -> memref<1x640x128xf32, #tpu.memory_space<hbm>>
      %dma_wait3A_83 = tpu.memref_squeeze %dma_wait3A_82 : memref<1x640x128xf32, #tpu.memory_space<hbm>> -> memref<640x128xf32, #tpu.memory_space<hbm>>
      %dma_wait3A_84 = arith.constant 0 : i32
      %dma_wait3A_85 = tpu.memref_slice %arg12[%mul3A_73, %dma_wait3A_84] : memref<10240x128xf32, #tpu.memory_space<vmem_shared>> -> memref<640x128xf32, #tpu.memory_space<vmem_shared>>
      tpu.wait_dma2 semaphore(%run_scoped3A : memref<!tpu.dma_semaphore, #tpu.memory_space<semaphore_mem>>) src(%dma_wait3A_85 : memref<640x128xf32, #tpu.memory_space<vmem_shared>>) dst(%dma_wait3A_83 : memref<640x128xf32, #tpu.memory_space<hbm>>)
      tpu.yield
    }) : () -> ()
    return
  }
}

#map = affine_map<(d0, d1) -> (0, 0)>
#map1 = affine_map<(d0, d1) -> (0, 0, 0)>
module attributes {stable_mosaic.version = 14 : i64} {
  func.func @_sc_scatter_body(%arg0: i32, %arg1: i32, %arg2: memref<10000x128xf32, #tpu.memory_space<hbm>>, %arg3: memref<2560x128xi32, #tpu.memory_space<hbm>>, %arg4: memref<2560x128xi32, #tpu.memory_space<hbm>>, %arg5: memref<2x10240x128xf32, #tpu.memory_space<hbm>>, %arg6: memref<128xi32, #tpu.memory_space<vmem>>, %arg7: memref<128xi32, #tpu.memory_space<vmem>>, %arg8: memref<128xi32, #tpu.memory_space<vmem>>, %arg9: memref<128xi32, #tpu.memory_space<vmem>>, %arg10: memref<128x128xf32, #tpu.memory_space<vmem>>, %arg11: memref<128x128xf32, #tpu.memory_space<vmem>>, %arg12: memref<10240x128xf32, #tpu.memory_space<vmem_shared>>, %arg13: memref<!tpu.dma_semaphore, #tpu.memory_space<semaphore_mem>>, %arg14: memref<!tpu.dma_semaphore, #tpu.memory_space<semaphore_mem>>) attributes {dimension_semantics = [#tpu.dimension_semantics<core_parallel>, #tpu.dimension_semantics<subcore_parallel>], iteration_bounds = array<i64: 2, 16>, scalar_prefetch = 0 : i64, scratch_operands = 9 : i64, tpu.core_type = #tpu.core_type<sc_vector_subcore>, window_params = [{transform_indices = #map}, {transform_indices = #map}, {transform_indices = #map}, {transform_indices = #map1}]} {
    %eq3A = arith.constant 0 : i32
    %eq3A_0 = arith.cmpi eq, %arg0, %eq3A : i32
    %mul3A = arith.constant 120 : i32
    %mul3A_1 = arith.muli %arg1, %mul3A : i32
    %mul3A_2 = arith.constant 40 : i32
    %mul3A_3 = arith.muli %arg1, %mul3A_2 : i32
    %add3A = arith.constant 1920 : i32
    %add3A_4 = arith.addi %add3A, %mul3A_3 : i32
    %select_n3A = arith.select %eq3A_0, %mul3A_1, %add3A_4 : i32
    %eq3A_5 = arith.constant 0 : i32
    %eq3A_6 = arith.cmpi eq, %arg0, %eq3A_5 : i32
    %jit3A = arith.constant 120 : i32
    %jit3A_7 = arith.constant 40 : i32
    %select_n3A_8 = arith.select %eq3A_6, %jit3A, %jit3A_7 : i32
    %scan3A = arith.constant 0 : i32
    %scan3A_9 = arith.constant 0 : i32
    %scan3A_10 = arith.constant 1024 : i32
    %scan3A_11 = arith.addi %scan3A_9, %scan3A_10 : i32
    %scan3A_12 = arith.constant 1 : i32
    %scan3A_13 = scf.for %scan3A_76 = %scan3A_9 to %scan3A_11 step %scan3A_12 iter_args(%scan3A_77 = %scan3A) -> (i32)  : i32 {
      %broadcast_in_dim3A = arith.constant 0.000000e+00 : f32
      %broadcast_in_dim3A_78 = vector.broadcast %broadcast_in_dim3A : f32 to vector<16xf32>
      %jit3A_79 = arith.constant 8 : i32
      %div3A_80 = arith.divsi %scan3A_76, %jit3A_79 : i32
      %sign3A_81 = arith.constant 0 : i32
      %sign3A_82 = arith.cmpi sgt, %scan3A_76, %sign3A_81 : i32
      %sign3A_83 = arith.extui %sign3A_82 : i1 to i32
      %sign3A_84 = arith.constant 0 : i32
      %sign3A_85 = arith.cmpi slt, %scan3A_76, %sign3A_84 : i32
      %sign3A_86 = arith.extui %sign3A_85 : i1 to i32
      %sign3A_87 = arith.subi %sign3A_83, %sign3A_86 : i32
      %sign3A_88 = arith.constant 0 : i32
      %sign3A_89 = arith.cmpi sgt, %jit3A_79, %sign3A_88 : i32
      %sign3A_90 = arith.extui %sign3A_89 : i1 to i32
      %sign3A_91 = arith.constant 0 : i32
      %sign3A_92 = arith.cmpi slt, %jit3A_79, %sign3A_91 : i32
      %sign3A_93 = arith.extui %sign3A_92 : i1 to i32
      %sign3A_94 = arith.subi %sign3A_90, %sign3A_93 : i32
      %ne3A_95 = arith.cmpi ne, %sign3A_87, %sign3A_94 : i32
      %rem3A_96 = arith.remsi %scan3A_76, %jit3A_79 : i32
      %ne3A_97 = arith.constant 0 : i32
      %ne3A_98 = arith.cmpi ne, %rem3A_96, %ne3A_97 : i32
      %and3A_99 = arith.andi %ne3A_95, %ne3A_98 : i1
      %sub3A_100 = arith.constant 1 : i32
      %sub3A_101 = arith.subi %div3A_80, %sub3A_100 : i32
      %select_n3A_102 = arith.select %and3A_99, %sub3A_101, %div3A_80 : i32
      %jit3A_103 = arith.constant 8 : i32
      %eq3A_104 = arith.constant 0 : i32
      %eq3A_105 = arith.cmpi eq, %jit3A_103, %eq3A_104 : i32
      %jit3A_106 = arith.constant 1 : i32
      %select_n3A_107 = arith.select %eq3A_105, %jit3A_106, %jit3A_103 : i32
      %rem3A_108 = arith.remsi %scan3A_76, %select_n3A_107 : i32
      %ne3A_109 = arith.constant 0 : i32
      %ne3A_110 = arith.cmpi ne, %rem3A_108, %ne3A_109 : i32
      %lt3A = arith.constant 0 : i32
      %lt3A_111 = arith.cmpi slt, %rem3A_108, %lt3A : i32
      %lt3A_112 = arith.constant 0 : i32
      %lt3A_113 = arith.cmpi slt, %select_n3A_107, %lt3A_112 : i32
      %ne3A_114 = arith.xori %lt3A_111, %lt3A_113 : i1
      %and3A_115 = arith.andi %ne3A_114, %ne3A_110 : i1
      %add3A_116 = arith.addi %rem3A_108, %select_n3A_107 : i32
      %select_n3A_117 = arith.select %and3A_115, %add3A_116, %rem3A_108 : i32
      %mul3A_118 = arith.constant 16 : i32
      %mul3A_119 = arith.muli %select_n3A_117, %mul3A_118 : i32
      %swap3A = arith.index_cast %select_n3A_102 : i32 to index
      %swap3A_120 = arith.index_cast %mul3A_119 : i32 to index
      %swap3A_121 = tpu.vector_load %arg10[%swap3A, %swap3A_120] {strides = array<i32>} : memref<128x128xf32, #tpu.memory_space<vmem>>, vector<1x16xf32>,
      %swap3A_122 = vector.shape_cast %swap3A_121 : vector<1x16xf32> to vector<16xf32>
      %swap3A_123 = vector.shape_cast %broadcast_in_dim3A_78 : vector<16xf32> to vector<1x16xf32>
      tpu.vector_store %arg10[%swap3A, %swap3A_120], %swap3A_123 {strides = array<i32>} : memref<128x128xf32, #tpu.memory_space<vmem>>, vector<1x16xf32>,
      %scan3A_124 = arith.constant 0 : i32
      scf.yield %scan3A_124 : i32
    }
    %scan3A_14 = arith.constant 1024 : i32
    %scan3A_15 = arith.constant 0 : i32
    %scan3A_16 = arith.constant 0 : i32
    %scan3A_17 = arith.constant 5 : i32
    %scan3A_18 = arith.addi %scan3A_16, %scan3A_17 : i32
    %scan3A_19 = arith.constant 1 : i32
    %scan3A_20 = scf.for %scan3A_76 = %scan3A_16 to %scan3A_18 step %scan3A_19 iter_args(%scan3A_77 = %scan3A_15) -> (i32)  : i32 {
      %mul3A_78 = arith.constant 640 : i32
      %mul3A_79 = arith.muli %arg1, %mul3A_78 : i32
      %mul3A_80 = arith.constant 128 : i32
      %mul3A_81 = arith.muli %scan3A_76, %mul3A_80 : i32
      %add3A_82 = arith.addi %mul3A_79, %mul3A_81 : i32
      "tpu.region"() ({
        %run_scoped3A = tpu.sem_alloc : memref<!tpu.dma_semaphore, #tpu.memory_space<semaphore_mem>>
        %dma_start3A_84 = arith.constant 0 : i32
        %dma_start3A_85 = tpu.memref_slice %arg12[%add3A_82, %dma_start3A_84] : memref<10240x128xf32, #tpu.memory_space<vmem_shared>> -> memref<128x128xf32, #tpu.memory_space<vmem_shared>>
        %dma_start3A_86 = arith.constant 0 : i32
        %dma_start3A_87 = tpu.memref_slice %arg12[%add3A_82, %dma_start3A_86] : memref<10240x128xf32, #tpu.memory_space<vmem_shared>> -> memref<128x128xf32, #tpu.memory_space<vmem_shared>>
        tpu.enqueue_dma source(%arg10 : memref<128x128xf32, #tpu.memory_space<vmem>>) target(%dma_start3A_87 : memref<128x128xf32, #tpu.memory_space<vmem_shared>>) target_semaphore(%run_scoped3A : memref<!tpu.dma_semaphore, #tpu.memory_space<semaphore_mem>>)
        %dma_wait3A_88 = arith.constant 0 : i32
        %dma_wait3A_89 = tpu.memref_slice %arg12[%add3A_82, %dma_wait3A_88] : memref<10240x128xf32, #tpu.memory_space<vmem_shared>> -> memref<128x128xf32, #tpu.memory_space<vmem_shared>>
        %dma_wait3A_90 = arith.constant 0 : i32
        %dma_wait3A_91 = tpu.memref_slice %arg12[%add3A_82, %dma_wait3A_90] : memref<10240x128xf32, #tpu.memory_space<vmem_shared>> -> memref<128x128xf32, #tpu.memory_space<vmem_shared>>
        tpu.wait_dma2 semaphore(%run_scoped3A : memref<!tpu.dma_semaphore, #tpu.memory_space<semaphore_mem>>) src(%arg10 : memref<128x128xf32, #tpu.memory_space<vmem>>) dst(%dma_wait3A_91 : memref<128x128xf32, #tpu.memory_space<vmem_shared>>)
        tpu.yield
      }) : () -> ()
      %scan3A_83 = arith.constant 0 : i32
      scf.yield %scan3A_83 : i32
    }
    %scan3A_21 = arith.constant 5 : i32
    %barrier3A = arith.constant 0 : index
    tpu.barrier barrier_id(%barrier3A)
    %add3A_22 = arith.constant 0 : i32
    %add3A_23 = arith.addi %select_n3A, %add3A_22 : i32
    "tpu.region"() ({
      %run_scoped3A = tpu.sem_alloc : memref<!tpu.dma_semaphore, #tpu.memory_space<semaphore_mem>>
      %dma_start3A_76 = arith.constant 0 : i32
      %dma_start3A_77 = tpu.memref_slice %arg3[%add3A_23, %dma_start3A_76] : memref<2560x128xi32, #tpu.memory_space<hbm>> -> memref<1x128xi32, #tpu.memory_space<hbm>>
      %dma_start3A_78 = tpu.memref_squeeze %dma_start3A_77 : memref<1x128xi32, #tpu.memory_space<hbm>> -> memref<128xi32, #tpu.memory_space<hbm>>
      %dma_start3A_79 = arith.constant 0 : i32
      %dma_start3A_80 = tpu.memref_slice %arg3[%add3A_23, %dma_start3A_79] : memref<2560x128xi32, #tpu.memory_space<hbm>> -> memref<1x128xi32, #tpu.memory_space<hbm>>
      %dma_start3A_81 = tpu.memref_squeeze %dma_start3A_80 : memref<1x128xi32, #tpu.memory_space<hbm>> -> memref<128xi32, #tpu.memory_space<hbm>>
      tpu.enqueue_dma source(%dma_start3A_81 : memref<128xi32, #tpu.memory_space<hbm>>) target(%arg6 : memref<128xi32, #tpu.memory_space<vmem>>) target_semaphore(%run_scoped3A : memref<!tpu.dma_semaphore, #tpu.memory_space<semaphore_mem>>)
      %dma_wait3A_82 = arith.constant 0 : i32
      %dma_wait3A_83 = tpu.memref_slice %arg3[%add3A_23, %dma_wait3A_82] : memref<2560x128xi32, #tpu.memory_space<hbm>> -> memref<1x128xi32, #tpu.memory_space<hbm>>
      %dma_wait3A_84 = tpu.memref_squeeze %dma_wait3A_83 : memref<1x128xi32, #tpu.memory_space<hbm>> -> memref<128xi32, #tpu.memory_space<hbm>>
      %dma_wait3A_85 = arith.constant 0 : i32
      %dma_wait3A_86 = tpu.memref_slice %arg3[%add3A_23, %dma_wait3A_85] : memref<2560x128xi32, #tpu.memory_space<hbm>> -> memref<1x128xi32, #tpu.memory_space<hbm>>
      %dma_wait3A_87 = tpu.memref_squeeze %dma_wait3A_86 : memref<1x128xi32, #tpu.memory_space<hbm>> -> memref<128xi32, #tpu.memory_space<hbm>>
      tpu.wait_dma2 semaphore(%run_scoped3A : memref<!tpu.dma_semaphore, #tpu.memory_space<semaphore_mem>>) src(%dma_wait3A_87 : memref<128xi32, #tpu.memory_space<hbm>>) dst(%arg6 : memref<128xi32, #tpu.memory_space<vmem>>)
      tpu.yield
    }) : () -> ()
    %add3A_24 = arith.constant 0 : i32
    %add3A_25 = arith.addi %select_n3A, %add3A_24 : i32
    "tpu.region"() ({
      %run_scoped3A = tpu.sem_alloc : memref<!tpu.dma_semaphore, #tpu.memory_space<semaphore_mem>>
      %dma_start3A_76 = arith.constant 0 : i32
      %dma_start3A_77 = tpu.memref_slice %arg4[%add3A_25, %dma_start3A_76] : memref<2560x128xi32, #tpu.memory_space<hbm>> -> memref<1x128xi32, #tpu.memory_space<hbm>>
      %dma_start3A_78 = tpu.memref_squeeze %dma_start3A_77 : memref<1x128xi32, #tpu.memory_space<hbm>> -> memref<128xi32, #tpu.memory_space<hbm>>
      %dma_start3A_79 = arith.constant 0 : i32
      %dma_start3A_80 = tpu.memref_slice %arg4[%add3A_25, %dma_start3A_79] : memref<2560x128xi32, #tpu.memory_space<hbm>> -> memref<1x128xi32, #tpu.memory_space<hbm>>
      %dma_start3A_81 = tpu.memref_squeeze %dma_start3A_80 : memref<1x128xi32, #tpu.memory_space<hbm>> -> memref<128xi32, #tpu.memory_space<hbm>>
      tpu.enqueue_dma source(%dma_start3A_81 : memref<128xi32, #tpu.memory_space<hbm>>) target(%arg7 : memref<128xi32, #tpu.memory_space<vmem>>) target_semaphore(%run_scoped3A : memref<!tpu.dma_semaphore, #tpu.memory_space<semaphore_mem>>)
      %dma_wait3A_82 = arith.constant 0 : i32
      %dma_wait3A_83 = tpu.memref_slice %arg4[%add3A_25, %dma_wait3A_82] : memref<2560x128xi32, #tpu.memory_space<hbm>> -> memref<1x128xi32, #tpu.memory_space<hbm>>
      %dma_wait3A_84 = tpu.memref_squeeze %dma_wait3A_83 : memref<1x128xi32, #tpu.memory_space<hbm>> -> memref<128xi32, #tpu.memory_space<hbm>>
      %dma_wait3A_85 = arith.constant 0 : i32
      %dma_wait3A_86 = tpu.memref_slice %arg4[%add3A_25, %dma_wait3A_85] : memref<2560x128xi32, #tpu.memory_space<hbm>> -> memref<1x128xi32, #tpu.memory_space<hbm>>
      %dma_wait3A_87 = tpu.memref_squeeze %dma_wait3A_86 : memref<1x128xi32, #tpu.memory_space<hbm>> -> memref<128xi32, #tpu.memory_space<hbm>>
      tpu.wait_dma2 semaphore(%run_scoped3A : memref<!tpu.dma_semaphore, #tpu.memory_space<semaphore_mem>>) src(%dma_wait3A_87 : memref<128xi32, #tpu.memory_space<hbm>>) dst(%arg7 : memref<128xi32, #tpu.memory_space<vmem>>)
      tpu.yield
    }) : () -> ()
    %dma_start3A = arith.constant 0 : i32
    %dma_start3A_26 = arith.constant 0 : i32
    %dma_start3A_27 = tpu.memref_slice %arg2[%dma_start3A, %dma_start3A_26] : memref<10000x128xf32, #tpu.memory_space<hbm>> -> memref<10000x128xf32, #tpu.memory_space<hbm>>
    tpu.enqueue_indirect_dma source(%dma_start3A_27 : memref<10000x128xf32, #tpu.memory_space<hbm>>) target(%arg10 : memref<128x128xf32, #tpu.memory_space<vmem>>) offsets(%arg6 : memref<128xi32, #tpu.memory_space<vmem>>) semaphore(%arg13 : memref<!tpu.dma_semaphore, #tpu.memory_space<semaphore_mem>>)
    %add3A_28 = arith.constant 1 : i32
    %add3A_29 = arith.addi %select_n3A, %add3A_28 : i32
    "tpu.region"() ({
      %run_scoped3A = tpu.sem_alloc : memref<!tpu.dma_semaphore, #tpu.memory_space<semaphore_mem>>
      %dma_start3A_76 = arith.constant 0 : i32
      %dma_start3A_77 = tpu.memref_slice %arg3[%add3A_29, %dma_start3A_76] : memref<2560x128xi32, #tpu.memory_space<hbm>> -> memref<1x128xi32, #tpu.memory_space<hbm>>
      %dma_start3A_78 = tpu.memref_squeeze %dma_start3A_77 : memref<1x128xi32, #tpu.memory_space<hbm>> -> memref<128xi32, #tpu.memory_space<hbm>>
      %dma_start3A_79 = arith.constant 0 : i32
      %dma_start3A_80 = tpu.memref_slice %arg3[%add3A_29, %dma_start3A_79] : memref<2560x128xi32, #tpu.memory_space<hbm>> -> memref<1x128xi32, #tpu.memory_space<hbm>>
      %dma_start3A_81 = tpu.memref_squeeze %dma_start3A_80 : memref<1x128xi32, #tpu.memory_space<hbm>> -> memref<128xi32, #tpu.memory_space<hbm>>
      tpu.enqueue_dma source(%dma_start3A_81 : memref<128xi32, #tpu.memory_space<hbm>>) target(%arg8 : memref<128xi32, #tpu.memory_space<vmem>>) target_semaphore(%run_scoped3A : memref<!tpu.dma_semaphore, #tpu.memory_space<semaphore_mem>>)
      %dma_wait3A_82 = arith.constant 0 : i32
      %dma_wait3A_83 = tpu.memref_slice %arg3[%add3A_29, %dma_wait3A_82] : memref<2560x128xi32, #tpu.memory_space<hbm>> -> memref<1x128xi32, #tpu.memory_space<hbm>>
      %dma_wait3A_84 = tpu.memref_squeeze %dma_wait3A_83 : memref<1x128xi32, #tpu.memory_space<hbm>> -> memref<128xi32, #tpu.memory_space<hbm>>
      %dma_wait3A_85 = arith.constant 0 : i32
      %dma_wait3A_86 = tpu.memref_slice %arg3[%add3A_29, %dma_wait3A_85] : memref<2560x128xi32, #tpu.memory_space<hbm>> -> memref<1x128xi32, #tpu.memory_space<hbm>>
      %dma_wait3A_87 = tpu.memref_squeeze %dma_wait3A_86 : memref<1x128xi32, #tpu.memory_space<hbm>> -> memref<128xi32, #tpu.memory_space<hbm>>
      tpu.wait_dma2 semaphore(%run_scoped3A : memref<!tpu.dma_semaphore, #tpu.memory_space<semaphore_mem>>) src(%dma_wait3A_87 : memref<128xi32, #tpu.memory_space<hbm>>) dst(%arg8 : memref<128xi32, #tpu.memory_space<vmem>>)
      tpu.yield
    }) : () -> ()
    %add3A_30 = arith.constant 1 : i32
    %add3A_31 = arith.addi %select_n3A, %add3A_30 : i32
    "tpu.region"() ({
      %run_scoped3A = tpu.sem_alloc : memref<!tpu.dma_semaphore, #tpu.memory_space<semaphore_mem>>
      %dma_start3A_76 = arith.constant 0 : i32
      %dma_start3A_77 = tpu.memref_slice %arg4[%add3A_31, %dma_start3A_76] : memref<2560x128xi32, #tpu.memory_space<hbm>> -> memref<1x128xi32, #tpu.memory_space<hbm>>
      %dma_start3A_78 = tpu.memref_squeeze %dma_start3A_77 : memref<1x128xi32, #tpu.memory_space<hbm>> -> memref<128xi32, #tpu.memory_space<hbm>>
      %dma_start3A_79 = arith.constant 0 : i32
      %dma_start3A_80 = tpu.memref_slice %arg4[%add3A_31, %dma_start3A_79] : memref<2560x128xi32, #tpu.memory_space<hbm>> -> memref<1x128xi32, #tpu.memory_space<hbm>>
      %dma_start3A_81 = tpu.memref_squeeze %dma_start3A_80 : memref<1x128xi32, #tpu.memory_space<hbm>> -> memref<128xi32, #tpu.memory_space<hbm>>
      tpu.enqueue_dma source(%dma_start3A_81 : memref<128xi32, #tpu.memory_space<hbm>>) target(%arg9 : memref<128xi32, #tpu.memory_space<vmem>>) target_semaphore(%run_scoped3A : memref<!tpu.dma_semaphore, #tpu.memory_space<semaphore_mem>>)
      %dma_wait3A_82 = arith.constant 0 : i32
      %dma_wait3A_83 = tpu.memref_slice %arg4[%add3A_31, %dma_wait3A_82] : memref<2560x128xi32, #tpu.memory_space<hbm>> -> memref<1x128xi32, #tpu.memory_space<hbm>>
      %dma_wait3A_84 = tpu.memref_squeeze %dma_wait3A_83 : memref<1x128xi32, #tpu.memory_space<hbm>> -> memref<128xi32, #tpu.memory_space<hbm>>
      %dma_wait3A_85 = arith.constant 0 : i32
      %dma_wait3A_86 = tpu.memref_slice %arg4[%add3A_31, %dma_wait3A_85] : memref<2560x128xi32, #tpu.memory_space<hbm>> -> memref<1x128xi32, #tpu.memory_space<hbm>>
      %dma_wait3A_87 = tpu.memref_squeeze %dma_wait3A_86 : memref<1x128xi32, #tpu.memory_space<hbm>> -> memref<128xi32, #tpu.memory_space<hbm>>
      tpu.wait_dma2 semaphore(%run_scoped3A : memref<!tpu.dma_semaphore, #tpu.memory_space<semaphore_mem>>) src(%dma_wait3A_87 : memref<128xi32, #tpu.memory_space<hbm>>) dst(%arg9 : memref<128xi32, #tpu.memory_space<vmem>>)
      tpu.yield
    }) : () -> ()
    %dma_start3A_32 = arith.constant 0 : i32
    %dma_start3A_33 = arith.constant 0 : i32
    %dma_start3A_34 = tpu.memref_slice %arg2[%dma_start3A_32, %dma_start3A_33] : memref<10000x128xf32, #tpu.memory_space<hbm>> -> memref<10000x128xf32, #tpu.memory_space<hbm>>
    tpu.enqueue_indirect_dma source(%dma_start3A_34 : memref<10000x128xf32, #tpu.memory_space<hbm>>) target(%arg11 : memref<128x128xf32, #tpu.memory_space<vmem>>) offsets(%arg8 : memref<128xi32, #tpu.memory_space<vmem>>) semaphore(%arg14 : memref<!tpu.dma_semaphore, #tpu.memory_space<semaphore_mem>>)
    %jit3A_35 = arith.constant 2 : i32
    %div3A = arith.divsi %select_n3A_8, %jit3A_35 : i32
    %sign3A = arith.constant 0 : i32
    %sign3A_36 = arith.cmpi sgt, %select_n3A_8, %sign3A : i32
    %sign3A_37 = arith.extui %sign3A_36 : i1 to i32
    %sign3A_38 = arith.constant 0 : i32
    %sign3A_39 = arith.cmpi slt, %select_n3A_8, %sign3A_38 : i32
    %sign3A_40 = arith.extui %sign3A_39 : i1 to i32
    %sign3A_41 = arith.subi %sign3A_37, %sign3A_40 : i32
    %sign3A_42 = arith.constant 0 : i32
    %sign3A_43 = arith.cmpi sgt, %jit3A_35, %sign3A_42 : i32
    %sign3A_44 = arith.extui %sign3A_43 : i1 to i32
    %sign3A_45 = arith.constant 0 : i32
    %sign3A_46 = arith.cmpi slt, %jit3A_35, %sign3A_45 : i32
    %sign3A_47 = arith.extui %sign3A_46 : i1 to i32
    %sign3A_48 = arith.subi %sign3A_44, %sign3A_47 : i32
    %ne3A = arith.cmpi ne, %sign3A_41, %sign3A_48 : i32
    %rem3A = arith.remsi %select_n3A_8, %jit3A_35 : i32
    %ne3A_49 = arith.constant 0 : i32
    %ne3A_50 = arith.cmpi ne, %rem3A, %ne3A_49 : i32
    %and3A = arith.andi %ne3A, %ne3A_50 : i1
    %sub3A = arith.constant 1 : i32
    %sub3A_51 = arith.subi %div3A, %sub3A : i32
    %select_n3A_52 = arith.select %and3A, %sub3A_51, %div3A : i32
    %sub3A_53 = arith.constant 1 : i32
    %sub3A_54 = arith.subi %select_n3A_52, %sub3A_53 : i32
    %while3A = arith.constant 0 : i32
    %while3A_55 = arith.constant 0 : i32
    %while3A_56 = arith.subi %sub3A_54, %while3A : i32
    %while3A_57 = arith.addi %while3A, %while3A_56 : i32
    %while3A_58 = arith.constant 1 : i32
    %while3A_59 = arith.divsi %while3A_56, %while3A_58 : i32
    %while3A_60 = arith.muli %while3A_59, %while3A_58 : i32
    %while3A_61 = arith.addi %while3A, %while3A_60 : i32
    %while3A_62 = arith.constant 1 : i32
    %while3A_63 = scf.for %while3A_76 = %while3A to %while3A_61 step %while3A_62 iter_args(%while3A_77 = %while3A_55) -> (i32)  : i32 {
      %mul3A_78 = arith.constant 2 : i32
      %mul3A_79 = arith.muli %while3A_76, %mul3A_78 : i32
      %add3A_80 = arith.constant 0 : i32
      %add3A_81 = arith.addi %mul3A_79, %add3A_80 : i32
      %dma_wait3A_82 = arith.constant 0 : i32
      %dma_wait3A_83 = arith.constant 0 : i32
      %dma_wait3A_84 = tpu.memref_slice %arg2[%dma_wait3A_82, %dma_wait3A_83] : memref<10000x128xf32, #tpu.memory_space<hbm>> -> memref<10000x128xf32, #tpu.memory_space<hbm>>
      tpu.wait_indirect_dma semaphore(%arg13 : memref<!tpu.dma_semaphore, #tpu.memory_space<semaphore_mem>>) src(%dma_wait3A_84 : memref<10000x128xf32, #tpu.memory_space<hbm>>) dst(%arg10 : memref<128x128xf32, #tpu.memory_space<vmem>>)
      "tpu.region"() ({
        %run_scoped3A = tpu.sem_alloc : memref<!tpu.dma_semaphore, #tpu.memory_space<semaphore_mem>>
        %dma_start3A_111 = arith.constant 0 : i32
        %dma_start3A_112 = arith.constant 0 : i32
        %dma_start3A_113 = tpu.memref_slice %arg12[%dma_start3A_111, %dma_start3A_112] : memref<10240x128xf32, #tpu.memory_space<vmem_shared>> -> memref<10240x128xf32, #tpu.memory_space<vmem_shared>>
        tpu.enqueue_indirect_dma source(%arg10 : memref<128x128xf32, #tpu.memory_space<vmem>>) target(%dma_start3A_113 : memref<10240x128xf32, #tpu.memory_space<vmem_shared>>) offsets(%arg7 : memref<128xi32, #tpu.memory_space<vmem>>) semaphore(%run_scoped3A : memref<!tpu.dma_semaphore, #tpu.memory_space<semaphore_mem>>) {add = true}
        %dma_wait3A_114 = arith.constant 0 : i32
        %dma_wait3A_115 = arith.constant 0 : i32
        %dma_wait3A_116 = tpu.memref_slice %arg12[%dma_wait3A_114, %dma_wait3A_115] : memref<10240x128xf32, #tpu.memory_space<vmem_shared>> -> memref<10240x128xf32, #tpu.memory_space<vmem_shared>>
        tpu.wait_indirect_dma semaphore(%run_scoped3A : memref<!tpu.dma_semaphore, #tpu.memory_space<semaphore_mem>>) src(%arg10 : memref<128x128xf32, #tpu.memory_space<vmem>>) dst(%dma_wait3A_116 : memref<10240x128xf32, #tpu.memory_space<vmem_shared>>)
        tpu.yield
      }) : () -> ()
      %add3A_85 = arith.addi %select_n3A, %add3A_81 : i32
      %add3A_86 = arith.constant 2 : i32
      %add3A_87 = arith.addi %add3A_85, %add3A_86 : i32
      "tpu.region"() ({
        %run_scoped3A = tpu.sem_alloc : memref<!tpu.dma_semaphore, #tpu.memory_space<semaphore_mem>>
        %dma_start3A_111 = arith.constant 0 : i32
        %dma_start3A_112 = tpu.memref_slice %arg3[%add3A_87, %dma_start3A_111] : memref<2560x128xi32, #tpu.memory_space<hbm>> -> memref<1x128xi32, #tpu.memory_space<hbm>>
        %dma_start3A_113 = tpu.memref_squeeze %dma_start3A_112 : memref<1x128xi32, #tpu.memory_space<hbm>> -> memref<128xi32, #tpu.memory_space<hbm>>
        %dma_start3A_114 = arith.constant 0 : i32
        %dma_start3A_115 = tpu.memref_slice %arg3[%add3A_87, %dma_start3A_114] : memref<2560x128xi32, #tpu.memory_space<hbm>> -> memref<1x128xi32, #tpu.memory_space<hbm>>
        %dma_start3A_116 = tpu.memref_squeeze %dma_start3A_115 : memref<1x128xi32, #tpu.memory_space<hbm>> -> memref<128xi32, #tpu.memory_space<hbm>>
        tpu.enqueue_dma source(%dma_start3A_116 : memref<128xi32, #tpu.memory_space<hbm>>) target(%arg6 : memref<128xi32, #tpu.memory_space<vmem>>) target_semaphore(%run_scoped3A : memref<!tpu.dma_semaphore, #tpu.memory_space<semaphore_mem>>)
        %dma_wait3A_117 = arith.constant 0 : i32
        %dma_wait3A_118 = tpu.memref_slice %arg3[%add3A_87, %dma_wait3A_117] : memref<2560x128xi32, #tpu.memory_space<hbm>> -> memref<1x128xi32, #tpu.memory_space<hbm>>
        %dma_wait3A_119 = tpu.memref_squeeze %dma_wait3A_118 : memref<1x128xi32, #tpu.memory_space<hbm>> -> memref<128xi32, #tpu.memory_space<hbm>>
        %dma_wait3A_120 = arith.constant 0 : i32
        %dma_wait3A_121 = tpu.memref_slice %arg3[%add3A_87, %dma_wait3A_120] : memref<2560x128xi32, #tpu.memory_space<hbm>> -> memref<1x128xi32, #tpu.memory_space<hbm>>
        %dma_wait3A_122 = tpu.memref_squeeze %dma_wait3A_121 : memref<1x128xi32, #tpu.memory_space<hbm>> -> memref<128xi32, #tpu.memory_space<hbm>>
        tpu.wait_dma2 semaphore(%run_scoped3A : memref<!tpu.dma_semaphore, #tpu.memory_space<semaphore_mem>>) src(%dma_wait3A_122 : memref<128xi32, #tpu.memory_space<hbm>>) dst(%arg6 : memref<128xi32, #tpu.memory_space<vmem>>)
        tpu.yield
      }) : () -> ()
      %add3A_88 = arith.addi %select_n3A, %add3A_81 : i32
      %add3A_89 = arith.constant 2 : i32
      %add3A_90 = arith.addi %add3A_88, %add3A_89 : i32
      "tpu.region"() ({
        %run_scoped3A = tpu.sem_alloc : memref<!tpu.dma_semaphore, #tpu.memory_space<semaphore_mem>>
        %dma_start3A_111 = arith.constant 0 : i32
        %dma_start3A_112 = tpu.memref_slice %arg4[%add3A_90, %dma_start3A_111] : memref<2560x128xi32, #tpu.memory_space<hbm>> -> memref<1x128xi32, #tpu.memory_space<hbm>>
        %dma_start3A_113 = tpu.memref_squeeze %dma_start3A_112 : memref<1x128xi32, #tpu.memory_space<hbm>> -> memref<128xi32, #tpu.memory_space<hbm>>
        %dma_start3A_114 = arith.constant 0 : i32
        %dma_start3A_115 = tpu.memref_slice %arg4[%add3A_90, %dma_start3A_114] : memref<2560x128xi32, #tpu.memory_space<hbm>> -> memref<1x128xi32, #tpu.memory_space<hbm>>
        %dma_start3A_116 = tpu.memref_squeeze %dma_start3A_115 : memref<1x128xi32, #tpu.memory_space<hbm>> -> memref<128xi32, #tpu.memory_space<hbm>>
        tpu.enqueue_dma source(%dma_start3A_116 : memref<128xi32, #tpu.memory_space<hbm>>) target(%arg7 : memref<128xi32, #tpu.memory_space<vmem>>) target_semaphore(%run_scoped3A : memref<!tpu.dma_semaphore, #tpu.memory_space<semaphore_mem>>)
        %dma_wait3A_117 = arith.constant 0 : i32
        %dma_wait3A_118 = tpu.memref_slice %arg4[%add3A_90, %dma_wait3A_117] : memref<2560x128xi32, #tpu.memory_space<hbm>> -> memref<1x128xi32, #tpu.memory_space<hbm>>
        %dma_wait3A_119 = tpu.memref_squeeze %dma_wait3A_118 : memref<1x128xi32, #tpu.memory_space<hbm>> -> memref<128xi32, #tpu.memory_space<hbm>>
        %dma_wait3A_120 = arith.constant 0 : i32
        %dma_wait3A_121 = tpu.memref_slice %arg4[%add3A_90, %dma_wait3A_120] : memref<2560x128xi32, #tpu.memory_space<hbm>> -> memref<1x128xi32, #tpu.memory_space<hbm>>
        %dma_wait3A_122 = tpu.memref_squeeze %dma_wait3A_121 : memref<1x128xi32, #tpu.memory_space<hbm>> -> memref<128xi32, #tpu.memory_space<hbm>>
        tpu.wait_dma2 semaphore(%run_scoped3A : memref<!tpu.dma_semaphore, #tpu.memory_space<semaphore_mem>>) src(%dma_wait3A_122 : memref<128xi32, #tpu.memory_space<hbm>>) dst(%arg7 : memref<128xi32, #tpu.memory_space<vmem>>)
        tpu.yield
      }) : () -> ()
      %dma_start3A_91 = arith.constant 0 : i32
      %dma_start3A_92 = arith.constant 0 : i32
      %dma_start3A_93 = tpu.memref_slice %arg2[%dma_start3A_91, %dma_start3A_92] : memref<10000x128xf32, #tpu.memory_space<hbm>> -> memref<10000x128xf32, #tpu.memory_space<hbm>>
      tpu.enqueue_indirect_dma source(%dma_start3A_93 : memref<10000x128xf32, #tpu.memory_space<hbm>>) target(%arg10 : memref<128x128xf32, #tpu.memory_space<vmem>>) offsets(%arg6 : memref<128xi32, #tpu.memory_space<vmem>>) semaphore(%arg13 : memref<!tpu.dma_semaphore, #tpu.memory_space<semaphore_mem>>)
      %mul3A_94 = arith.constant 2 : i32
      %mul3A_95 = arith.muli %while3A_76, %mul3A_94 : i32
      %add3A_96 = arith.constant 1 : i32
      %add3A_97 = arith.addi %mul3A_95, %add3A_96 : i32
      %dma_wait3A_98 = arith.constant 0 : i32
      %dma_wait3A_99 = arith.constant 0 : i32
      %dma_wait3A_100 = tpu.memref_slice %arg2[%dma_wait3A_98, %dma_wait3A_99] : memref<10000x128xf32, #tpu.memory_space<hbm>> -> memref<10000x128xf32, #tpu.memory_space<hbm>>
      tpu.wait_indirect_dma semaphore(%arg14 : memref<!tpu.dma_semaphore, #tpu.memory_space<semaphore_mem>>) src(%dma_wait3A_100 : memref<10000x128xf32, #tpu.memory_space<hbm>>) dst(%arg11 : memref<128x128xf32, #tpu.memory_space<vmem>>)
      "tpu.region"() ({
        %run_scoped3A = tpu.sem_alloc : memref<!tpu.dma_semaphore, #tpu.memory_space<semaphore_mem>>
        %dma_start3A_111 = arith.constant 0 : i32
        %dma_start3A_112 = arith.constant 0 : i32
        %dma_start3A_113 = tpu.memref_slice %arg12[%dma_start3A_111, %dma_start3A_112] : memref<10240x128xf32, #tpu.memory_space<vmem_shared>> -> memref<10240x128xf32, #tpu.memory_space<vmem_shared>>
        tpu.enqueue_indirect_dma source(%arg11 : memref<128x128xf32, #tpu.memory_space<vmem>>) target(%dma_start3A_113 : memref<10240x128xf32, #tpu.memory_space<vmem_shared>>) offsets(%arg9 : memref<128xi32, #tpu.memory_space<vmem>>) semaphore(%run_scoped3A : memref<!tpu.dma_semaphore, #tpu.memory_space<semaphore_mem>>) {add = true}
        %dma_wait3A_114 = arith.constant 0 : i32
        %dma_wait3A_115 = arith.constant 0 : i32
        %dma_wait3A_116 = tpu.memref_slice %arg12[%dma_wait3A_114, %dma_wait3A_115] : memref<10240x128xf32, #tpu.memory_space<vmem_shared>> -> memref<10240x128xf32, #tpu.memory_space<vmem_shared>>
        tpu.wait_indirect_dma semaphore(%run_scoped3A : memref<!tpu.dma_semaphore, #tpu.memory_space<semaphore_mem>>) src(%arg11 : memref<128x128xf32, #tpu.memory_space<vmem>>) dst(%dma_wait3A_116 : memref<10240x128xf32, #tpu.memory_space<vmem_shared>>)
        tpu.yield
      }) : () -> ()
      %add3A_101 = arith.addi %select_n3A, %add3A_97 : i32
      %add3A_102 = arith.constant 2 : i32
      %add3A_103 = arith.addi %add3A_101, %add3A_102 : i32
      "tpu.region"() ({
        %run_scoped3A = tpu.sem_alloc : memref<!tpu.dma_semaphore, #tpu.memory_space<semaphore_mem>>
        %dma_start3A_111 = arith.constant 0 : i32
        %dma_start3A_112 = tpu.memref_slice %arg3[%add3A_103, %dma_start3A_111] : memref<2560x128xi32, #tpu.memory_space<hbm>> -> memref<1x128xi32, #tpu.memory_space<hbm>>
        %dma_start3A_113 = tpu.memref_squeeze %dma_start3A_112 : memref<1x128xi32, #tpu.memory_space<hbm>> -> memref<128xi32, #tpu.memory_space<hbm>>
        %dma_start3A_114 = arith.constant 0 : i32
        %dma_start3A_115 = tpu.memref_slice %arg3[%add3A_103, %dma_start3A_114] : memref<2560x128xi32, #tpu.memory_space<hbm>> -> memref<1x128xi32, #tpu.memory_space<hbm>>
        %dma_start3A_116 = tpu.memref_squeeze %dma_start3A_115 : memref<1x128xi32, #tpu.memory_space<hbm>> -> memref<128xi32, #tpu.memory_space<hbm>>
        tpu.enqueue_dma source(%dma_start3A_116 : memref<128xi32, #tpu.memory_space<hbm>>) target(%arg8 : memref<128xi32, #tpu.memory_space<vmem>>) target_semaphore(%run_scoped3A : memref<!tpu.dma_semaphore, #tpu.memory_space<semaphore_mem>>)
        %dma_wait3A_117 = arith.constant 0 : i32
        %dma_wait3A_118 = tpu.memref_slice %arg3[%add3A_103, %dma_wait3A_117] : memref<2560x128xi32, #tpu.memory_space<hbm>> -> memref<1x128xi32, #tpu.memory_space<hbm>>
        %dma_wait3A_119 = tpu.memref_squeeze %dma_wait3A_118 : memref<1x128xi32, #tpu.memory_space<hbm>> -> memref<128xi32, #tpu.memory_space<hbm>>
        %dma_wait3A_120 = arith.constant 0 : i32
        %dma_wait3A_121 = tpu.memref_slice %arg3[%add3A_103, %dma_wait3A_120] : memref<2560x128xi32, #tpu.memory_space<hbm>> -> memref<1x128xi32, #tpu.memory_space<hbm>>
        %dma_wait3A_122 = tpu.memref_squeeze %dma_wait3A_121 : memref<1x128xi32, #tpu.memory_space<hbm>> -> memref<128xi32, #tpu.memory_space<hbm>>
        tpu.wait_dma2 semaphore(%run_scoped3A : memref<!tpu.dma_semaphore, #tpu.memory_space<semaphore_mem>>) src(%dma_wait3A_122 : memref<128xi32, #tpu.memory_space<hbm>>) dst(%arg8 : memref<128xi32, #tpu.memory_space<vmem>>)
        tpu.yield
      }) : () -> ()
      %add3A_104 = arith.addi %select_n3A, %add3A_97 : i32
      %add3A_105 = arith.constant 2 : i32
      %add3A_106 = arith.addi %add3A_104, %add3A_105 : i32
      "tpu.region"() ({
        %run_scoped3A = tpu.sem_alloc : memref<!tpu.dma_semaphore, #tpu.memory_space<semaphore_mem>>
        %dma_start3A_111 = arith.constant 0 : i32
        %dma_start3A_112 = tpu.memref_slice %arg4[%add3A_106, %dma_start3A_111] : memref<2560x128xi32, #tpu.memory_space<hbm>> -> memref<1x128xi32, #tpu.memory_space<hbm>>
        %dma_start3A_113 = tpu.memref_squeeze %dma_start3A_112 : memref<1x128xi32, #tpu.memory_space<hbm>> -> memref<128xi32, #tpu.memory_space<hbm>>
        %dma_start3A_114 = arith.constant 0 : i32
        %dma_start3A_115 = tpu.memref_slice %arg4[%add3A_106, %dma_start3A_114] : memref<2560x128xi32, #tpu.memory_space<hbm>> -> memref<1x128xi32, #tpu.memory_space<hbm>>
        %dma_start3A_116 = tpu.memref_squeeze %dma_start3A_115 : memref<1x128xi32, #tpu.memory_space<hbm>> -> memref<128xi32, #tpu.memory_space<hbm>>
        tpu.enqueue_dma source(%dma_start3A_116 : memref<128xi32, #tpu.memory_space<hbm>>) target(%arg9 : memref<128xi32, #tpu.memory_space<vmem>>) target_semaphore(%run_scoped3A : memref<!tpu.dma_semaphore, #tpu.memory_space<semaphore_mem>>)
        %dma_wait3A_117 = arith.constant 0 : i32
        %dma_wait3A_118 = tpu.memref_slice %arg4[%add3A_106, %dma_wait3A_117] : memref<2560x128xi32, #tpu.memory_space<hbm>> -> memref<1x128xi32, #tpu.memory_space<hbm>>
        %dma_wait3A_119 = tpu.memref_squeeze %dma_wait3A_118 : memref<1x128xi32, #tpu.memory_space<hbm>> -> memref<128xi32, #tpu.memory_space<hbm>>
        %dma_wait3A_120 = arith.constant 0 : i32
        %dma_wait3A_121 = tpu.memref_slice %arg4[%add3A_106, %dma_wait3A_120] : memref<2560x128xi32, #tpu.memory_space<hbm>> -> memref<1x128xi32, #tpu.memory_space<hbm>>
        %dma_wait3A_122 = tpu.memref_squeeze %dma_wait3A_121 : memref<1x128xi32, #tpu.memory_space<hbm>> -> memref<128xi32, #tpu.memory_space<hbm>>
        tpu.wait_dma2 semaphore(%run_scoped3A : memref<!tpu.dma_semaphore, #tpu.memory_space<semaphore_mem>>) src(%dma_wait3A_122 : memref<128xi32, #tpu.memory_space<hbm>>) dst(%arg9 : memref<128xi32, #tpu.memory_space<vmem>>)
        tpu.yield
      }) : () -> ()
      %dma_start3A_107 = arith.constant 0 : i32
      %dma_start3A_108 = arith.constant 0 : i32
      %dma_start3A_109 = tpu.memref_slice %arg2[%dma_start3A_107, %dma_start3A_108] : memref<10000x128xf32, #tpu.memory_space<hbm>> -> memref<10000x128xf32, #tpu.memory_space<hbm>>
      tpu.enqueue_indirect_dma source(%dma_start3A_109 : memref<10000x128xf32, #tpu.memory_space<hbm>>) target(%arg11 : memref<128x128xf32, #tpu.memory_space<vmem>>) offsets(%arg8 : memref<128xi32, #tpu.memory_space<vmem>>) semaphore(%arg14 : memref<!tpu.dma_semaphore, #tpu.memory_space<semaphore_mem>>)
      %while3A_110 = arith.constant 0 : i32
      scf.yield %while3A_110 : i32
    }
    %while3A_64 = arith.constant 1 : i32
    %while3A_65 = scf.for %while3A_76 = %while3A_61 to %while3A_57 step %while3A_64 iter_args(%while3A_77 = %while3A_63) -> (i32)  : i32 {
      %mul3A_78 = arith.constant 2 : i32
      %mul3A_79 = arith.muli %while3A_76, %mul3A_78 : i32
      %add3A_80 = arith.constant 0 : i32
      %add3A_81 = arith.addi %mul3A_79, %add3A_80 : i32
      %dma_wait3A_82 = arith.constant 0 : i32
      %dma_wait3A_83 = arith.constant 0 : i32
      %dma_wait3A_84 = tpu.memref_slice %arg2[%dma_wait3A_82, %dma_wait3A_83] : memref<10000x128xf32, #tpu.memory_space<hbm>> -> memref<10000x128xf32, #tpu.memory_space<hbm>>
      tpu.wait_indirect_dma semaphore(%arg13 : memref<!tpu.dma_semaphore, #tpu.memory_space<semaphore_mem>>) src(%dma_wait3A_84 : memref<10000x128xf32, #tpu.memory_space<hbm>>) dst(%arg10 : memref<128x128xf32, #tpu.memory_space<vmem>>)
      "tpu.region"() ({
        %run_scoped3A = tpu.sem_alloc : memref<!tpu.dma_semaphore, #tpu.memory_space<semaphore_mem>>
        %dma_start3A_111 = arith.constant 0 : i32
        %dma_start3A_112 = arith.constant 0 : i32
        %dma_start3A_113 = tpu.memref_slice %arg12[%dma_start3A_111, %dma_start3A_112] : memref<10240x128xf32, #tpu.memory_space<vmem_shared>> -> memref<10240x128xf32, #tpu.memory_space<vmem_shared>>
        tpu.enqueue_indirect_dma source(%arg10 : memref<128x128xf32, #tpu.memory_space<vmem>>) target(%dma_start3A_113 : memref<10240x128xf32, #tpu.memory_space<vmem_shared>>) offsets(%arg7 : memref<128xi32, #tpu.memory_space<vmem>>) semaphore(%run_scoped3A : memref<!tpu.dma_semaphore, #tpu.memory_space<semaphore_mem>>) {add = true}
        %dma_wait3A_114 = arith.constant 0 : i32
        %dma_wait3A_115 = arith.constant 0 : i32
        %dma_wait3A_116 = tpu.memref_slice %arg12[%dma_wait3A_114, %dma_wait3A_115] : memref<10240x128xf32, #tpu.memory_space<vmem_shared>> -> memref<10240x128xf32, #tpu.memory_space<vmem_shared>>
        tpu.wait_indirect_dma semaphore(%run_scoped3A : memref<!tpu.dma_semaphore, #tpu.memory_space<semaphore_mem>>) src(%arg10 : memref<128x128xf32, #tpu.memory_space<vmem>>) dst(%dma_wait3A_116 : memref<10240x128xf32, #tpu.memory_space<vmem_shared>>)
        tpu.yield
      }) : () -> ()
      %add3A_85 = arith.addi %select_n3A, %add3A_81 : i32
      %add3A_86 = arith.constant 2 : i32
      %add3A_87 = arith.addi %add3A_85, %add3A_86 : i32
      "tpu.region"() ({
        %run_scoped3A = tpu.sem_alloc : memref<!tpu.dma_semaphore, #tpu.memory_space<semaphore_mem>>
        %dma_start3A_111 = arith.constant 0 : i32
        %dma_start3A_112 = tpu.memref_slice %arg3[%add3A_87, %dma_start3A_111] : memref<2560x128xi32, #tpu.memory_space<hbm>> -> memref<1x128xi32, #tpu.memory_space<hbm>>
        %dma_start3A_113 = tpu.memref_squeeze %dma_start3A_112 : memref<1x128xi32, #tpu.memory_space<hbm>> -> memref<128xi32, #tpu.memory_space<hbm>>
        %dma_start3A_114 = arith.constant 0 : i32
        %dma_start3A_115 = tpu.memref_slice %arg3[%add3A_87, %dma_start3A_114] : memref<2560x128xi32, #tpu.memory_space<hbm>> -> memref<1x128xi32, #tpu.memory_space<hbm>>
        %dma_start3A_116 = tpu.memref_squeeze %dma_start3A_115 : memref<1x128xi32, #tpu.memory_space<hbm>> -> memref<128xi32, #tpu.memory_space<hbm>>
        tpu.enqueue_dma source(%dma_start3A_116 : memref<128xi32, #tpu.memory_space<hbm>>) target(%arg6 : memref<128xi32, #tpu.memory_space<vmem>>) target_semaphore(%run_scoped3A : memref<!tpu.dma_semaphore, #tpu.memory_space<semaphore_mem>>)
        %dma_wait3A_117 = arith.constant 0 : i32
        %dma_wait3A_118 = tpu.memref_slice %arg3[%add3A_87, %dma_wait3A_117] : memref<2560x128xi32, #tpu.memory_space<hbm>> -> memref<1x128xi32, #tpu.memory_space<hbm>>
        %dma_wait3A_119 = tpu.memref_squeeze %dma_wait3A_118 : memref<1x128xi32, #tpu.memory_space<hbm>> -> memref<128xi32, #tpu.memory_space<hbm>>
        %dma_wait3A_120 = arith.constant 0 : i32
        %dma_wait3A_121 = tpu.memref_slice %arg3[%add3A_87, %dma_wait3A_120] : memref<2560x128xi32, #tpu.memory_space<hbm>> -> memref<1x128xi32, #tpu.memory_space<hbm>>
        %dma_wait3A_122 = tpu.memref_squeeze %dma_wait3A_121 : memref<1x128xi32, #tpu.memory_space<hbm>> -> memref<128xi32, #tpu.memory_space<hbm>>
        tpu.wait_dma2 semaphore(%run_scoped3A : memref<!tpu.dma_semaphore, #tpu.memory_space<semaphore_mem>>) src(%dma_wait3A_122 : memref<128xi32, #tpu.memory_space<hbm>>) dst(%arg6 : memref<128xi32, #tpu.memory_space<vmem>>)
        tpu.yield
      }) : () -> ()
      %add3A_88 = arith.addi %select_n3A, %add3A_81 : i32
      %add3A_89 = arith.constant 2 : i32
      %add3A_90 = arith.addi %add3A_88, %add3A_89 : i32
      "tpu.region"() ({
        %run_scoped3A = tpu.sem_alloc : memref<!tpu.dma_semaphore, #tpu.memory_space<semaphore_mem>>
        %dma_start3A_111 = arith.constant 0 : i32
        %dma_start3A_112 = tpu.memref_slice %arg4[%add3A_90, %dma_start3A_111] : memref<2560x128xi32, #tpu.memory_space<hbm>> -> memref<1x128xi32, #tpu.memory_space<hbm>>
        %dma_start3A_113 = tpu.memref_squeeze %dma_start3A_112 : memref<1x128xi32, #tpu.memory_space<hbm>> -> memref<128xi32, #tpu.memory_space<hbm>>
        %dma_start3A_114 = arith.constant 0 : i32
        %dma_start3A_115 = tpu.memref_slice %arg4[%add3A_90, %dma_start3A_114] : memref<2560x128xi32, #tpu.memory_space<hbm>> -> memref<1x128xi32, #tpu.memory_space<hbm>>
        %dma_start3A_116 = tpu.memref_squeeze %dma_start3A_115 : memref<1x128xi32, #tpu.memory_space<hbm>> -> memref<128xi32, #tpu.memory_space<hbm>>
        tpu.enqueue_dma source(%dma_start3A_116 : memref<128xi32, #tpu.memory_space<hbm>>) target(%arg7 : memref<128xi32, #tpu.memory_space<vmem>>) target_semaphore(%run_scoped3A : memref<!tpu.dma_semaphore, #tpu.memory_space<semaphore_mem>>)
        %dma_wait3A_117 = arith.constant 0 : i32
        %dma_wait3A_118 = tpu.memref_slice %arg4[%add3A_90, %dma_wait3A_117] : memref<2560x128xi32, #tpu.memory_space<hbm>> -> memref<1x128xi32, #tpu.memory_space<hbm>>
        %dma_wait3A_119 = tpu.memref_squeeze %dma_wait3A_118 : memref<1x128xi32, #tpu.memory_space<hbm>> -> memref<128xi32, #tpu.memory_space<hbm>>
        %dma_wait3A_120 = arith.constant 0 : i32
        %dma_wait3A_121 = tpu.memref_slice %arg4[%add3A_90, %dma_wait3A_120] : memref<2560x128xi32, #tpu.memory_space<hbm>> -> memref<1x128xi32, #tpu.memory_space<hbm>>
        %dma_wait3A_122 = tpu.memref_squeeze %dma_wait3A_121 : memref<1x128xi32, #tpu.memory_space<hbm>> -> memref<128xi32, #tpu.memory_space<hbm>>
        tpu.wait_dma2 semaphore(%run_scoped3A : memref<!tpu.dma_semaphore, #tpu.memory_space<semaphore_mem>>) src(%dma_wait3A_122 : memref<128xi32, #tpu.memory_space<hbm>>) dst(%arg7 : memref<128xi32, #tpu.memory_space<vmem>>)
        tpu.yield
      }) : () -> ()
      %dma_start3A_91 = arith.constant 0 : i32
      %dma_start3A_92 = arith.constant 0 : i32
      %dma_start3A_93 = tpu.memref_slice %arg2[%dma_start3A_91, %dma_start3A_92] : memref<10000x128xf32, #tpu.memory_space<hbm>> -> memref<10000x128xf32, #tpu.memory_space<hbm>>
      tpu.enqueue_indirect_dma source(%dma_start3A_93 : memref<10000x128xf32, #tpu.memory_space<hbm>>) target(%arg10 : memref<128x128xf32, #tpu.memory_space<vmem>>) offsets(%arg6 : memref<128xi32, #tpu.memory_space<vmem>>) semaphore(%arg13 : memref<!tpu.dma_semaphore, #tpu.memory_space<semaphore_mem>>)
      %mul3A_94 = arith.constant 2 : i32
      %mul3A_95 = arith.muli %while3A_76, %mul3A_94 : i32
      %add3A_96 = arith.constant 1 : i32
      %add3A_97 = arith.addi %mul3A_95, %add3A_96 : i32
      %dma_wait3A_98 = arith.constant 0 : i32
      %dma_wait3A_99 = arith.constant 0 : i32
      %dma_wait3A_100 = tpu.memref_slice %arg2[%dma_wait3A_98, %dma_wait3A_99] : memref<10000x128xf32, #tpu.memory_space<hbm>> -> memref<10000x128xf32, #tpu.memory_space<hbm>>
      tpu.wait_indirect_dma semaphore(%arg14 : memref<!tpu.dma_semaphore, #tpu.memory_space<semaphore_mem>>) src(%dma_wait3A_100 : memref<10000x128xf32, #tpu.memory_space<hbm>>) dst(%arg11 : memref<128x128xf32, #tpu.memory_space<vmem>>)
      "tpu.region"() ({
        %run_scoped3A = tpu.sem_alloc : memref<!tpu.dma_semaphore, #tpu.memory_space<semaphore_mem>>
        %dma_start3A_111 = arith.constant 0 : i32
        %dma_start3A_112 = arith.constant 0 : i32
        %dma_start3A_113 = tpu.memref_slice %arg12[%dma_start3A_111, %dma_start3A_112] : memref<10240x128xf32, #tpu.memory_space<vmem_shared>> -> memref<10240x128xf32, #tpu.memory_space<vmem_shared>>
        tpu.enqueue_indirect_dma source(%arg11 : memref<128x128xf32, #tpu.memory_space<vmem>>) target(%dma_start3A_113 : memref<10240x128xf32, #tpu.memory_space<vmem_shared>>) offsets(%arg9 : memref<128xi32, #tpu.memory_space<vmem>>) semaphore(%run_scoped3A : memref<!tpu.dma_semaphore, #tpu.memory_space<semaphore_mem>>) {add = true}
        %dma_wait3A_114 = arith.constant 0 : i32
        %dma_wait3A_115 = arith.constant 0 : i32
        %dma_wait3A_116 = tpu.memref_slice %arg12[%dma_wait3A_114, %dma_wait3A_115] : memref<10240x128xf32, #tpu.memory_space<vmem_shared>> -> memref<10240x128xf32, #tpu.memory_space<vmem_shared>>
        tpu.wait_indirect_dma semaphore(%run_scoped3A : memref<!tpu.dma_semaphore, #tpu.memory_space<semaphore_mem>>) src(%arg11 : memref<128x128xf32, #tpu.memory_space<vmem>>) dst(%dma_wait3A_116 : memref<10240x128xf32, #tpu.memory_space<vmem_shared>>)
        tpu.yield
      }) : () -> ()
      %add3A_101 = arith.addi %select_n3A, %add3A_97 : i32
      %add3A_102 = arith.constant 2 : i32
      %add3A_103 = arith.addi %add3A_101, %add3A_102 : i32
      "tpu.region"() ({
        %run_scoped3A = tpu.sem_alloc : memref<!tpu.dma_semaphore, #tpu.memory_space<semaphore_mem>>
        %dma_start3A_111 = arith.constant 0 : i32
        %dma_start3A_112 = tpu.memref_slice %arg3[%add3A_103, %dma_start3A_111] : memref<2560x128xi32, #tpu.memory_space<hbm>> -> memref<1x128xi32, #tpu.memory_space<hbm>>
        %dma_start3A_113 = tpu.memref_squeeze %dma_start3A_112 : memref<1x128xi32, #tpu.memory_space<hbm>> -> memref<128xi32, #tpu.memory_space<hbm>>
        %dma_start3A_114 = arith.constant 0 : i32
        %dma_start3A_115 = tpu.memref_slice %arg3[%add3A_103, %dma_start3A_114] : memref<2560x128xi32, #tpu.memory_space<hbm>> -> memref<1x128xi32, #tpu.memory_space<hbm>>
        %dma_start3A_116 = tpu.memref_squeeze %dma_start3A_115 : memref<1x128xi32, #tpu.memory_space<hbm>> -> memref<128xi32, #tpu.memory_space<hbm>>
        tpu.enqueue_dma source(%dma_start3A_116 : memref<128xi32, #tpu.memory_space<hbm>>) target(%arg8 : memref<128xi32, #tpu.memory_space<vmem>>) target_semaphore(%run_scoped3A : memref<!tpu.dma_semaphore, #tpu.memory_space<semaphore_mem>>)
        %dma_wait3A_117 = arith.constant 0 : i32
        %dma_wait3A_118 = tpu.memref_slice %arg3[%add3A_103, %dma_wait3A_117] : memref<2560x128xi32, #tpu.memory_space<hbm>> -> memref<1x128xi32, #tpu.memory_space<hbm>>
        %dma_wait3A_119 = tpu.memref_squeeze %dma_wait3A_118 : memref<1x128xi32, #tpu.memory_space<hbm>> -> memref<128xi32, #tpu.memory_space<hbm>>
        %dma_wait3A_120 = arith.constant 0 : i32
        %dma_wait3A_121 = tpu.memref_slice %arg3[%add3A_103, %dma_wait3A_120] : memref<2560x128xi32, #tpu.memory_space<hbm>> -> memref<1x128xi32, #tpu.memory_space<hbm>>
        %dma_wait3A_122 = tpu.memref_squeeze %dma_wait3A_121 : memref<1x128xi32, #tpu.memory_space<hbm>> -> memref<128xi32, #tpu.memory_space<hbm>>
        tpu.wait_dma2 semaphore(%run_scoped3A : memref<!tpu.dma_semaphore, #tpu.memory_space<semaphore_mem>>) src(%dma_wait3A_122 : memref<128xi32, #tpu.memory_space<hbm>>) dst(%arg8 : memref<128xi32, #tpu.memory_space<vmem>>)
        tpu.yield
      }) : () -> ()
      %add3A_104 = arith.addi %select_n3A, %add3A_97 : i32
      %add3A_105 = arith.constant 2 : i32
      %add3A_106 = arith.addi %add3A_104, %add3A_105 : i32
      "tpu.region"() ({
        %run_scoped3A = tpu.sem_alloc : memref<!tpu.dma_semaphore, #tpu.memory_space<semaphore_mem>>
        %dma_start3A_111 = arith.constant 0 : i32
        %dma_start3A_112 = tpu.memref_slice %arg4[%add3A_106, %dma_start3A_111] : memref<2560x128xi32, #tpu.memory_space<hbm>> -> memref<1x128xi32, #tpu.memory_space<hbm>>
        %dma_start3A_113 = tpu.memref_squeeze %dma_start3A_112 : memref<1x128xi32, #tpu.memory_space<hbm>> -> memref<128xi32, #tpu.memory_space<hbm>>
        %dma_start3A_114 = arith.constant 0 : i32
        %dma_start3A_115 = tpu.memref_slice %arg4[%add3A_106, %dma_start3A_114] : memref<2560x128xi32, #tpu.memory_space<hbm>> -> memref<1x128xi32, #tpu.memory_space<hbm>>
        %dma_start3A_116 = tpu.memref_squeeze %dma_start3A_115 : memref<1x128xi32, #tpu.memory_space<hbm>> -> memref<128xi32, #tpu.memory_space<hbm>>
        tpu.enqueue_dma source(%dma_start3A_116 : memref<128xi32, #tpu.memory_space<hbm>>) target(%arg9 : memref<128xi32, #tpu.memory_space<vmem>>) target_semaphore(%run_scoped3A : memref<!tpu.dma_semaphore, #tpu.memory_space<semaphore_mem>>)
        %dma_wait3A_117 = arith.constant 0 : i32
        %dma_wait3A_118 = tpu.memref_slice %arg4[%add3A_106, %dma_wait3A_117] : memref<2560x128xi32, #tpu.memory_space<hbm>> -> memref<1x128xi32, #tpu.memory_space<hbm>>
        %dma_wait3A_119 = tpu.memref_squeeze %dma_wait3A_118 : memref<1x128xi32, #tpu.memory_space<hbm>> -> memref<128xi32, #tpu.memory_space<hbm>>
        %dma_wait3A_120 = arith.constant 0 : i32
        %dma_wait3A_121 = tpu.memref_slice %arg4[%add3A_106, %dma_wait3A_120] : memref<2560x128xi32, #tpu.memory_space<hbm>> -> memref<1x128xi32, #tpu.memory_space<hbm>>
        %dma_wait3A_122 = tpu.memref_squeeze %dma_wait3A_121 : memref<1x128xi32, #tpu.memory_space<hbm>> -> memref<128xi32, #tpu.memory_space<hbm>>
        tpu.wait_dma2 semaphore(%run_scoped3A : memref<!tpu.dma_semaphore, #tpu.memory_space<semaphore_mem>>) src(%dma_wait3A_122 : memref<128xi32, #tpu.memory_space<hbm>>) dst(%arg9 : memref<128xi32, #tpu.memory_space<vmem>>)
        tpu.yield
      }) : () -> ()
      %dma_start3A_107 = arith.constant 0 : i32
      %dma_start3A_108 = arith.constant 0 : i32
      %dma_start3A_109 = tpu.memref_slice %arg2[%dma_start3A_107, %dma_start3A_108] : memref<10000x128xf32, #tpu.memory_space<hbm>> -> memref<10000x128xf32, #tpu.memory_space<hbm>>
      tpu.enqueue_indirect_dma source(%dma_start3A_109 : memref<10000x128xf32, #tpu.memory_space<hbm>>) target(%arg11 : memref<128x128xf32, #tpu.memory_space<vmem>>) offsets(%arg8 : memref<128xi32, #tpu.memory_space<vmem>>) semaphore(%arg14 : memref<!tpu.dma_semaphore, #tpu.memory_space<semaphore_mem>>)
      %while3A_110 = arith.constant 0 : i32
      scf.yield %while3A_110 : i32
    }
    %dma_wait3A = arith.constant 0 : i32
    %dma_wait3A_66 = arith.constant 0 : i32
    %dma_wait3A_67 = tpu.memref_slice %arg2[%dma_wait3A, %dma_wait3A_66] : memref<10000x128xf32, #tpu.memory_space<hbm>> -> memref<10000x128xf32, #tpu.memory_space<hbm>>
    tpu.wait_indirect_dma semaphore(%arg13 : memref<!tpu.dma_semaphore, #tpu.memory_space<semaphore_mem>>) src(%dma_wait3A_67 : memref<10000x128xf32, #tpu.memory_space<hbm>>) dst(%arg10 : memref<128x128xf32, #tpu.memory_space<vmem>>)
    "tpu.region"() ({
      %run_scoped3A = tpu.sem_alloc : memref<!tpu.dma_semaphore, #tpu.memory_space<semaphore_mem>>
      %dma_start3A_76 = arith.constant 0 : i32
      %dma_start3A_77 = arith.constant 0 : i32
      %dma_start3A_78 = tpu.memref_slice %arg12[%dma_start3A_76, %dma_start3A_77] : memref<10240x128xf32, #tpu.memory_space<vmem_shared>> -> memref<10240x128xf32, #tpu.memory_space<vmem_shared>>
      tpu.enqueue_indirect_dma source(%arg10 : memref<128x128xf32, #tpu.memory_space<vmem>>) target(%dma_start3A_78 : memref<10240x128xf32, #tpu.memory_space<vmem_shared>>) offsets(%arg7 : memref<128xi32, #tpu.memory_space<vmem>>) semaphore(%run_scoped3A : memref<!tpu.dma_semaphore, #tpu.memory_space<semaphore_mem>>) {add = true}
      %dma_wait3A_79 = arith.constant 0 : i32
      %dma_wait3A_80 = arith.constant 0 : i32
      %dma_wait3A_81 = tpu.memref_slice %arg12[%dma_wait3A_79, %dma_wait3A_80] : memref<10240x128xf32, #tpu.memory_space<vmem_shared>> -> memref<10240x128xf32, #tpu.memory_space<vmem_shared>>
      tpu.wait_indirect_dma semaphore(%run_scoped3A : memref<!tpu.dma_semaphore, #tpu.memory_space<semaphore_mem>>) src(%arg10 : memref<128x128xf32, #tpu.memory_space<vmem>>) dst(%dma_wait3A_81 : memref<10240x128xf32, #tpu.memory_space<vmem_shared>>)
      tpu.yield
    }) : () -> ()
    %dma_wait3A_68 = arith.constant 0 : i32
    %dma_wait3A_69 = arith.constant 0 : i32
    %dma_wait3A_70 = tpu.memref_slice %arg2[%dma_wait3A_68, %dma_wait3A_69] : memref<10000x128xf32, #tpu.memory_space<hbm>> -> memref<10000x128xf32, #tpu.memory_space<hbm>>
    tpu.wait_indirect_dma semaphore(%arg14 : memref<!tpu.dma_semaphore, #tpu.memory_space<semaphore_mem>>) src(%dma_wait3A_70 : memref<10000x128xf32, #tpu.memory_space<hbm>>) dst(%arg11 : memref<128x128xf32, #tpu.memory_space<vmem>>)
    "tpu.region"() ({
      %run_scoped3A = tpu.sem_alloc : memref<!tpu.dma_semaphore, #tpu.memory_space<semaphore_mem>>
      %dma_start3A_76 = arith.constant 0 : i32
      %dma_start3A_77 = arith.constant 0 : i32
      %dma_start3A_78 = tpu.memref_slice %arg12[%dma_start3A_76, %dma_start3A_77] : memref<10240x128xf32, #tpu.memory_space<vmem_shared>> -> memref<10240x128xf32, #tpu.memory_space<vmem_shared>>
      tpu.enqueue_indirect_dma source(%arg11 : memref<128x128xf32, #tpu.memory_space<vmem>>) target(%dma_start3A_78 : memref<10240x128xf32, #tpu.memory_space<vmem_shared>>) offsets(%arg9 : memref<128xi32, #tpu.memory_space<vmem>>) semaphore(%run_scoped3A : memref<!tpu.dma_semaphore, #tpu.memory_space<semaphore_mem>>) {add = true}
      %dma_wait3A_79 = arith.constant 0 : i32
      %dma_wait3A_80 = arith.constant 0 : i32
      %dma_wait3A_81 = tpu.memref_slice %arg12[%dma_wait3A_79, %dma_wait3A_80] : memref<10240x128xf32, #tpu.memory_space<vmem_shared>> -> memref<10240x128xf32, #tpu.memory_space<vmem_shared>>
      tpu.wait_indirect_dma semaphore(%run_scoped3A : memref<!tpu.dma_semaphore, #tpu.memory_space<semaphore_mem>>) src(%arg11 : memref<128x128xf32, #tpu.memory_space<vmem>>) dst(%dma_wait3A_81 : memref<10240x128xf32, #tpu.memory_space<vmem_shared>>)
      tpu.yield
    }) : () -> ()
    %barrier3A_71 = arith.constant 0 : index
    tpu.barrier barrier_id(%barrier3A_71)
    %mul3A_72 = arith.constant 640 : i32
    %mul3A_73 = arith.muli %arg1, %mul3A_72 : i32
    %mul3A_74 = arith.constant 640 : i32
    %mul3A_75 = arith.muli %arg1, %mul3A_74 : i32
    "tpu.region"() ({
      %run_scoped3A = tpu.sem_alloc : memref<!tpu.dma_semaphore, #tpu.memory_space<semaphore_mem>>
      %dma_start3A_76 = arith.constant 0 : i32
      %dma_start3A_77 = tpu.memref_slice %arg5[%arg0, %mul3A_75, %dma_start3A_76] : memref<2x10240x128xf32, #tpu.memory_space<hbm>> -> memref<1x640x128xf32, #tpu.memory_space<hbm>>
      %dma_start3A_78 = tpu.memref_squeeze %dma_start3A_77 : memref<1x640x128xf32, #tpu.memory_space<hbm>> -> memref<640x128xf32, #tpu.memory_space<hbm>>
      %dma_start3A_79 = arith.constant 0 : i32
      %dma_start3A_80 = tpu.memref_slice %arg12[%mul3A_73, %dma_start3A_79] : memref<10240x128xf32, #tpu.memory_space<vmem_shared>> -> memref<640x128xf32, #tpu.memory_space<vmem_shared>>
      tpu.enqueue_dma source(%dma_start3A_80 : memref<640x128xf32, #tpu.memory_space<vmem_shared>>) target(%dma_start3A_78 : memref<640x128xf32, #tpu.memory_space<hbm>>) target_semaphore(%run_scoped3A : memref<!tpu.dma_semaphore, #tpu.memory_space<semaphore_mem>>)
      %dma_wait3A_81 = arith.constant 0 : i32
      %dma_wait3A_82 = tpu.memref_slice %arg5[%arg0, %mul3A_75, %dma_wait3A_81] : memref<2x10240x128xf32, #tpu.memory_space<hbm>> -> memref<1x640x128xf32, #tpu.memory_space<hbm>>
      %dma_wait3A_83 = tpu.memref_squeeze %dma_wait3A_82 : memref<1x640x128xf32, #tpu.memory_space<hbm>> -> memref<640x128xf32, #tpu.memory_space<hbm>>
      %dma_wait3A_84 = arith.constant 0 : i32
      %dma_wait3A_85 = tpu.memref_slice %arg12[%mul3A_73, %dma_wait3A_84] : memref<10240x128xf32, #tpu.memory_space<vmem_shared>> -> memref<640x128xf32, #tpu.memory_space<vmem_shared>>
      tpu.wait_dma2 semaphore(%run_scoped3A : memref<!tpu.dma_semaphore, #tpu.memory_space<semaphore_mem>>) src(%dma_wait3A_85 : memref<640x128xf32, #tpu.memory_space<vmem_shared>>) dst(%dma_wait3A_83 : memref<640x128xf32, #tpu.memory_space<hbm>>)
      tpu.yield
    }) : () -> ()
    return
  }
}

#map = affine_map<(d0, d1) -> (0, 0)>
#map1 = affine_map<(d0, d1) -> (0, 0, 0)>
module attributes {stable_mosaic.version = 14 : i64} {
  func.func @_sc_scatter_body(%arg0: i32, %arg1: i32, %arg2: memref<10000x128xf32, #tpu.memory_space<hbm>>, %arg3: memref<2560x128xi32, #tpu.memory_space<hbm>>, %arg4: memref<2560x128xi32, #tpu.memory_space<hbm>>, %arg5: memref<2x10240x128xf32, #tpu.memory_space<hbm>>, %arg6: memref<128xi32, #tpu.memory_space<vmem>>, %arg7: memref<128xi32, #tpu.memory_space<vmem>>, %arg8: memref<128xi32, #tpu.memory_space<vmem>>, %arg9: memref<128xi32, #tpu.memory_space<vmem>>, %arg10: memref<128x128xf32, #tpu.memory_space<vmem>>, %arg11: memref<128x128xf32, #tpu.memory_space<vmem>>, %arg12: memref<10240x128xf32, #tpu.memory_space<vmem_shared>>, %arg13: memref<!tpu.dma_semaphore, #tpu.memory_space<semaphore_mem>>, %arg14: memref<!tpu.dma_semaphore, #tpu.memory_space<semaphore_mem>>) attributes {dimension_semantics = [#tpu.dimension_semantics<core_parallel>, #tpu.dimension_semantics<subcore_parallel>], iteration_bounds = array<i64: 2, 16>, scalar_prefetch = 0 : i64, scratch_operands = 9 : i64, tpu.core_type = #tpu.core_type<sc_vector_subcore>, window_params = [{transform_indices = #map}, {transform_indices = #map}, {transform_indices = #map}, {transform_indices = #map1}]} {
    %eq3A = arith.constant 0 : i32
    %eq3A_0 = arith.cmpi eq, %arg0, %eq3A : i32
    %mul3A = arith.constant 120 : i32
    %mul3A_1 = arith.muli %arg1, %mul3A : i32
    %mul3A_2 = arith.constant 40 : i32
    %mul3A_3 = arith.muli %arg1, %mul3A_2 : i32
    %add3A = arith.constant 1920 : i32
    %add3A_4 = arith.addi %add3A, %mul3A_3 : i32
    %select_n3A = arith.select %eq3A_0, %mul3A_1, %add3A_4 : i32
    %eq3A_5 = arith.constant 0 : i32
    %eq3A_6 = arith.cmpi eq, %arg0, %eq3A_5 : i32
    %jit3A = arith.constant 120 : i32
    %jit3A_7 = arith.constant 40 : i32
    %select_n3A_8 = arith.select %eq3A_6, %jit3A, %jit3A_7 : i32
    %scan3A = arith.constant 0 : i32
    %scan3A_9 = arith.constant 0 : i32
    %scan3A_10 = arith.constant 1024 : i32
    %scan3A_11 = arith.addi %scan3A_9, %scan3A_10 : i32
    %scan3A_12 = arith.constant 1 : i32
    %scan3A_13 = scf.for %scan3A_76 = %scan3A_9 to %scan3A_11 step %scan3A_12 iter_args(%scan3A_77 = %scan3A) -> (i32)  : i32 {
      %broadcast_in_dim3A = arith.constant 0.000000e+00 : f32
      %broadcast_in_dim3A_78 = vector.broadcast %broadcast_in_dim3A : f32 to vector<16xf32>
      %jit3A_79 = arith.constant 8 : i32
      %div3A_80 = arith.divsi %scan3A_76, %jit3A_79 : i32
      %sign3A_81 = arith.constant 0 : i32
      %sign3A_82 = arith.cmpi sgt, %scan3A_76, %sign3A_81 : i32
      %sign3A_83 = arith.extui %sign3A_82 : i1 to i32
      %sign3A_84 = arith.constant 0 : i32
      %sign3A_85 = arith.cmpi slt, %scan3A_76, %sign3A_84 : i32
      %sign3A_86 = arith.extui %sign3A_85 : i1 to i32
      %sign3A_87 = arith.subi %sign3A_83, %sign3A_86 : i32
      %sign3A_88 = arith.constant 0 : i32
      %sign3A_89 = arith.cmpi sgt, %jit3A_79, %sign3A_88 : i32
      %sign3A_90 = arith.extui %sign3A_89 : i1 to i32
      %sign3A_91 = arith.constant 0 : i32
      %sign3A_92 = arith.cmpi slt, %jit3A_79, %sign3A_91 : i32
      %sign3A_93 = arith.extui %sign3A_92 : i1 to i32
      %sign3A_94 = arith.subi %sign3A_90, %sign3A_93 : i32
      %ne3A_95 = arith.cmpi ne, %sign3A_87, %sign3A_94 : i32
      %rem3A_96 = arith.remsi %scan3A_76, %jit3A_79 : i32
      %ne3A_97 = arith.constant 0 : i32
      %ne3A_98 = arith.cmpi ne, %rem3A_96, %ne3A_97 : i32
      %and3A_99 = arith.andi %ne3A_95, %ne3A_98 : i1
      %sub3A_100 = arith.constant 1 : i32
      %sub3A_101 = arith.subi %div3A_80, %sub3A_100 : i32
      %select_n3A_102 = arith.select %and3A_99, %sub3A_101, %div3A_80 : i32
      %jit3A_103 = arith.constant 8 : i32
      %eq3A_104 = arith.constant 0 : i32
      %eq3A_105 = arith.cmpi eq, %jit3A_103, %eq3A_104 : i32
      %jit3A_106 = arith.constant 1 : i32
      %select_n3A_107 = arith.select %eq3A_105, %jit3A_106, %jit3A_103 : i32
      %rem3A_108 = arith.remsi %scan3A_76, %select_n3A_107 : i32
      %ne3A_109 = arith.constant 0 : i32
      %ne3A_110 = arith.cmpi ne, %rem3A_108, %ne3A_109 : i32
      %lt3A = arith.constant 0 : i32
      %lt3A_111 = arith.cmpi slt, %rem3A_108, %lt3A : i32
      %lt3A_112 = arith.constant 0 : i32
      %lt3A_113 = arith.cmpi slt, %select_n3A_107, %lt3A_112 : i32
      %ne3A_114 = arith.xori %lt3A_111, %lt3A_113 : i1
      %and3A_115 = arith.andi %ne3A_114, %ne3A_110 : i1
      %add3A_116 = arith.addi %rem3A_108, %select_n3A_107 : i32
      %select_n3A_117 = arith.select %and3A_115, %add3A_116, %rem3A_108 : i32
      %mul3A_118 = arith.constant 16 : i32
      %mul3A_119 = arith.muli %select_n3A_117, %mul3A_118 : i32
      %swap3A = arith.index_cast %select_n3A_102 : i32 to index
      %swap3A_120 = arith.index_cast %mul3A_119 : i32 to index
      %swap3A_121 = tpu.vector_load %arg10[%swap3A, %swap3A_120] {strides = array<i32>} : memref<128x128xf32, #tpu.memory_space<vmem>>, vector<1x16xf32>,
      %swap3A_122 = vector.shape_cast %swap3A_121 : vector<1x16xf32> to vector<16xf32>
      %swap3A_123 = vector.shape_cast %broadcast_in_dim3A_78 : vector<16xf32> to vector<1x16xf32>
      tpu.vector_store %arg10[%swap3A, %swap3A_120], %swap3A_123 {strides = array<i32>} : memref<128x128xf32, #tpu.memory_space<vmem>>, vector<1x16xf32>,
      %scan3A_124 = arith.constant 0 : i32
      scf.yield %scan3A_124 : i32
    }
    %scan3A_14 = arith.constant 1024 : i32
    %scan3A_15 = arith.constant 0 : i32
    %scan3A_16 = arith.constant 0 : i32
    %scan3A_17 = arith.constant 5 : i32
    %scan3A_18 = arith.addi %scan3A_16, %scan3A_17 : i32
    %scan3A_19 = arith.constant 1 : i32
    %scan3A_20 = scf.for %scan3A_76 = %scan3A_16 to %scan3A_18 step %scan3A_19 iter_args(%scan3A_77 = %scan3A_15) -> (i32)  : i32 {
      %mul3A_78 = arith.constant 640 : i32
      %mul3A_79 = arith.muli %arg1, %mul3A_78 : i32
      %mul3A_80 = arith.constant 128 : i32
      %mul3A_81 = arith.muli %scan3A_76, %mul3A_80 : i32
      %add3A_82 = arith.addi %mul3A_79, %mul3A_81 : i32
      "tpu.region"() ({
        %run_scoped3A = tpu.sem_alloc : memref<!tpu.dma_semaphore, #tpu.memory_space<semaphore_mem>>
        %dma_start3A_84 = arith.constant 0 : i32
        %dma_start3A_85 = tpu.memref_slice %arg12[%add3A_82, %dma_start3A_84] : memref<10240x128xf32, #tpu.memory_space<vmem_shared>> -> memref<128x128xf32, #tpu.memory_space<vmem_shared>>
        %dma_start3A_86 = arith.constant 0 : i32
        %dma_start3A_87 = tpu.memref_slice %arg12[%add3A_82, %dma_start3A_86] : memref<10240x128xf32, #tpu.memory_space<vmem_shared>> -> memref<128x128xf32, #tpu.memory_space<vmem_shared>>
        tpu.enqueue_dma source(%arg10 : memref<128x128xf32, #tpu.memory_space<vmem>>) target(%dma_start3A_87 : memref<128x128xf32, #tpu.memory_space<vmem_shared>>) target_semaphore(%run_scoped3A : memref<!tpu.dma_semaphore, #tpu.memory_space<semaphore_mem>>)
        %dma_wait3A_88 = arith.constant 0 : i32
        %dma_wait3A_89 = tpu.memref_slice %arg12[%add3A_82, %dma_wait3A_88] : memref<10240x128xf32, #tpu.memory_space<vmem_shared>> -> memref<128x128xf32, #tpu.memory_space<vmem_shared>>
        %dma_wait3A_90 = arith.constant 0 : i32
        %dma_wait3A_91 = tpu.memref_slice %arg12[%add3A_82, %dma_wait3A_90] : memref<10240x128xf32, #tpu.memory_space<vmem_shared>> -> memref<128x128xf32, #tpu.memory_space<vmem_shared>>
        tpu.wait_dma2 semaphore(%run_scoped3A : memref<!tpu.dma_semaphore, #tpu.memory_space<semaphore_mem>>) src(%arg10 : memref<128x128xf32, #tpu.memory_space<vmem>>) dst(%dma_wait3A_91 : memref<128x128xf32, #tpu.memory_space<vmem_shared>>)
        tpu.yield
      }) : () -> ()
      %scan3A_83 = arith.constant 0 : i32
      scf.yield %scan3A_83 : i32
    }
    %scan3A_21 = arith.constant 5 : i32
    %barrier3A = arith.constant 0 : index
    tpu.barrier barrier_id(%barrier3A)
    %add3A_22 = arith.constant 0 : i32
    %add3A_23 = arith.addi %select_n3A, %add3A_22 : i32
    "tpu.region"() ({
      %run_scoped3A = tpu.sem_alloc : memref<!tpu.dma_semaphore, #tpu.memory_space<semaphore_mem>>
      %dma_start3A_76 = arith.constant 0 : i32
      %dma_start3A_77 = tpu.memref_slice %arg3[%add3A_23, %dma_start3A_76] : memref<2560x128xi32, #tpu.memory_space<hbm>> -> memref<1x128xi32, #tpu.memory_space<hbm>>
      %dma_start3A_78 = tpu.memref_squeeze %dma_start3A_77 : memref<1x128xi32, #tpu.memory_space<hbm>> -> memref<128xi32, #tpu.memory_space<hbm>>
      %dma_start3A_79 = arith.constant 0 : i32
      %dma_start3A_80 = tpu.memref_slice %arg3[%add3A_23, %dma_start3A_79] : memref<2560x128xi32, #tpu.memory_space<hbm>> -> memref<1x128xi32, #tpu.memory_space<hbm>>
      %dma_start3A_81 = tpu.memref_squeeze %dma_start3A_80 : memref<1x128xi32, #tpu.memory_space<hbm>> -> memref<128xi32, #tpu.memory_space<hbm>>
      tpu.enqueue_dma source(%dma_start3A_81 : memref<128xi32, #tpu.memory_space<hbm>>) target(%arg6 : memref<128xi32, #tpu.memory_space<vmem>>) target_semaphore(%run_scoped3A : memref<!tpu.dma_semaphore, #tpu.memory_space<semaphore_mem>>)
      %dma_wait3A_82 = arith.constant 0 : i32
      %dma_wait3A_83 = tpu.memref_slice %arg3[%add3A_23, %dma_wait3A_82] : memref<2560x128xi32, #tpu.memory_space<hbm>> -> memref<1x128xi32, #tpu.memory_space<hbm>>
      %dma_wait3A_84 = tpu.memref_squeeze %dma_wait3A_83 : memref<1x128xi32, #tpu.memory_space<hbm>> -> memref<128xi32, #tpu.memory_space<hbm>>
      %dma_wait3A_85 = arith.constant 0 : i32
      %dma_wait3A_86 = tpu.memref_slice %arg3[%add3A_23, %dma_wait3A_85] : memref<2560x128xi32, #tpu.memory_space<hbm>> -> memref<1x128xi32, #tpu.memory_space<hbm>>
      %dma_wait3A_87 = tpu.memref_squeeze %dma_wait3A_86 : memref<1x128xi32, #tpu.memory_space<hbm>> -> memref<128xi32, #tpu.memory_space<hbm>>
      tpu.wait_dma2 semaphore(%run_scoped3A : memref<!tpu.dma_semaphore, #tpu.memory_space<semaphore_mem>>) src(%dma_wait3A_87 : memref<128xi32, #tpu.memory_space<hbm>>) dst(%arg6 : memref<128xi32, #tpu.memory_space<vmem>>)
      tpu.yield
    }) : () -> ()
    %add3A_24 = arith.constant 0 : i32
    %add3A_25 = arith.addi %select_n3A, %add3A_24 : i32
    "tpu.region"() ({
      %run_scoped3A = tpu.sem_alloc : memref<!tpu.dma_semaphore, #tpu.memory_space<semaphore_mem>>
      %dma_start3A_76 = arith.constant 0 : i32
      %dma_start3A_77 = tpu.memref_slice %arg4[%add3A_25, %dma_start3A_76] : memref<2560x128xi32, #tpu.memory_space<hbm>> -> memref<1x128xi32, #tpu.memory_space<hbm>>
      %dma_start3A_78 = tpu.memref_squeeze %dma_start3A_77 : memref<1x128xi32, #tpu.memory_space<hbm>> -> memref<128xi32, #tpu.memory_space<hbm>>
      %dma_start3A_79 = arith.constant 0 : i32
      %dma_start3A_80 = tpu.memref_slice %arg4[%add3A_25, %dma_start3A_79] : memref<2560x128xi32, #tpu.memory_space<hbm>> -> memref<1x128xi32, #tpu.memory_space<hbm>>
      %dma_start3A_81 = tpu.memref_squeeze %dma_start3A_80 : memref<1x128xi32, #tpu.memory_space<hbm>> -> memref<128xi32, #tpu.memory_space<hbm>>
      tpu.enqueue_dma source(%dma_start3A_81 : memref<128xi32, #tpu.memory_space<hbm>>) target(%arg7 : memref<128xi32, #tpu.memory_space<vmem>>) target_semaphore(%run_scoped3A : memref<!tpu.dma_semaphore, #tpu.memory_space<semaphore_mem>>)
      %dma_wait3A_82 = arith.constant 0 : i32
      %dma_wait3A_83 = tpu.memref_slice %arg4[%add3A_25, %dma_wait3A_82] : memref<2560x128xi32, #tpu.memory_space<hbm>> -> memref<1x128xi32, #tpu.memory_space<hbm>>
      %dma_wait3A_84 = tpu.memref_squeeze %dma_wait3A_83 : memref<1x128xi32, #tpu.memory_space<hbm>> -> memref<128xi32, #tpu.memory_space<hbm>>
      %dma_wait3A_85 = arith.constant 0 : i32
      %dma_wait3A_86 = tpu.memref_slice %arg4[%add3A_25, %dma_wait3A_85] : memref<2560x128xi32, #tpu.memory_space<hbm>> -> memref<1x128xi32, #tpu.memory_space<hbm>>
      %dma_wait3A_87 = tpu.memref_squeeze %dma_wait3A_86 : memref<1x128xi32, #tpu.memory_space<hbm>> -> memref<128xi32, #tpu.memory_space<hbm>>
      tpu.wait_dma2 semaphore(%run_scoped3A : memref<!tpu.dma_semaphore, #tpu.memory_space<semaphore_mem>>) src(%dma_wait3A_87 : memref<128xi32, #tpu.memory_space<hbm>>) dst(%arg7 : memref<128xi32, #tpu.memory_space<vmem>>)
      tpu.yield
    }) : () -> ()
    %dma_start3A = arith.constant 0 : i32
    %dma_start3A_26 = arith.constant 0 : i32
    %dma_start3A_27 = tpu.memref_slice %arg2[%dma_start3A, %dma_start3A_26] : memref<10000x128xf32, #tpu.memory_space<hbm>> -> memref<10000x128xf32, #tpu.memory_space<hbm>>
    tpu.enqueue_indirect_dma source(%dma_start3A_27 : memref<10000x128xf32, #tpu.memory_space<hbm>>) target(%arg10 : memref<128x128xf32, #tpu.memory_space<vmem>>) offsets(%arg6 : memref<128xi32, #tpu.memory_space<vmem>>) semaphore(%arg13 : memref<!tpu.dma_semaphore, #tpu.memory_space<semaphore_mem>>)
    %add3A_28 = arith.constant 1 : i32
    %add3A_29 = arith.addi %select_n3A, %add3A_28 : i32
    "tpu.region"() ({
      %run_scoped3A = tpu.sem_alloc : memref<!tpu.dma_semaphore, #tpu.memory_space<semaphore_mem>>
      %dma_start3A_76 = arith.constant 0 : i32
      %dma_start3A_77 = tpu.memref_slice %arg3[%add3A_29, %dma_start3A_76] : memref<2560x128xi32, #tpu.memory_space<hbm>> -> memref<1x128xi32, #tpu.memory_space<hbm>>
      %dma_start3A_78 = tpu.memref_squeeze %dma_start3A_77 : memref<1x128xi32, #tpu.memory_space<hbm>> -> memref<128xi32, #tpu.memory_space<hbm>>
      %dma_start3A_79 = arith.constant 0 : i32
      %dma_start3A_80 = tpu.memref_slice %arg3[%add3A_29, %dma_start3A_79] : memref<2560x128xi32, #tpu.memory_space<hbm>> -> memref<1x128xi32, #tpu.memory_space<hbm>>
      %dma_start3A_81 = tpu.memref_squeeze %dma_start3A_80 : memref<1x128xi32, #tpu.memory_space<hbm>> -> memref<128xi32, #tpu.memory_space<hbm>>
      tpu.enqueue_dma source(%dma_start3A_81 : memref<128xi32, #tpu.memory_space<hbm>>) target(%arg8 : memref<128xi32, #tpu.memory_space<vmem>>) target_semaphore(%run_scoped3A : memref<!tpu.dma_semaphore, #tpu.memory_space<semaphore_mem>>)
      %dma_wait3A_82 = arith.constant 0 : i32
      %dma_wait3A_83 = tpu.memref_slice %arg3[%add3A_29, %dma_wait3A_82] : memref<2560x128xi32, #tpu.memory_space<hbm>> -> memref<1x128xi32, #tpu.memory_space<hbm>>
      %dma_wait3A_84 = tpu.memref_squeeze %dma_wait3A_83 : memref<1x128xi32, #tpu.memory_space<hbm>> -> memref<128xi32, #tpu.memory_space<hbm>>
      %dma_wait3A_85 = arith.constant 0 : i32
      %dma_wait3A_86 = tpu.memref_slice %arg3[%add3A_29, %dma_wait3A_85] : memref<2560x128xi32, #tpu.memory_space<hbm>> -> memref<1x128xi32, #tpu.memory_space<hbm>>
      %dma_wait3A_87 = tpu.memref_squeeze %dma_wait3A_86 : memref<1x128xi32, #tpu.memory_space<hbm>> -> memref<128xi32, #tpu.memory_space<hbm>>
      tpu.wait_dma2 semaphore(%run_scoped3A : memref<!tpu.dma_semaphore, #tpu.memory_space<semaphore_mem>>) src(%dma_wait3A_87 : memref<128xi32, #tpu.memory_space<hbm>>) dst(%arg8 : memref<128xi32, #tpu.memory_space<vmem>>)
      tpu.yield
    }) : () -> ()
    %add3A_30 = arith.constant 1 : i32
    %add3A_31 = arith.addi %select_n3A, %add3A_30 : i32
    "tpu.region"() ({
      %run_scoped3A = tpu.sem_alloc : memref<!tpu.dma_semaphore, #tpu.memory_space<semaphore_mem>>
      %dma_start3A_76 = arith.constant 0 : i32
      %dma_start3A_77 = tpu.memref_slice %arg4[%add3A_31, %dma_start3A_76] : memref<2560x128xi32, #tpu.memory_space<hbm>> -> memref<1x128xi32, #tpu.memory_space<hbm>>
      %dma_start3A_78 = tpu.memref_squeeze %dma_start3A_77 : memref<1x128xi32, #tpu.memory_space<hbm>> -> memref<128xi32, #tpu.memory_space<hbm>>
      %dma_start3A_79 = arith.constant 0 : i32
      %dma_start3A_80 = tpu.memref_slice %arg4[%add3A_31, %dma_start3A_79] : memref<2560x128xi32, #tpu.memory_space<hbm>> -> memref<1x128xi32, #tpu.memory_space<hbm>>
      %dma_start3A_81 = tpu.memref_squeeze %dma_start3A_80 : memref<1x128xi32, #tpu.memory_space<hbm>> -> memref<128xi32, #tpu.memory_space<hbm>>
      tpu.enqueue_dma source(%dma_start3A_81 : memref<128xi32, #tpu.memory_space<hbm>>) target(%arg9 : memref<128xi32, #tpu.memory_space<vmem>>) target_semaphore(%run_scoped3A : memref<!tpu.dma_semaphore, #tpu.memory_space<semaphore_mem>>)
      %dma_wait3A_82 = arith.constant 0 : i32
      %dma_wait3A_83 = tpu.memref_slice %arg4[%add3A_31, %dma_wait3A_82] : memref<2560x128xi32, #tpu.memory_space<hbm>> -> memref<1x128xi32, #tpu.memory_space<hbm>>
      %dma_wait3A_84 = tpu.memref_squeeze %dma_wait3A_83 : memref<1x128xi32, #tpu.memory_space<hbm>> -> memref<128xi32, #tpu.memory_space<hbm>>
      %dma_wait3A_85 = arith.constant 0 : i32
      %dma_wait3A_86 = tpu.memref_slice %arg4[%add3A_31, %dma_wait3A_85] : memref<2560x128xi32, #tpu.memory_space<hbm>> -> memref<1x128xi32, #tpu.memory_space<hbm>>
      %dma_wait3A_87 = tpu.memref_squeeze %dma_wait3A_86 : memref<1x128xi32, #tpu.memory_space<hbm>> -> memref<128xi32, #tpu.memory_space<hbm>>
      tpu.wait_dma2 semaphore(%run_scoped3A : memref<!tpu.dma_semaphore, #tpu.memory_space<semaphore_mem>>) src(%dma_wait3A_87 : memref<128xi32, #tpu.memory_space<hbm>>) dst(%arg9 : memref<128xi32, #tpu.memory_space<vmem>>)
      tpu.yield
    }) : () -> ()
    %dma_start3A_32 = arith.constant 0 : i32
    %dma_start3A_33 = arith.constant 0 : i32
    %dma_start3A_34 = tpu.memref_slice %arg2[%dma_start3A_32, %dma_start3A_33] : memref<10000x128xf32, #tpu.memory_space<hbm>> -> memref<10000x128xf32, #tpu.memory_space<hbm>>
    tpu.enqueue_indirect_dma source(%dma_start3A_34 : memref<10000x128xf32, #tpu.memory_space<hbm>>) target(%arg11 : memref<128x128xf32, #tpu.memory_space<vmem>>) offsets(%arg8 : memref<128xi32, #tpu.memory_space<vmem>>) semaphore(%arg14 : memref<!tpu.dma_semaphore, #tpu.memory_space<semaphore_mem>>)
    %jit3A_35 = arith.constant 2 : i32
    %div3A = arith.divsi %select_n3A_8, %jit3A_35 : i32
    %sign3A = arith.constant 0 : i32
    %sign3A_36 = arith.cmpi sgt, %select_n3A_8, %sign3A : i32
    %sign3A_37 = arith.extui %sign3A_36 : i1 to i32
    %sign3A_38 = arith.constant 0 : i32
    %sign3A_39 = arith.cmpi slt, %select_n3A_8, %sign3A_38 : i32
    %sign3A_40 = arith.extui %sign3A_39 : i1 to i32
    %sign3A_41 = arith.subi %sign3A_37, %sign3A_40 : i32
    %sign3A_42 = arith.constant 0 : i32
    %sign3A_43 = arith.cmpi sgt, %jit3A_35, %sign3A_42 : i32
    %sign3A_44 = arith.extui %sign3A_43 : i1 to i32
    %sign3A_45 = arith.constant 0 : i32
    %sign3A_46 = arith.cmpi slt, %jit3A_35, %sign3A_45 : i32
    %sign3A_47 = arith.extui %sign3A_46 : i1 to i32
    %sign3A_48 = arith.subi %sign3A_44, %sign3A_47 : i32
    %ne3A = arith.cmpi ne, %sign3A_41, %sign3A_48 : i32
    %rem3A = arith.remsi %select_n3A_8, %jit3A_35 : i32
    %ne3A_49 = arith.constant 0 : i32
    %ne3A_50 = arith.cmpi ne, %rem3A, %ne3A_49 : i32
    %and3A = arith.andi %ne3A, %ne3A_50 : i1
    %sub3A = arith.constant 1 : i32
    %sub3A_51 = arith.subi %div3A, %sub3A : i32
    %select_n3A_52 = arith.select %and3A, %sub3A_51, %div3A : i32
    %sub3A_53 = arith.constant 1 : i32
    %sub3A_54 = arith.subi %select_n3A_52, %sub3A_53 : i32
    %while3A = arith.constant 0 : i32
    %while3A_55 = arith.constant 0 : i32
    %while3A_56 = arith.subi %sub3A_54, %while3A : i32
    %while3A_57 = arith.addi %while3A, %while3A_56 : i32
    %while3A_58 = arith.constant 1 : i32
    %while3A_59 = arith.divsi %while3A_56, %while3A_58 : i32
    %while3A_60 = arith.muli %while3A_59, %while3A_58 : i32
    %while3A_61 = arith.addi %while3A, %while3A_60 : i32
    %while3A_62 = arith.constant 1 : i32
    %while3A_63 = scf.for %while3A_76 = %while3A to %while3A_61 step %while3A_62 iter_args(%while3A_77 = %while3A_55) -> (i32)  : i32 {
      %mul3A_78 = arith.constant 2 : i32
      %mul3A_79 = arith.muli %while3A_76, %mul3A_78 : i32
      %add3A_80 = arith.constant 0 : i32
      %add3A_81 = arith.addi %mul3A_79, %add3A_80 : i32
      %dma_wait3A_82 = arith.constant 0 : i32
      %dma_wait3A_83 = arith.constant 0 : i32
      %dma_wait3A_84 = tpu.memref_slice %arg2[%dma_wait3A_82, %dma_wait3A_83] : memref<10000x128xf32, #tpu.memory_space<hbm>> -> memref<10000x128xf32, #tpu.memory_space<hbm>>
      tpu.wait_indirect_dma semaphore(%arg13 : memref<!tpu.dma_semaphore, #tpu.memory_space<semaphore_mem>>) src(%dma_wait3A_84 : memref<10000x128xf32, #tpu.memory_space<hbm>>) dst(%arg10 : memref<128x128xf32, #tpu.memory_space<vmem>>)
      "tpu.region"() ({
        %run_scoped3A = tpu.sem_alloc : memref<!tpu.dma_semaphore, #tpu.memory_space<semaphore_mem>>
        %dma_start3A_111 = arith.constant 0 : i32
        %dma_start3A_112 = arith.constant 0 : i32
        %dma_start3A_113 = tpu.memref_slice %arg12[%dma_start3A_111, %dma_start3A_112] : memref<10240x128xf32, #tpu.memory_space<vmem_shared>> -> memref<10240x128xf32, #tpu.memory_space<vmem_shared>>
        tpu.enqueue_indirect_dma source(%arg10 : memref<128x128xf32, #tpu.memory_space<vmem>>) target(%dma_start3A_113 : memref<10240x128xf32, #tpu.memory_space<vmem_shared>>) offsets(%arg7 : memref<128xi32, #tpu.memory_space<vmem>>) semaphore(%run_scoped3A : memref<!tpu.dma_semaphore, #tpu.memory_space<semaphore_mem>>) {add = true}
        %dma_wait3A_114 = arith.constant 0 : i32
        %dma_wait3A_115 = arith.constant 0 : i32
        %dma_wait3A_116 = tpu.memref_slice %arg12[%dma_wait3A_114, %dma_wait3A_115] : memref<10240x128xf32, #tpu.memory_space<vmem_shared>> -> memref<10240x128xf32, #tpu.memory_space<vmem_shared>>
        tpu.wait_indirect_dma semaphore(%run_scoped3A : memref<!tpu.dma_semaphore, #tpu.memory_space<semaphore_mem>>) src(%arg10 : memref<128x128xf32, #tpu.memory_space<vmem>>) dst(%dma_wait3A_116 : memref<10240x128xf32, #tpu.memory_space<vmem_shared>>)
        tpu.yield
      }) : () -> ()
      %add3A_85 = arith.addi %select_n3A, %add3A_81 : i32
      %add3A_86 = arith.constant 2 : i32
      %add3A_87 = arith.addi %add3A_85, %add3A_86 : i32
      "tpu.region"() ({
        %run_scoped3A = tpu.sem_alloc : memref<!tpu.dma_semaphore, #tpu.memory_space<semaphore_mem>>
        %dma_start3A_111 = arith.constant 0 : i32
        %dma_start3A_112 = tpu.memref_slice %arg3[%add3A_87, %dma_start3A_111] : memref<2560x128xi32, #tpu.memory_space<hbm>> -> memref<1x128xi32, #tpu.memory_space<hbm>>
        %dma_start3A_113 = tpu.memref_squeeze %dma_start3A_112 : memref<1x128xi32, #tpu.memory_space<hbm>> -> memref<128xi32, #tpu.memory_space<hbm>>
        %dma_start3A_114 = arith.constant 0 : i32
        %dma_start3A_115 = tpu.memref_slice %arg3[%add3A_87, %dma_start3A_114] : memref<2560x128xi32, #tpu.memory_space<hbm>> -> memref<1x128xi32, #tpu.memory_space<hbm>>
        %dma_start3A_116 = tpu.memref_squeeze %dma_start3A_115 : memref<1x128xi32, #tpu.memory_space<hbm>> -> memref<128xi32, #tpu.memory_space<hbm>>
        tpu.enqueue_dma source(%dma_start3A_116 : memref<128xi32, #tpu.memory_space<hbm>>) target(%arg6 : memref<128xi32, #tpu.memory_space<vmem>>) target_semaphore(%run_scoped3A : memref<!tpu.dma_semaphore, #tpu.memory_space<semaphore_mem>>)
        %dma_wait3A_117 = arith.constant 0 : i32
        %dma_wait3A_118 = tpu.memref_slice %arg3[%add3A_87, %dma_wait3A_117] : memref<2560x128xi32, #tpu.memory_space<hbm>> -> memref<1x128xi32, #tpu.memory_space<hbm>>
        %dma_wait3A_119 = tpu.memref_squeeze %dma_wait3A_118 : memref<1x128xi32, #tpu.memory_space<hbm>> -> memref<128xi32, #tpu.memory_space<hbm>>
        %dma_wait3A_120 = arith.constant 0 : i32
        %dma_wait3A_121 = tpu.memref_slice %arg3[%add3A_87, %dma_wait3A_120] : memref<2560x128xi32, #tpu.memory_space<hbm>> -> memref<1x128xi32, #tpu.memory_space<hbm>>
        %dma_wait3A_122 = tpu.memref_squeeze %dma_wait3A_121 : memref<1x128xi32, #tpu.memory_space<hbm>> -> memref<128xi32, #tpu.memory_space<hbm>>
        tpu.wait_dma2 semaphore(%run_scoped3A : memref<!tpu.dma_semaphore, #tpu.memory_space<semaphore_mem>>) src(%dma_wait3A_122 : memref<128xi32, #tpu.memory_space<hbm>>) dst(%arg6 : memref<128xi32, #tpu.memory_space<vmem>>)
        tpu.yield
      }) : () -> ()
      %add3A_88 = arith.addi %select_n3A, %add3A_81 : i32
      %add3A_89 = arith.constant 2 : i32
      %add3A_90 = arith.addi %add3A_88, %add3A_89 : i32
      "tpu.region"() ({
        %run_scoped3A = tpu.sem_alloc : memref<!tpu.dma_semaphore, #tpu.memory_space<semaphore_mem>>
        %dma_start3A_111 = arith.constant 0 : i32
        %dma_start3A_112 = tpu.memref_slice %arg4[%add3A_90, %dma_start3A_111] : memref<2560x128xi32, #tpu.memory_space<hbm>> -> memref<1x128xi32, #tpu.memory_space<hbm>>
        %dma_start3A_113 = tpu.memref_squeeze %dma_start3A_112 : memref<1x128xi32, #tpu.memory_space<hbm>> -> memref<128xi32, #tpu.memory_space<hbm>>
        %dma_start3A_114 = arith.constant 0 : i32
        %dma_start3A_115 = tpu.memref_slice %arg4[%add3A_90, %dma_start3A_114] : memref<2560x128xi32, #tpu.memory_space<hbm>> -> memref<1x128xi32, #tpu.memory_space<hbm>>
        %dma_start3A_116 = tpu.memref_squeeze %dma_start3A_115 : memref<1x128xi32, #tpu.memory_space<hbm>> -> memref<128xi32, #tpu.memory_space<hbm>>
        tpu.enqueue_dma source(%dma_start3A_116 : memref<128xi32, #tpu.memory_space<hbm>>) target(%arg7 : memref<128xi32, #tpu.memory_space<vmem>>) target_semaphore(%run_scoped3A : memref<!tpu.dma_semaphore, #tpu.memory_space<semaphore_mem>>)
        %dma_wait3A_117 = arith.constant 0 : i32
        %dma_wait3A_118 = tpu.memref_slice %arg4[%add3A_90, %dma_wait3A_117] : memref<2560x128xi32, #tpu.memory_space<hbm>> -> memref<1x128xi32, #tpu.memory_space<hbm>>
        %dma_wait3A_119 = tpu.memref_squeeze %dma_wait3A_118 : memref<1x128xi32, #tpu.memory_space<hbm>> -> memref<128xi32, #tpu.memory_space<hbm>>
        %dma_wait3A_120 = arith.constant 0 : i32
        %dma_wait3A_121 = tpu.memref_slice %arg4[%add3A_90, %dma_wait3A_120] : memref<2560x128xi32, #tpu.memory_space<hbm>> -> memref<1x128xi32, #tpu.memory_space<hbm>>
        %dma_wait3A_122 = tpu.memref_squeeze %dma_wait3A_121 : memref<1x128xi32, #tpu.memory_space<hbm>> -> memref<128xi32, #tpu.memory_space<hbm>>
        tpu.wait_dma2 semaphore(%run_scoped3A : memref<!tpu.dma_semaphore, #tpu.memory_space<semaphore_mem>>) src(%dma_wait3A_122 : memref<128xi32, #tpu.memory_space<hbm>>) dst(%arg7 : memref<128xi32, #tpu.memory_space<vmem>>)
        tpu.yield
      }) : () -> ()
      %dma_start3A_91 = arith.constant 0 : i32
      %dma_start3A_92 = arith.constant 0 : i32
      %dma_start3A_93 = tpu.memref_slice %arg2[%dma_start3A_91, %dma_start3A_92] : memref<10000x128xf32, #tpu.memory_space<hbm>> -> memref<10000x128xf32, #tpu.memory_space<hbm>>
      tpu.enqueue_indirect_dma source(%dma_start3A_93 : memref<10000x128xf32, #tpu.memory_space<hbm>>) target(%arg10 : memref<128x128xf32, #tpu.memory_space<vmem>>) offsets(%arg6 : memref<128xi32, #tpu.memory_space<vmem>>) semaphore(%arg13 : memref<!tpu.dma_semaphore, #tpu.memory_space<semaphore_mem>>)
      %mul3A_94 = arith.constant 2 : i32
      %mul3A_95 = arith.muli %while3A_76, %mul3A_94 : i32
      %add3A_96 = arith.constant 1 : i32
      %add3A_97 = arith.addi %mul3A_95, %add3A_96 : i32
      %dma_wait3A_98 = arith.constant 0 : i32
      %dma_wait3A_99 = arith.constant 0 : i32
      %dma_wait3A_100 = tpu.memref_slice %arg2[%dma_wait3A_98, %dma_wait3A_99] : memref<10000x128xf32, #tpu.memory_space<hbm>> -> memref<10000x128xf32, #tpu.memory_space<hbm>>
      tpu.wait_indirect_dma semaphore(%arg14 : memref<!tpu.dma_semaphore, #tpu.memory_space<semaphore_mem>>) src(%dma_wait3A_100 : memref<10000x128xf32, #tpu.memory_space<hbm>>) dst(%arg11 : memref<128x128xf32, #tpu.memory_space<vmem>>)
      "tpu.region"() ({
        %run_scoped3A = tpu.sem_alloc : memref<!tpu.dma_semaphore, #tpu.memory_space<semaphore_mem>>
        %dma_start3A_111 = arith.constant 0 : i32
        %dma_start3A_112 = arith.constant 0 : i32
        %dma_start3A_113 = tpu.memref_slice %arg12[%dma_start3A_111, %dma_start3A_112] : memref<10240x128xf32, #tpu.memory_space<vmem_shared>> -> memref<10240x128xf32, #tpu.memory_space<vmem_shared>>
        tpu.enqueue_indirect_dma source(%arg11 : memref<128x128xf32, #tpu.memory_space<vmem>>) target(%dma_start3A_113 : memref<10240x128xf32, #tpu.memory_space<vmem_shared>>) offsets(%arg9 : memref<128xi32, #tpu.memory_space<vmem>>) semaphore(%run_scoped3A : memref<!tpu.dma_semaphore, #tpu.memory_space<semaphore_mem>>) {add = true}
        %dma_wait3A_114 = arith.constant 0 : i32
        %dma_wait3A_115 = arith.constant 0 : i32
        %dma_wait3A_116 = tpu.memref_slice %arg12[%dma_wait3A_114, %dma_wait3A_115] : memref<10240x128xf32, #tpu.memory_space<vmem_shared>> -> memref<10240x128xf32, #tpu.memory_space<vmem_shared>>
        tpu.wait_indirect_dma semaphore(%run_scoped3A : memref<!tpu.dma_semaphore, #tpu.memory_space<semaphore_mem>>) src(%arg11 : memref<128x128xf32, #tpu.memory_space<vmem>>) dst(%dma_wait3A_116 : memref<10240x128xf32, #tpu.memory_space<vmem_shared>>)
        tpu.yield
      }) : () -> ()
      %add3A_101 = arith.addi %select_n3A, %add3A_97 : i32
      %add3A_102 = arith.constant 2 : i32
      %add3A_103 = arith.addi %add3A_101, %add3A_102 : i32
      "tpu.region"() ({
        %run_scoped3A = tpu.sem_alloc : memref<!tpu.dma_semaphore, #tpu.memory_space<semaphore_mem>>
        %dma_start3A_111 = arith.constant 0 : i32
        %dma_start3A_112 = tpu.memref_slice %arg3[%add3A_103, %dma_start3A_111] : memref<2560x128xi32, #tpu.memory_space<hbm>> -> memref<1x128xi32, #tpu.memory_space<hbm>>
        %dma_start3A_113 = tpu.memref_squeeze %dma_start3A_112 : memref<1x128xi32, #tpu.memory_space<hbm>> -> memref<128xi32, #tpu.memory_space<hbm>>
        %dma_start3A_114 = arith.constant 0 : i32
        %dma_start3A_115 = tpu.memref_slice %arg3[%add3A_103, %dma_start3A_114] : memref<2560x128xi32, #tpu.memory_space<hbm>> -> memref<1x128xi32, #tpu.memory_space<hbm>>
        %dma_start3A_116 = tpu.memref_squeeze %dma_start3A_115 : memref<1x128xi32, #tpu.memory_space<hbm>> -> memref<128xi32, #tpu.memory_space<hbm>>
        tpu.enqueue_dma source(%dma_start3A_116 : memref<128xi32, #tpu.memory_space<hbm>>) target(%arg8 : memref<128xi32, #tpu.memory_space<vmem>>) target_semaphore(%run_scoped3A : memref<!tpu.dma_semaphore, #tpu.memory_space<semaphore_mem>>)
        %dma_wait3A_117 = arith.constant 0 : i32
        %dma_wait3A_118 = tpu.memref_slice %arg3[%add3A_103, %dma_wait3A_117] : memref<2560x128xi32, #tpu.memory_space<hbm>> -> memref<1x128xi32, #tpu.memory_space<hbm>>
        %dma_wait3A_119 = tpu.memref_squeeze %dma_wait3A_118 : memref<1x128xi32, #tpu.memory_space<hbm>> -> memref<128xi32, #tpu.memory_space<hbm>>
        %dma_wait3A_120 = arith.constant 0 : i32
        %dma_wait3A_121 = tpu.memref_slice %arg3[%add3A_103, %dma_wait3A_120] : memref<2560x128xi32, #tpu.memory_space<hbm>> -> memref<1x128xi32, #tpu.memory_space<hbm>>
        %dma_wait3A_122 = tpu.memref_squeeze %dma_wait3A_121 : memref<1x128xi32, #tpu.memory_space<hbm>> -> memref<128xi32, #tpu.memory_space<hbm>>
        tpu.wait_dma2 semaphore(%run_scoped3A : memref<!tpu.dma_semaphore, #tpu.memory_space<semaphore_mem>>) src(%dma_wait3A_122 : memref<128xi32, #tpu.memory_space<hbm>>) dst(%arg8 : memref<128xi32, #tpu.memory_space<vmem>>)
        tpu.yield
      }) : () -> ()
      %add3A_104 = arith.addi %select_n3A, %add3A_97 : i32
      %add3A_105 = arith.constant 2 : i32
      %add3A_106 = arith.addi %add3A_104, %add3A_105 : i32
      "tpu.region"() ({
        %run_scoped3A = tpu.sem_alloc : memref<!tpu.dma_semaphore, #tpu.memory_space<semaphore_mem>>
        %dma_start3A_111 = arith.constant 0 : i32
        %dma_start3A_112 = tpu.memref_slice %arg4[%add3A_106, %dma_start3A_111] : memref<2560x128xi32, #tpu.memory_space<hbm>> -> memref<1x128xi32, #tpu.memory_space<hbm>>
        %dma_start3A_113 = tpu.memref_squeeze %dma_start3A_112 : memref<1x128xi32, #tpu.memory_space<hbm>> -> memref<128xi32, #tpu.memory_space<hbm>>
        %dma_start3A_114 = arith.constant 0 : i32
        %dma_start3A_115 = tpu.memref_slice %arg4[%add3A_106, %dma_start3A_114] : memref<2560x128xi32, #tpu.memory_space<hbm>> -> memref<1x128xi32, #tpu.memory_space<hbm>>
        %dma_start3A_116 = tpu.memref_squeeze %dma_start3A_115 : memref<1x128xi32, #tpu.memory_space<hbm>> -> memref<128xi32, #tpu.memory_space<hbm>>
        tpu.enqueue_dma source(%dma_start3A_116 : memref<128xi32, #tpu.memory_space<hbm>>) target(%arg9 : memref<128xi32, #tpu.memory_space<vmem>>) target_semaphore(%run_scoped3A : memref<!tpu.dma_semaphore, #tpu.memory_space<semaphore_mem>>)
        %dma_wait3A_117 = arith.constant 0 : i32
        %dma_wait3A_118 = tpu.memref_slice %arg4[%add3A_106, %dma_wait3A_117] : memref<2560x128xi32, #tpu.memory_space<hbm>> -> memref<1x128xi32, #tpu.memory_space<hbm>>
        %dma_wait3A_119 = tpu.memref_squeeze %dma_wait3A_118 : memref<1x128xi32, #tpu.memory_space<hbm>> -> memref<128xi32, #tpu.memory_space<hbm>>
        %dma_wait3A_120 = arith.constant 0 : i32
        %dma_wait3A_121 = tpu.memref_slice %arg4[%add3A_106, %dma_wait3A_120] : memref<2560x128xi32, #tpu.memory_space<hbm>> -> memref<1x128xi32, #tpu.memory_space<hbm>>
        %dma_wait3A_122 = tpu.memref_squeeze %dma_wait3A_121 : memref<1x128xi32, #tpu.memory_space<hbm>> -> memref<128xi32, #tpu.memory_space<hbm>>
        tpu.wait_dma2 semaphore(%run_scoped3A : memref<!tpu.dma_semaphore, #tpu.memory_space<semaphore_mem>>) src(%dma_wait3A_122 : memref<128xi32, #tpu.memory_space<hbm>>) dst(%arg9 : memref<128xi32, #tpu.memory_space<vmem>>)
        tpu.yield
      }) : () -> ()
      %dma_start3A_107 = arith.constant 0 : i32
      %dma_start3A_108 = arith.constant 0 : i32
      %dma_start3A_109 = tpu.memref_slice %arg2[%dma_start3A_107, %dma_start3A_108] : memref<10000x128xf32, #tpu.memory_space<hbm>> -> memref<10000x128xf32, #tpu.memory_space<hbm>>
      tpu.enqueue_indirect_dma source(%dma_start3A_109 : memref<10000x128xf32, #tpu.memory_space<hbm>>) target(%arg11 : memref<128x128xf32, #tpu.memory_space<vmem>>) offsets(%arg8 : memref<128xi32, #tpu.memory_space<vmem>>) semaphore(%arg14 : memref<!tpu.dma_semaphore, #tpu.memory_space<semaphore_mem>>)
      %while3A_110 = arith.constant 0 : i32
      scf.yield %while3A_110 : i32
    }
    %while3A_64 = arith.constant 1 : i32
    %while3A_65 = scf.for %while3A_76 = %while3A_61 to %while3A_57 step %while3A_64 iter_args(%while3A_77 = %while3A_63) -> (i32)  : i32 {
      %mul3A_78 = arith.constant 2 : i32
      %mul3A_79 = arith.muli %while3A_76, %mul3A_78 : i32
      %add3A_80 = arith.constant 0 : i32
      %add3A_81 = arith.addi %mul3A_79, %add3A_80 : i32
      %dma_wait3A_82 = arith.constant 0 : i32
      %dma_wait3A_83 = arith.constant 0 : i32
      %dma_wait3A_84 = tpu.memref_slice %arg2[%dma_wait3A_82, %dma_wait3A_83] : memref<10000x128xf32, #tpu.memory_space<hbm>> -> memref<10000x128xf32, #tpu.memory_space<hbm>>
      tpu.wait_indirect_dma semaphore(%arg13 : memref<!tpu.dma_semaphore, #tpu.memory_space<semaphore_mem>>) src(%dma_wait3A_84 : memref<10000x128xf32, #tpu.memory_space<hbm>>) dst(%arg10 : memref<128x128xf32, #tpu.memory_space<vmem>>)
      "tpu.region"() ({
        %run_scoped3A = tpu.sem_alloc : memref<!tpu.dma_semaphore, #tpu.memory_space<semaphore_mem>>
        %dma_start3A_111 = arith.constant 0 : i32
        %dma_start3A_112 = arith.constant 0 : i32
        %dma_start3A_113 = tpu.memref_slice %arg12[%dma_start3A_111, %dma_start3A_112] : memref<10240x128xf32, #tpu.memory_space<vmem_shared>> -> memref<10240x128xf32, #tpu.memory_space<vmem_shared>>
        tpu.enqueue_indirect_dma source(%arg10 : memref<128x128xf32, #tpu.memory_space<vmem>>) target(%dma_start3A_113 : memref<10240x128xf32, #tpu.memory_space<vmem_shared>>) offsets(%arg7 : memref<128xi32, #tpu.memory_space<vmem>>) semaphore(%run_scoped3A : memref<!tpu.dma_semaphore, #tpu.memory_space<semaphore_mem>>) {add = true}
        %dma_wait3A_114 = arith.constant 0 : i32
        %dma_wait3A_115 = arith.constant 0 : i32
        %dma_wait3A_116 = tpu.memref_slice %arg12[%dma_wait3A_114, %dma_wait3A_115] : memref<10240x128xf32, #tpu.memory_space<vmem_shared>> -> memref<10240x128xf32, #tpu.memory_space<vmem_shared>>
        tpu.wait_indirect_dma semaphore(%run_scoped3A : memref<!tpu.dma_semaphore, #tpu.memory_space<semaphore_mem>>) src(%arg10 : memref<128x128xf32, #tpu.memory_space<vmem>>) dst(%dma_wait3A_116 : memref<10240x128xf32, #tpu.memory_space<vmem_shared>>)
        tpu.yield
      }) : () -> ()
      %add3A_85 = arith.addi %select_n3A, %add3A_81 : i32
      %add3A_86 = arith.constant 2 : i32
      %add3A_87 = arith.addi %add3A_85, %add3A_86 : i32
      "tpu.region"() ({
        %run_scoped3A = tpu.sem_alloc : memref<!tpu.dma_semaphore, #tpu.memory_space<semaphore_mem>>
        %dma_start3A_111 = arith.constant 0 : i32
        %dma_start3A_112 = tpu.memref_slice %arg3[%add3A_87, %dma_start3A_111] : memref<2560x128xi32, #tpu.memory_space<hbm>> -> memref<1x128xi32, #tpu.memory_space<hbm>>
        %dma_start3A_113 = tpu.memref_squeeze %dma_start3A_112 : memref<1x128xi32, #tpu.memory_space<hbm>> -> memref<128xi32, #tpu.memory_space<hbm>>
        %dma_start3A_114 = arith.constant 0 : i32
        %dma_start3A_115 = tpu.memref_slice %arg3[%add3A_87, %dma_start3A_114] : memref<2560x128xi32, #tpu.memory_space<hbm>> -> memref<1x128xi32, #tpu.memory_space<hbm>>
        %dma_start3A_116 = tpu.memref_squeeze %dma_start3A_115 : memref<1x128xi32, #tpu.memory_space<hbm>> -> memref<128xi32, #tpu.memory_space<hbm>>
        tpu.enqueue_dma source(%dma_start3A_116 : memref<128xi32, #tpu.memory_space<hbm>>) target(%arg6 : memref<128xi32, #tpu.memory_space<vmem>>) target_semaphore(%run_scoped3A : memref<!tpu.dma_semaphore, #tpu.memory_space<semaphore_mem>>)
        %dma_wait3A_117 = arith.constant 0 : i32
        %dma_wait3A_118 = tpu.memref_slice %arg3[%add3A_87, %dma_wait3A_117] : memref<2560x128xi32, #tpu.memory_space<hbm>> -> memref<1x128xi32, #tpu.memory_space<hbm>>
        %dma_wait3A_119 = tpu.memref_squeeze %dma_wait3A_118 : memref<1x128xi32, #tpu.memory_space<hbm>> -> memref<128xi32, #tpu.memory_space<hbm>>
        %dma_wait3A_120 = arith.constant 0 : i32
        %dma_wait3A_121 = tpu.memref_slice %arg3[%add3A_87, %dma_wait3A_120] : memref<2560x128xi32, #tpu.memory_space<hbm>> -> memref<1x128xi32, #tpu.memory_space<hbm>>
        %dma_wait3A_122 = tpu.memref_squeeze %dma_wait3A_121 : memref<1x128xi32, #tpu.memory_space<hbm>> -> memref<128xi32, #tpu.memory_space<hbm>>
        tpu.wait_dma2 semaphore(%run_scoped3A : memref<!tpu.dma_semaphore, #tpu.memory_space<semaphore_mem>>) src(%dma_wait3A_122 : memref<128xi32, #tpu.memory_space<hbm>>) dst(%arg6 : memref<128xi32, #tpu.memory_space<vmem>>)
        tpu.yield
      }) : () -> ()
      %add3A_88 = arith.addi %select_n3A, %add3A_81 : i32
      %add3A_89 = arith.constant 2 : i32
      %add3A_90 = arith.addi %add3A_88, %add3A_89 : i32
      "tpu.region"() ({
        %run_scoped3A = tpu.sem_alloc : memref<!tpu.dma_semaphore, #tpu.memory_space<semaphore_mem>>
        %dma_start3A_111 = arith.constant 0 : i32
        %dma_start3A_112 = tpu.memref_slice %arg4[%add3A_90, %dma_start3A_111] : memref<2560x128xi32, #tpu.memory_space<hbm>> -> memref<1x128xi32, #tpu.memory_space<hbm>>
        %dma_start3A_113 = tpu.memref_squeeze %dma_start3A_112 : memref<1x128xi32, #tpu.memory_space<hbm>> -> memref<128xi32, #tpu.memory_space<hbm>>
        %dma_start3A_114 = arith.constant 0 : i32
        %dma_start3A_115 = tpu.memref_slice %arg4[%add3A_90, %dma_start3A_114] : memref<2560x128xi32, #tpu.memory_space<hbm>> -> memref<1x128xi32, #tpu.memory_space<hbm>>
        %dma_start3A_116 = tpu.memref_squeeze %dma_start3A_115 : memref<1x128xi32, #tpu.memory_space<hbm>> -> memref<128xi32, #tpu.memory_space<hbm>>
        tpu.enqueue_dma source(%dma_start3A_116 : memref<128xi32, #tpu.memory_space<hbm>>) target(%arg7 : memref<128xi32, #tpu.memory_space<vmem>>) target_semaphore(%run_scoped3A : memref<!tpu.dma_semaphore, #tpu.memory_space<semaphore_mem>>)
        %dma_wait3A_117 = arith.constant 0 : i32
        %dma_wait3A_118 = tpu.memref_slice %arg4[%add3A_90, %dma_wait3A_117] : memref<2560x128xi32, #tpu.memory_space<hbm>> -> memref<1x128xi32, #tpu.memory_space<hbm>>
        %dma_wait3A_119 = tpu.memref_squeeze %dma_wait3A_118 : memref<1x128xi32, #tpu.memory_space<hbm>> -> memref<128xi32, #tpu.memory_space<hbm>>
        %dma_wait3A_120 = arith.constant 0 : i32
        %dma_wait3A_121 = tpu.memref_slice %arg4[%add3A_90, %dma_wait3A_120] : memref<2560x128xi32, #tpu.memory_space<hbm>> -> memref<1x128xi32, #tpu.memory_space<hbm>>
        %dma_wait3A_122 = tpu.memref_squeeze %dma_wait3A_121 : memref<1x128xi32, #tpu.memory_space<hbm>> -> memref<128xi32, #tpu.memory_space<hbm>>
        tpu.wait_dma2 semaphore(%run_scoped3A : memref<!tpu.dma_semaphore, #tpu.memory_space<semaphore_mem>>) src(%dma_wait3A_122 : memref<128xi32, #tpu.memory_space<hbm>>) dst(%arg7 : memref<128xi32, #tpu.memory_space<vmem>>)
        tpu.yield
      }) : () -> ()
      %dma_start3A_91 = arith.constant 0 : i32
      %dma_start3A_92 = arith.constant 0 : i32
      %dma_start3A_93 = tpu.memref_slice %arg2[%dma_start3A_91, %dma_start3A_92] : memref<10000x128xf32, #tpu.memory_space<hbm>> -> memref<10000x128xf32, #tpu.memory_space<hbm>>
      tpu.enqueue_indirect_dma source(%dma_start3A_93 : memref<10000x128xf32, #tpu.memory_space<hbm>>) target(%arg10 : memref<128x128xf32, #tpu.memory_space<vmem>>) offsets(%arg6 : memref<128xi32, #tpu.memory_space<vmem>>) semaphore(%arg13 : memref<!tpu.dma_semaphore, #tpu.memory_space<semaphore_mem>>)
      %mul3A_94 = arith.constant 2 : i32
      %mul3A_95 = arith.muli %while3A_76, %mul3A_94 : i32
      %add3A_96 = arith.constant 1 : i32
      %add3A_97 = arith.addi %mul3A_95, %add3A_96 : i32
      %dma_wait3A_98 = arith.constant 0 : i32
      %dma_wait3A_99 = arith.constant 0 : i32
      %dma_wait3A_100 = tpu.memref_slice %arg2[%dma_wait3A_98, %dma_wait3A_99] : memref<10000x128xf32, #tpu.memory_space<hbm>> -> memref<10000x128xf32, #tpu.memory_space<hbm>>
      tpu.wait_indirect_dma semaphore(%arg14 : memref<!tpu.dma_semaphore, #tpu.memory_space<semaphore_mem>>) src(%dma_wait3A_100 : memref<10000x128xf32, #tpu.memory_space<hbm>>) dst(%arg11 : memref<128x128xf32, #tpu.memory_space<vmem>>)
      "tpu.region"() ({
        %run_scoped3A = tpu.sem_alloc : memref<!tpu.dma_semaphore, #tpu.memory_space<semaphore_mem>>
        %dma_start3A_111 = arith.constant 0 : i32
        %dma_start3A_112 = arith.constant 0 : i32
        %dma_start3A_113 = tpu.memref_slice %arg12[%dma_start3A_111, %dma_start3A_112] : memref<10240x128xf32, #tpu.memory_space<vmem_shared>> -> memref<10240x128xf32, #tpu.memory_space<vmem_shared>>
        tpu.enqueue_indirect_dma source(%arg11 : memref<128x128xf32, #tpu.memory_space<vmem>>) target(%dma_start3A_113 : memref<10240x128xf32, #tpu.memory_space<vmem_shared>>) offsets(%arg9 : memref<128xi32, #tpu.memory_space<vmem>>) semaphore(%run_scoped3A : memref<!tpu.dma_semaphore, #tpu.memory_space<semaphore_mem>>) {add = true}
        %dma_wait3A_114 = arith.constant 0 : i32
        %dma_wait3A_115 = arith.constant 0 : i32
        %dma_wait3A_116 = tpu.memref_slice %arg12[%dma_wait3A_114, %dma_wait3A_115] : memref<10240x128xf32, #tpu.memory_space<vmem_shared>> -> memref<10240x128xf32, #tpu.memory_space<vmem_shared>>
        tpu.wait_indirect_dma semaphore(%run_scoped3A : memref<!tpu.dma_semaphore, #tpu.memory_space<semaphore_mem>>) src(%arg11 : memref<128x128xf32, #tpu.memory_space<vmem>>) dst(%dma_wait3A_116 : memref<10240x128xf32, #tpu.memory_space<vmem_shared>>)
        tpu.yield
      }) : () -> ()
      %add3A_101 = arith.addi %select_n3A, %add3A_97 : i32
      %add3A_102 = arith.constant 2 : i32
      %add3A_103 = arith.addi %add3A_101, %add3A_102 : i32
      "tpu.region"() ({
        %run_scoped3A = tpu.sem_alloc : memref<!tpu.dma_semaphore, #tpu.memory_space<semaphore_mem>>
        %dma_start3A_111 = arith.constant 0 : i32
        %dma_start3A_112 = tpu.memref_slice %arg3[%add3A_103, %dma_start3A_111] : memref<2560x128xi32, #tpu.memory_space<hbm>> -> memref<1x128xi32, #tpu.memory_space<hbm>>
        %dma_start3A_113 = tpu.memref_squeeze %dma_start3A_112 : memref<1x128xi32, #tpu.memory_space<hbm>> -> memref<128xi32, #tpu.memory_space<hbm>>
        %dma_start3A_114 = arith.constant 0 : i32
        %dma_start3A_115 = tpu.memref_slice %arg3[%add3A_103, %dma_start3A_114] : memref<2560x128xi32, #tpu.memory_space<hbm>> -> memref<1x128xi32, #tpu.memory_space<hbm>>
        %dma_start3A_116 = tpu.memref_squeeze %dma_start3A_115 : memref<1x128xi32, #tpu.memory_space<hbm>> -> memref<128xi32, #tpu.memory_space<hbm>>
        tpu.enqueue_dma source(%dma_start3A_116 : memref<128xi32, #tpu.memory_space<hbm>>) target(%arg8 : memref<128xi32, #tpu.memory_space<vmem>>) target_semaphore(%run_scoped3A : memref<!tpu.dma_semaphore, #tpu.memory_space<semaphore_mem>>)
        %dma_wait3A_117 = arith.constant 0 : i32
        %dma_wait3A_118 = tpu.memref_slice %arg3[%add3A_103, %dma_wait3A_117] : memref<2560x128xi32, #tpu.memory_space<hbm>> -> memref<1x128xi32, #tpu.memory_space<hbm>>
        %dma_wait3A_119 = tpu.memref_squeeze %dma_wait3A_118 : memref<1x128xi32, #tpu.memory_space<hbm>> -> memref<128xi32, #tpu.memory_space<hbm>>
        %dma_wait3A_120 = arith.constant 0 : i32
        %dma_wait3A_121 = tpu.memref_slice %arg3[%add3A_103, %dma_wait3A_120] : memref<2560x128xi32, #tpu.memory_space<hbm>> -> memref<1x128xi32, #tpu.memory_space<hbm>>
        %dma_wait3A_122 = tpu.memref_squeeze %dma_wait3A_121 : memref<1x128xi32, #tpu.memory_space<hbm>> -> memref<128xi32, #tpu.memory_space<hbm>>
        tpu.wait_dma2 semaphore(%run_scoped3A : memref<!tpu.dma_semaphore, #tpu.memory_space<semaphore_mem>>) src(%dma_wait3A_122 : memref<128xi32, #tpu.memory_space<hbm>>) dst(%arg8 : memref<128xi32, #tpu.memory_space<vmem>>)
        tpu.yield
      }) : () -> ()
      %add3A_104 = arith.addi %select_n3A, %add3A_97 : i32
      %add3A_105 = arith.constant 2 : i32
      %add3A_106 = arith.addi %add3A_104, %add3A_105 : i32
      "tpu.region"() ({
        %run_scoped3A = tpu.sem_alloc : memref<!tpu.dma_semaphore, #tpu.memory_space<semaphore_mem>>
        %dma_start3A_111 = arith.constant 0 : i32
        %dma_start3A_112 = tpu.memref_slice %arg4[%add3A_106, %dma_start3A_111] : memref<2560x128xi32, #tpu.memory_space<hbm>> -> memref<1x128xi32, #tpu.memory_space<hbm>>
        %dma_start3A_113 = tpu.memref_squeeze %dma_start3A_112 : memref<1x128xi32, #tpu.memory_space<hbm>> -> memref<128xi32, #tpu.memory_space<hbm>>
        %dma_start3A_114 = arith.constant 0 : i32
        %dma_start3A_115 = tpu.memref_slice %arg4[%add3A_106, %dma_start3A_114] : memref<2560x128xi32, #tpu.memory_space<hbm>> -> memref<1x128xi32, #tpu.memory_space<hbm>>
        %dma_start3A_116 = tpu.memref_squeeze %dma_start3A_115 : memref<1x128xi32, #tpu.memory_space<hbm>> -> memref<128xi32, #tpu.memory_space<hbm>>
        tpu.enqueue_dma source(%dma_start3A_116 : memref<128xi32, #tpu.memory_space<hbm>>) target(%arg9 : memref<128xi32, #tpu.memory_space<vmem>>) target_semaphore(%run_scoped3A : memref<!tpu.dma_semaphore, #tpu.memory_space<semaphore_mem>>)
        %dma_wait3A_117 = arith.constant 0 : i32
        %dma_wait3A_118 = tpu.memref_slice %arg4[%add3A_106, %dma_wait3A_117] : memref<2560x128xi32, #tpu.memory_space<hbm>> -> memref<1x128xi32, #tpu.memory_space<hbm>>
        %dma_wait3A_119 = tpu.memref_squeeze %dma_wait3A_118 : memref<1x128xi32, #tpu.memory_space<hbm>> -> memref<128xi32, #tpu.memory_space<hbm>>
        %dma_wait3A_120 = arith.constant 0 : i32
        %dma_wait3A_121 = tpu.memref_slice %arg4[%add3A_106, %dma_wait3A_120] : memref<2560x128xi32, #tpu.memory_space<hbm>> -> memref<1x128xi32, #tpu.memory_space<hbm>>
        %dma_wait3A_122 = tpu.memref_squeeze %dma_wait3A_121 : memref<1x128xi32, #tpu.memory_space<hbm>> -> memref<128xi32, #tpu.memory_space<hbm>>
        tpu.wait_dma2 semaphore(%run_scoped3A : memref<!tpu.dma_semaphore, #tpu.memory_space<semaphore_mem>>) src(%dma_wait3A_122 : memref<128xi32, #tpu.memory_space<hbm>>) dst(%arg9 : memref<128xi32, #tpu.memory_space<vmem>>)
        tpu.yield
      }) : () -> ()
      %dma_start3A_107 = arith.constant 0 : i32
      %dma_start3A_108 = arith.constant 0 : i32
      %dma_start3A_109 = tpu.memref_slice %arg2[%dma_start3A_107, %dma_start3A_108] : memref<10000x128xf32, #tpu.memory_space<hbm>> -> memref<10000x128xf32, #tpu.memory_space<hbm>>
      tpu.enqueue_indirect_dma source(%dma_start3A_109 : memref<10000x128xf32, #tpu.memory_space<hbm>>) target(%arg11 : memref<128x128xf32, #tpu.memory_space<vmem>>) offsets(%arg8 : memref<128xi32, #tpu.memory_space<vmem>>) semaphore(%arg14 : memref<!tpu.dma_semaphore, #tpu.memory_space<semaphore_mem>>)
      %while3A_110 = arith.constant 0 : i32
      scf.yield %while3A_110 : i32
    }
    %dma_wait3A = arith.constant 0 : i32
    %dma_wait3A_66 = arith.constant 0 : i32
    %dma_wait3A_67 = tpu.memref_slice %arg2[%dma_wait3A, %dma_wait3A_66] : memref<10000x128xf32, #tpu.memory_space<hbm>> -> memref<10000x128xf32, #tpu.memory_space<hbm>>
    tpu.wait_indirect_dma semaphore(%arg13 : memref<!tpu.dma_semaphore, #tpu.memory_space<semaphore_mem>>) src(%dma_wait3A_67 : memref<10000x128xf32, #tpu.memory_space<hbm>>) dst(%arg10 : memref<128x128xf32, #tpu.memory_space<vmem>>)
    "tpu.region"() ({
      %run_scoped3A = tpu.sem_alloc : memref<!tpu.dma_semaphore, #tpu.memory_space<semaphore_mem>>
      %dma_start3A_76 = arith.constant 0 : i32
      %dma_start3A_77 = arith.constant 0 : i32
      %dma_start3A_78 = tpu.memref_slice %arg12[%dma_start3A_76, %dma_start3A_77] : memref<10240x128xf32, #tpu.memory_space<vmem_shared>> -> memref<10240x128xf32, #tpu.memory_space<vmem_shared>>
      tpu.enqueue_indirect_dma source(%arg10 : memref<128x128xf32, #tpu.memory_space<vmem>>) target(%dma_start3A_78 : memref<10240x128xf32, #tpu.memory_space<vmem_shared>>) offsets(%arg7 : memref<128xi32, #tpu.memory_space<vmem>>) semaphore(%run_scoped3A : memref<!tpu.dma_semaphore, #tpu.memory_space<semaphore_mem>>) {add = true}
      %dma_wait3A_79 = arith.constant 0 : i32
      %dma_wait3A_80 = arith.constant 0 : i32
      %dma_wait3A_81 = tpu.memref_slice %arg12[%dma_wait3A_79, %dma_wait3A_80] : memref<10240x128xf32, #tpu.memory_space<vmem_shared>> -> memref<10240x128xf32, #tpu.memory_space<vmem_shared>>
      tpu.wait_indirect_dma semaphore(%run_scoped3A : memref<!tpu.dma_semaphore, #tpu.memory_space<semaphore_mem>>) src(%arg10 : memref<128x128xf32, #tpu.memory_space<vmem>>) dst(%dma_wait3A_81 : memref<10240x128xf32, #tpu.memory_space<vmem_shared>>)
      tpu.yield
    }) : () -> ()
    %dma_wait3A_68 = arith.constant 0 : i32
    %dma_wait3A_69 = arith.constant 0 : i32
    %dma_wait3A_70 = tpu.memref_slice %arg2[%dma_wait3A_68, %dma_wait3A_69] : memref<10000x128xf32, #tpu.memory_space<hbm>> -> memref<10000x128xf32, #tpu.memory_space<hbm>>
    tpu.wait_indirect_dma semaphore(%arg14 : memref<!tpu.dma_semaphore, #tpu.memory_space<semaphore_mem>>) src(%dma_wait3A_70 : memref<10000x128xf32, #tpu.memory_space<hbm>>) dst(%arg11 : memref<128x128xf32, #tpu.memory_space<vmem>>)
    "tpu.region"() ({
      %run_scoped3A = tpu.sem_alloc : memref<!tpu.dma_semaphore, #tpu.memory_space<semaphore_mem>>
      %dma_start3A_76 = arith.constant 0 : i32
      %dma_start3A_77 = arith.constant 0 : i32
      %dma_start3A_78 = tpu.memref_slice %arg12[%dma_start3A_76, %dma_start3A_77] : memref<10240x128xf32, #tpu.memory_space<vmem_shared>> -> memref<10240x128xf32, #tpu.memory_space<vmem_shared>>
      tpu.enqueue_indirect_dma source(%arg11 : memref<128x128xf32, #tpu.memory_space<vmem>>) target(%dma_start3A_78 : memref<10240x128xf32, #tpu.memory_space<vmem_shared>>) offsets(%arg9 : memref<128xi32, #tpu.memory_space<vmem>>) semaphore(%run_scoped3A : memref<!tpu.dma_semaphore, #tpu.memory_space<semaphore_mem>>) {add = true}
      %dma_wait3A_79 = arith.constant 0 : i32
      %dma_wait3A_80 = arith.constant 0 : i32
      %dma_wait3A_81 = tpu.memref_slice %arg12[%dma_wait3A_79, %dma_wait3A_80] : memref<10240x128xf32, #tpu.memory_space<vmem_shared>> -> memref<10240x128xf32, #tpu.memory_space<vmem_shared>>
      tpu.wait_indirect_dma semaphore(%run_scoped3A : memref<!tpu.dma_semaphore, #tpu.memory_space<semaphore_mem>>) src(%arg11 : memref<128x128xf32, #tpu.memory_space<vmem>>) dst(%dma_wait3A_81 : memref<10240x128xf32, #tpu.memory_space<vmem_shared>>)
      tpu.yield
    }) : () -> ()
    %barrier3A_71 = arith.constant 0 : index
    tpu.barrier barrier_id(%barrier3A_71)
    %mul3A_72 = arith.constant 640 : i32
    %mul3A_73 = arith.muli %arg1, %mul3A_72 : i32
    %mul3A_74 = arith.constant 640 : i32
    %mul3A_75 = arith.muli %arg1, %mul3A_74 : i32
    "tpu.region"() ({
      %run_scoped3A = tpu.sem_alloc : memref<!tpu.dma_semaphore, #tpu.memory_space<semaphore_mem>>
      %dma_start3A_76 = arith.constant 0 : i32
      %dma_start3A_77 = tpu.memref_slice %arg5[%arg0, %mul3A_75, %dma_start3A_76] : memref<2x10240x128xf32, #tpu.memory_space<hbm>> -> memref<1x640x128xf32, #tpu.memory_space<hbm>>
      %dma_start3A_78 = tpu.memref_squeeze %dma_start3A_77 : memref<1x640x128xf32, #tpu.memory_space<hbm>> -> memref<640x128xf32, #tpu.memory_space<hbm>>
      %dma_start3A_79 = arith.constant 0 : i32
      %dma_start3A_80 = tpu.memref_slice %arg12[%mul3A_73, %dma_start3A_79] : memref<10240x128xf32, #tpu.memory_space<vmem_shared>> -> memref<640x128xf32, #tpu.memory_space<vmem_shared>>
      tpu.enqueue_dma source(%dma_start3A_80 : memref<640x128xf32, #tpu.memory_space<vmem_shared>>) target(%dma_start3A_78 : memref<640x128xf32, #tpu.memory_space<hbm>>) target_semaphore(%run_scoped3A : memref<!tpu.dma_semaphore, #tpu.memory_space<semaphore_mem>>)
      %dma_wait3A_81 = arith.constant 0 : i32
      %dma_wait3A_82 = tpu.memref_slice %arg5[%arg0, %mul3A_75, %dma_wait3A_81] : memref<2x10240x128xf32, #tpu.memory_space<hbm>> -> memref<1x640x128xf32, #tpu.memory_space<hbm>>
      %dma_wait3A_83 = tpu.memref_squeeze %dma_wait3A_82 : memref<1x640x128xf32, #tpu.memory_space<hbm>> -> memref<640x128xf32, #tpu.memory_space<hbm>>
      %dma_wait3A_84 = arith.constant 0 : i32
      %dma_wait3A_85 = tpu.memref_slice %arg12[%mul3A_73, %dma_wait3A_84] : memref<10240x128xf32, #tpu.memory_space<vmem_shared>> -> memref<640x128xf32, #tpu.memory_space<vmem_shared>>
      tpu.wait_dma2 semaphore(%run_scoped3A : memref<!tpu.dma_semaphore, #tpu.memory_space<semaphore_mem>>) src(%dma_wait3A_85 : memref<640x128xf32, #tpu.memory_space<vmem_shared>>) dst(%dma_wait3A_83 : memref<640x128xf32, #tpu.memory_space<hbm>>)
      tpu.yield
    }) : () -> ()
    return
  }
}

#map = affine_map<(d0, d1) -> (0, 0)>
#map1 = affine_map<(d0, d1) -> (0, 0, 0)>
module attributes {stable_mosaic.version = 14 : i64} {
  func.func @_sc_scatter_body(%arg0: i32, %arg1: i32, %arg2: memref<10000x128xf32, #tpu.memory_space<hbm>>, %arg3: memref<2560x128xi32, #tpu.memory_space<hbm>>, %arg4: memref<2560x128xi32, #tpu.memory_space<hbm>>, %arg5: memref<2x10240x128xf32, #tpu.memory_space<hbm>>, %arg6: memref<128xi32, #tpu.memory_space<vmem>>, %arg7: memref<128xi32, #tpu.memory_space<vmem>>, %arg8: memref<128xi32, #tpu.memory_space<vmem>>, %arg9: memref<128xi32, #tpu.memory_space<vmem>>, %arg10: memref<128x128xf32, #tpu.memory_space<vmem>>, %arg11: memref<128x128xf32, #tpu.memory_space<vmem>>, %arg12: memref<10240x128xf32, #tpu.memory_space<vmem_shared>>, %arg13: memref<!tpu.dma_semaphore, #tpu.memory_space<semaphore_mem>>, %arg14: memref<!tpu.dma_semaphore, #tpu.memory_space<semaphore_mem>>) attributes {dimension_semantics = [#tpu.dimension_semantics<core_parallel>, #tpu.dimension_semantics<subcore_parallel>], iteration_bounds = array<i64: 2, 16>, scalar_prefetch = 0 : i64, scratch_operands = 9 : i64, tpu.core_type = #tpu.core_type<sc_vector_subcore>, window_params = [{transform_indices = #map}, {transform_indices = #map}, {transform_indices = #map}, {transform_indices = #map1}]} {
    %eq3A = arith.constant 0 : i32
    %eq3A_0 = arith.cmpi eq, %arg0, %eq3A : i32
    %mul3A = arith.constant 120 : i32
    %mul3A_1 = arith.muli %arg1, %mul3A : i32
    %mul3A_2 = arith.constant 40 : i32
    %mul3A_3 = arith.muli %arg1, %mul3A_2 : i32
    %add3A = arith.constant 1920 : i32
    %add3A_4 = arith.addi %add3A, %mul3A_3 : i32
    %select_n3A = arith.select %eq3A_0, %mul3A_1, %add3A_4 : i32
    %eq3A_5 = arith.constant 0 : i32
    %eq3A_6 = arith.cmpi eq, %arg0, %eq3A_5 : i32
    %jit3A = arith.constant 120 : i32
    %jit3A_7 = arith.constant 40 : i32
    %select_n3A_8 = arith.select %eq3A_6, %jit3A, %jit3A_7 : i32
    %scan3A = arith.constant 0 : i32
    %scan3A_9 = arith.constant 0 : i32
    %scan3A_10 = arith.constant 1024 : i32
    %scan3A_11 = arith.addi %scan3A_9, %scan3A_10 : i32
    %scan3A_12 = arith.constant 1 : i32
    %scan3A_13 = scf.for %scan3A_76 = %scan3A_9 to %scan3A_11 step %scan3A_12 iter_args(%scan3A_77 = %scan3A) -> (i32)  : i32 {
      %broadcast_in_dim3A = arith.constant 0.000000e+00 : f32
      %broadcast_in_dim3A_78 = vector.broadcast %broadcast_in_dim3A : f32 to vector<16xf32>
      %jit3A_79 = arith.constant 8 : i32
      %div3A_80 = arith.divsi %scan3A_76, %jit3A_79 : i32
      %sign3A_81 = arith.constant 0 : i32
      %sign3A_82 = arith.cmpi sgt, %scan3A_76, %sign3A_81 : i32
      %sign3A_83 = arith.extui %sign3A_82 : i1 to i32
      %sign3A_84 = arith.constant 0 : i32
      %sign3A_85 = arith.cmpi slt, %scan3A_76, %sign3A_84 : i32
      %sign3A_86 = arith.extui %sign3A_85 : i1 to i32
      %sign3A_87 = arith.subi %sign3A_83, %sign3A_86 : i32
      %sign3A_88 = arith.constant 0 : i32
      %sign3A_89 = arith.cmpi sgt, %jit3A_79, %sign3A_88 : i32
      %sign3A_90 = arith.extui %sign3A_89 : i1 to i32
      %sign3A_91 = arith.constant 0 : i32
      %sign3A_92 = arith.cmpi slt, %jit3A_79, %sign3A_91 : i32
      %sign3A_93 = arith.extui %sign3A_92 : i1 to i32
      %sign3A_94 = arith.subi %sign3A_90, %sign3A_93 : i32
      %ne3A_95 = arith.cmpi ne, %sign3A_87, %sign3A_94 : i32
      %rem3A_96 = arith.remsi %scan3A_76, %jit3A_79 : i32
      %ne3A_97 = arith.constant 0 : i32
      %ne3A_98 = arith.cmpi ne, %rem3A_96, %ne3A_97 : i32
      %and3A_99 = arith.andi %ne3A_95, %ne3A_98 : i1
      %sub3A_100 = arith.constant 1 : i32
      %sub3A_101 = arith.subi %div3A_80, %sub3A_100 : i32
      %select_n3A_102 = arith.select %and3A_99, %sub3A_101, %div3A_80 : i32
      %jit3A_103 = arith.constant 8 : i32
      %eq3A_104 = arith.constant 0 : i32
      %eq3A_105 = arith.cmpi eq, %jit3A_103, %eq3A_104 : i32
      %jit3A_106 = arith.constant 1 : i32
      %select_n3A_107 = arith.select %eq3A_105, %jit3A_106, %jit3A_103 : i32
      %rem3A_108 = arith.remsi %scan3A_76, %select_n3A_107 : i32
      %ne3A_109 = arith.constant 0 : i32
      %ne3A_110 = arith.cmpi ne, %rem3A_108, %ne3A_109 : i32
      %lt3A = arith.constant 0 : i32
      %lt3A_111 = arith.cmpi slt, %rem3A_108, %lt3A : i32
      %lt3A_112 = arith.constant 0 : i32
      %lt3A_113 = arith.cmpi slt, %select_n3A_107, %lt3A_112 : i32
      %ne3A_114 = arith.xori %lt3A_111, %lt3A_113 : i1
      %and3A_115 = arith.andi %ne3A_114, %ne3A_110 : i1
      %add3A_116 = arith.addi %rem3A_108, %select_n3A_107 : i32
      %select_n3A_117 = arith.select %and3A_115, %add3A_116, %rem3A_108 : i32
      %mul3A_118 = arith.constant 16 : i32
      %mul3A_119 = arith.muli %select_n3A_117, %mul3A_118 : i32
      %swap3A = arith.index_cast %select_n3A_102 : i32 to index
      %swap3A_120 = arith.index_cast %mul3A_119 : i32 to index
      %swap3A_121 = tpu.vector_load %arg10[%swap3A, %swap3A_120] {strides = array<i32>} : memref<128x128xf32, #tpu.memory_space<vmem>>, vector<1x16xf32>,
      %swap3A_122 = vector.shape_cast %swap3A_121 : vector<1x16xf32> to vector<16xf32>
      %swap3A_123 = vector.shape_cast %broadcast_in_dim3A_78 : vector<16xf32> to vector<1x16xf32>
      tpu.vector_store %arg10[%swap3A, %swap3A_120], %swap3A_123 {strides = array<i32>} : memref<128x128xf32, #tpu.memory_space<vmem>>, vector<1x16xf32>,
      %scan3A_124 = arith.constant 0 : i32
      scf.yield %scan3A_124 : i32
    }
    %scan3A_14 = arith.constant 1024 : i32
    %scan3A_15 = arith.constant 0 : i32
    %scan3A_16 = arith.constant 0 : i32
    %scan3A_17 = arith.constant 5 : i32
    %scan3A_18 = arith.addi %scan3A_16, %scan3A_17 : i32
    %scan3A_19 = arith.constant 1 : i32
    %scan3A_20 = scf.for %scan3A_76 = %scan3A_16 to %scan3A_18 step %scan3A_19 iter_args(%scan3A_77 = %scan3A_15) -> (i32)  : i32 {
      %mul3A_78 = arith.constant 640 : i32
      %mul3A_79 = arith.muli %arg1, %mul3A_78 : i32
      %mul3A_80 = arith.constant 128 : i32
      %mul3A_81 = arith.muli %scan3A_76, %mul3A_80 : i32
      %add3A_82 = arith.addi %mul3A_79, %mul3A_81 : i32
      "tpu.region"() ({
        %run_scoped3A = tpu.sem_alloc : memref<!tpu.dma_semaphore, #tpu.memory_space<semaphore_mem>>
        %dma_start3A_84 = arith.constant 0 : i32
        %dma_start3A_85 = tpu.memref_slice %arg12[%add3A_82, %dma_start3A_84] : memref<10240x128xf32, #tpu.memory_space<vmem_shared>> -> memref<128x128xf32, #tpu.memory_space<vmem_shared>>
        %dma_start3A_86 = arith.constant 0 : i32
        %dma_start3A_87 = tpu.memref_slice %arg12[%add3A_82, %dma_start3A_86] : memref<10240x128xf32, #tpu.memory_space<vmem_shared>> -> memref<128x128xf32, #tpu.memory_space<vmem_shared>>
        tpu.enqueue_dma source(%arg10 : memref<128x128xf32, #tpu.memory_space<vmem>>) target(%dma_start3A_87 : memref<128x128xf32, #tpu.memory_space<vmem_shared>>) target_semaphore(%run_scoped3A : memref<!tpu.dma_semaphore, #tpu.memory_space<semaphore_mem>>)
        %dma_wait3A_88 = arith.constant 0 : i32
        %dma_wait3A_89 = tpu.memref_slice %arg12[%add3A_82, %dma_wait3A_88] : memref<10240x128xf32, #tpu.memory_space<vmem_shared>> -> memref<128x128xf32, #tpu.memory_space<vmem_shared>>
        %dma_wait3A_90 = arith.constant 0 : i32
        %dma_wait3A_91 = tpu.memref_slice %arg12[%add3A_82, %dma_wait3A_90] : memref<10240x128xf32, #tpu.memory_space<vmem_shared>> -> memref<128x128xf32, #tpu.memory_space<vmem_shared>>
        tpu.wait_dma2 semaphore(%run_scoped3A : memref<!tpu.dma_semaphore, #tpu.memory_space<semaphore_mem>>) src(%arg10 : memref<128x128xf32, #tpu.memory_space<vmem>>) dst(%dma_wait3A_91 : memref<128x128xf32, #tpu.memory_space<vmem_shared>>)
        tpu.yield
      }) : () -> ()
      %scan3A_83 = arith.constant 0 : i32
      scf.yield %scan3A_83 : i32
    }
    %scan3A_21 = arith.constant 5 : i32
    %barrier3A = arith.constant 0 : index
    tpu.barrier barrier_id(%barrier3A)
    %add3A_22 = arith.constant 0 : i32
    %add3A_23 = arith.addi %select_n3A, %add3A_22 : i32
    "tpu.region"() ({
      %run_scoped3A = tpu.sem_alloc : memref<!tpu.dma_semaphore, #tpu.memory_space<semaphore_mem>>
      %dma_start3A_76 = arith.constant 0 : i32
      %dma_start3A_77 = tpu.memref_slice %arg3[%add3A_23, %dma_start3A_76] : memref<2560x128xi32, #tpu.memory_space<hbm>> -> memref<1x128xi32, #tpu.memory_space<hbm>>
      %dma_start3A_78 = tpu.memref_squeeze %dma_start3A_77 : memref<1x128xi32, #tpu.memory_space<hbm>> -> memref<128xi32, #tpu.memory_space<hbm>>
      %dma_start3A_79 = arith.constant 0 : i32
      %dma_start3A_80 = tpu.memref_slice %arg3[%add3A_23, %dma_start3A_79] : memref<2560x128xi32, #tpu.memory_space<hbm>> -> memref<1x128xi32, #tpu.memory_space<hbm>>
      %dma_start3A_81 = tpu.memref_squeeze %dma_start3A_80 : memref<1x128xi32, #tpu.memory_space<hbm>> -> memref<128xi32, #tpu.memory_space<hbm>>
      tpu.enqueue_dma source(%dma_start3A_81 : memref<128xi32, #tpu.memory_space<hbm>>) target(%arg6 : memref<128xi32, #tpu.memory_space<vmem>>) target_semaphore(%run_scoped3A : memref<!tpu.dma_semaphore, #tpu.memory_space<semaphore_mem>>)
      %dma_wait3A_82 = arith.constant 0 : i32
      %dma_wait3A_83 = tpu.memref_slice %arg3[%add3A_23, %dma_wait3A_82] : memref<2560x128xi32, #tpu.memory_space<hbm>> -> memref<1x128xi32, #tpu.memory_space<hbm>>
      %dma_wait3A_84 = tpu.memref_squeeze %dma_wait3A_83 : memref<1x128xi32, #tpu.memory_space<hbm>> -> memref<128xi32, #tpu.memory_space<hbm>>
      %dma_wait3A_85 = arith.constant 0 : i32
      %dma_wait3A_86 = tpu.memref_slice %arg3[%add3A_23, %dma_wait3A_85] : memref<2560x128xi32, #tpu.memory_space<hbm>> -> memref<1x128xi32, #tpu.memory_space<hbm>>
      %dma_wait3A_87 = tpu.memref_squeeze %dma_wait3A_86 : memref<1x128xi32, #tpu.memory_space<hbm>> -> memref<128xi32, #tpu.memory_space<hbm>>
      tpu.wait_dma2 semaphore(%run_scoped3A : memref<!tpu.dma_semaphore, #tpu.memory_space<semaphore_mem>>) src(%dma_wait3A_87 : memref<128xi32, #tpu.memory_space<hbm>>) dst(%arg6 : memref<128xi32, #tpu.memory_space<vmem>>)
      tpu.yield
    }) : () -> ()
    %add3A_24 = arith.constant 0 : i32
    %add3A_25 = arith.addi %select_n3A, %add3A_24 : i32
    "tpu.region"() ({
      %run_scoped3A = tpu.sem_alloc : memref<!tpu.dma_semaphore, #tpu.memory_space<semaphore_mem>>
      %dma_start3A_76 = arith.constant 0 : i32
      %dma_start3A_77 = tpu.memref_slice %arg4[%add3A_25, %dma_start3A_76] : memref<2560x128xi32, #tpu.memory_space<hbm>> -> memref<1x128xi32, #tpu.memory_space<hbm>>
      %dma_start3A_78 = tpu.memref_squeeze %dma_start3A_77 : memref<1x128xi32, #tpu.memory_space<hbm>> -> memref<128xi32, #tpu.memory_space<hbm>>
      %dma_start3A_79 = arith.constant 0 : i32
      %dma_start3A_80 = tpu.memref_slice %arg4[%add3A_25, %dma_start3A_79] : memref<2560x128xi32, #tpu.memory_space<hbm>> -> memref<1x128xi32, #tpu.memory_space<hbm>>
      %dma_start3A_81 = tpu.memref_squeeze %dma_start3A_80 : memref<1x128xi32, #tpu.memory_space<hbm>> -> memref<128xi32, #tpu.memory_space<hbm>>
      tpu.enqueue_dma source(%dma_start3A_81 : memref<128xi32, #tpu.memory_space<hbm>>) target(%arg7 : memref<128xi32, #tpu.memory_space<vmem>>) target_semaphore(%run_scoped3A : memref<!tpu.dma_semaphore, #tpu.memory_space<semaphore_mem>>)
      %dma_wait3A_82 = arith.constant 0 : i32
      %dma_wait3A_83 = tpu.memref_slice %arg4[%add3A_25, %dma_wait3A_82] : memref<2560x128xi32, #tpu.memory_space<hbm>> -> memref<1x128xi32, #tpu.memory_space<hbm>>
      %dma_wait3A_84 = tpu.memref_squeeze %dma_wait3A_83 : memref<1x128xi32, #tpu.memory_space<hbm>> -> memref<128xi32, #tpu.memory_space<hbm>>
      %dma_wait3A_85 = arith.constant 0 : i32
      %dma_wait3A_86 = tpu.memref_slice %arg4[%add3A_25, %dma_wait3A_85] : memref<2560x128xi32, #tpu.memory_space<hbm>> -> memref<1x128xi32, #tpu.memory_space<hbm>>
      %dma_wait3A_87 = tpu.memref_squeeze %dma_wait3A_86 : memref<1x128xi32, #tpu.memory_space<hbm>> -> memref<128xi32, #tpu.memory_space<hbm>>
      tpu.wait_dma2 semaphore(%run_scoped3A : memref<!tpu.dma_semaphore, #tpu.memory_space<semaphore_mem>>) src(%dma_wait3A_87 : memref<128xi32, #tpu.memory_space<hbm>>) dst(%arg7 : memref<128xi32, #tpu.memory_space<vmem>>)
      tpu.yield
    }) : () -> ()
    %dma_start3A = arith.constant 0 : i32
    %dma_start3A_26 = arith.constant 0 : i32
    %dma_start3A_27 = tpu.memref_slice %arg2[%dma_start3A, %dma_start3A_26] : memref<10000x128xf32, #tpu.memory_space<hbm>> -> memref<10000x128xf32, #tpu.memory_space<hbm>>
    tpu.enqueue_indirect_dma source(%dma_start3A_27 : memref<10000x128xf32, #tpu.memory_space<hbm>>) target(%arg10 : memref<128x128xf32, #tpu.memory_space<vmem>>) offsets(%arg6 : memref<128xi32, #tpu.memory_space<vmem>>) semaphore(%arg13 : memref<!tpu.dma_semaphore, #tpu.memory_space<semaphore_mem>>)
    %add3A_28 = arith.constant 1 : i32
    %add3A_29 = arith.addi %select_n3A, %add3A_28 : i32
    "tpu.region"() ({
      %run_scoped3A = tpu.sem_alloc : memref<!tpu.dma_semaphore, #tpu.memory_space<semaphore_mem>>
      %dma_start3A_76 = arith.constant 0 : i32
      %dma_start3A_77 = tpu.memref_slice %arg3[%add3A_29, %dma_start3A_76] : memref<2560x128xi32, #tpu.memory_space<hbm>> -> memref<1x128xi32, #tpu.memory_space<hbm>>
      %dma_start3A_78 = tpu.memref_squeeze %dma_start3A_77 : memref<1x128xi32, #tpu.memory_space<hbm>> -> memref<128xi32, #tpu.memory_space<hbm>>
      %dma_start3A_79 = arith.constant 0 : i32
      %dma_start3A_80 = tpu.memref_slice %arg3[%add3A_29, %dma_start3A_79] : memref<2560x128xi32, #tpu.memory_space<hbm>> -> memref<1x128xi32, #tpu.memory_space<hbm>>
      %dma_start3A_81 = tpu.memref_squeeze %dma_start3A_80 : memref<1x128xi32, #tpu.memory_space<hbm>> -> memref<128xi32, #tpu.memory_space<hbm>>
      tpu.enqueue_dma source(%dma_start3A_81 : memref<128xi32, #tpu.memory_space<hbm>>) target(%arg8 : memref<128xi32, #tpu.memory_space<vmem>>) target_semaphore(%run_scoped3A : memref<!tpu.dma_semaphore, #tpu.memory_space<semaphore_mem>>)
      %dma_wait3A_82 = arith.constant 0 : i32
      %dma_wait3A_83 = tpu.memref_slice %arg3[%add3A_29, %dma_wait3A_82] : memref<2560x128xi32, #tpu.memory_space<hbm>> -> memref<1x128xi32, #tpu.memory_space<hbm>>
      %dma_wait3A_84 = tpu.memref_squeeze %dma_wait3A_83 : memref<1x128xi32, #tpu.memory_space<hbm>> -> memref<128xi32, #tpu.memory_space<hbm>>
      %dma_wait3A_85 = arith.constant 0 : i32
      %dma_wait3A_86 = tpu.memref_slice %arg3[%add3A_29, %dma_wait3A_85] : memref<2560x128xi32, #tpu.memory_space<hbm>> -> memref<1x128xi32, #tpu.memory_space<hbm>>
      %dma_wait3A_87 = tpu.memref_squeeze %dma_wait3A_86 : memref<1x128xi32, #tpu.memory_space<hbm>> -> memref<128xi32, #tpu.memory_space<hbm>>
      tpu.wait_dma2 semaphore(%run_scoped3A : memref<!tpu.dma_semaphore, #tpu.memory_space<semaphore_mem>>) src(%dma_wait3A_87 : memref<128xi32, #tpu.memory_space<hbm>>) dst(%arg8 : memref<128xi32, #tpu.memory_space<vmem>>)
      tpu.yield
    }) : () -> ()
    %add3A_30 = arith.constant 1 : i32
    %add3A_31 = arith.addi %select_n3A, %add3A_30 : i32
    "tpu.region"() ({
      %run_scoped3A = tpu.sem_alloc : memref<!tpu.dma_semaphore, #tpu.memory_space<semaphore_mem>>
      %dma_start3A_76 = arith.constant 0 : i32
      %dma_start3A_77 = tpu.memref_slice %arg4[%add3A_31, %dma_start3A_76] : memref<2560x128xi32, #tpu.memory_space<hbm>> -> memref<1x128xi32, #tpu.memory_space<hbm>>
      %dma_start3A_78 = tpu.memref_squeeze %dma_start3A_77 : memref<1x128xi32, #tpu.memory_space<hbm>> -> memref<128xi32, #tpu.memory_space<hbm>>
      %dma_start3A_79 = arith.constant 0 : i32
      %dma_start3A_80 = tpu.memref_slice %arg4[%add3A_31, %dma_start3A_79] : memref<2560x128xi32, #tpu.memory_space<hbm>> -> memref<1x128xi32, #tpu.memory_space<hbm>>
      %dma_start3A_81 = tpu.memref_squeeze %dma_start3A_80 : memref<1x128xi32, #tpu.memory_space<hbm>> -> memref<128xi32, #tpu.memory_space<hbm>>
      tpu.enqueue_dma source(%dma_start3A_81 : memref<128xi32, #tpu.memory_space<hbm>>) target(%arg9 : memref<128xi32, #tpu.memory_space<vmem>>) target_semaphore(%run_scoped3A : memref<!tpu.dma_semaphore, #tpu.memory_space<semaphore_mem>>)
      %dma_wait3A_82 = arith.constant 0 : i32
      %dma_wait3A_83 = tpu.memref_slice %arg4[%add3A_31, %dma_wait3A_82] : memref<2560x128xi32, #tpu.memory_space<hbm>> -> memref<1x128xi32, #tpu.memory_space<hbm>>
      %dma_wait3A_84 = tpu.memref_squeeze %dma_wait3A_83 : memref<1x128xi32, #tpu.memory_space<hbm>> -> memref<128xi32, #tpu.memory_space<hbm>>
      %dma_wait3A_85 = arith.constant 0 : i32
      %dma_wait3A_86 = tpu.memref_slice %arg4[%add3A_31, %dma_wait3A_85] : memref<2560x128xi32, #tpu.memory_space<hbm>> -> memref<1x128xi32, #tpu.memory_space<hbm>>
      %dma_wait3A_87 = tpu.memref_squeeze %dma_wait3A_86 : memref<1x128xi32, #tpu.memory_space<hbm>> -> memref<128xi32, #tpu.memory_space<hbm>>
      tpu.wait_dma2 semaphore(%run_scoped3A : memref<!tpu.dma_semaphore, #tpu.memory_space<semaphore_mem>>) src(%dma_wait3A_87 : memref<128xi32, #tpu.memory_space<hbm>>) dst(%arg9 : memref<128xi32, #tpu.memory_space<vmem>>)
      tpu.yield
    }) : () -> ()
    %dma_start3A_32 = arith.constant 0 : i32
    %dma_start3A_33 = arith.constant 0 : i32
    %dma_start3A_34 = tpu.memref_slice %arg2[%dma_start3A_32, %dma_start3A_33] : memref<10000x128xf32, #tpu.memory_space<hbm>> -> memref<10000x128xf32, #tpu.memory_space<hbm>>
    tpu.enqueue_indirect_dma source(%dma_start3A_34 : memref<10000x128xf32, #tpu.memory_space<hbm>>) target(%arg11 : memref<128x128xf32, #tpu.memory_space<vmem>>) offsets(%arg8 : memref<128xi32, #tpu.memory_space<vmem>>) semaphore(%arg14 : memref<!tpu.dma_semaphore, #tpu.memory_space<semaphore_mem>>)
    %jit3A_35 = arith.constant 2 : i32
    %div3A = arith.divsi %select_n3A_8, %jit3A_35 : i32
    %sign3A = arith.constant 0 : i32
    %sign3A_36 = arith.cmpi sgt, %select_n3A_8, %sign3A : i32
    %sign3A_37 = arith.extui %sign3A_36 : i1 to i32
    %sign3A_38 = arith.constant 0 : i32
    %sign3A_39 = arith.cmpi slt, %select_n3A_8, %sign3A_38 : i32
    %sign3A_40 = arith.extui %sign3A_39 : i1 to i32
    %sign3A_41 = arith.subi %sign3A_37, %sign3A_40 : i32
    %sign3A_42 = arith.constant 0 : i32
    %sign3A_43 = arith.cmpi sgt, %jit3A_35, %sign3A_42 : i32
    %sign3A_44 = arith.extui %sign3A_43 : i1 to i32
    %sign3A_45 = arith.constant 0 : i32
    %sign3A_46 = arith.cmpi slt, %jit3A_35, %sign3A_45 : i32
    %sign3A_47 = arith.extui %sign3A_46 : i1 to i32
    %sign3A_48 = arith.subi %sign3A_44, %sign3A_47 : i32
    %ne3A = arith.cmpi ne, %sign3A_41, %sign3A_48 : i32
    %rem3A = arith.remsi %select_n3A_8, %jit3A_35 : i32
    %ne3A_49 = arith.constant 0 : i32
    %ne3A_50 = arith.cmpi ne, %rem3A, %ne3A_49 : i32
    %and3A = arith.andi %ne3A, %ne3A_50 : i1
    %sub3A = arith.constant 1 : i32
    %sub3A_51 = arith.subi %div3A, %sub3A : i32
    %select_n3A_52 = arith.select %and3A, %sub3A_51, %div3A : i32
    %sub3A_53 = arith.constant 1 : i32
    %sub3A_54 = arith.subi %select_n3A_52, %sub3A_53 : i32
    %while3A = arith.constant 0 : i32
    %while3A_55 = arith.constant 0 : i32
    %while3A_56 = arith.subi %sub3A_54, %while3A : i32
    %while3A_57 = arith.addi %while3A, %while3A_56 : i32
    %while3A_58 = arith.constant 1 : i32
    %while3A_59 = arith.divsi %while3A_56, %while3A_58 : i32
    %while3A_60 = arith.muli %while3A_59, %while3A_58 : i32
    %while3A_61 = arith.addi %while3A, %while3A_60 : i32
    %while3A_62 = arith.constant 1 : i32
    %while3A_63 = scf.for %while3A_76 = %while3A to %while3A_61 step %while3A_62 iter_args(%while3A_77 = %while3A_55) -> (i32)  : i32 {
      %mul3A_78 = arith.constant 2 : i32
      %mul3A_79 = arith.muli %while3A_76, %mul3A_78 : i32
      %add3A_80 = arith.constant 0 : i32
      %add3A_81 = arith.addi %mul3A_79, %add3A_80 : i32
      %dma_wait3A_82 = arith.constant 0 : i32
      %dma_wait3A_83 = arith.constant 0 : i32
      %dma_wait3A_84 = tpu.memref_slice %arg2[%dma_wait3A_82, %dma_wait3A_83] : memref<10000x128xf32, #tpu.memory_space<hbm>> -> memref<10000x128xf32, #tpu.memory_space<hbm>>
      tpu.wait_indirect_dma semaphore(%arg13 : memref<!tpu.dma_semaphore, #tpu.memory_space<semaphore_mem>>) src(%dma_wait3A_84 : memref<10000x128xf32, #tpu.memory_space<hbm>>) dst(%arg10 : memref<128x128xf32, #tpu.memory_space<vmem>>)
      "tpu.region"() ({
        %run_scoped3A = tpu.sem_alloc : memref<!tpu.dma_semaphore, #tpu.memory_space<semaphore_mem>>
        %dma_start3A_111 = arith.constant 0 : i32
        %dma_start3A_112 = arith.constant 0 : i32
        %dma_start3A_113 = tpu.memref_slice %arg12[%dma_start3A_111, %dma_start3A_112] : memref<10240x128xf32, #tpu.memory_space<vmem_shared>> -> memref<10240x128xf32, #tpu.memory_space<vmem_shared>>
        tpu.enqueue_indirect_dma source(%arg10 : memref<128x128xf32, #tpu.memory_space<vmem>>) target(%dma_start3A_113 : memref<10240x128xf32, #tpu.memory_space<vmem_shared>>) offsets(%arg7 : memref<128xi32, #tpu.memory_space<vmem>>) semaphore(%run_scoped3A : memref<!tpu.dma_semaphore, #tpu.memory_space<semaphore_mem>>) {add = true}
        %dma_wait3A_114 = arith.constant 0 : i32
        %dma_wait3A_115 = arith.constant 0 : i32
        %dma_wait3A_116 = tpu.memref_slice %arg12[%dma_wait3A_114, %dma_wait3A_115] : memref<10240x128xf32, #tpu.memory_space<vmem_shared>> -> memref<10240x128xf32, #tpu.memory_space<vmem_shared>>
        tpu.wait_indirect_dma semaphore(%run_scoped3A : memref<!tpu.dma_semaphore, #tpu.memory_space<semaphore_mem>>) src(%arg10 : memref<128x128xf32, #tpu.memory_space<vmem>>) dst(%dma_wait3A_116 : memref<10240x128xf32, #tpu.memory_space<vmem_shared>>)
        tpu.yield
      }) : () -> ()
      %add3A_85 = arith.addi %select_n3A, %add3A_81 : i32
      %add3A_86 = arith.constant 2 : i32
      %add3A_87 = arith.addi %add3A_85, %add3A_86 : i32
      "tpu.region"() ({
        %run_scoped3A = tpu.sem_alloc : memref<!tpu.dma_semaphore, #tpu.memory_space<semaphore_mem>>
        %dma_start3A_111 = arith.constant 0 : i32
        %dma_start3A_112 = tpu.memref_slice %arg3[%add3A_87, %dma_start3A_111] : memref<2560x128xi32, #tpu.memory_space<hbm>> -> memref<1x128xi32, #tpu.memory_space<hbm>>
        %dma_start3A_113 = tpu.memref_squeeze %dma_start3A_112 : memref<1x128xi32, #tpu.memory_space<hbm>> -> memref<128xi32, #tpu.memory_space<hbm>>
        %dma_start3A_114 = arith.constant 0 : i32
        %dma_start3A_115 = tpu.memref_slice %arg3[%add3A_87, %dma_start3A_114] : memref<2560x128xi32, #tpu.memory_space<hbm>> -> memref<1x128xi32, #tpu.memory_space<hbm>>
        %dma_start3A_116 = tpu.memref_squeeze %dma_start3A_115 : memref<1x128xi32, #tpu.memory_space<hbm>> -> memref<128xi32, #tpu.memory_space<hbm>>
        tpu.enqueue_dma source(%dma_start3A_116 : memref<128xi32, #tpu.memory_space<hbm>>) target(%arg6 : memref<128xi32, #tpu.memory_space<vmem>>) target_semaphore(%run_scoped3A : memref<!tpu.dma_semaphore, #tpu.memory_space<semaphore_mem>>)
        %dma_wait3A_117 = arith.constant 0 : i32
        %dma_wait3A_118 = tpu.memref_slice %arg3[%add3A_87, %dma_wait3A_117] : memref<2560x128xi32, #tpu.memory_space<hbm>> -> memref<1x128xi32, #tpu.memory_space<hbm>>
        %dma_wait3A_119 = tpu.memref_squeeze %dma_wait3A_118 : memref<1x128xi32, #tpu.memory_space<hbm>> -> memref<128xi32, #tpu.memory_space<hbm>>
        %dma_wait3A_120 = arith.constant 0 : i32
        %dma_wait3A_121 = tpu.memref_slice %arg3[%add3A_87, %dma_wait3A_120] : memref<2560x128xi32, #tpu.memory_space<hbm>> -> memref<1x128xi32, #tpu.memory_space<hbm>>
        %dma_wait3A_122 = tpu.memref_squeeze %dma_wait3A_121 : memref<1x128xi32, #tpu.memory_space<hbm>> -> memref<128xi32, #tpu.memory_space<hbm>>
        tpu.wait_dma2 semaphore(%run_scoped3A : memref<!tpu.dma_semaphore, #tpu.memory_space<semaphore_mem>>) src(%dma_wait3A_122 : memref<128xi32, #tpu.memory_space<hbm>>) dst(%arg6 : memref<128xi32, #tpu.memory_space<vmem>>)
        tpu.yield
      }) : () -> ()
      %add3A_88 = arith.addi %select_n3A, %add3A_81 : i32
      %add3A_89 = arith.constant 2 : i32
      %add3A_90 = arith.addi %add3A_88, %add3A_89 : i32
      "tpu.region"() ({
        %run_scoped3A = tpu.sem_alloc : memref<!tpu.dma_semaphore, #tpu.memory_space<semaphore_mem>>
        %dma_start3A_111 = arith.constant 0 : i32
        %dma_start3A_112 = tpu.memref_slice %arg4[%add3A_90, %dma_start3A_111] : memref<2560x128xi32, #tpu.memory_space<hbm>> -> memref<1x128xi32, #tpu.memory_space<hbm>>
        %dma_start3A_113 = tpu.memref_squeeze %dma_start3A_112 : memref<1x128xi32, #tpu.memory_space<hbm>> -> memref<128xi32, #tpu.memory_space<hbm>>
        %dma_start3A_114 = arith.constant 0 : i32
        %dma_start3A_115 = tpu.memref_slice %arg4[%add3A_90, %dma_start3A_114] : memref<2560x128xi32, #tpu.memory_space<hbm>> -> memref<1x128xi32, #tpu.memory_space<hbm>>
        %dma_start3A_116 = tpu.memref_squeeze %dma_start3A_115 : memref<1x128xi32, #tpu.memory_space<hbm>> -> memref<128xi32, #tpu.memory_space<hbm>>
        tpu.enqueue_dma source(%dma_start3A_116 : memref<128xi32, #tpu.memory_space<hbm>>) target(%arg7 : memref<128xi32, #tpu.memory_space<vmem>>) target_semaphore(%run_scoped3A : memref<!tpu.dma_semaphore, #tpu.memory_space<semaphore_mem>>)
        %dma_wait3A_117 = arith.constant 0 : i32
        %dma_wait3A_118 = tpu.memref_slice %arg4[%add3A_90, %dma_wait3A_117] : memref<2560x128xi32, #tpu.memory_space<hbm>> -> memref<1x128xi32, #tpu.memory_space<hbm>>
        %dma_wait3A_119 = tpu.memref_squeeze %dma_wait3A_118 : memref<1x128xi32, #tpu.memory_space<hbm>> -> memref<128xi32, #tpu.memory_space<hbm>>
        %dma_wait3A_120 = arith.constant 0 : i32
        %dma_wait3A_121 = tpu.memref_slice %arg4[%add3A_90, %dma_wait3A_120] : memref<2560x128xi32, #tpu.memory_space<hbm>> -> memref<1x128xi32, #tpu.memory_space<hbm>>
        %dma_wait3A_122 = tpu.memref_squeeze %dma_wait3A_121 : memref<1x128xi32, #tpu.memory_space<hbm>> -> memref<128xi32, #tpu.memory_space<hbm>>
        tpu.wait_dma2 semaphore(%run_scoped3A : memref<!tpu.dma_semaphore, #tpu.memory_space<semaphore_mem>>) src(%dma_wait3A_122 : memref<128xi32, #tpu.memory_space<hbm>>) dst(%arg7 : memref<128xi32, #tpu.memory_space<vmem>>)
        tpu.yield
      }) : () -> ()
      %dma_start3A_91 = arith.constant 0 : i32
      %dma_start3A_92 = arith.constant 0 : i32
      %dma_start3A_93 = tpu.memref_slice %arg2[%dma_start3A_91, %dma_start3A_92] : memref<10000x128xf32, #tpu.memory_space<hbm>> -> memref<10000x128xf32, #tpu.memory_space<hbm>>
      tpu.enqueue_indirect_dma source(%dma_start3A_93 : memref<10000x128xf32, #tpu.memory_space<hbm>>) target(%arg10 : memref<128x128xf32, #tpu.memory_space<vmem>>) offsets(%arg6 : memref<128xi32, #tpu.memory_space<vmem>>) semaphore(%arg13 : memref<!tpu.dma_semaphore, #tpu.memory_space<semaphore_mem>>)
      %mul3A_94 = arith.constant 2 : i32
      %mul3A_95 = arith.muli %while3A_76, %mul3A_94 : i32
      %add3A_96 = arith.constant 1 : i32
      %add3A_97 = arith.addi %mul3A_95, %add3A_96 : i32
      %dma_wait3A_98 = arith.constant 0 : i32
      %dma_wait3A_99 = arith.constant 0 : i32
      %dma_wait3A_100 = tpu.memref_slice %arg2[%dma_wait3A_98, %dma_wait3A_99] : memref<10000x128xf32, #tpu.memory_space<hbm>> -> memref<10000x128xf32, #tpu.memory_space<hbm>>
      tpu.wait_indirect_dma semaphore(%arg14 : memref<!tpu.dma_semaphore, #tpu.memory_space<semaphore_mem>>) src(%dma_wait3A_100 : memref<10000x128xf32, #tpu.memory_space<hbm>>) dst(%arg11 : memref<128x128xf32, #tpu.memory_space<vmem>>)
      "tpu.region"() ({
        %run_scoped3A = tpu.sem_alloc : memref<!tpu.dma_semaphore, #tpu.memory_space<semaphore_mem>>
        %dma_start3A_111 = arith.constant 0 : i32
        %dma_start3A_112 = arith.constant 0 : i32
        %dma_start3A_113 = tpu.memref_slice %arg12[%dma_start3A_111, %dma_start3A_112] : memref<10240x128xf32, #tpu.memory_space<vmem_shared>> -> memref<10240x128xf32, #tpu.memory_space<vmem_shared>>
        tpu.enqueue_indirect_dma source(%arg11 : memref<128x128xf32, #tpu.memory_space<vmem>>) target(%dma_start3A_113 : memref<10240x128xf32, #tpu.memory_space<vmem_shared>>) offsets(%arg9 : memref<128xi32, #tpu.memory_space<vmem>>) semaphore(%run_scoped3A : memref<!tpu.dma_semaphore, #tpu.memory_space<semaphore_mem>>) {add = true}
        %dma_wait3A_114 = arith.constant 0 : i32
        %dma_wait3A_115 = arith.constant 0 : i32
        %dma_wait3A_116 = tpu.memref_slice %arg12[%dma_wait3A_114, %dma_wait3A_115] : memref<10240x128xf32, #tpu.memory_space<vmem_shared>> -> memref<10240x128xf32, #tpu.memory_space<vmem_shared>>
        tpu.wait_indirect_dma semaphore(%run_scoped3A : memref<!tpu.dma_semaphore, #tpu.memory_space<semaphore_mem>>) src(%arg11 : memref<128x128xf32, #tpu.memory_space<vmem>>) dst(%dma_wait3A_116 : memref<10240x128xf32, #tpu.memory_space<vmem_shared>>)
        tpu.yield
      }) : () -> ()
      %add3A_101 = arith.addi %select_n3A, %add3A_97 : i32
      %add3A_102 = arith.constant 2 : i32
      %add3A_103 = arith.addi %add3A_101, %add3A_102 : i32
      "tpu.region"() ({
        %run_scoped3A = tpu.sem_alloc : memref<!tpu.dma_semaphore, #tpu.memory_space<semaphore_mem>>
        %dma_start3A_111 = arith.constant 0 : i32
        %dma_start3A_112 = tpu.memref_slice %arg3[%add3A_103, %dma_start3A_111] : memref<2560x128xi32, #tpu.memory_space<hbm>> -> memref<1x128xi32, #tpu.memory_space<hbm>>
        %dma_start3A_113 = tpu.memref_squeeze %dma_start3A_112 : memref<1x128xi32, #tpu.memory_space<hbm>> -> memref<128xi32, #tpu.memory_space<hbm>>
        %dma_start3A_114 = arith.constant 0 : i32
        %dma_start3A_115 = tpu.memref_slice %arg3[%add3A_103, %dma_start3A_114] : memref<2560x128xi32, #tpu.memory_space<hbm>> -> memref<1x128xi32, #tpu.memory_space<hbm>>
        %dma_start3A_116 = tpu.memref_squeeze %dma_start3A_115 : memref<1x128xi32, #tpu.memory_space<hbm>> -> memref<128xi32, #tpu.memory_space<hbm>>
        tpu.enqueue_dma source(%dma_start3A_116 : memref<128xi32, #tpu.memory_space<hbm>>) target(%arg8 : memref<128xi32, #tpu.memory_space<vmem>>) target_semaphore(%run_scoped3A : memref<!tpu.dma_semaphore, #tpu.memory_space<semaphore_mem>>)
        %dma_wait3A_117 = arith.constant 0 : i32
        %dma_wait3A_118 = tpu.memref_slice %arg3[%add3A_103, %dma_wait3A_117] : memref<2560x128xi32, #tpu.memory_space<hbm>> -> memref<1x128xi32, #tpu.memory_space<hbm>>
        %dma_wait3A_119 = tpu.memref_squeeze %dma_wait3A_118 : memref<1x128xi32, #tpu.memory_space<hbm>> -> memref<128xi32, #tpu.memory_space<hbm>>
        %dma_wait3A_120 = arith.constant 0 : i32
        %dma_wait3A_121 = tpu.memref_slice %arg3[%add3A_103, %dma_wait3A_120] : memref<2560x128xi32, #tpu.memory_space<hbm>> -> memref<1x128xi32, #tpu.memory_space<hbm>>
        %dma_wait3A_122 = tpu.memref_squeeze %dma_wait3A_121 : memref<1x128xi32, #tpu.memory_space<hbm>> -> memref<128xi32, #tpu.memory_space<hbm>>
        tpu.wait_dma2 semaphore(%run_scoped3A : memref<!tpu.dma_semaphore, #tpu.memory_space<semaphore_mem>>) src(%dma_wait3A_122 : memref<128xi32, #tpu.memory_space<hbm>>) dst(%arg8 : memref<128xi32, #tpu.memory_space<vmem>>)
        tpu.yield
      }) : () -> ()
      %add3A_104 = arith.addi %select_n3A, %add3A_97 : i32
      %add3A_105 = arith.constant 2 : i32
      %add3A_106 = arith.addi %add3A_104, %add3A_105 : i32
      "tpu.region"() ({
        %run_scoped3A = tpu.sem_alloc : memref<!tpu.dma_semaphore, #tpu.memory_space<semaphore_mem>>
        %dma_start3A_111 = arith.constant 0 : i32
        %dma_start3A_112 = tpu.memref_slice %arg4[%add3A_106, %dma_start3A_111] : memref<2560x128xi32, #tpu.memory_space<hbm>> -> memref<1x128xi32, #tpu.memory_space<hbm>>
        %dma_start3A_113 = tpu.memref_squeeze %dma_start3A_112 : memref<1x128xi32, #tpu.memory_space<hbm>> -> memref<128xi32, #tpu.memory_space<hbm>>
        %dma_start3A_114 = arith.constant 0 : i32
        %dma_start3A_115 = tpu.memref_slice %arg4[%add3A_106, %dma_start3A_114] : memref<2560x128xi32, #tpu.memory_space<hbm>> -> memref<1x128xi32, #tpu.memory_space<hbm>>
        %dma_start3A_116 = tpu.memref_squeeze %dma_start3A_115 : memref<1x128xi32, #tpu.memory_space<hbm>> -> memref<128xi32, #tpu.memory_space<hbm>>
        tpu.enqueue_dma source(%dma_start3A_116 : memref<128xi32, #tpu.memory_space<hbm>>) target(%arg9 : memref<128xi32, #tpu.memory_space<vmem>>) target_semaphore(%run_scoped3A : memref<!tpu.dma_semaphore, #tpu.memory_space<semaphore_mem>>)
        %dma_wait3A_117 = arith.constant 0 : i32
        %dma_wait3A_118 = tpu.memref_slice %arg4[%add3A_106, %dma_wait3A_117] : memref<2560x128xi32, #tpu.memory_space<hbm>> -> memref<1x128xi32, #tpu.memory_space<hbm>>
        %dma_wait3A_119 = tpu.memref_squeeze %dma_wait3A_118 : memref<1x128xi32, #tpu.memory_space<hbm>> -> memref<128xi32, #tpu.memory_space<hbm>>
        %dma_wait3A_120 = arith.constant 0 : i32
        %dma_wait3A_121 = tpu.memref_slice %arg4[%add3A_106, %dma_wait3A_120] : memref<2560x128xi32, #tpu.memory_space<hbm>> -> memref<1x128xi32, #tpu.memory_space<hbm>>
        %dma_wait3A_122 = tpu.memref_squeeze %dma_wait3A_121 : memref<1x128xi32, #tpu.memory_space<hbm>> -> memref<128xi32, #tpu.memory_space<hbm>>
        tpu.wait_dma2 semaphore(%run_scoped3A : memref<!tpu.dma_semaphore, #tpu.memory_space<semaphore_mem>>) src(%dma_wait3A_122 : memref<128xi32, #tpu.memory_space<hbm>>) dst(%arg9 : memref<128xi32, #tpu.memory_space<vmem>>)
        tpu.yield
      }) : () -> ()
      %dma_start3A_107 = arith.constant 0 : i32
      %dma_start3A_108 = arith.constant 0 : i32
      %dma_start3A_109 = tpu.memref_slice %arg2[%dma_start3A_107, %dma_start3A_108] : memref<10000x128xf32, #tpu.memory_space<hbm>> -> memref<10000x128xf32, #tpu.memory_space<hbm>>
      tpu.enqueue_indirect_dma source(%dma_start3A_109 : memref<10000x128xf32, #tpu.memory_space<hbm>>) target(%arg11 : memref<128x128xf32, #tpu.memory_space<vmem>>) offsets(%arg8 : memref<128xi32, #tpu.memory_space<vmem>>) semaphore(%arg14 : memref<!tpu.dma_semaphore, #tpu.memory_space<semaphore_mem>>)
      %while3A_110 = arith.constant 0 : i32
      scf.yield %while3A_110 : i32
    }
    %while3A_64 = arith.constant 1 : i32
    %while3A_65 = scf.for %while3A_76 = %while3A_61 to %while3A_57 step %while3A_64 iter_args(%while3A_77 = %while3A_63) -> (i32)  : i32 {
      %mul3A_78 = arith.constant 2 : i32
      %mul3A_79 = arith.muli %while3A_76, %mul3A_78 : i32
      %add3A_80 = arith.constant 0 : i32
      %add3A_81 = arith.addi %mul3A_79, %add3A_80 : i32
      %dma_wait3A_82 = arith.constant 0 : i32
      %dma_wait3A_83 = arith.constant 0 : i32
      %dma_wait3A_84 = tpu.memref_slice %arg2[%dma_wait3A_82, %dma_wait3A_83] : memref<10000x128xf32, #tpu.memory_space<hbm>> -> memref<10000x128xf32, #tpu.memory_space<hbm>>
      tpu.wait_indirect_dma semaphore(%arg13 : memref<!tpu.dma_semaphore, #tpu.memory_space<semaphore_mem>>) src(%dma_wait3A_84 : memref<10000x128xf32, #tpu.memory_space<hbm>>) dst(%arg10 : memref<128x128xf32, #tpu.memory_space<vmem>>)
      "tpu.region"() ({
        %run_scoped3A = tpu.sem_alloc : memref<!tpu.dma_semaphore, #tpu.memory_space<semaphore_mem>>
        %dma_start3A_111 = arith.constant 0 : i32
        %dma_start3A_112 = arith.constant 0 : i32
        %dma_start3A_113 = tpu.memref_slice %arg12[%dma_start3A_111, %dma_start3A_112] : memref<10240x128xf32, #tpu.memory_space<vmem_shared>> -> memref<10240x128xf32, #tpu.memory_space<vmem_shared>>
        tpu.enqueue_indirect_dma source(%arg10 : memref<128x128xf32, #tpu.memory_space<vmem>>) target(%dma_start3A_113 : memref<10240x128xf32, #tpu.memory_space<vmem_shared>>) offsets(%arg7 : memref<128xi32, #tpu.memory_space<vmem>>) semaphore(%run_scoped3A : memref<!tpu.dma_semaphore, #tpu.memory_space<semaphore_mem>>) {add = true}
        %dma_wait3A_114 = arith.constant 0 : i32
        %dma_wait3A_115 = arith.constant 0 : i32
        %dma_wait3A_116 = tpu.memref_slice %arg12[%dma_wait3A_114, %dma_wait3A_115] : memref<10240x128xf32, #tpu.memory_space<vmem_shared>> -> memref<10240x128xf32, #tpu.memory_space<vmem_shared>>
        tpu.wait_indirect_dma semaphore(%run_scoped3A : memref<!tpu.dma_semaphore, #tpu.memory_space<semaphore_mem>>) src(%arg10 : memref<128x128xf32, #tpu.memory_space<vmem>>) dst(%dma_wait3A_116 : memref<10240x128xf32, #tpu.memory_space<vmem_shared>>)
        tpu.yield
      }) : () -> ()
      %add3A_85 = arith.addi %select_n3A, %add3A_81 : i32
      %add3A_86 = arith.constant 2 : i32
      %add3A_87 = arith.addi %add3A_85, %add3A_86 : i32
      "tpu.region"() ({
        %run_scoped3A = tpu.sem_alloc : memref<!tpu.dma_semaphore, #tpu.memory_space<semaphore_mem>>
        %dma_start3A_111 = arith.constant 0 : i32
        %dma_start3A_112 = tpu.memref_slice %arg3[%add3A_87, %dma_start3A_111] : memref<2560x128xi32, #tpu.memory_space<hbm>> -> memref<1x128xi32, #tpu.memory_space<hbm>>
        %dma_start3A_113 = tpu.memref_squeeze %dma_start3A_112 : memref<1x128xi32, #tpu.memory_space<hbm>> -> memref<128xi32, #tpu.memory_space<hbm>>
        %dma_start3A_114 = arith.constant 0 : i32
        %dma_start3A_115 = tpu.memref_slice %arg3[%add3A_87, %dma_start3A_114] : memref<2560x128xi32, #tpu.memory_space<hbm>> -> memref<1x128xi32, #tpu.memory_space<hbm>>
        %dma_start3A_116 = tpu.memref_squeeze %dma_start3A_115 : memref<1x128xi32, #tpu.memory_space<hbm>> -> memref<128xi32, #tpu.memory_space<hbm>>
        tpu.enqueue_dma source(%dma_start3A_116 : memref<128xi32, #tpu.memory_space<hbm>>) target(%arg6 : memref<128xi32, #tpu.memory_space<vmem>>) target_semaphore(%run_scoped3A : memref<!tpu.dma_semaphore, #tpu.memory_space<semaphore_mem>>)
        %dma_wait3A_117 = arith.constant 0 : i32
        %dma_wait3A_118 = tpu.memref_slice %arg3[%add3A_87, %dma_wait3A_117] : memref<2560x128xi32, #tpu.memory_space<hbm>> -> memref<1x128xi32, #tpu.memory_space<hbm>>
        %dma_wait3A_119 = tpu.memref_squeeze %dma_wait3A_118 : memref<1x128xi32, #tpu.memory_space<hbm>> -> memref<128xi32, #tpu.memory_space<hbm>>
        %dma_wait3A_120 = arith.constant 0 : i32
        %dma_wait3A_121 = tpu.memref_slice %arg3[%add3A_87, %dma_wait3A_120] : memref<2560x128xi32, #tpu.memory_space<hbm>> -> memref<1x128xi32, #tpu.memory_space<hbm>>
        %dma_wait3A_122 = tpu.memref_squeeze %dma_wait3A_121 : memref<1x128xi32, #tpu.memory_space<hbm>> -> memref<128xi32, #tpu.memory_space<hbm>>
        tpu.wait_dma2 semaphore(%run_scoped3A : memref<!tpu.dma_semaphore, #tpu.memory_space<semaphore_mem>>) src(%dma_wait3A_122 : memref<128xi32, #tpu.memory_space<hbm>>) dst(%arg6 : memref<128xi32, #tpu.memory_space<vmem>>)
        tpu.yield
      }) : () -> ()
      %add3A_88 = arith.addi %select_n3A, %add3A_81 : i32
      %add3A_89 = arith.constant 2 : i32
      %add3A_90 = arith.addi %add3A_88, %add3A_89 : i32
      "tpu.region"() ({
        %run_scoped3A = tpu.sem_alloc : memref<!tpu.dma_semaphore, #tpu.memory_space<semaphore_mem>>
        %dma_start3A_111 = arith.constant 0 : i32
        %dma_start3A_112 = tpu.memref_slice %arg4[%add3A_90, %dma_start3A_111] : memref<2560x128xi32, #tpu.memory_space<hbm>> -> memref<1x128xi32, #tpu.memory_space<hbm>>
        %dma_start3A_113 = tpu.memref_squeeze %dma_start3A_112 : memref<1x128xi32, #tpu.memory_space<hbm>> -> memref<128xi32, #tpu.memory_space<hbm>>
        %dma_start3A_114 = arith.constant 0 : i32
        %dma_start3A_115 = tpu.memref_slice %arg4[%add3A_90, %dma_start3A_114] : memref<2560x128xi32, #tpu.memory_space<hbm>> -> memref<1x128xi32, #tpu.memory_space<hbm>>
        %dma_start3A_116 = tpu.memref_squeeze %dma_start3A_115 : memref<1x128xi32, #tpu.memory_space<hbm>> -> memref<128xi32, #tpu.memory_space<hbm>>
        tpu.enqueue_dma source(%dma_start3A_116 : memref<128xi32, #tpu.memory_space<hbm>>) target(%arg7 : memref<128xi32, #tpu.memory_space<vmem>>) target_semaphore(%run_scoped3A : memref<!tpu.dma_semaphore, #tpu.memory_space<semaphore_mem>>)
        %dma_wait3A_117 = arith.constant 0 : i32
        %dma_wait3A_118 = tpu.memref_slice %arg4[%add3A_90, %dma_wait3A_117] : memref<2560x128xi32, #tpu.memory_space<hbm>> -> memref<1x128xi32, #tpu.memory_space<hbm>>
        %dma_wait3A_119 = tpu.memref_squeeze %dma_wait3A_118 : memref<1x128xi32, #tpu.memory_space<hbm>> -> memref<128xi32, #tpu.memory_space<hbm>>
        %dma_wait3A_120 = arith.constant 0 : i32
        %dma_wait3A_121 = tpu.memref_slice %arg4[%add3A_90, %dma_wait3A_120] : memref<2560x128xi32, #tpu.memory_space<hbm>> -> memref<1x128xi32, #tpu.memory_space<hbm>>
        %dma_wait3A_122 = tpu.memref_squeeze %dma_wait3A_121 : memref<1x128xi32, #tpu.memory_space<hbm>> -> memref<128xi32, #tpu.memory_space<hbm>>
        tpu.wait_dma2 semaphore(%run_scoped3A : memref<!tpu.dma_semaphore, #tpu.memory_space<semaphore_mem>>) src(%dma_wait3A_122 : memref<128xi32, #tpu.memory_space<hbm>>) dst(%arg7 : memref<128xi32, #tpu.memory_space<vmem>>)
        tpu.yield
      }) : () -> ()
      %dma_start3A_91 = arith.constant 0 : i32
      %dma_start3A_92 = arith.constant 0 : i32
      %dma_start3A_93 = tpu.memref_slice %arg2[%dma_start3A_91, %dma_start3A_92] : memref<10000x128xf32, #tpu.memory_space<hbm>> -> memref<10000x128xf32, #tpu.memory_space<hbm>>
      tpu.enqueue_indirect_dma source(%dma_start3A_93 : memref<10000x128xf32, #tpu.memory_space<hbm>>) target(%arg10 : memref<128x128xf32, #tpu.memory_space<vmem>>) offsets(%arg6 : memref<128xi32, #tpu.memory_space<vmem>>) semaphore(%arg13 : memref<!tpu.dma_semaphore, #tpu.memory_space<semaphore_mem>>)
      %mul3A_94 = arith.constant 2 : i32
      %mul3A_95 = arith.muli %while3A_76, %mul3A_94 : i32
      %add3A_96 = arith.constant 1 : i32
      %add3A_97 = arith.addi %mul3A_95, %add3A_96 : i32
      %dma_wait3A_98 = arith.constant 0 : i32
      %dma_wait3A_99 = arith.constant 0 : i32
      %dma_wait3A_100 = tpu.memref_slice %arg2[%dma_wait3A_98, %dma_wait3A_99] : memref<10000x128xf32, #tpu.memory_space<hbm>> -> memref<10000x128xf32, #tpu.memory_space<hbm>>
      tpu.wait_indirect_dma semaphore(%arg14 : memref<!tpu.dma_semaphore, #tpu.memory_space<semaphore_mem>>) src(%dma_wait3A_100 : memref<10000x128xf32, #tpu.memory_space<hbm>>) dst(%arg11 : memref<128x128xf32, #tpu.memory_space<vmem>>)
      "tpu.region"() ({
        %run_scoped3A = tpu.sem_alloc : memref<!tpu.dma_semaphore, #tpu.memory_space<semaphore_mem>>
        %dma_start3A_111 = arith.constant 0 : i32
        %dma_start3A_112 = arith.constant 0 : i32
        %dma_start3A_113 = tpu.memref_slice %arg12[%dma_start3A_111, %dma_start3A_112] : memref<10240x128xf32, #tpu.memory_space<vmem_shared>> -> memref<10240x128xf32, #tpu.memory_space<vmem_shared>>
        tpu.enqueue_indirect_dma source(%arg11 : memref<128x128xf32, #tpu.memory_space<vmem>>) target(%dma_start3A_113 : memref<10240x128xf32, #tpu.memory_space<vmem_shared>>) offsets(%arg9 : memref<128xi32, #tpu.memory_space<vmem>>) semaphore(%run_scoped3A : memref<!tpu.dma_semaphore, #tpu.memory_space<semaphore_mem>>) {add = true}
        %dma_wait3A_114 = arith.constant 0 : i32
        %dma_wait3A_115 = arith.constant 0 : i32
        %dma_wait3A_116 = tpu.memref_slice %arg12[%dma_wait3A_114, %dma_wait3A_115] : memref<10240x128xf32, #tpu.memory_space<vmem_shared>> -> memref<10240x128xf32, #tpu.memory_space<vmem_shared>>
        tpu.wait_indirect_dma semaphore(%run_scoped3A : memref<!tpu.dma_semaphore, #tpu.memory_space<semaphore_mem>>) src(%arg11 : memref<128x128xf32, #tpu.memory_space<vmem>>) dst(%dma_wait3A_116 : memref<10240x128xf32, #tpu.memory_space<vmem_shared>>)
        tpu.yield
      }) : () -> ()
      %add3A_101 = arith.addi %select_n3A, %add3A_97 : i32
      %add3A_102 = arith.constant 2 : i32
      %add3A_103 = arith.addi %add3A_101, %add3A_102 : i32
      "tpu.region"() ({
        %run_scoped3A = tpu.sem_alloc : memref<!tpu.dma_semaphore, #tpu.memory_space<semaphore_mem>>
        %dma_start3A_111 = arith.constant 0 : i32
        %dma_start3A_112 = tpu.memref_slice %arg3[%add3A_103, %dma_start3A_111] : memref<2560x128xi32, #tpu.memory_space<hbm>> -> memref<1x128xi32, #tpu.memory_space<hbm>>
        %dma_start3A_113 = tpu.memref_squeeze %dma_start3A_112 : memref<1x128xi32, #tpu.memory_space<hbm>> -> memref<128xi32, #tpu.memory_space<hbm>>
        %dma_start3A_114 = arith.constant 0 : i32
        %dma_start3A_115 = tpu.memref_slice %arg3[%add3A_103, %dma_start3A_114] : memref<2560x128xi32, #tpu.memory_space<hbm>> -> memref<1x128xi32, #tpu.memory_space<hbm>>
        %dma_start3A_116 = tpu.memref_squeeze %dma_start3A_115 : memref<1x128xi32, #tpu.memory_space<hbm>> -> memref<128xi32, #tpu.memory_space<hbm>>
        tpu.enqueue_dma source(%dma_start3A_116 : memref<128xi32, #tpu.memory_space<hbm>>) target(%arg8 : memref<128xi32, #tpu.memory_space<vmem>>) target_semaphore(%run_scoped3A : memref<!tpu.dma_semaphore, #tpu.memory_space<semaphore_mem>>)
        %dma_wait3A_117 = arith.constant 0 : i32
        %dma_wait3A_118 = tpu.memref_slice %arg3[%add3A_103, %dma_wait3A_117] : memref<2560x128xi32, #tpu.memory_space<hbm>> -> memref<1x128xi32, #tpu.memory_space<hbm>>
        %dma_wait3A_119 = tpu.memref_squeeze %dma_wait3A_118 : memref<1x128xi32, #tpu.memory_space<hbm>> -> memref<128xi32, #tpu.memory_space<hbm>>
        %dma_wait3A_120 = arith.constant 0 : i32
        %dma_wait3A_121 = tpu.memref_slice %arg3[%add3A_103, %dma_wait3A_120] : memref<2560x128xi32, #tpu.memory_space<hbm>> -> memref<1x128xi32, #tpu.memory_space<hbm>>
        %dma_wait3A_122 = tpu.memref_squeeze %dma_wait3A_121 : memref<1x128xi32, #tpu.memory_space<hbm>> -> memref<128xi32, #tpu.memory_space<hbm>>
        tpu.wait_dma2 semaphore(%run_scoped3A : memref<!tpu.dma_semaphore, #tpu.memory_space<semaphore_mem>>) src(%dma_wait3A_122 : memref<128xi32, #tpu.memory_space<hbm>>) dst(%arg8 : memref<128xi32, #tpu.memory_space<vmem>>)
        tpu.yield
      }) : () -> ()
      %add3A_104 = arith.addi %select_n3A, %add3A_97 : i32
      %add3A_105 = arith.constant 2 : i32
      %add3A_106 = arith.addi %add3A_104, %add3A_105 : i32
      "tpu.region"() ({
        %run_scoped3A = tpu.sem_alloc : memref<!tpu.dma_semaphore, #tpu.memory_space<semaphore_mem>>
        %dma_start3A_111 = arith.constant 0 : i32
        %dma_start3A_112 = tpu.memref_slice %arg4[%add3A_106, %dma_start3A_111] : memref<2560x128xi32, #tpu.memory_space<hbm>> -> memref<1x128xi32, #tpu.memory_space<hbm>>
        %dma_start3A_113 = tpu.memref_squeeze %dma_start3A_112 : memref<1x128xi32, #tpu.memory_space<hbm>> -> memref<128xi32, #tpu.memory_space<hbm>>
        %dma_start3A_114 = arith.constant 0 : i32
        %dma_start3A_115 = tpu.memref_slice %arg4[%add3A_106, %dma_start3A_114] : memref<2560x128xi32, #tpu.memory_space<hbm>> -> memref<1x128xi32, #tpu.memory_space<hbm>>
        %dma_start3A_116 = tpu.memref_squeeze %dma_start3A_115 : memref<1x128xi32, #tpu.memory_space<hbm>> -> memref<128xi32, #tpu.memory_space<hbm>>
        tpu.enqueue_dma source(%dma_start3A_116 : memref<128xi32, #tpu.memory_space<hbm>>) target(%arg9 : memref<128xi32, #tpu.memory_space<vmem>>) target_semaphore(%run_scoped3A : memref<!tpu.dma_semaphore, #tpu.memory_space<semaphore_mem>>)
        %dma_wait3A_117 = arith.constant 0 : i32
        %dma_wait3A_118 = tpu.memref_slice %arg4[%add3A_106, %dma_wait3A_117] : memref<2560x128xi32, #tpu.memory_space<hbm>> -> memref<1x128xi32, #tpu.memory_space<hbm>>
        %dma_wait3A_119 = tpu.memref_squeeze %dma_wait3A_118 : memref<1x128xi32, #tpu.memory_space<hbm>> -> memref<128xi32, #tpu.memory_space<hbm>>
        %dma_wait3A_120 = arith.constant 0 : i32
        %dma_wait3A_121 = tpu.memref_slice %arg4[%add3A_106, %dma_wait3A_120] : memref<2560x128xi32, #tpu.memory_space<hbm>> -> memref<1x128xi32, #tpu.memory_space<hbm>>
        %dma_wait3A_122 = tpu.memref_squeeze %dma_wait3A_121 : memref<1x128xi32, #tpu.memory_space<hbm>> -> memref<128xi32, #tpu.memory_space<hbm>>
        tpu.wait_dma2 semaphore(%run_scoped3A : memref<!tpu.dma_semaphore, #tpu.memory_space<semaphore_mem>>) src(%dma_wait3A_122 : memref<128xi32, #tpu.memory_space<hbm>>) dst(%arg9 : memref<128xi32, #tpu.memory_space<vmem>>)
        tpu.yield
      }) : () -> ()
      %dma_start3A_107 = arith.constant 0 : i32
      %dma_start3A_108 = arith.constant 0 : i32
      %dma_start3A_109 = tpu.memref_slice %arg2[%dma_start3A_107, %dma_start3A_108] : memref<10000x128xf32, #tpu.memory_space<hbm>> -> memref<10000x128xf32, #tpu.memory_space<hbm>>
      tpu.enqueue_indirect_dma source(%dma_start3A_109 : memref<10000x128xf32, #tpu.memory_space<hbm>>) target(%arg11 : memref<128x128xf32, #tpu.memory_space<vmem>>) offsets(%arg8 : memref<128xi32, #tpu.memory_space<vmem>>) semaphore(%arg14 : memref<!tpu.dma_semaphore, #tpu.memory_space<semaphore_mem>>)
      %while3A_110 = arith.constant 0 : i32
      scf.yield %while3A_110 : i32
    }
    %dma_wait3A = arith.constant 0 : i32
    %dma_wait3A_66 = arith.constant 0 : i32
    %dma_wait3A_67 = tpu.memref_slice %arg2[%dma_wait3A, %dma_wait3A_66] : memref<10000x128xf32, #tpu.memory_space<hbm>> -> memref<10000x128xf32, #tpu.memory_space<hbm>>
    tpu.wait_indirect_dma semaphore(%arg13 : memref<!tpu.dma_semaphore, #tpu.memory_space<semaphore_mem>>) src(%dma_wait3A_67 : memref<10000x128xf32, #tpu.memory_space<hbm>>) dst(%arg10 : memref<128x128xf32, #tpu.memory_space<vmem>>)
    "tpu.region"() ({
      %run_scoped3A = tpu.sem_alloc : memref<!tpu.dma_semaphore, #tpu.memory_space<semaphore_mem>>
      %dma_start3A_76 = arith.constant 0 : i32
      %dma_start3A_77 = arith.constant 0 : i32
      %dma_start3A_78 = tpu.memref_slice %arg12[%dma_start3A_76, %dma_start3A_77] : memref<10240x128xf32, #tpu.memory_space<vmem_shared>> -> memref<10240x128xf32, #tpu.memory_space<vmem_shared>>
      tpu.enqueue_indirect_dma source(%arg10 : memref<128x128xf32, #tpu.memory_space<vmem>>) target(%dma_start3A_78 : memref<10240x128xf32, #tpu.memory_space<vmem_shared>>) offsets(%arg7 : memref<128xi32, #tpu.memory_space<vmem>>) semaphore(%run_scoped3A : memref<!tpu.dma_semaphore, #tpu.memory_space<semaphore_mem>>) {add = true}
      %dma_wait3A_79 = arith.constant 0 : i32
      %dma_wait3A_80 = arith.constant 0 : i32
      %dma_wait3A_81 = tpu.memref_slice %arg12[%dma_wait3A_79, %dma_wait3A_80] : memref<10240x128xf32, #tpu.memory_space<vmem_shared>> -> memref<10240x128xf32, #tpu.memory_space<vmem_shared>>
      tpu.wait_indirect_dma semaphore(%run_scoped3A : memref<!tpu.dma_semaphore, #tpu.memory_space<semaphore_mem>>) src(%arg10 : memref<128x128xf32, #tpu.memory_space<vmem>>) dst(%dma_wait3A_81 : memref<10240x128xf32, #tpu.memory_space<vmem_shared>>)
      tpu.yield
    }) : () -> ()
    %dma_wait3A_68 = arith.constant 0 : i32
    %dma_wait3A_69 = arith.constant 0 : i32
    %dma_wait3A_70 = tpu.memref_slice %arg2[%dma_wait3A_68, %dma_wait3A_69] : memref<10000x128xf32, #tpu.memory_space<hbm>> -> memref<10000x128xf32, #tpu.memory_space<hbm>>
    tpu.wait_indirect_dma semaphore(%arg14 : memref<!tpu.dma_semaphore, #tpu.memory_space<semaphore_mem>>) src(%dma_wait3A_70 : memref<10000x128xf32, #tpu.memory_space<hbm>>) dst(%arg11 : memref<128x128xf32, #tpu.memory_space<vmem>>)
    "tpu.region"() ({
      %run_scoped3A = tpu.sem_alloc : memref<!tpu.dma_semaphore, #tpu.memory_space<semaphore_mem>>
      %dma_start3A_76 = arith.constant 0 : i32
      %dma_start3A_77 = arith.constant 0 : i32
      %dma_start3A_78 = tpu.memref_slice %arg12[%dma_start3A_76, %dma_start3A_77] : memref<10240x128xf32, #tpu.memory_space<vmem_shared>> -> memref<10240x128xf32, #tpu.memory_space<vmem_shared>>
      tpu.enqueue_indirect_dma source(%arg11 : memref<128x128xf32, #tpu.memory_space<vmem>>) target(%dma_start3A_78 : memref<10240x128xf32, #tpu.memory_space<vmem_shared>>) offsets(%arg9 : memref<128xi32, #tpu.memory_space<vmem>>) semaphore(%run_scoped3A : memref<!tpu.dma_semaphore, #tpu.memory_space<semaphore_mem>>) {add = true}
      %dma_wait3A_79 = arith.constant 0 : i32
      %dma_wait3A_80 = arith.constant 0 : i32
      %dma_wait3A_81 = tpu.memref_slice %arg12[%dma_wait3A_79, %dma_wait3A_80] : memref<10240x128xf32, #tpu.memory_space<vmem_shared>> -> memref<10240x128xf32, #tpu.memory_space<vmem_shared>>
      tpu.wait_indirect_dma semaphore(%run_scoped3A : memref<!tpu.dma_semaphore, #tpu.memory_space<semaphore_mem>>) src(%arg11 : memref<128x128xf32, #tpu.memory_space<vmem>>) dst(%dma_wait3A_81 : memref<10240x128xf32, #tpu.memory_space<vmem_shared>>)
      tpu.yield
    }) : () -> ()
    %barrier3A_71 = arith.constant 0 : index
    tpu.barrier barrier_id(%barrier3A_71)
    %mul3A_72 = arith.constant 640 : i32
    %mul3A_73 = arith.muli %arg1, %mul3A_72 : i32
    %mul3A_74 = arith.constant 640 : i32
    %mul3A_75 = arith.muli %arg1, %mul3A_74 : i32
    "tpu.region"() ({
      %run_scoped3A = tpu.sem_alloc : memref<!tpu.dma_semaphore, #tpu.memory_space<semaphore_mem>>
      %dma_start3A_76 = arith.constant 0 : i32
      %dma_start3A_77 = tpu.memref_slice %arg5[%arg0, %mul3A_75, %dma_start3A_76] : memref<2x10240x128xf32, #tpu.memory_space<hbm>> -> memref<1x640x128xf32, #tpu.memory_space<hbm>>
      %dma_start3A_78 = tpu.memref_squeeze %dma_start3A_77 : memref<1x640x128xf32, #tpu.memory_space<hbm>> -> memref<640x128xf32, #tpu.memory_space<hbm>>
      %dma_start3A_79 = arith.constant 0 : i32
      %dma_start3A_80 = tpu.memref_slice %arg12[%mul3A_73, %dma_start3A_79] : memref<10240x128xf32, #tpu.memory_space<vmem_shared>> -> memref<640x128xf32, #tpu.memory_space<vmem_shared>>
      tpu.enqueue_dma source(%dma_start3A_80 : memref<640x128xf32, #tpu.memory_space<vmem_shared>>) target(%dma_start3A_78 : memref<640x128xf32, #tpu.memory_space<hbm>>) target_semaphore(%run_scoped3A : memref<!tpu.dma_semaphore, #tpu.memory_space<semaphore_mem>>)
      %dma_wait3A_81 = arith.constant 0 : i32
      %dma_wait3A_82 = tpu.memref_slice %arg5[%arg0, %mul3A_75, %dma_wait3A_81] : memref<2x10240x128xf32, #tpu.memory_space<hbm>> -> memref<1x640x128xf32, #tpu.memory_space<hbm>>
      %dma_wait3A_83 = tpu.memref_squeeze %dma_wait3A_82 : memref<1x640x128xf32, #tpu.memory_space<hbm>> -> memref<640x128xf32, #tpu.memory_space<hbm>>
      %dma_wait3A_84 = arith.constant 0 : i32
      %dma_wait3A_85 = tpu.memref_slice %arg12[%mul3A_73, %dma_wait3A_84] : memref<10240x128xf32, #tpu.memory_space<vmem_shared>> -> memref<640x128xf32, #tpu.memory_space<vmem_shared>>
      tpu.wait_dma2 semaphore(%run_scoped3A : memref<!tpu.dma_semaphore, #tpu.memory_space<semaphore_mem>>) src(%dma_wait3A_85 : memref<640x128xf32, #tpu.memory_space<vmem_shared>>) dst(%dma_wait3A_83 : memref<640x128xf32, #tpu.memory_space<hbm>>)
      tpu.yield
    }) : () -> ()
    return
  }
}

module attributes {stable_mosaic.version = 14 : i64} {
  func.func @_tc_prep_body(%arg0: i32, %arg1: memref<2x1000x128xf32, #tpu.memory_space<vmem>>, %arg2: memref<1000x128xf32, #tpu.memory_space<vmem>>, %arg3: memref<128x128xf32, #tpu.memory_space<vmem>>, %arg4: memref<1000x16xf32, #tpu.memory_space<vmem>>, %arg5: memref<1000x128xf32, #tpu.memory_space<vmem>>) attributes {dimension_semantics = [#tpu.dimension_semantics<arbitrary>], iteration_bounds = array<i64: 10>, scalar_prefetch = 0 : i64, scratch_operands = 0 : i64, tpu.core_type = #tpu.core_type<tc>, window_params = [{transform_indices = @transform_0, window_bounds = array<i64: 2, 1000, 128>}, {transform_indices = @transform_1, window_bounds = array<i64: 1000, 128>}, {pipeline_mode = #tpu.pipeline_mode<synchronous>, transform_indices = @transform_2, window_bounds = array<i64: 128, 128>}, {transform_indices = @transform_3, window_bounds = array<i64: 1000, 16>}, {transform_indices = @transform_4, window_bounds = array<i64: 1000, 128>}]} {
    %get3A = arith.constant 0 : index
    %get3A_0 = arith.constant 0 : index
    %get3A_1 = arith.constant 0 : index
    %get3A_2 = vector.load %arg1[%get3A, %get3A_0, %get3A_1] : memref<2x1000x128xf32, #tpu.memory_space<vmem>>, vector<1x1000x16xf32>
    %get3A_3 = vector.shape_cast %get3A_2 : vector<1x1000x16xf32> to vector<1000x16xf32>
    %get3A_4 = arith.constant 1 : index
    %get3A_5 = arith.constant 0 : index
    %get3A_6 = arith.constant 0 : index
    %get3A_7 = vector.load %arg1[%get3A_4, %get3A_5, %get3A_6] : memref<2x1000x128xf32, #tpu.memory_space<vmem>>, vector<1x1000x16xf32>
    %get3A_8 = vector.shape_cast %get3A_7 : vector<1x1000x16xf32> to vector<1000x16xf32>
    %add3A = arith.addf %get3A_3, %get3A_8 : vector<1000x16xf32>
    %add3A_9 = arith.constant 1.000000e+00 : f32
    %add3A_10 = vector.broadcast %add3A_9 : f32 to vector<1000x16xf32>
    %add3A_11 = arith.addf %add3A, %add3A_10 : vector<1000x16xf32>
    %rsqrt3A = math.rsqrt %add3A_11 : vector<1000x16xf32>
    %swap3A = arith.constant 0 : index
    %swap3A_12 = arith.constant 0 : index
    %swap3A_13 = vector.load %arg4[%swap3A, %swap3A_12] : memref<1000x16xf32, #tpu.memory_space<vmem>>, vector<1000x16xf32>
    tpu.vector_store %arg4[%swap3A, %swap3A_12], %rsqrt3A {strides = array<i32>} : memref<1000x16xf32, #tpu.memory_space<vmem>>, vector<1000x16xf32>,
    %get3A_14 = arith.constant 0 : index
    %get3A_15 = arith.constant 0 : index
    %get3A_16 = vector.load %arg2[%get3A_14, %get3A_15] : memref<1000x128xf32, #tpu.memory_space<vmem>>, vector<1000x128xf32>
    %get3A_17 = arith.constant 0 : index
    %get3A_18 = arith.constant 0 : index
    %get3A_19 = vector.load %arg3[%get3A_17, %get3A_18] : memref<128x128xf32, #tpu.memory_space<vmem>>, vector<128x128xf32>
    %dot_general3A = arith.constant dense<0.000000e+00> : vector<1000x128xf32>
    %dot_general3A_20 = tpu.matmul %get3A_16, %get3A_19, %dot_general3A {dimension_numbers = #tpu.dot_dimension_numbers<[1], [0], [0], [1], [0, 0, 1, 1], [], []>, transpose_lhs_hint = false} : vector<1000x128xf32>, vector<128x128xf32>, vector<1000x128xf32> -> vector<1000x128xf32>
    %slice3A = vector.extract_strided_slice %rsqrt3A {offsets = [0, 0], sizes = [1000, 1], strides = [1, 1]} : vector<1000x16xf32> to vector<1000x1xf32>
    %mul3A = vector.broadcast %slice3A : vector<1000x1xf32> to vector<1000x128xf32>
    %mul3A_21 = arith.mulf %dot_general3A_20, %mul3A : vector<1000x128xf32>
    %swap3A_22 = arith.constant 0 : index
    %swap3A_23 = arith.constant 0 : index
    %swap3A_24 = vector.load %arg5[%swap3A_22, %swap3A_23] : memref<1000x128xf32, #tpu.memory_space<vmem>>, vector<1000x128xf32>
    tpu.vector_store %arg5[%swap3A_22, %swap3A_23], %mul3A_21 {strides = array<i32>} : memref<1000x128xf32, #tpu.memory_space<vmem>>, vector<1000x128xf32>,
    return
  }
  func.func @transform_0(%arg0: i32) -> (i32, i32, i32) {
    %c0_i32 = arith.constant 0 : i32
    %c0_i32_0 = arith.constant 0 : i32
    %c0_i32_1 = arith.constant 0 : i32
    return %c0_i32, %arg0, %c0_i32_0 : i32, i32, i32
  }
  func.func @transform_1(%arg0: i32) -> (i32, i32) {
    %c0_i32 = arith.constant 0 : i32
    %c0_i32_0 = arith.constant 0 : i32
    return %arg0, %c0_i32 : i32, i32
  }
  func.func @transform_2(%arg0: i32) -> (i32, i32) {
    %c0_i32 = arith.constant 0 : i32
    %c0_i32_0 = arith.constant 0 : i32
    %c0_i32_1 = arith.constant 0 : i32
    return %c0_i32, %c0_i32_0 : i32, i32
  }
  func.func @transform_3(%arg0: i32) -> (i32, i32) {
    %c0_i32 = arith.constant 0 : i32
    %c0_i32_0 = arith.constant 0 : i32
    return %arg0, %c0_i32 : i32, i32
  }
  func.func @transform_4(%arg0: i32) -> (i32, i32) {
    %c0_i32 = arith.constant 0 : i32
    %c0_i32_0 = arith.constant 0 : i32
    return %arg0, %c0_i32 : i32, i32
  }
}

module attributes {stable_mosaic.version = 14 : i64} {
  func.func @_tc_mid_body(%arg0: i32, %arg1: memref<2x1000x128xf32, #tpu.memory_space<vmem>>, %arg2: memref<1000x128xf32, #tpu.memory_space<vmem>>, %arg3: memref<1000x16xf32, #tpu.memory_space<vmem>>, %arg4: memref<1x128xf32, #tpu.memory_space<vmem>>, %arg5: memref<128x128xf32, #tpu.memory_space<vmem>>, %arg6: memref<1000x128xf32, #tpu.memory_space<vmem>>) attributes {dimension_semantics = [#tpu.dimension_semantics<arbitrary>], iteration_bounds = array<i64: 10>, scalar_prefetch = 0 : i64, scratch_operands = 0 : i64, tpu.core_type = #tpu.core_type<tc>, window_params = [{transform_indices = @transform_0, window_bounds = array<i64: 2, 1000, 128>}, {transform_indices = @transform_1, window_bounds = array<i64: 1000, 128>}, {transform_indices = @transform_2, window_bounds = array<i64: 1000, 16>}, {pipeline_mode = #tpu.pipeline_mode<synchronous>, transform_indices = @transform_3, window_bounds = array<i64: 1, 128>}, {pipeline_mode = #tpu.pipeline_mode<synchronous>, transform_indices = @transform_4, window_bounds = array<i64: 128, 128>}, {transform_indices = @transform_5, window_bounds = array<i64: 1000, 128>}]} {
    %get3A = arith.constant 0 : index
    %get3A_0 = arith.constant 0 : index
    %get3A_1 = vector.load %arg3[%get3A, %get3A_0] : memref<1000x16xf32, #tpu.memory_space<vmem>>, vector<1000x1xf32>
    %get3A_2 = arith.constant 0 : index
    %get3A_3 = arith.constant 0 : index
    %get3A_4 = arith.constant 0 : index
    %get3A_5 = vector.load %arg1[%get3A_2, %get3A_3, %get3A_4] : memref<2x1000x128xf32, #tpu.memory_space<vmem>>, vector<1x1000x128xf32>
    %get3A_6 = vector.shape_cast %get3A_5 : vector<1x1000x128xf32> to vector<1000x128xf32>
    %get3A_7 = arith.constant 1 : index
    %get3A_8 = arith.constant 0 : index
    %get3A_9 = arith.constant 0 : index
    %get3A_10 = vector.load %arg1[%get3A_7, %get3A_8, %get3A_9] : memref<2x1000x128xf32, #tpu.memory_space<vmem>>, vector<1x1000x128xf32>
    %get3A_11 = vector.shape_cast %get3A_10 : vector<1x1000x128xf32> to vector<1000x128xf32>
    %add3A = arith.addf %get3A_6, %get3A_11 : vector<1000x128xf32>
    %get3A_12 = arith.constant 0 : index
    %get3A_13 = arith.constant 0 : index
    %get3A_14 = vector.load %arg2[%get3A_12, %get3A_13] : memref<1000x128xf32, #tpu.memory_space<vmem>>, vector<1000x128xf32>
    %add3A_15 = arith.addf %add3A, %get3A_14 : vector<1000x128xf32>
    %mul3A = vector.broadcast %get3A_1 : vector<1000x1xf32> to vector<1000x128xf32>
    %mul3A_16 = arith.mulf %add3A_15, %mul3A : vector<1000x128xf32>
    %get3A_17 = arith.constant 0 : index
    %get3A_18 = arith.constant 0 : index
    %get3A_19 = vector.load %arg4[%get3A_17, %get3A_18] : memref<1x128xf32, #tpu.memory_space<vmem>>, vector<1x128xf32>
    %add3A_20 = vector.broadcast %get3A_19 : vector<1x128xf32> to vector<1000x128xf32>
    %add3A_21 = arith.addf %mul3A_16, %add3A_20 : vector<1000x128xf32>
    %max3A = arith.constant 0.000000e+00 : f32
    %max3A_22 = vector.broadcast %max3A : f32 to vector<1000x128xf32>
    %max3A_23 = arith.maximumf %add3A_21, %max3A_22 : vector<1000x128xf32>
    %get3A_24 = arith.constant 0 : index
    %get3A_25 = arith.constant 0 : index
    %get3A_26 = vector.load %arg5[%get3A_24, %get3A_25] : memref<128x128xf32, #tpu.memory_space<vmem>>, vector<128x128xf32>
    %dot_general3A = arith.constant dense<0.000000e+00> : vector<1000x128xf32>
    %dot_general3A_27 = tpu.matmul %max3A_23, %get3A_26, %dot_general3A {dimension_numbers = #tpu.dot_dimension_numbers<[1], [0], [0], [1], [0, 0, 1, 1], [], []>, transpose_lhs_hint = false} : vector<1000x128xf32>, vector<128x128xf32>, vector<1000x128xf32> -> vector<1000x128xf32>
    %mul3A_28 = vector.broadcast %get3A_1 : vector<1000x1xf32> to vector<1000x128xf32>
    %mul3A_29 = arith.mulf %dot_general3A_27, %mul3A_28 : vector<1000x128xf32>
    %swap3A = arith.constant 0 : index
    %swap3A_30 = arith.constant 0 : index
    %swap3A_31 = vector.load %arg6[%swap3A, %swap3A_30] : memref<1000x128xf32, #tpu.memory_space<vmem>>, vector<1000x128xf32>
    tpu.vector_store %arg6[%swap3A, %swap3A_30], %mul3A_29 {strides = array<i32>} : memref<1000x128xf32, #tpu.memory_space<vmem>>, vector<1000x128xf32>,
    return
  }
  func.func @transform_0(%arg0: i32) -> (i32, i32, i32) {
    %c0_i32 = arith.constant 0 : i32
    %c0_i32_0 = arith.constant 0 : i32
    %c0_i32_1 = arith.constant 0 : i32
    return %c0_i32, %arg0, %c0_i32_0 : i32, i32, i32
  }
  func.func @transform_1(%arg0: i32) -> (i32, i32) {
    %c0_i32 = arith.constant 0 : i32
    %c0_i32_0 = arith.constant 0 : i32
    return %arg0, %c0_i32 : i32, i32
  }
  func.func @transform_2(%arg0: i32) -> (i32, i32) {
    %c0_i32 = arith.constant 0 : i32
    %c0_i32_0 = arith.constant 0 : i32
    return %arg0, %c0_i32 : i32, i32
  }
  func.func @transform_3(%arg0: i32) -> (i32, i32) {
    %c0_i32 = arith.constant 0 : i32
    %c0_i32_0 = arith.constant 0 : i32
    %c0_i32_1 = arith.constant 0 : i32
    return %c0_i32, %c0_i32_0 : i32, i32
  }
  func.func @transform_4(%arg0: i32) -> (i32, i32) {
    %c0_i32 = arith.constant 0 : i32
    %c0_i32_0 = arith.constant 0 : i32
    %c0_i32_1 = arith.constant 0 : i32
    return %c0_i32, %c0_i32_0 : i32, i32
  }
  func.func @transform_5(%arg0: i32) -> (i32, i32) {
    %c0_i32 = arith.constant 0 : i32
    %c0_i32_0 = arith.constant 0 : i32
    return %arg0, %c0_i32 : i32, i32
  }
}

module attributes {stable_mosaic.version = 14 : i64} {
  func.func @_tc_final_body(%arg0: i32, %arg1: memref<2x1000x128xf32, #tpu.memory_space<vmem>>, %arg2: memref<1000x128xf32, #tpu.memory_space<vmem>>, %arg3: memref<1000x16xf32, #tpu.memory_space<vmem>>, %arg4: memref<1x128xf32, #tpu.memory_space<vmem>>, %arg5: memref<1000x16xi32, #tpu.memory_space<vmem>>, %arg6: memref<128x10xf32, #tpu.memory_space<vmem>>, %arg7: memref<1x10xf32, #tpu.memory_space<vmem>>, %arg8: memref<64x10xf32, #tpu.memory_space<vmem>>, %arg9: memref<64x128xf32, #tpu.memory_space<vmem>>, %arg10: memref<64x128xf32, #tpu.memory_space<vmem>>) attributes {dimension_semantics = [#tpu.dimension_semantics<arbitrary>], iteration_bounds = array<i64: 10>, scalar_prefetch = 0 : i64, scratch_operands = 2 : i64, tpu.core_type = #tpu.core_type<tc>, window_params = [{transform_indices = @transform_0, window_bounds = array<i64: 2, 1000, 128>}, {transform_indices = @transform_1, window_bounds = array<i64: 1000, 128>}, {transform_indices = @transform_2, window_bounds = array<i64: 1000, 16>}, {pipeline_mode = #tpu.pipeline_mode<synchronous>, transform_indices = @transform_3, window_bounds = array<i64: 1, 128>}, {transform_indices = @transform_4, window_bounds = array<i64: 1000, 16>}, {pipeline_mode = #tpu.pipeline_mode<synchronous>, transform_indices = @transform_5, window_bounds = array<i64: 128, 10>}, {pipeline_mode = #tpu.pipeline_mode<synchronous>, transform_indices = @transform_6, window_bounds = array<i64: 1, 10>}, {pipeline_mode = #tpu.pipeline_mode<synchronous>, transform_indices = @transform_7, window_bounds = array<i64: 64, 10>}]} {
    %eq3A = arith.constant 0 : i32
    %eq3A_0 = arith.cmpi eq, %arg0, %eq3A : i32
    %convert_element_type3A = arith.extui %eq3A_0 : i1 to i32
    %cond3A = arith.constant 0 : i32
    %cond3A_1 = arith.cmpi ne, %convert_element_type3A, %cond3A : i32
    scf.if %cond3A_1 {
      %broadcast_in_dim3A_54 = arith.constant 0.000000e+00 : f32
      %broadcast_in_dim3A_55 = vector.broadcast %broadcast_in_dim3A_54 : f32 to vector<64x128xf32>
      %swap3A_56 = arith.constant 0 : index
      %swap3A_57 = arith.constant 0 : index
      %swap3A_58 = vector.load %arg9[%swap3A_56, %swap3A_57] : memref<64x128xf32, #tpu.memory_space<vmem>>, vector<64x128xf32>
      tpu.vector_store %arg9[%swap3A_56, %swap3A_57], %broadcast_in_dim3A_55 {strides = array<i32>} : memref<64x128xf32, #tpu.memory_space<vmem>>, vector<64x128xf32>,
      %broadcast_in_dim3A_59 = arith.constant 0.000000e+00 : f32
      %broadcast_in_dim3A_60 = vector.broadcast %broadcast_in_dim3A_59 : f32 to vector<64x128xf32>
      %swap3A_61 = arith.constant 0 : index
      %swap3A_62 = arith.constant 0 : index
      %swap3A_63 = vector.load %arg10[%swap3A_61, %swap3A_62] : memref<64x128xf32, #tpu.memory_space<vmem>>, vector<64x128xf32>
      tpu.vector_store %arg10[%swap3A_61, %swap3A_62], %broadcast_in_dim3A_60 {strides = array<i32>} : memref<64x128xf32, #tpu.memory_space<vmem>>, vector<64x128xf32>,
    } else {
    }
    %get3A = arith.constant 0 : index
    %get3A_2 = arith.constant 0 : index
    %get3A_3 = vector.load %arg3[%get3A, %get3A_2] : memref<1000x16xf32, #tpu.memory_space<vmem>>, vector<1000x1xf32>
    %get3A_4 = arith.constant 0 : index
    %get3A_5 = arith.constant 0 : index
    %get3A_6 = arith.constant 0 : index
    %get3A_7 = vector.load %arg1[%get3A_4, %get3A_5, %get3A_6] : memref<2x1000x128xf32, #tpu.memory_space<vmem>>, vector<1x1000x128xf32>
    %get3A_8 = vector.shape_cast %get3A_7 : vector<1x1000x128xf32> to vector<1000x128xf32>
    %get3A_9 = arith.constant 1 : index
    %get3A_10 = arith.constant 0 : index
    %get3A_11 = arith.constant 0 : index
    %get3A_12 = vector.load %arg1[%get3A_9, %get3A_10, %get3A_11] : memref<2x1000x128xf32, #tpu.memory_space<vmem>>, vector<1x1000x128xf32>
    %get3A_13 = vector.shape_cast %get3A_12 : vector<1x1000x128xf32> to vector<1000x128xf32>
    %add3A = arith.addf %get3A_8, %get3A_13 : vector<1000x128xf32>
    %get3A_14 = arith.constant 0 : index
    %get3A_15 = arith.constant 0 : index
    %get3A_16 = vector.load %arg2[%get3A_14, %get3A_15] : memref<1000x128xf32, #tpu.memory_space<vmem>>, vector<1000x128xf32>
    %add3A_17 = arith.addf %add3A, %get3A_16 : vector<1000x128xf32>
    %mul3A = vector.broadcast %get3A_3 : vector<1000x1xf32> to vector<1000x128xf32>
    %mul3A_18 = arith.mulf %add3A_17, %mul3A : vector<1000x128xf32>
    %get3A_19 = arith.constant 0 : index
    %get3A_20 = arith.constant 0 : index
    %get3A_21 = vector.load %arg4[%get3A_19, %get3A_20] : memref<1x128xf32, #tpu.memory_space<vmem>>, vector<1x128xf32>
    %add3A_22 = vector.broadcast %get3A_21 : vector<1x128xf32> to vector<1000x128xf32>
    %add3A_23 = arith.addf %mul3A_18, %add3A_22 : vector<1000x128xf32>
    %get3A_24 = arith.constant 0 : index
    %get3A_25 = arith.constant 0 : index
    %get3A_26 = vector.load %arg5[%get3A_24, %get3A_25] : memref<1000x16xi32, #tpu.memory_space<vmem>>, vector<1000x1xi32>
    %iota3A = tpu.iota {dimensions = array<i32: 1>} : vector<1x64xi32>
    %eq3A_27 = vector.broadcast %get3A_26 : vector<1000x1xi32> to vector<1000x64xi32>
    %eq3A_28 = vector.broadcast %iota3A : vector<1x64xi32> to vector<1000x64xi32>
    %eq3A_29 = arith.cmpi eq, %eq3A_27, %eq3A_28 : vector<1000x64xi32>
    %convert_element_type3A_30 = arith.extui %eq3A_29 : vector<1000x64xi1> to vector<1000x64xi32>
    %convert_element_type3A_31 = arith.sitofp %convert_element_type3A_30 : vector<1000x64xi32> to vector<1000x64xf32>
    %get3A_32 = arith.constant 0 : index
    %get3A_33 = arith.constant 0 : index
    %get3A_34 = vector.load %arg9[%get3A_32, %get3A_33] : memref<64x128xf32, #tpu.memory_space<vmem>>, vector<64x128xf32>
    %dot_general3A = arith.constant dense<0.000000e+00> : vector<64x128xf32>
    %dot_general3A_35 = tpu.matmul %convert_element_type3A_31, %add3A_23, %dot_general3A {dimension_numbers = #tpu.dot_dimension_numbers<[0], [0], [1], [1], [0, 1, 1, 1], [], []>, transpose_lhs_hint = false} : vector<1000x64xf32>, vector<1000x128xf32>, vector<64x128xf32> -> vector<64x128xf32>
    %add3A_36 = arith.addf %get3A_34, %dot_general3A_35 : vector<64x128xf32>
    %swap3A = arith.constant 0 : index
    %swap3A_37 = arith.constant 0 : index
    %swap3A_38 = vector.load %arg9[%swap3A, %swap3A_37] : memref<64x128xf32, #tpu.memory_space<vmem>>, vector<64x128xf32>
    tpu.vector_store %arg9[%swap3A, %swap3A_37], %add3A_36 {strides = array<i32>} : memref<64x128xf32, #tpu.memory_space<vmem>>, vector<64x128xf32>,
    %get3A_39 = arith.constant 0 : index
    %get3A_40 = arith.constant 0 : index
    %get3A_41 = vector.load %arg10[%get3A_39, %get3A_40] : memref<64x128xf32, #tpu.memory_space<vmem>>, vector<64x128xf32>
    %broadcast_in_dim3A = arith.constant 1.000000e+00 : f32
    %broadcast_in_dim3A_42 = vector.broadcast %broadcast_in_dim3A : f32 to vector<1000x128xf32>
    %dot_general3A_43 = arith.constant dense<0.000000e+00> : vector<64x128xf32>
    %dot_general3A_44 = tpu.matmul %convert_element_type3A_31, %broadcast_in_dim3A_42, %dot_general3A_43 {dimension_numbers = #tpu.dot_dimension_numbers<[0], [0], [1], [1], [0, 1, 1, 1], [], []>, transpose_lhs_hint = false} : vector<1000x64xf32>, vector<1000x128xf32>, vector<64x128xf32> -> vector<64x128xf32>
    %add3A_45 = arith.addf %get3A_41, %dot_general3A_44 : vector<64x128xf32>
    %swap3A_46 = arith.constant 0 : index
    %swap3A_47 = arith.constant 0 : index
    %swap3A_48 = vector.load %arg10[%swap3A_46, %swap3A_47] : memref<64x128xf32, #tpu.memory_space<vmem>>, vector<64x128xf32>
    tpu.vector_store %arg10[%swap3A_46, %swap3A_47], %add3A_45 {strides = array<i32>} : memref<64x128xf32, #tpu.memory_space<vmem>>, vector<64x128xf32>,
    %eq3A_49 = arith.constant 9 : i32
    %eq3A_50 = arith.cmpi eq, %arg0, %eq3A_49 : i32
    %convert_element_type3A_51 = arith.extui %eq3A_50 : i1 to i32
    %cond3A_52 = arith.constant 0 : i32
    %cond3A_53 = arith.cmpi ne, %convert_element_type3A_51, %cond3A_52 : i32
    scf.if %cond3A_53 {
      %get3A_54 = arith.constant 0 : index
      %get3A_55 = arith.constant 0 : index
      %get3A_56 = vector.load %arg9[%get3A_54, %get3A_55] : memref<64x128xf32, #tpu.memory_space<vmem>>, vector<64x128xf32>
      %get3A_57 = arith.constant 0 : index
      %get3A_58 = arith.constant 0 : index
      %get3A_59 = vector.load %arg10[%get3A_57, %get3A_58] : memref<64x128xf32, #tpu.memory_space<vmem>>, vector<64x128xf32>
      %max3A = arith.constant 1.000000e+00 : f32
      %max3A_60 = vector.broadcast %max3A : f32 to vector<64x128xf32>
      %max3A_61 = arith.maximumf %get3A_59, %max3A_60 : vector<64x128xf32>
      %div3A = arith.divf %get3A_56, %max3A_61 : vector<64x128xf32>
      %get3A_62 = arith.constant 0 : index
      %get3A_63 = arith.constant 0 : index
      %get3A_64 = vector.load %arg6[%get3A_62, %get3A_63] : memref<128x10xf32, #tpu.memory_space<vmem>>, vector<128x10xf32>
      %dot_general3A_65 = arith.constant dense<0.000000e+00> : vector<64x10xf32>
      %dot_general3A_66 = tpu.matmul %div3A, %get3A_64, %dot_general3A_65 {dimension_numbers = #tpu.dot_dimension_numbers<[1], [0], [0], [1], [0, 0, 1, 1], [], []>, transpose_lhs_hint = false} : vector<64x128xf32>, vector<128x10xf32>, vector<64x10xf32> -> vector<64x10xf32>
      %get3A_67 = arith.constant 0 : index
      %get3A_68 = arith.constant 0 : index
      %get3A_69 = vector.load %arg7[%get3A_67, %get3A_68] : memref<1x10xf32, #tpu.memory_space<vmem>>, vector<1x10xf32>
      %add3A_70 = vector.broadcast %get3A_69 : vector<1x10xf32> to vector<64x10xf32>
      %add3A_71 = arith.addf %dot_general3A_66, %add3A_70 : vector<64x10xf32>
      %swap3A_72 = arith.constant 0 : index
      %swap3A_73 = arith.constant 0 : index
      %swap3A_74 = vector.load %arg8[%swap3A_72, %swap3A_73] : memref<64x10xf32, #tpu.memory_space<vmem>>, vector<64x10xf32>
      tpu.vector_store %arg8[%swap3A_72, %swap3A_73], %add3A_71 {strides = array<i32>} : memref<64x10xf32, #tpu.memory_space<vmem>>, vector<64x10xf32>,
    } else {
    }
    return
  }
  func.func @transform_0(%arg0: i32) -> (i32, i32, i32) {
    %c0_i32 = arith.constant 0 : i32
    %c0_i32_0 = arith.constant 0 : i32
    %c0_i32_1 = arith.constant 0 : i32
    return %c0_i32, %arg0, %c0_i32_0 : i32, i32, i32
  }
  func.func @transform_1(%arg0: i32) -> (i32, i32) {
    %c0_i32 = arith.constant 0 : i32
    %c0_i32_0 = arith.constant 0 : i32
    return %arg0, %c0_i32 : i32, i32
  }
  func.func @transform_2(%arg0: i32) -> (i32, i32) {
    %c0_i32 = arith.constant 0 : i32
    %c0_i32_0 = arith.constant 0 : i32
    return %arg0, %c0_i32 : i32, i32
  }
  func.func @transform_3(%arg0: i32) -> (i32, i32) {
    %c0_i32 = arith.constant 0 : i32
    %c0_i32_0 = arith.constant 0 : i32
    %c0_i32_1 = arith.constant 0 : i32
    return %c0_i32, %c0_i32_0 : i32, i32
  }
  func.func @transform_4(%arg0: i32) -> (i32, i32) {
    %c0_i32 = arith.constant 0 : i32
    %c0_i32_0 = arith.constant 0 : i32
    return %arg0, %c0_i32 : i32, i32
  }
  func.func @transform_5(%arg0: i32) -> (i32, i32) {
    %c0_i32 = arith.constant 0 : i32
    %c0_i32_0 = arith.constant 0 : i32
    %c0_i32_1 = arith.constant 0 : i32
    return %c0_i32, %c0_i32_0 : i32, i32
  }
  func.func @transform_6(%arg0: i32) -> (i32, i32) {
    %c0_i32 = arith.constant 0 : i32
    %c0_i32_0 = arith.constant 0 : i32
    %c0_i32_1 = arith.constant 0 : i32
    return %c0_i32, %c0_i32_0 : i32, i32
  }
  func.func @transform_7(%arg0: i32) -> (i32, i32) {
    %c0_i32 = arith.constant 0 : i32
    %c0_i32_0 = arith.constant 0 : i32
    %c0_i32_1 = arith.constant 0 : i32
    return %c0_i32, %c0_i32_0 : i32, i32
  }
}

</mosaic_0001>

<sc_bundles>
// kernel: kernel.14.cloned.1.call-start
scs
__scs_entry_jumppad:
0x0: {  	(pc) =	sbr.rel $0x88, $3  }
0x1: {  	(tag) =	ssettag $0x0;
	lr =	simm.s32 $0x1  }
0x2: {  	[smem:$0x3F92] =	sst lr;
	_ =	strace $0xD0000000  }
0x3: {  	_ = 	snop  }
0x4: {  	_ = 	snop  }
0x5: {  	_ = 	snop  }
0x6: {  	_ = 	snop  }
0x7: {  	_ = 	snop  }
__scs_overlays_trampoline_lowered:
0x8: {  	[smem:$0x3FA1] =	sst s0  }
0x9: {  	[smem:$0x3FA2] =	sst s1  }
0xa: {  	[smem:$0x3FA3] =	sst s2  }
0xb: {  	[smem:$0x3FA4] =	sst s3  }
0xc: {  	[smem:$0x3FA5] =	sst s4  }
0xd: {  	[smem:$0x3FA6] =	sst s5  }
0xe: {  	[smem:$0x3FA7] =	sst s6  }
0xf: {  	[smem:$0x3FA8] =	sst s7  }
0x10: {  	[smem:$0x3FA9] =	sst s8  }
0x11: {  	[smem:$0x3FAA] =	sst s9;
	s0 =	simm.s32 @!p0 $0x0  }
0x12: {  	s1 =	sld [smem:$0x3F90];
	s0 =	simm.s32 @p0 $0x1  }
0x13: {  	[smem:$0x3FAB] =	sst s0;
	s0 =	simm.s32 @!p1 $0x0  }
0x14: {  	s2 =	sld [smem:$0x3F8F];
	s0 =	simm.s32 @p1 $0x1  }
0x15: {  	[smem:$0x3FAC] =	sst s0;
	s0 =	simm.s32 @!p2 $0x0  }
0x16: {  	s3 =	sld [smem:$0x3FDB];
	s0 =	simm.s32 @p2 $0x1  }
0x17: {  	s4 =	simm.s32 $0x1BF5;
	[smem:$0x3FAE] =	sst s0  }
0x18: {  	s0 =	sld [smem:$0x3F91];
	_ =	swait.ge [sflag:s4], $0x0  }
0x19: {  	s7 =	sld [smem:$0x3F92]  }
0x1a: {  	s8 =	sadd.s32 $0xFFFFE003, lr  }
0x1b: {  	s9 =	sadd.s32 $0xFFFFFEF7, lr;
	s5 =	simm.s32 $0xFFFFFFFF;
	p2 =	slt.u32 s8, $0xFFFFF086  }
0x1c: {  	p1 =	slt.u32 s9, $0xF7A;
	s5 =	simm.s32 @!p2 $0x0  }
0x1d: {  	s5 =	simm.s32 @p1 $0x1;
	p0 =	seq.s32 s7, s2  }
0x1e: {  	s7 =	smul.u32 @!p0 $0xF7A, s2;
	p2 =	seq.s32 @!p0 s5, $0x0  }
0x1f: {  	s9 =	smul.u32 $0xF7A, s1;
	s8 =	simm.s32 @!p0 $0x1BF5;
	p2 =	por !p2, p0  }
0x20: {  	[sflag:s8] =	ssyncset.s32 @!p0 $0xFFFFF086;
	s6 =	sadd.s32 @!p0 s3, s7;
	s7 =	simm.s32 @!p0 $0x108  }
0x21: {  	s3 =	sadd.s32 s3, s9;
	s6 =	sadd.s32 @!p0 $0x88, s6;
	s7 =	simm.s32 @p2 $0x1082  }
0x22: {  	[simem:s7], [sflag:s8] =	dma.local @!p0 [hbm:s6], $0xF7A  }
0x23: {  	s9 =	sor.u32 $0xD0000000, s2;
	s6 =	simm.s32 $0x108;
	_ =	swait.ge @!p0 [sflag:s8], $0x0  }
0x24: {  	s3 =	sadd.s32 $0x88, s3;
	s6 =	simm.s32 @!p1 $0x1082;
	[sflag:s4] =	ssyncset.s32 $0xFFFFF086  }
0x25: {  	[simem:s6], [sflag:s4] =	dma.local [hbm:s3], $0xF7A  }
0x26: {  	[smem:$0x3F92] =	sst s1;
	(tag) =	ssettag s2;
	_ =	strace s9  }
0x27: {  	s1 =	sld [smem:$0x3FA2]  }
0x28: {  	s2 =	sld [smem:$0x3FA3]  }
0x29: {  	s4 =	sld [smem:$0x3FA5]  }
0x2a: {  	p0 =	seq.s32 s5, $0x0;
	s5 =	sld [smem:$0x3FA6]  }
0x2b: {  	s6 =	sld [smem:$0x3FA7]  }
0x2c: {  	s7 =	sld [smem:$0x3FA8]  }
0x2d: {  	s3 =	simm.s32 $0x108;
	s8 =	sld [smem:$0x3FA9]  }
0x2e: {  	s3 =	simm.s32 @!p0 $0x1082;
	s9 =	sld [smem:$0x3FAA]  }
0x2f: {  	lr =	sadd.s32 s0, s3;
	s0 =	sld [smem:$0x3FA1]  }
0x30: {  	s3 =	sld [smem:$0x3FA4]  }
0x31: {  	[smem:$0x3FAD] =	sst s10  }
0x32: {  	s10 =	sld [smem:$0x3FAB];
	_ =	sdelay $0x3  }
0x33: {  	p0 =	seq.s32 s10, $0x1;
	s10 =	sld [smem:$0x3FAD];
	_ =	sdelay $0x3  }
0x34: {  	[smem:$0x3FAD] =	sst s10  }
0x35: {  	s10 =	sld [smem:$0x3FAC];
	_ =	sdelay $0x3  }
0x36: {  	p1 =	seq.s32 s10, $0x1;
	s10 =	sld [smem:$0x3FAD];
	_ =	sdelay $0x3  }
0x37: {  	[smem:$0x3FAD] =	sst s10  }
0x38: {  	s10 =	sld [smem:$0x3FAE]  }
0x39: {  	_ = 	snop;
	(pc) =	sbr.ind lr, $3  }
0x3a: {  	_ = 	snop  }
0x3b: {  	_ = 	snop  }
0x3c: {  	p2 =	seq.s32 s10, $0x1;
	s10 =	sld [smem:$0x3FAD]  }
0x3d: {  	_ =	shalt  }
0x3e: {  	_ =	shalt  }
0x3f: {  	_ =	shalt  }
0x40: {  	_ =	shalt  }
0x41: {  	_ =	shalt  }
0x42: {  	_ =	shalt  }
0x43: {  	_ =	shalt  }
0x44: {  	_ =	shalt  }
0x45: {  	_ =	shalt  }
0x46: {  	_ =	shalt  }
0x47: {  	_ =	shalt  }
0x48: {  	_ =	shalt  }
0x49: {  	_ =	shalt  }
0x4a: {  	_ =	shalt  }
0x4b: {  	_ =	shalt  }
0x4c: {  	_ =	shalt  }
0x4d: {  	_ =	shalt  }
0x4e: {  	_ =	shalt  }
0x4f: {  	_ =	shalt  }
0x50: {  	_ =	shalt  }
0x51: {  	_ =	shalt  }
0x52: {  	_ =	shalt  }
0x53: {  	_ =	shalt  }
0x54: {  	_ =	shalt  }
0x55: {  	_ =	shalt  }
0x56: {  	_ =	shalt  }
0x57: {  	_ =	shalt  }
0x58: {  	_ =	shalt  }
0x59: {  	_ =	shalt  }
0x5a: {  	_ =	shalt  }
0x5b: {  	_ =	shalt  }
0x5c: {  	_ =	shalt  }
0x5d: {  	_ =	shalt  }
0x5e: {  	_ =	shalt  }
0x5f: {  	_ =	shalt  }
0x60: {  	_ =	shalt  }
0x61: {  	_ =	shalt  }
0x62: {  	_ =	shalt  }
0x63: {  	_ =	shalt  }
0x64: {  	_ =	shalt  }
0x65: {  	_ =	shalt  }
0x66: {  	_ =	shalt  }
0x67: {  	_ =	shalt  }
0x68: {  	_ =	shalt  }
0x69: {  	_ =	shalt  }
0x6a: {  	_ =	shalt  }
0x6b: {  	_ =	shalt  }
0x6c: {  	_ =	shalt  }
0x6d: {  	_ =	shalt  }
0x6e: {  	_ =	shalt  }
0x6f: {  	_ =	shalt  }
0x70: {  	_ =	shalt  }
0x71: {  	_ =	shalt  }
0x72: {  	_ =	shalt  }
0x73: {  	_ =	shalt  }
0x74: {  	_ =	shalt  }
0x75: {  	_ =	shalt  }
0x76: {  	_ =	shalt  }
0x77: {  	_ =	shalt  }
0x78: {  	_ =	shalt  }
0x79: {  	_ =	shalt  }
0x7a: {  	_ =	shalt  }
0x7b: {  	_ =	shalt  }
0x7c: {  	_ =	shalt  }
0x7d: {  	_ =	shalt  }
0x7e: {  	_ =	shalt  }
0x7f: {  	_ =	shalt  }
0x80: {  	_ =	shalt  }
0x81: {  	_ =	shalt  }
0x82: {  	_ =	shalt  }
0x83: {  	_ =	shalt  }
0x84: {  	_ =	shalt  }
0x85: {  	_ =	shalt  }
0x86: {  	_ =	shalt  }
0x87: {  	_ =	shalt  }
.Lfunc_end0:
.L_simem_size_0:
called_computation_lowered:
.L_overlay_start_0:
0x88: {  	s2 =	sld [smem:$0x3FD9]  }
0x89: {  	s3 =	sld [smem:$0x3FFE];
	_ =	sdelay $0x1  }
0x8a: {  	s1 =	srdreg.scid  }
0x8b: {  	s0 =	sand.u32 $0x1, s1  }
0x8c: {  	s16 =	sshll.u32 s0, $0xA;
	s2 =	sadd.s32 s3, s2  }
0x8d: {  	s2 =	sadd.s32 s2, s16  }
0x8e: {  	[smem:$0x3FB9] =	sst s2  }
0x8f: {  	_ = 	snop  }
0x90: {  	(tm) =	ssettm $0x1  }
0x91: {  	s17 =	sld [smem:$0x3FFB];
	_ =	sdelay $0x3  }
0x92: {  	_ =	strace s17  }
0x93: {  	s2 =	sld [smem:$0x3FFC];
	_ =	sdelay $0x3  }
0x94: {  	_ =	strace s2  }
0x95: {  	s2 =	sld [smem:$0x3FFD];
	_ =	sdelay $0x3  }
0x96: {  	_ =	strace s2  }
0x97: {  	_ =	strace $0x8FFFFFFF  }
0x98: {  	s18 =	sld [smem:$0x3FDB];
	_ =	sdelay $0x1  }
0x99: {  	s19 =	simm.s32 $_scs_section_size  }
0x9a: {  	s4 =	simm.s32 $_size__tile_overlayer_lowered;
	s5 =	simm.s32 $_tile_overlayer_lowered  }
0x9b: {  	s22 =	simm.s32 $0x1BFF;
	s21 =	sshll.u32 s5, $0x1;
	s2 =	sadd.s32 s19, s18  }
0x9c: {  	s6 =	simm.s32 $0x0;
	s20 =	sshll.u32 s4, $0x1;
	s4 =	sadd.s32 s21, s2  }
0x9d: {  	[timem:s6], [sflag:s22] =	dma.local [hbm:s4], s20  }
0x9e: {  	_ =	swait.ge [sflag:s22], s20  }
0x9f: {  	s3 =	ssub.s32 $0x0, s20;
	[sflag:s22] =	ssyncset.done $0x0  }
0xa0: {  	[sflag:s22] =	ssyncadd.s32 s3;
	_ =	sdelay $0x1  }
0xa1: {  	s23 =	simm.s32 $0x1B8B  }
0xa2: {  	_ =	swait.ge [sflag:s23], $0x1  }
0xa3: {  	[sflag:s23] =	ssyncset.done $0x0  }
0xa4: {  	s25 =	simm.s32 $0x1B8E;
	s24 =	sld [smem:$0x3FFE];
	[sflag:s23] =	ssyncadd.s32 $0xFFFFFFFF  }
0xa5: {  	s26 =	simm.s32 $execute0_lowered;
	[smem:$0x3FD2] =	sst s25  }
0xa6: {  	s4 =	sshll.u32 s26, $0x1;
	_ =	strace $0x80000046;
	[dreg:$0x1] =	wrdreg $0xFFFFFFFF  }
0xa7: {  	s28 =	simm.s32 $_size_execute0_lowered;
	s2 =	sadd.s32 s2, s4;
	[dreg:$0x0] =	wrdreg $0x0  }
0xa8: {  	s4 =	sshll.u32 s28, $0x1;
	[dreg:$0x2] =	wrdreg s2  }
0xa9: {  	[dreg:$0x3] =	wrdreg s4  }
0xaa: {  	[dreg:$0x4] =	wrdreg $0xC0  }
0xab: {  	_ =	task [dreg:s6], $0x5FFFF  }
0xac: {  	[dreg:$0x1] =	wrdreg $0xFFFFFFFF  }
0xad: {  	[dreg:$0x0] =	wrdreg $0x60  }
0xae: {  	[dreg:$0x2] =	wrdreg s24  }
0xaf: {  	[dreg:$0x3] =	wrdreg $0x40800  }
0xb0: {  	[dreg:$0x4] =	wrdreg $0x9  }
0xb1: {  	_ =	task.clear_ibuf [dreg:s6], $0x5FFFF;
	_ =	strace $0x90000046  }
0xb2: {  	s29 =	simm.s32 $0x9;
	_ =	strace $0x80000048  }
0xb3: {  	_ =	swait.ge [sflag:s29], $0x1  }
0xb4: {  	[sflag:s29] =	ssyncadd.s32 $0xFFFFFFFF  }
0xb5: {  	_ =	strace $0x90000048  }
0xb6: {  	_ =	sfence  }
0xb7: {  	s30 =	sld [smem:$0x0];
	_ =	sdelay $0x2  }
0xb8: {  	s31 =	sshll.u32 s1, $0xD;
	s1 =	sshrl.u32 s1, $0x2  }
0xb9: {  	s3 =	sand.u32 $0x4000, s31;
	s1 =	sadd.s32 s1, s30  }
0xba: {  	s0 =	sor.u32 s3, s0;
	s1 =	sshll.u32 s1, $0x11  }
0xbb: {  	s0 =	sor.u32 s1, s0  }
0xbc: {  	s0 =	sadd.s32 $0x8F2B, s0  }
0xbd: {  	[sflag:s0] =	ssyncadd.remote.s32 $0x1  }
0xbe: {  	_ =	sfence.sel $0xFFFF  }
0xbf: {  	[dreg:$0x0] =	wrdreg $0xFFFFFFFF;
	(pc) =	sbr.abs _section_cstart, $3  }
0xc0: {  	[dreg:$0x1] =	wrdreg $0xFFFFFFFF  }
0xc1: {  	_ =	task.clear_ibuf [dreg:s6], $0x2FFFF;
	_ =	strace $0x9FFFFFFF  }
0xc2: {  	(tm) =	ssettm $0x7FFFFFFF  }
0xc3: {  	_ =	shalt  }
tec
execute0_lowered:
.L_overlay_start_1:
0x0: {  	(tag) =	ssettag $0x1  }
0x1: {  	s5 =	rddreg [dreg:$0x0]  }
0x2: {  	s0 =	srdreg.scid;
	s1 =	stileid.u32  }
0x3: {  	s2 =	rddreg [dreg:$0x1];
	s3 =	simm.s32 $0x0;
	s6 =	smul.u32 $0x14000, s1  }
0x4: {  	s14 =	simm.s32 $0x1;
	s17 =	simm.s32 $0x0;
	s9 =	smul.u32 $0x50000, s1  }
0x5: {  	s7 =	sand.u32 $0x1, s0;
	s0 =	rddreg [dreg:$0x2];
	s12 =	smul.u32 $0xA00, s1  }
0x6: {  	[smem:$0x7FF] =	sst s3;
	s15 =	sshll.u32 s1, $0x6;
	s4 =	smul.u32 $0x140000, s7  }
0x7: {  	_ =	strace $0x80000047;
	s8 =	ssub.s32 $0x2, s7;
	s13 =	smul.u32 $0x500, s7  }
0x8: {  	s15 =	sor.u32 $0x1C01, s15;
	s30 =	sshrl.u32 s8, $0x1;
	s31 =	sshrl.u32 s9, $0x2  }
0x9: {  	s4 =	sadd.s32 s6, s4;
	s8 =	ssub.s32 s8, s30;
	s12 =	sadd.s32 s13, s12  }
0xa: {  	s13 =	simm.s32 $0x80;
	s6 =	sshrl.u32 s4, $0x3;
	s4 =	sadd.s32 $0x5000, s5  }
0xb: {  	s7 =	smax.u32 s8, $0x1;
	s6 =	sadd.s32 s6, s5;
	s5 =	sadd.s32 s31, s2  }
0xc: {  	s6 =	sadd.s32 $0x19000, s6;
	s8 =	sadd.s32 $0x4000, s5;
	s9 =	sadd.s32 $0x8000, s5  }
0xd: {  	v0 =	vimm.f32 $0.0e+00;
	v1 =	vimm.f32 $1.000000000e+00;
	s10 =	sadd.s32 $0xC000, s5;
	s11 =	sadd.s32 $0x10000, s5;
	s16 =	sshrl.u32 s5, $0x3  }
.LBB2_1:
0xe: {  	s18 =	sand.u32 $0xFE00, s3  }
0xf: {  	s19 =	sand.u32 $0x70, s3;
	s20 =	sshrl.u32 s18, $0x2  }
0x10: {  	s18 =	simm.s32 $0x40;
	s20 =	sor.u32 s19, s20;
	s19 =	simm.s32 $0x0  }
.LBB2_2:
0x11: {  	p0 =	sne.s32 s18, $0xFFC0  }
0x12: {  	[tilespmem:s20+$0x80] =	vst v0;
	s19 =	sadd.s32 $0x10, s19;
	s20 =	smov.u32 s18;
	s18 =	sadd.s32 $0x40, s18  }
.Ltmp0:
0x13: {  	(pc) =	sbr.rel @p0 .LBB2_2-.Ltmp0, $4  }
0x14: {  	_ = 	snop  }
0x15: {  	s20 =	sand.u32 $0xFE00, s20  }
0x16: {  	s21 =	sand.u32 $0x70, s19;
	s20 =	sshrl.u32 s20, $0x2  }
0x17: {  	s20 =	sor.u32 s21, s20  }
0x18: {  	[tilespmem:s20+$0x80] =	vst v0  }
0x19: {  	[spmem:s5] =	stream.linear.scatter [tilespmem:s13], [sflag:$0x1], $0x4000, $0x38;
	[tilespmem:$0x18080] =	vst v63  }
0x1a: {  	_ =	swait.ge [sflag:s14], $0x4000  }
0x1b: {  	[sflag:s14] =	ssyncset.done $0x0  }
0x1c: {  	[sflag:s14] =	ssyncadd.s32 $0xFFFFC000  }
0x1d: {  	[spmem:s8] =	stream.linear.scatter [tilespmem:s13], [sflag:$0x1], $0x4000, $0x38;
	[tilespmem:$0x18080] =	vst v63  }
0x1e: {  	_ =	swait.ge [sflag:s14], $0x4000  }
0x1f: {  	[sflag:s14] =	ssyncset.done $0x0  }
0x20: {  	[sflag:s14] =	ssyncadd.s32 $0xFFFFC000  }
0x21: {  	[spmem:s9] =	stream.linear.scatter [tilespmem:s13], [sflag:$0x1], $0x4000, $0x38;
	[tilespmem:$0x18080] =	vst v63  }
0x22: {  	_ =	swait.ge [sflag:s14], $0x4000  }
0x23: {  	[sflag:s14] =	ssyncset.done $0x0  }
0x24: {  	[sflag:s14] =	ssyncadd.s32 $0xFFFFC000  }
0x25: {  	[spmem:s10] =	stream.linear.scatter [tilespmem:s13], [sflag:$0x1], $0x4000, $0x38;
	[tilespmem:$0x18080] =	vst v63  }
0x26: {  	_ =	swait.ge [sflag:s14], $0x4000  }
0x27: {  	[sflag:s14] =	ssyncset.done $0x0  }
0x28: {  	[sflag:s14] =	ssyncadd.s32 $0xFFFFC000  }
0x29: {  	[spmem:s11] =	stream.linear.scatter [tilespmem:s13], [sflag:$0x1], $0x4000, $0x38;
	[tilespmem:$0x18080] =	vst v63  }
0x2a: {  	s18 =	simm.s32 $0x0;
	_ =	swait.ge [sflag:s14], $0x4000  }
0x2b: {  	s20 =	simm.s32 $0x0;
	s19 =	sand.u32 $0xFE00, s18;
	[sflag:s14] =	ssyncset.done $0x0  }
0x2c: {  	s31 =	sand.u32 $0x70, s18;
	s21 =	sshrl.u32 s19, $0x2;
	[sflag:s14] =	ssyncadd.s32 $0xFFFFC000  }
0x2d: {  	s19 =	simm.s32 $0x40;
	s21 =	sor.u32 s31, s21;
	[bflag:$0x0] =	sbarrier.arrive $0xFFFF  }
.LBB2_4:
0x2e: {  	p0 =	sne.s32 s19, $0xFFC0  }
0x2f: {  	[tilespmem:s21+$0x80] =	vst v1;
	s20 =	sadd.s32 $0x10, s20;
	s21 =	smov.u32 s19;
	s19 =	sadd.s32 $0x40, s19  }
.Ltmp1:
0x30: {  	(pc) =	sbr.rel @p0 .LBB2_4-.Ltmp1, $4  }
0x31: {  	_ = 	snop  }
0x32: {  	s21 =	sand.u32 $0xFE00, s21  }
0x33: {  	s22 =	sand.u32 $0x70, s20;
	s21 =	sshrl.u32 s21, $0x2  }
0x34: {  	s21 =	sor.u32 s22, s21  }
0x35: {  	s19 =	sadd.s32 $0x0, s12;
	s18 =	sand.u32 $0x70, s18  }
0x36: {  	s19 =	sand.u32 $0xFFFFF80, s19;
	s18 =	sadd.s32 s4, s18  }
0x37: {  	[tilespmem:s21+$0x80] =	vst v1;
	s18 =	sadd.s32 s19, s18  }
0x38: {  	[tilespmem:s3], [sflag:$0x1] =	stream.linear.gather [hbm4b:s18+s3], $0x80, $0x38;
	[tilespmem:$0x18080] =	vst v63  }
0x39: {  	_ =	swait.ge [sflag:s14], $0x80  }
0x3a: {  	[sflag:s14] =	ssyncset.done $0x0  }
0x3b: {  	s30 =	simm.s32 $0x10;
	s20 =	sadd.s32 $0x10, s12;
	[sflag:s14] =	ssyncadd.s32 $0xFFFFFF80  }
0x3c: {  	[spmem:s2] =	stream.indirect.scatter.add.f32 [tilespmem:s13], [sflag:$0x1], $0x80, s3, s13, $0xb8;
	[tilespmem:$0x18080] =	vst v63  }
0x3d: {  	s31 =	sand.u32 $0x70, s30;
	s19 =	sand.u32 $0xFFFFF80, s20;
	_ =	swait.ge [sflag:s14], $0x4000  }
0x3e: {  	s20 =	sadd.s32 s4, s31;
	s18 =	simm.s32 $0x20;
	[sflag:s14] =	ssyncset.done $0x0  }
.LBB2_6:
0x3f: {  	s19 =	sadd.s32 s19, s20  }
0x40: {  	[sflag:s14] =	ssyncadd.s32 $0xFFFFC000;
	s20 =	smov.u32 s18;
	s21 =	sadd.s32 $0x10, s18  }
0x41: {  	[tilespmem:s3], [sflag:$0x1] =	stream.linear.gather [hbm4b:s19+s3], $0x80, $0x38;
	[tilespmem:$0x18080] =	vst v63  }
0x42: {  	p0 =	sne.s32 s18, $0x4F0;
	_ =	swait.ge [sflag:s14], $0x80  }
.Ltmp2:
0x43: {  	[sflag:s14] =	ssyncset.done $0x0;
	(pc) =	sbr.rel @p0 .LBB2_6-.Ltmp2, $4  }
0x44: {  	s18 =	sadd.s32 s20, s12;
	[sflag:s14] =	ssyncadd.s32 $0xFFFFFF80  }
0x45: {  	[spmem:s2] =	stream.indirect.scatter.add.f32 [tilespmem:s13], [sflag:$0x1], $0x80, s3, s13, $0xb8;
	[tilespmem:$0x18080] =	vst v63  }
0x46: {  	s20 =	sand.u32 $0x70, s20;
	s19 =	sand.u32 $0xFFFFF80, s18;
	_ =	swait.ge [sflag:s14], $0x4000  }
0x47: {  	s20 =	sadd.s32 s4, s20;
	s18 =	smov.u32 s21;
	[sflag:s14] =	ssyncset.done $0x0  }
0x48: {  	s18 =	sadd.s32 s19, s20;
	[sflag:s14] =	ssyncadd.s32 $0xFFFFC000  }
0x49: {  	[tilespmem:s3], [sflag:$0x1] =	stream.linear.gather [hbm4b:s18+s3], $0x80, $0x38;
	[tilespmem:$0x18080] =	vst v63  }
0x4a: {  	_ =	swait.ge [sflag:s14], $0x80  }
0x4b: {  	[sflag:s14] =	ssyncset.done $0x0  }
0x4c: {  	[sflag:s14] =	ssyncadd.s32 $0xFFFFFF80  }
0x4d: {  	[spmem:s2] =	stream.indirect.scatter.add.f32 [tilespmem:s13], [sflag:$0x1], $0x80, s3, s13, $0xb8;
	[tilespmem:$0x18080] =	vst v63  }
0x4e: {  	_ =	swait.ge [sflag:s14], $0x4000  }
0x4f: {  	s17 =	sadd.s32 $0x1, s17;
	[sflag:s14] =	ssyncset.done $0x0  }
0x50: {  	p0 =	sne.s32 s17, s7;
	[sflag:s14] =	ssyncadd.s32 $0xFFFFC000  }
.Ltmp3:
0x51: {  	[bflag:$0x0] =	sbarrier.arrive $0xFFFF;
	(pc) =	sbr.rel @p0 .LBB2_1-.Ltmp3, $4  }
0x52: {  	[hbm:s6], [sflag:s15] =	dma.local [spmem:s16], $0x2800  }
0x53: {  	_ =	swait.ge [sflag:s14], $0x2800  }
0x54: {  	[sflag:s14] =	ssyncset.done $0x0  }
0x55: {  	[sflag:s14] =	ssyncadd.s32 $0xFFFFD800  }
0x56: {  	_ =	sfence.sel $0x180000  }
0x57: {  	[bflag:$0x0] =	sbarrier.arrive $0xFFFF  }
0x58: {  	p0 =	sne.s32 s1, $0x0;
	_ =	strace $0x90000047  }
0x59: {  	s0 =	sadd.s32 @!p0 $0x100000, s0;
	[bflag:$0x2] =	sbarrier.arrive $0xFFFF  }
0x5a: {  	[sflag:s0] =	ssyncadd.tile.s32 @!p0 $0x1;
	_ =	shalt  }
.Lfunc_end2:
_tile_overlayer_lowered:
.L_overlay_start_2:
0x5b: {  	(tag) =	ssettag $0x2  }
0x5c: {  	s0 =	rddreg [dreg:$0x0];
	s2 =	stileid.u32  }
0x5d: {  	s1 =	rddreg [dreg:$0x1];
	p0 =	sne.s32 s2, $0x0  }
0x5e: {  	s3 =	rddreg [dreg:$0x2];
	[bflag:$0x3] =	sbarrier.arrive $0xFFFF;
	s2 =	simm.s32 @!p0 $0x1C01  }
0x5f: {  	[timem:s3], [sflag:s2] =	dma.local @!p0 [hbm:s0], s1  }
0x60: {  	s0 =	simm.s32 @!p0 $0x1  }
0x61: {  	_ =	swait.ge @!p0 [sflag:s0], s1  }
0x62: {  	s1 =	ssub.s32 @!p0 $0x0, s1;
	[sflag:s0] =	ssyncset.done @!p0 $0x0  }
0x63: {  	[sflag:s0] =	ssyncadd.s32 @!p0 s1  }
0x64: {  	[bflag:$0x3] =	sbarrier.arrive $0xFFFF  }
0x65: {  	_ =	shalt  }

// kernel: kernel.17.cloned.1.call-start
scs
__scs_entry_jumppad:
0x0: {  	(pc) =	sbr.rel $0x88, $3  }
0x1: {  	(tag) =	ssettag $0x0;
	lr =	simm.s32 $0x1  }
0x2: {  	[smem:$0x3F92] =	sst lr;
	_ =	strace $0xD0000000  }
0x3: {  	_ = 	snop  }
0x4: {  	_ = 	snop  }
0x5: {  	_ = 	snop  }
0x6: {  	_ = 	snop  }
0x7: {  	_ = 	snop  }
__scs_overlays_trampoline_lowered:
0x8: {  	[smem:$0x3FA1] =	sst s0  }
0x9: {  	[smem:$0x3FA2] =	sst s1  }
0xa: {  	[smem:$0x3FA3] =	sst s2  }
0xb: {  	[smem:$0x3FA4] =	sst s3  }
0xc: {  	[smem:$0x3FA5] =	sst s4  }
0xd: {  	[smem:$0x3FA6] =	sst s5  }
0xe: {  	[smem:$0x3FA7] =	sst s6  }
0xf: {  	[smem:$0x3FA8] =	sst s7  }
0x10: {  	[smem:$0x3FA9] =	sst s8  }
0x11: {  	[smem:$0x3FAA] =	sst s9;
	s0 =	simm.s32 @!p0 $0x0  }
0x12: {  	s1 =	sld [smem:$0x3F90];
	s0 =	simm.s32 @p0 $0x1  }
0x13: {  	[smem:$0x3FAB] =	sst s0;
	s0 =	simm.s32 @!p1 $0x0  }
0x14: {  	s2 =	sld [smem:$0x3F8F];
	s0 =	simm.s32 @p1 $0x1  }
0x15: {  	[smem:$0x3FAC] =	sst s0;
	s0 =	simm.s32 @!p2 $0x0  }
0x16: {  	s3 =	sld [smem:$0x3FDB];
	s0 =	simm.s32 @p2 $0x1  }
0x17: {  	s4 =	simm.s32 $0x1BF5;
	[smem:$0x3FAE] =	sst s0  }
0x18: {  	s0 =	sld [smem:$0x3F91];
	_ =	swait.ge [sflag:s4], $0x0  }
0x19: {  	s7 =	sld [smem:$0x3F92]  }
0x1a: {  	s8 =	sadd.s32 $0xFFFFE003, lr  }
0x1b: {  	s9 =	sadd.s32 $0xFFFFFEF7, lr;
	s5 =	simm.s32 $0xFFFFFFFF;
	p2 =	slt.u32 s8, $0xFFFFF086  }
0x1c: {  	p1 =	slt.u32 s9, $0xF7A;
	s5 =	simm.s32 @!p2 $0x0  }
0x1d: {  	s5 =	simm.s32 @p1 $0x1;
	p0 =	seq.s32 s7, s2  }
0x1e: {  	s7 =	smul.u32 @!p0 $0xF7A, s2;
	p2 =	seq.s32 @!p0 s5, $0x0  }
0x1f: {  	s9 =	smul.u32 $0xF7A, s1;
	s8 =	simm.s32 @!p0 $0x1BF5;
	p2 =	por !p2, p0  }
0x20: {  	[sflag:s8] =	ssyncset.s32 @!p0 $0xFFFFF086;
	s6 =	sadd.s32 @!p0 s3, s7;
	s7 =	simm.s32 @!p0 $0x108  }
0x21: {  	s3 =	sadd.s32 s3, s9;
	s6 =	sadd.s32 @!p0 $0x88, s6;
	s7 =	simm.s32 @p2 $0x1082  }
0x22: {  	[simem:s7], [sflag:s8] =	dma.local @!p0 [hbm:s6], $0xF7A  }
0x23: {  	s9 =	sor.u32 $0xD0000000, s2;
	s6 =	simm.s32 $0x108;
	_ =	swait.ge @!p0 [sflag:s8], $0x0  }
0x24: {  	s3 =	sadd.s32 $0x88, s3;
	s6 =	simm.s32 @!p1 $0x1082;
	[sflag:s4] =	ssyncset.s32 $0xFFFFF086  }
0x25: {  	[simem:s6], [sflag:s4] =	dma.local [hbm:s3], $0xF7A  }
0x26: {  	[smem:$0x3F92] =	sst s1;
	(tag) =	ssettag s2;
	_ =	strace s9  }
0x27: {  	s1 =	sld [smem:$0x3FA2]  }
0x28: {  	s2 =	sld [smem:$0x3FA3]  }
0x29: {  	s4 =	sld [smem:$0x3FA5]  }
0x2a: {  	p0 =	seq.s32 s5, $0x0;
	s5 =	sld [smem:$0x3FA6]  }
0x2b: {  	s6 =	sld [smem:$0x3FA7]  }
0x2c: {  	s7 =	sld [smem:$0x3FA8]  }
0x2d: {  	s3 =	simm.s32 $0x108;
	s8 =	sld [smem:$0x3FA9]  }
0x2e: {  	s3 =	simm.s32 @!p0 $0x1082;
	s9 =	sld [smem:$0x3FAA]  }
0x2f: {  	lr =	sadd.s32 s0, s3;
	s0 =	sld [smem:$0x3FA1]  }
0x30: {  	s3 =	sld [smem:$0x3FA4]  }
0x31: {  	[smem:$0x3FAD] =	sst s10  }
0x32: {  	s10 =	sld [smem:$0x3FAB];
	_ =	sdelay $0x3  }
0x33: {  	p0 =	seq.s32 s10, $0x1;
	s10 =	sld [smem:$0x3FAD];
	_ =	sdelay $0x3  }
0x34: {  	[smem:$0x3FAD] =	sst s10  }
0x35: {  	s10 =	sld [smem:$0x3FAC];
	_ =	sdelay $0x3  }
0x36: {  	p1 =	seq.s32 s10, $0x1;
	s10 =	sld [smem:$0x3FAD];
	_ =	sdelay $0x3  }
0x37: {  	[smem:$0x3FAD] =	sst s10  }
0x38: {  	s10 =	sld [smem:$0x3FAE]  }
0x39: {  	_ = 	snop;
	(pc) =	sbr.ind lr, $3  }
0x3a: {  	_ = 	snop  }
0x3b: {  	_ = 	snop  }
0x3c: {  	p2 =	seq.s32 s10, $0x1;
	s10 =	sld [smem:$0x3FAD]  }
0x3d: {  	_ =	shalt  }
0x3e: {  	_ =	shalt  }
0x3f: {  	_ =	shalt  }
0x40: {  	_ =	shalt  }
0x41: {  	_ =	shalt  }
0x42: {  	_ =	shalt  }
0x43: {  	_ =	shalt  }
0x44: {  	_ =	shalt  }
0x45: {  	_ =	shalt  }
0x46: {  	_ =	shalt  }
0x47: {  	_ =	shalt  }
0x48: {  	_ =	shalt  }
0x49: {  	_ =	shalt  }
0x4a: {  	_ =	shalt  }
0x4b: {  	_ =	shalt  }
0x4c: {  	_ =	shalt  }
0x4d: {  	_ =	shalt  }
0x4e: {  	_ =	shalt  }
0x4f: {  	_ =	shalt  }
0x50: {  	_ =	shalt  }
0x51: {  	_ =	shalt  }
0x52: {  	_ =	shalt  }
0x53: {  	_ =	shalt  }
0x54: {  	_ =	shalt  }
0x55: {  	_ =	shalt  }
0x56: {  	_ =	shalt  }
0x57: {  	_ =	shalt  }
0x58: {  	_ =	shalt  }
0x59: {  	_ =	shalt  }
0x5a: {  	_ =	shalt  }
0x5b: {  	_ =	shalt  }
0x5c: {  	_ =	shalt  }
0x5d: {  	_ =	shalt  }
0x5e: {  	_ =	shalt  }
0x5f: {  	_ =	shalt  }
0x60: {  	_ =	shalt  }
0x61: {  	_ =	shalt  }
0x62: {  	_ =	shalt  }
0x63: {  	_ =	shalt  }
0x64: {  	_ =	shalt  }
0x65: {  	_ =	shalt  }
0x66: {  	_ =	shalt  }
0x67: {  	_ =	shalt  }
0x68: {  	_ =	shalt  }
0x69: {  	_ =	shalt  }
0x6a: {  	_ =	shalt  }
0x6b: {  	_ =	shalt  }
0x6c: {  	_ =	shalt  }
0x6d: {  	_ =	shalt  }
0x6e: {  	_ =	shalt  }
0x6f: {  	_ =	shalt  }
0x70: {  	_ =	shalt  }
0x71: {  	_ =	shalt  }
0x72: {  	_ =	shalt  }
0x73: {  	_ =	shalt  }
0x74: {  	_ =	shalt  }
0x75: {  	_ =	shalt  }
0x76: {  	_ =	shalt  }
0x77: {  	_ =	shalt  }
0x78: {  	_ =	shalt  }
0x79: {  	_ =	shalt  }
0x7a: {  	_ =	shalt  }
0x7b: {  	_ =	shalt  }
0x7c: {  	_ =	shalt  }
0x7d: {  	_ =	shalt  }
0x7e: {  	_ =	shalt  }
0x7f: {  	_ =	shalt  }
0x80: {  	_ =	shalt  }
0x81: {  	_ =	shalt  }
0x82: {  	_ =	shalt  }
0x83: {  	_ =	shalt  }
0x84: {  	_ =	shalt  }
0x85: {  	_ =	shalt  }
0x86: {  	_ =	shalt  }
0x87: {  	_ =	shalt  }
.Lfunc_end0:
.L_simem_size_0:
called_computation.1_lowered:
.L_overlay_start_0:
0x88: {  	s2 =	sld [smem:$0x3FD9]  }
0x89: {  	s3 =	sld [smem:$0x3FFE];
	_ =	sdelay $0x1  }
0x8a: {  	s1 =	srdreg.scid  }
0x8b: {  	s0 =	sand.u32 $0x1, s1  }
0x8c: {  	s16 =	sshll.u32 s0, $0xA;
	s2 =	sadd.s32 s3, s2  }
0x8d: {  	s2 =	sadd.s32 s2, s16  }
0x8e: {  	[smem:$0x3FB9] =	sst s2  }
0x8f: {  	_ = 	snop  }
0x90: {  	(tm) =	ssettm $0x1  }
0x91: {  	s17 =	sld [smem:$0x3FFB];
	_ =	sdelay $0x3  }
0x92: {  	_ =	strace s17  }
0x93: {  	s2 =	sld [smem:$0x3FFC];
	_ =	sdelay $0x3  }
0x94: {  	_ =	strace s2  }
0x95: {  	s2 =	sld [smem:$0x3FFD];
	_ =	sdelay $0x3  }
0x96: {  	_ =	strace s2  }
0x97: {  	_ =	strace $0x8FFFFFFF  }
0x98: {  	s18 =	sld [smem:$0x3FDB];
	_ =	sdelay $0x1  }
0x99: {  	s19 =	simm.s32 $_scs_section_size  }
0x9a: {  	s4 =	simm.s32 $_size__tile_overlayer_lowered;
	s5 =	simm.s32 $_tile_overlayer_lowered  }
0x9b: {  	s22 =	simm.s32 $0x1BFF;
	s21 =	sshll.u32 s5, $0x1;
	s2 =	sadd.s32 s19, s18  }
0x9c: {  	s6 =	simm.s32 $0x0;
	s20 =	sshll.u32 s4, $0x1;
	s4 =	sadd.s32 s21, s2  }
0x9d: {  	[timem:s6], [sflag:s22] =	dma.local [hbm:s4], s20  }
0x9e: {  	_ =	swait.ge [sflag:s22], s20  }
0x9f: {  	s3 =	ssub.s32 $0x0, s20;
	[sflag:s22] =	ssyncset.done $0x0  }
0xa0: {  	[sflag:s22] =	ssyncadd.s32 s3;
	_ =	sdelay $0x1  }
0xa1: {  	s23 =	simm.s32 $0x1B8B  }
0xa2: {  	_ =	swait.ge [sflag:s23], $0x1  }
0xa3: {  	[sflag:s23] =	ssyncset.done $0x0  }
0xa4: {  	s25 =	simm.s32 $0x1B8E;
	s24 =	sld [smem:$0x3FFE];
	[sflag:s23] =	ssyncadd.s32 $0xFFFFFFFF  }
0xa5: {  	s26 =	simm.s32 $execute0_lowered;
	[smem:$0x3FD2] =	sst s25  }
0xa6: {  	s4 =	sshll.u32 s26, $0x1;
	_ =	strace $0x80000049;
	[dreg:$0x1] =	wrdreg $0xFFFFFFFF  }
0xa7: {  	s28 =	simm.s32 $_size_execute0_lowered;
	s2 =	sadd.s32 s2, s4;
	[dreg:$0x0] =	wrdreg $0x0  }
0xa8: {  	s4 =	sshll.u32 s28, $0x1;
	[dreg:$0x2] =	wrdreg s2  }
0xa9: {  	[dreg:$0x3] =	wrdreg s4  }
0xaa: {  	[dreg:$0x4] =	wrdreg $0xC0  }
0xab: {  	_ =	task [dreg:s6], $0x5FFFF  }
0xac: {  	[dreg:$0x1] =	wrdreg $0xFFFFFFFF  }
0xad: {  	[dreg:$0x0] =	wrdreg $0x60  }
0xae: {  	[dreg:$0x2] =	wrdreg s24  }
0xaf: {  	[dreg:$0x3] =	wrdreg $0x82000  }
0xb0: {  	[dreg:$0x4] =	wrdreg $0x9  }
0xb1: {  	_ =	task.clear_ibuf [dreg:s6], $0x5FFFF;
	_ =	strace $0x90000049  }
0xb2: {  	s29 =	simm.s32 $0x9;
	_ =	strace $0x8000004B  }
0xb3: {  	_ =	swait.ge [sflag:s29], $0x1  }
0xb4: {  	[sflag:s29] =	ssyncadd.s32 $0xFFFFFFFF  }
0xb5: {  	_ =	strace $0x9000004B  }
0xb6: {  	_ =	sfence  }
0xb7: {  	s30 =	sld [smem:$0x0];
	_ =	sdelay $0x2  }
0xb8: {  	s31 =	sshll.u32 s1, $0xD;
	s1 =	sshrl.u32 s1, $0x2  }
0xb9: {  	s3 =	sand.u32 $0x4000, s31;
	s1 =	sadd.s32 s1, s30  }
0xba: {  	s0 =	sor.u32 s3, s0;
	s1 =	sshll.u32 s1, $0x11  }
0xbb: {  	s0 =	sor.u32 s1, s0  }
0xbc: {  	s0 =	sadd.s32 $0x8F2B, s0  }
0xbd: {  	[sflag:s0] =	ssyncadd.remote.s32 $0x1  }
0xbe: {  	_ =	sfence.sel $0xFFFF  }
0xbf: {  	[dreg:$0x0] =	wrdreg $0xFFFFFFFF;
	(pc) =	sbr.abs _section_cstart, $3  }
0xc0: {  	[dreg:$0x1] =	wrdreg $0xFFFFFFFF  }
0xc1: {  	_ =	task.clear_ibuf [dreg:s6], $0x2FFFF;
	_ =	strace $0x9FFFFFFF  }
0xc2: {  	(tm) =	ssettm $0x7FFFFFFF  }
0xc3: {  	_ =	shalt  }
tec
execute0_lowered:
.L_overlay_start_1:
0x0: {  	(tag) =	ssettag $0x1  }
0x1: {  	s5 =	rddreg [dreg:$0x0]  }
0x2: {  	s1 =	rddreg [dreg:$0x1];
	s2 =	srdreg.scid;
	s3 =	simm.s32 $0x0  }
0x3: {  	s19 =	simm.s32 $0x200;
	s20 =	simm.s32 $0x3;
	s21 =	simm.s32 $0x80  }
0x4: {  	s22 =	simm.s32 $0x100;
	s23 =	simm.s32 $0x180;
	s24 =	simm.s32 $0x4200  }
0x5: {  	s25 =	simm.s32 $0x1;
	s6 =	sand.u32 $0x1, s2;
	s2 =	stileid.u32  }
0x6: {  	s28 =	simm.s32 $0x0;
	[smem:$0x7FF] =	sst s3;
	s7 =	smul.u32 $0x140000, s6  }
0x7: {  	s4 =	sadd.s32 $0x19000, s5;
	s9 =	sadd.s32 $0xF000, s5;
	s8 =	smul.u32 $0x14000, s2  }
0x8: {  	s11 =	sadd.s32 $0x5000, s5;
	_ =	strace $0x8000004A;
	s10 =	smul.u32 $0x28, s2  }
0x9: {  	s26 =	smul.u32 $0x50000, s2;
	s29 =	ssub.s32 $0x2, s6;
	p0 =	seq.s32 s6, $0x0  }
0xa: {  	s30 =	sshrl.u32 s29, $0x1;
	s7 =	sadd.s32 s8, s7;
	s8 =	smul.u32 $0x78, s2  }
0xb: {  	s6 =	sadd.s32 $0x780, s10;
	s13 =	ssub.s32 s29, s30;
	s10 =	simm.s32 $0x3B  }
0xc: {  	s7 =	sshrl.u32 s7, $0x3;
	s10 =	simm.s32 @!p0 $0x13;
	s6 =	smov.u32 @p0 s8  }
0xd: {  	s12 =	sadd.s32 s7, s5;
	s5 =	sshrl.u32 s26, $0x2;
	s8 =	sshll.u32 s6, $0x4  }
0xe: {  	s26 =	simm.s32 $0x2;
	s5 =	sadd.s32 s5, s1;
	s6 =	sadd.s32 s9, s8  }
0xf: {  	s7 =	sadd.s32 s11, s8;
	s31 =	sor.u32 $0x10, s8;
	s14 =	sadd.s32 $0x8000, s5  }
0x10: {  	s15 =	sadd.s32 $0xC000, s5;
	s16 =	sadd.s32 $0x10000, s5;
	s8 =	sadd.s32 s9, s31  }
0x11: {  	s9 =	sadd.s32 s11, s31;
	s11 =	sadd.s32 $0x40200, s12;
	s12 =	smax.u32 s13, $0x1  }
0x12: {  	v0 =	vimm.f32 $0.0e+00;
	s13 =	sadd.s32 $0x4000, s5;
	s17 =	sadd.s32 $0x30, s7;
	s18 =	sadd.s32 $0x30, s6  }
.LBB2_1:
0x13: {  	s29 =	sand.u32 $0xFE00, s3  }
0x14: {  	s30 =	sand.u32 $0x70, s3;
	s31 =	sshrl.u32 s29, $0x2  }
0x15: {  	s29 =	simm.s32 $0x40;
	s31 =	sor.u32 s30, s31;
	s30 =	simm.s32 $0x0  }
.LBB2_2:
0x16: {  	p0 =	sne.s32 s29, $0xFFC0  }
0x17: {  	[tilespmem:s31+$0x200] =	vst v0;
	s30 =	sadd.s32 $0x10, s30;
	s31 =	smov.u32 s29;
	s29 =	sadd.s32 $0x40, s29  }
.Ltmp0:
0x18: {  	(pc) =	sbr.rel @p0 .LBB2_2-.Ltmp0, $4  }
0x19: {  	_ = 	snop  }
0x1a: {  	s31 =	sand.u32 $0xFE00, s31  }
0x1b: {  	s0 =	sand.u32 $0x70, s30;
	s31 =	sshrl.u32 s31, $0x2  }
0x1c: {  	s31 =	sor.u32 s0, s31  }
0x1d: {  	[tilespmem:s31+$0x200] =	vst v0  }
0x1e: {  	[spmem:s5] =	stream.linear.scatter [tilespmem:s19], [sflag:$0x3], $0x4000, $0x38;
	[tilespmem:$0x1C200] =	vst v63  }
0x1f: {  	_ =	swait.ge [sflag:s20], $0x4000  }
0x20: {  	[sflag:s20] =	ssyncset.done $0x0  }
0x21: {  	[sflag:s20] =	ssyncadd.s32 $0xFFFFC000  }
0x22: {  	[spmem:s13] =	stream.linear.scatter [tilespmem:s19], [sflag:$0x3], $0x4000, $0x38;
	[tilespmem:$0x1C200] =	vst v63  }
0x23: {  	_ =	swait.ge [sflag:s20], $0x4000  }
0x24: {  	[sflag:s20] =	ssyncset.done $0x0  }
0x25: {  	[sflag:s20] =	ssyncadd.s32 $0xFFFFC000  }
0x26: {  	[spmem:s14] =	stream.linear.scatter [tilespmem:s19], [sflag:$0x3], $0x4000, $0x38;
	[tilespmem:$0x1C200] =	vst v63  }
0x27: {  	_ =	swait.ge [sflag:s20], $0x4000  }
0x28: {  	[sflag:s20] =	ssyncset.done $0x0  }
0x29: {  	[sflag:s20] =	ssyncadd.s32 $0xFFFFC000  }
0x2a: {  	[spmem:s15] =	stream.linear.scatter [tilespmem:s19], [sflag:$0x3], $0x4000, $0x38;
	[tilespmem:$0x1C200] =	vst v63  }
0x2b: {  	_ =	swait.ge [sflag:s20], $0x4000  }
0x2c: {  	[sflag:s20] =	ssyncset.done $0x0  }
0x2d: {  	[sflag:s20] =	ssyncadd.s32 $0xFFFFC000  }
0x2e: {  	[spmem:s16] =	stream.linear.scatter [tilespmem:s19], [sflag:$0x3], $0x4000, $0x38;
	[tilespmem:$0x1C200] =	vst v63  }
0x2f: {  	_ =	swait.ge [sflag:s20], $0x4000  }
0x30: {  	[sflag:s20] =	ssyncset.done $0x0  }
0x31: {  	[sflag:s20] =	ssyncadd.s32 $0xFFFFC000  }
0x32: {  	[bflag:$0x0] =	sbarrier.arrive $0xFFFF  }
0x33: {  	[tilespmem:s3], [sflag:$0x3] =	stream.linear.gather [hbm4b:s6+s3], $0x80, $0x38;
	[tilespmem:$0x1C200] =	vst v63  }
0x34: {  	_ =	swait.ge [sflag:s20], $0x80  }
0x35: {  	[sflag:s20] =	ssyncset.done $0x0  }
0x36: {  	[sflag:s20] =	ssyncadd.s32 $0xFFFFFF80  }
0x37: {  	[tilespmem:s21], [sflag:$0x3] =	stream.linear.gather [hbm4b:s7+s3], $0x80, $0x38;
	[tilespmem:$0x1C200] =	vst v63  }
0x38: {  	_ =	swait.ge [sflag:s20], $0x80  }
0x39: {  	[sflag:s20] =	ssyncset.done $0x0  }
0x3a: {  	[sflag:s20] =	ssyncadd.s32 $0xFFFFFF80  }
0x3b: {  	[tilespmem:s19], [sflag:$0x1] =	stream.indirect.gather [hbm4b:s4+s21], $0x80, s3, s21, $0xb8;
	[tilespmem:$0x1C200] =	vst v63  }
0x3c: {  	_ = 	snop  }
0x3d: {  	[tilespmem:s22], [sflag:$0x3] =	stream.linear.gather [hbm4b:s8+s3], $0x80, $0x38;
	[tilespmem:$0x1C200] =	vst v63  }
0x3e: {  	_ =	swait.ge [sflag:s20], $0x80  }
0x3f: {  	[sflag:s20] =	ssyncset.done $0x0  }
0x40: {  	[sflag:s20] =	ssyncadd.s32 $0xFFFFFF80  }
0x41: {  	[tilespmem:s23], [sflag:$0x3] =	stream.linear.gather [hbm4b:s9+s3], $0x80, $0x38;
	[tilespmem:$0x1C200] =	vst v63  }
0x42: {  	_ =	swait.ge [sflag:s20], $0x80  }
0x43: {  	[sflag:s20] =	ssyncset.done $0x0  }
0x44: {  	[sflag:s20] =	ssyncadd.s32 $0xFFFFFF80  }
0x45: {  	[tilespmem:s24], [sflag:$0x2] =	stream.indirect.gather [hbm4b:s4+s21], $0x80, s22, s21, $0xb8;
	[tilespmem:$0x1C200] =	vst v63  }
0x46: {  	_ =	swait.ge [sflag:s25], $0x4000  }
0x47: {  	[sflag:s25] =	ssyncset.done $0x0  }
0x48: {  	[sflag:s25] =	ssyncadd.s32 $0xFFFFC000  }
0x49: {  	[spmem:s1] =	stream.indirect.scatter.add.f32 [tilespmem:s19], [sflag:$0x3], $0x80, s21, s21, $0xb8;
	[tilespmem:$0x1C200] =	vst v63  }
0x4a: {  	_ =	swait.ge [sflag:s20], $0x4000  }
0x4b: {  	[sflag:s20] =	ssyncset.done $0x0  }
0x4c: {  	s0 =	sadd.s32 $0xFFFFFFF0, s18;
	[sflag:s20] =	ssyncadd.s32 $0xFFFFC000  }
0x4d: {  	[tilespmem:s3], [sflag:$0x3] =	stream.linear.gather [hbm4b:s0+s3], $0x80, $0x38;
	[tilespmem:$0x1C200] =	vst v63  }
0x4e: {  	_ =	swait.ge [sflag:s20], $0x80  }
0x4f: {  	[sflag:s20] =	ssyncset.done $0x0  }
0x50: {  	s0 =	sadd.s32 $0xFFFFFFF0, s17;
	[sflag:s20] =	ssyncadd.s32 $0xFFFFFF80  }
0x51: {  	[tilespmem:s21], [sflag:$0x3] =	stream.linear.gather [hbm4b:s0+s3], $0x80, $0x38;
	[tilespmem:$0x1C200] =	vst v63  }
0x52: {  	_ =	swait.ge [sflag:s20], $0x80  }
0x53: {  	[sflag:s20] =	ssyncset.done $0x0  }
0x54: {  	[sflag:s20] =	ssyncadd.s32 $0xFFFFFF80  }
0x55: {  	[tilespmem:s19], [sflag:$0x1] =	stream.indirect.gather [hbm4b:s4+s21], $0x80, s3, s21, $0xb8;
	[tilespmem:$0x1C200] =	vst v63  }
0x56: {  	_ =	swait.ge [sflag:s26], $0x4000  }
0x57: {  	[sflag:s26] =	ssyncset.done $0x0  }
0x58: {  	[sflag:s26] =	ssyncadd.s32 $0xFFFFC000  }
0x59: {  	[spmem:s1] =	stream.indirect.scatter.add.f32 [tilespmem:s24], [sflag:$0x3], $0x80, s23, s21, $0xb8;
	[tilespmem:$0x1C200] =	vst v63  }
0x5a: {  	_ =	swait.ge [sflag:s20], $0x4000  }
0x5b: {  	[sflag:s20] =	ssyncset.done $0x0  }
0x5c: {  	[sflag:s20] =	ssyncadd.s32 $0xFFFFC000  }
0x5d: {  	[tilespmem:s22], [sflag:$0x3] =	stream.linear.gather [hbm4b:s18+s3], $0x80, $0x38;
	[tilespmem:$0x1C200] =	vst v63  }
0x5e: {  	_ =	swait.ge [sflag:s20], $0x80  }
0x5f: {  	p0 =	sne.s32 s10, $0x1;
	[sflag:s20] =	ssyncset.done $0x0  }
.Ltmp1:
0x60: {  	[sflag:s20] =	ssyncadd.s32 $0xFFFFFF80;
	(pc) =	sbr.rel @!p0 .LBB2_5-.Ltmp1, $4  }
0x61: {  	[tilespmem:s23], [sflag:$0x3] =	stream.linear.gather [hbm4b:s17+s3], $0x80, $0x38;
	[tilespmem:$0x1C200] =	vst v63  }
0x62: {  	_ =	swait.ge [sflag:s20], $0x80  }
0x63: {  	s29 =	sadd.s32 $0xFFFFFFFF, s10;
	[sflag:s20] =	ssyncset.done $0x0  }
0x64: {  	s30 =	sadd.s32 $0x20, s17;
	s31 =	sadd.s32 $0x20, s18;
	[sflag:s20] =	ssyncadd.s32 $0xFFFFFF80  }
.LBB2_4:
0x65: {  	[tilespmem:s24], [sflag:$0x2] =	stream.indirect.gather [hbm4b:s4+s21], $0x80, s22, s21, $0xb8;
	[tilespmem:$0x1C200] =	vst v63  }
0x66: {  	p0 =	sne.s32 s29, $0x1;
	s29 =	sadd.s32 $0xFFFFFFFF, s29;
	_ =	swait.ge [sflag:s25], $0x4000  }
0x67: {  	[sflag:s25] =	ssyncset.done $0x0  }
0x68: {  	[sflag:s25] =	ssyncadd.s32 $0xFFFFC000  }
0x69: {  	[spmem:s1] =	stream.indirect.scatter.add.f32 [tilespmem:s19], [sflag:$0x3], $0x80, s21, s21, $0xb8;
	[tilespmem:$0x1C200] =	vst v63  }
0x6a: {  	_ =	swait.ge [sflag:s20], $0x4000  }
0x6b: {  	[sflag:s20] =	ssyncset.done $0x0  }
0x6c: {  	s0 =	sadd.s32 $0xFFFFFFF0, s31;
	[sflag:s20] =	ssyncadd.s32 $0xFFFFC000  }
0x6d: {  	[tilespmem:s3], [sflag:$0x3] =	stream.linear.gather [hbm4b:s0+s3], $0x80, $0x38;
	[tilespmem:$0x1C200] =	vst v63  }
0x6e: {  	_ =	swait.ge [sflag:s20], $0x80  }
0x6f: {  	[sflag:s20] =	ssyncset.done $0x0  }
0x70: {  	s0 =	sadd.s32 $0xFFFFFFF0, s30;
	[sflag:s20] =	ssyncadd.s32 $0xFFFFFF80  }
0x71: {  	[tilespmem:s21], [sflag:$0x3] =	stream.linear.gather [hbm4b:s0+s3], $0x80, $0x38;
	[tilespmem:$0x1C200] =	vst v63  }
0x72: {  	_ =	swait.ge [sflag:s20], $0x80  }
0x73: {  	[sflag:s20] =	ssyncset.done $0x0  }
0x74: {  	[sflag:s20] =	ssyncadd.s32 $0xFFFFFF80  }
0x75: {  	[tilespmem:s19], [sflag:$0x1] =	stream.indirect.gather [hbm4b:s4+s21], $0x80, s3, s21, $0xb8;
	[tilespmem:$0x1C200] =	vst v63  }
0x76: {  	_ =	swait.ge [sflag:s26], $0x4000  }
0x77: {  	[sflag:s26] =	ssyncset.done $0x0  }
0x78: {  	[sflag:s26] =	ssyncadd.s32 $0xFFFFC000  }
0x79: {  	[spmem:s1] =	stream.indirect.scatter.add.f32 [tilespmem:s24], [sflag:$0x3], $0x80, s23, s21, $0xb8;
	[tilespmem:$0x1C200] =	vst v63  }
0x7a: {  	_ =	swait.ge [sflag:s20], $0x4000  }
0x7b: {  	[sflag:s20] =	ssyncset.done $0x0  }
0x7c: {  	[sflag:s20] =	ssyncadd.s32 $0xFFFFC000  }
0x7d: {  	[tilespmem:s22], [sflag:$0x3] =	stream.linear.gather [hbm4b:s31+s3], $0x80, $0x38;
	[tilespmem:$0x1C200] =	vst v63  }
0x7e: {  	_ =	swait.ge [sflag:s20], $0x80  }
0x7f: {  	[sflag:s20] =	ssyncset.done $0x0  }
.Ltmp2:
0x80: {  	[sflag:s20] =	ssyncadd.s32 $0xFFFFFF80;
	(pc) =	sbr.rel @p0 .LBB2_4-.Ltmp2, $4  }
0x81: {  	[tilespmem:s23], [sflag:$0x3] =	stream.linear.gather [hbm4b:s30+s3], $0x80, $0x38;
	[tilespmem:$0x1C200] =	vst v63  }
0x82: {  	_ =	swait.ge [sflag:s20], $0x80  }
0x83: {  	[sflag:s20] =	ssyncset.done $0x0  }
0x84: {  	s31 =	sadd.s32 $0x20, s31;
	s30 =	sadd.s32 $0x20, s30;
	[sflag:s20] =	ssyncadd.s32 $0xFFFFFF80  }
.LBB2_5:
0x85: {  	[tilespmem:s24], [sflag:$0x2] =	stream.indirect.gather [hbm4b:s4+s21], $0x80, s22, s21, $0xb8;
	[tilespmem:$0x1C200] =	vst v63  }
0x86: {  	_ =	swait.ge [sflag:s25], $0x4000  }
0x87: {  	[sflag:s25] =	ssyncset.done $0x0  }
0x88: {  	[sflag:s25] =	ssyncadd.s32 $0xFFFFC000  }
0x89: {  	[spmem:s1] =	stream.indirect.scatter.add.f32 [tilespmem:s19], [sflag:$0x3], $0x80, s21, s21, $0xb8;
	[tilespmem:$0x1C200] =	vst v63  }
0x8a: {  	_ =	swait.ge [sflag:s20], $0x4000  }
0x8b: {  	[sflag:s20] =	ssyncset.done $0x0  }
0x8c: {  	[sflag:s20] =	ssyncadd.s32 $0xFFFFC000  }
0x8d: {  	_ =	swait.ge [sflag:s26], $0x4000  }
0x8e: {  	[sflag:s26] =	ssyncset.done $0x0  }
0x8f: {  	[sflag:s26] =	ssyncadd.s32 $0xFFFFC000  }
0x90: {  	[spmem:s1] =	stream.indirect.scatter.add.f32 [tilespmem:s24], [sflag:$0x3], $0x80, s23, s21, $0xb8;
	[tilespmem:$0x1C200] =	vst v63  }
0x91: {  	_ =	swait.ge [sflag:s20], $0x4000  }
0x92: {  	s0 =	sshll.u32 s2, $0x6;
	s28 =	sadd.s32 $0x1, s28;
	[sflag:s20] =	ssyncset.done $0x0  }
0x93: {  	s29 =	sshrl.u32 s5, $0x3;
	p0 =	sne.s32 s28, s12;
	[sflag:s20] =	ssyncadd.s32 $0xFFFFC000  }
.Ltmp3:
0x94: {  	s0 =	sor.u32 $0x1C03, s0;
	[bflag:$0x0] =	sbarrier.arrive $0xFFFF;
	(pc) =	sbr.rel @p0 .LBB2_1-.Ltmp3, $4  }
0x95: {  	[hbm:s11], [sflag:s0] =	dma.local [spmem:s29], $0x2800  }
0x96: {  	_ =	swait.ge [sflag:s20], $0x2800  }
0x97: {  	[sflag:s20] =	ssyncset.done $0x0  }
0x98: {  	[sflag:s20] =	ssyncadd.s32 $0xFFFFD800  }
0x99: {  	_ =	sfence.sel $0x180000  }
0x9a: {  	[bflag:$0x0] =	sbarrier.arrive $0xFFFF  }
0x9b: {  	_ =	strace $0x9000004A  }
0x9c: {  	[bflag:$0x2] =	sbarrier.arrive $0xFFFF  }
0x9d: {  	p0 =	sne.s32 s2, $0x0;
	s0 =	rddreg [dreg:$0x2]  }
0x9e: {  	s0 =	sadd.s32 @!p0 $0x100000, s0  }
0x9f: {  	[sflag:s0] =	ssyncadd.tile.s32 @!p0 $0x1;
	_ =	shalt  }
.Lfunc_end2:
_tile_overlayer_lowered:
.L_overlay_start_2:
0xa0: {  	(tag) =	ssettag $0x2  }
0xa1: {  	s0 =	rddreg [dreg:$0x0];
	s2 =	stileid.u32  }
0xa2: {  	s1 =	rddreg [dreg:$0x1];
	p0 =	sne.s32 s2, $0x0  }
0xa3: {  	s3 =	rddreg [dreg:$0x2];
	[bflag:$0x3] =	sbarrier.arrive $0xFFFF;
	s2 =	simm.s32 @!p0 $0x1C03  }
0xa4: {  	[timem:s3], [sflag:s2] =	dma.local @!p0 [hbm:s0], s1  }
0xa5: {  	s0 =	simm.s32 @!p0 $0x3  }
0xa6: {  	_ =	swait.ge @!p0 [sflag:s0], s1  }
0xa7: {  	s1 =	ssub.s32 @!p0 $0x0, s1;
	[sflag:s0] =	ssyncset.done @!p0 $0x0  }
0xa8: {  	[sflag:s0] =	ssyncadd.s32 @!p0 s1  }
0xa9: {  	[bflag:$0x3] =	sbarrier.arrive $0xFFFF  }
0xaa: {  	_ =	shalt  }

// kernel: kernel.20.cloned.1.call-start
scs
__scs_entry_jumppad:
0x0: {  	(pc) =	sbr.rel $0x88, $3  }
0x1: {  	(tag) =	ssettag $0x0;
	lr =	simm.s32 $0x1  }
0x2: {  	[smem:$0x3F92] =	sst lr;
	_ =	strace $0xD0000000  }
0x3: {  	_ = 	snop  }
0x4: {  	_ = 	snop  }
0x5: {  	_ = 	snop  }
0x6: {  	_ = 	snop  }
0x7: {  	_ = 	snop  }
__scs_overlays_trampoline_lowered:
0x8: {  	[smem:$0x3FA1] =	sst s0  }
0x9: {  	[smem:$0x3FA2] =	sst s1  }
0xa: {  	[smem:$0x3FA3] =	sst s2  }
0xb: {  	[smem:$0x3FA4] =	sst s3  }
0xc: {  	[smem:$0x3FA5] =	sst s4  }
0xd: {  	[smem:$0x3FA6] =	sst s5  }
0xe: {  	[smem:$0x3FA7] =	sst s6  }
0xf: {  	[smem:$0x3FA8] =	sst s7  }
0x10: {  	[smem:$0x3FA9] =	sst s8  }
0x11: {  	[smem:$0x3FAA] =	sst s9;
	s0 =	simm.s32 @!p0 $0x0  }
0x12: {  	s1 =	sld [smem:$0x3F90];
	s0 =	simm.s32 @p0 $0x1  }
0x13: {  	[smem:$0x3FAB] =	sst s0;
	s0 =	simm.s32 @!p1 $0x0  }
0x14: {  	s2 =	sld [smem:$0x3F8F];
	s0 =	simm.s32 @p1 $0x1  }
0x15: {  	[smem:$0x3FAC] =	sst s0;
	s0 =	simm.s32 @!p2 $0x0  }
0x16: {  	s3 =	sld [smem:$0x3FDB];
	s0 =	simm.s32 @p2 $0x1  }
0x17: {  	s4 =	simm.s32 $0x1BF5;
	[smem:$0x3FAE] =	sst s0  }
0x18: {  	s0 =	sld [smem:$0x3F91];
	_ =	swait.ge [sflag:s4], $0x0  }
0x19: {  	s7 =	sld [smem:$0x3F92]  }
0x1a: {  	s8 =	sadd.s32 $0xFFFFE003, lr  }
0x1b: {  	s9 =	sadd.s32 $0xFFFFFEF7, lr;
	s5 =	simm.s32 $0xFFFFFFFF;
	p2 =	slt.u32 s8, $0xFFFFF086  }
0x1c: {  	p1 =	slt.u32 s9, $0xF7A;
	s5 =	simm.s32 @!p2 $0x0  }
0x1d: {  	s5 =	simm.s32 @p1 $0x1;
	p0 =	seq.s32 s7, s2  }
0x1e: {  	s7 =	smul.u32 @!p0 $0xF7A, s2;
	p2 =	seq.s32 @!p0 s5, $0x0  }
0x1f: {  	s9 =	smul.u32 $0xF7A, s1;
	s8 =	simm.s32 @!p0 $0x1BF5;
	p2 =	por !p2, p0  }
0x20: {  	[sflag:s8] =	ssyncset.s32 @!p0 $0xFFFFF086;
	s6 =	sadd.s32 @!p0 s3, s7;
	s7 =	simm.s32 @!p0 $0x108  }
0x21: {  	s3 =	sadd.s32 s3, s9;
	s6 =	sadd.s32 @!p0 $0x88, s6;
	s7 =	simm.s32 @p2 $0x1082  }
0x22: {  	[simem:s7], [sflag:s8] =	dma.local @!p0 [hbm:s6], $0xF7A  }
0x23: {  	s9 =	sor.u32 $0xD0000000, s2;
	s6 =	simm.s32 $0x108;
	_ =	swait.ge @!p0 [sflag:s8], $0x0  }
0x24: {  	s3 =	sadd.s32 $0x88, s3;
	s6 =	simm.s32 @!p1 $0x1082;
	[sflag:s4] =	ssyncset.s32 $0xFFFFF086  }
0x25: {  	[simem:s6], [sflag:s4] =	dma.local [hbm:s3], $0xF7A  }
0x26: {  	[smem:$0x3F92] =	sst s1;
	(tag) =	ssettag s2;
	_ =	strace s9  }
0x27: {  	s1 =	sld [smem:$0x3FA2]  }
0x28: {  	s2 =	sld [smem:$0x3FA3]  }
0x29: {  	s4 =	sld [smem:$0x3FA5]  }
0x2a: {  	p0 =	seq.s32 s5, $0x0;
	s5 =	sld [smem:$0x3FA6]  }
0x2b: {  	s6 =	sld [smem:$0x3FA7]  }
0x2c: {  	s7 =	sld [smem:$0x3FA8]  }
0x2d: {  	s3 =	simm.s32 $0x108;
	s8 =	sld [smem:$0x3FA9]  }
0x2e: {  	s3 =	simm.s32 @!p0 $0x1082;
	s9 =	sld [smem:$0x3FAA]  }
0x2f: {  	lr =	sadd.s32 s0, s3;
	s0 =	sld [smem:$0x3FA1]  }
0x30: {  	s3 =	sld [smem:$0x3FA4]  }
0x31: {  	[smem:$0x3FAD] =	sst s10  }
0x32: {  	s10 =	sld [smem:$0x3FAB];
	_ =	sdelay $0x3  }
0x33: {  	p0 =	seq.s32 s10, $0x1;
	s10 =	sld [smem:$0x3FAD];
	_ =	sdelay $0x3  }
0x34: {  	[smem:$0x3FAD] =	sst s10  }
0x35: {  	s10 =	sld [smem:$0x3FAC];
	_ =	sdelay $0x3  }
0x36: {  	p1 =	seq.s32 s10, $0x1;
	s10 =	sld [smem:$0x3FAD];
	_ =	sdelay $0x3  }
0x37: {  	[smem:$0x3FAD] =	sst s10  }
0x38: {  	s10 =	sld [smem:$0x3FAE]  }
0x39: {  	_ = 	snop;
	(pc) =	sbr.ind lr, $3  }
0x3a: {  	_ = 	snop  }
0x3b: {  	_ = 	snop  }
0x3c: {  	p2 =	seq.s32 s10, $0x1;
	s10 =	sld [smem:$0x3FAD]  }
0x3d: {  	_ =	shalt  }
0x3e: {  	_ =	shalt  }
0x3f: {  	_ =	shalt  }
0x40: {  	_ =	shalt  }
0x41: {  	_ =	shalt  }
0x42: {  	_ =	shalt  }
0x43: {  	_ =	shalt  }
0x44: {  	_ =	shalt  }
0x45: {  	_ =	shalt  }
0x46: {  	_ =	shalt  }
0x47: {  	_ =	shalt  }
0x48: {  	_ =	shalt  }
0x49: {  	_ =	shalt  }
0x4a: {  	_ =	shalt  }
0x4b: {  	_ =	shalt  }
0x4c: {  	_ =	shalt  }
0x4d: {  	_ =	shalt  }
0x4e: {  	_ =	shalt  }
0x4f: {  	_ =	shalt  }
0x50: {  	_ =	shalt  }
0x51: {  	_ =	shalt  }
0x52: {  	_ =	shalt  }
0x53: {  	_ =	shalt  }
0x54: {  	_ =	shalt  }
0x55: {  	_ =	shalt  }
0x56: {  	_ =	shalt  }
0x57: {  	_ =	shalt  }
0x58: {  	_ =	shalt  }
0x59: {  	_ =	shalt  }
0x5a: {  	_ =	shalt  }
0x5b: {  	_ =	shalt  }
0x5c: {  	_ =	shalt  }
0x5d: {  	_ =	shalt  }
0x5e: {  	_ =	shalt  }
0x5f: {  	_ =	shalt  }
0x60: {  	_ =	shalt  }
0x61: {  	_ =	shalt  }
0x62: {  	_ =	shalt  }
0x63: {  	_ =	shalt  }
0x64: {  	_ =	shalt  }
0x65: {  	_ =	shalt  }
0x66: {  	_ =	shalt  }
0x67: {  	_ =	shalt  }
0x68: {  	_ =	shalt  }
0x69: {  	_ =	shalt  }
0x6a: {  	_ =	shalt  }
0x6b: {  	_ =	shalt  }
0x6c: {  	_ =	shalt  }
0x6d: {  	_ =	shalt  }
0x6e: {  	_ =	shalt  }
0x6f: {  	_ =	shalt  }
0x70: {  	_ =	shalt  }
0x71: {  	_ =	shalt  }
0x72: {  	_ =	shalt  }
0x73: {  	_ =	shalt  }
0x74: {  	_ =	shalt  }
0x75: {  	_ =	shalt  }
0x76: {  	_ =	shalt  }
0x77: {  	_ =	shalt  }
0x78: {  	_ =	shalt  }
0x79: {  	_ =	shalt  }
0x7a: {  	_ =	shalt  }
0x7b: {  	_ =	shalt  }
0x7c: {  	_ =	shalt  }
0x7d: {  	_ =	shalt  }
0x7e: {  	_ =	shalt  }
0x7f: {  	_ =	shalt  }
0x80: {  	_ =	shalt  }
0x81: {  	_ =	shalt  }
0x82: {  	_ =	shalt  }
0x83: {  	_ =	shalt  }
0x84: {  	_ =	shalt  }
0x85: {  	_ =	shalt  }
0x86: {  	_ =	shalt  }
0x87: {  	_ =	shalt  }
.Lfunc_end0:
.L_simem_size_0:
called_computation.2_lowered:
.L_overlay_start_0:
0x88: {  	s2 =	sld [smem:$0x3FD9]  }
0x89: {  	s3 =	sld [smem:$0x3FFE];
	_ =	sdelay $0x1  }
0x8a: {  	s1 =	srdreg.scid  }
0x8b: {  	s0 =	sand.u32 $0x1, s1  }
0x8c: {  	s16 =	sshll.u32 s0, $0xA;
	s2 =	sadd.s32 s3, s2  }
0x8d: {  	s2 =	sadd.s32 s2, s16  }
0x8e: {  	[smem:$0x3FB9] =	sst s2  }
0x8f: {  	_ = 	snop  }
0x90: {  	(tm) =	ssettm $0x1  }
0x91: {  	s17 =	sld [smem:$0x3FFB];
	_ =	sdelay $0x3  }
0x92: {  	_ =	strace s17  }
0x93: {  	s2 =	sld [smem:$0x3FFC];
	_ =	sdelay $0x3  }
0x94: {  	_ =	strace s2  }
0x95: {  	s2 =	sld [smem:$0x3FFD];
	_ =	sdelay $0x3  }
0x96: {  	_ =	strace s2  }
0x97: {  	_ =	strace $0x8FFFFFFF  }
0x98: {  	s18 =	sld [smem:$0x3FDB];
	_ =	sdelay $0x1  }
0x99: {  	s19 =	simm.s32 $_scs_section_size  }
0x9a: {  	s4 =	simm.s32 $_size__tile_overlayer_lowered;
	s5 =	simm.s32 $_tile_overlayer_lowered  }
0x9b: {  	s22 =	simm.s32 $0x1BFF;
	s21 =	sshll.u32 s5, $0x1;
	s2 =	sadd.s32 s19, s18  }
0x9c: {  	s6 =	simm.s32 $0x0;
	s20 =	sshll.u32 s4, $0x1;
	s4 =	sadd.s32 s21, s2  }
0x9d: {  	[timem:s6], [sflag:s22] =	dma.local [hbm:s4], s20  }
0x9e: {  	_ =	swait.ge [sflag:s22], s20  }
0x9f: {  	s3 =	ssub.s32 $0x0, s20;
	[sflag:s22] =	ssyncset.done $0x0  }
0xa0: {  	[sflag:s22] =	ssyncadd.s32 s3;
	_ =	sdelay $0x1  }
0xa1: {  	s23 =	simm.s32 $0x1B8B  }
0xa2: {  	_ =	swait.ge [sflag:s23], $0x1  }
0xa3: {  	[sflag:s23] =	ssyncset.done $0x0  }
0xa4: {  	s25 =	simm.s32 $0x1B8E;
	s24 =	sld [smem:$0x3FFE];
	[sflag:s23] =	ssyncadd.s32 $0xFFFFFFFF  }
0xa5: {  	s26 =	simm.s32 $execute0_lowered;
	[smem:$0x3FD2] =	sst s25  }
0xa6: {  	s4 =	sshll.u32 s26, $0x1;
	_ =	strace $0x8000004C;
	[dreg:$0x1] =	wrdreg $0xFFFFFFFF  }
0xa7: {  	s28 =	simm.s32 $_size_execute0_lowered;
	s2 =	sadd.s32 s2, s4;
	[dreg:$0x0] =	wrdreg $0x0  }
0xa8: {  	s4 =	sshll.u32 s28, $0x1;
	[dreg:$0x2] =	wrdreg s2  }
0xa9: {  	[dreg:$0x3] =	wrdreg s4  }
0xaa: {  	[dreg:$0x4] =	wrdreg $0xC0  }
0xab: {  	_ =	task [dreg:s6], $0x5FFFF  }
0xac: {  	[dreg:$0x1] =	wrdreg $0xFFFFFFFF  }
0xad: {  	[dreg:$0x0] =	wrdreg $0x60  }
0xae: {  	[dreg:$0x2] =	wrdreg s24  }
0xaf: {  	[dreg:$0x3] =	wrdreg $0x82000  }
0xb0: {  	[dreg:$0x4] =	wrdreg $0x9  }
0xb1: {  	_ =	task.clear_ibuf [dreg:s6], $0x5FFFF;
	_ =	strace $0x9000004C  }
0xb2: {  	s29 =	simm.s32 $0x9;
	_ =	strace $0x8000004E  }
0xb3: {  	_ =	swait.ge [sflag:s29], $0x1  }
0xb4: {  	[sflag:s29] =	ssyncadd.s32 $0xFFFFFFFF  }
0xb5: {  	_ =	strace $0x9000004E  }
0xb6: {  	_ =	sfence  }
0xb7: {  	s30 =	sld [smem:$0x0];
	_ =	sdelay $0x2  }
0xb8: {  	s31 =	sshll.u32 s1, $0xD;
	s1 =	sshrl.u32 s1, $0x2  }
0xb9: {  	s3 =	sand.u32 $0x4000, s31;
	s1 =	sadd.s32 s1, s30  }
0xba: {  	s0 =	sor.u32 s3, s0;
	s1 =	sshll.u32 s1, $0x11  }
0xbb: {  	s0 =	sor.u32 s1, s0  }
0xbc: {  	s0 =	sadd.s32 $0x8F2B, s0  }
0xbd: {  	[sflag:s0] =	ssyncadd.remote.s32 $0x1  }
0xbe: {  	_ =	sfence.sel $0xFFFF  }
0xbf: {  	[dreg:$0x0] =	wrdreg $0xFFFFFFFF;
	(pc) =	sbr.abs _section_cstart, $3  }
0xc0: {  	[dreg:$0x1] =	wrdreg $0xFFFFFFFF  }
0xc1: {  	_ =	task.clear_ibuf [dreg:s6], $0x2FFFF;
	_ =	strace $0x9FFFFFFF  }
0xc2: {  	(tm) =	ssettm $0x7FFFFFFF  }
0xc3: {  	_ =	shalt  }
tec
execute0_lowered:
.L_overlay_start_1:
0x0: {  	(tag) =	ssettag $0x1  }
0x1: {  	s5 =	rddreg [dreg:$0x0]  }
0x2: {  	s1 =	rddreg [dreg:$0x1];
	s2 =	srdreg.scid;
	s3 =	simm.s32 $0x0  }
0x3: {  	s19 =	simm.s32 $0x200;
	s20 =	simm.s32 $0x3;
	s21 =	simm.s32 $0x80  }
0x4: {  	s22 =	simm.s32 $0x100;
	s23 =	simm.s32 $0x180;
	s24 =	simm.s32 $0x4200  }
0x5: {  	s25 =	simm.s32 $0x1;
	s6 =	sand.u32 $0x1, s2;
	s2 =	stileid.u32  }
0x6: {  	s28 =	simm.s32 $0x0;
	[smem:$0x7FF] =	sst s3;
	s7 =	smul.u32 $0x140000, s6  }
0x7: {  	s4 =	sadd.s32 $0x19000, s5;
	s9 =	sadd.s32 $0xF000, s5;
	s8 =	smul.u32 $0x14000, s2  }
0x8: {  	s11 =	sadd.s32 $0x5000, s5;
	_ =	strace $0x8000004D;
	s10 =	smul.u32 $0x28, s2  }
0x9: {  	s26 =	smul.u32 $0x50000, s2;
	s29 =	ssub.s32 $0x2, s6;
	p0 =	seq.s32 s6, $0x0  }
0xa: {  	s30 =	sshrl.u32 s29, $0x1;
	s7 =	sadd.s32 s8, s7;
	s8 =	smul.u32 $0x78, s2  }
0xb: {  	s6 =	sadd.s32 $0x780, s10;
	s13 =	ssub.s32 s29, s30;
	s10 =	simm.s32 $0x3B  }
0xc: {  	s7 =	sshrl.u32 s7, $0x3;
	s10 =	simm.s32 @!p0 $0x13;
	s6 =	smov.u32 @p0 s8  }
0xd: {  	s12 =	sadd.s32 s7, s5;
	s5 =	sshrl.u32 s26, $0x2;
	s8 =	sshll.u32 s6, $0x4  }
0xe: {  	s26 =	simm.s32 $0x2;
	s5 =	sadd.s32 s5, s1;
	s6 =	sadd.s32 s9, s8  }
0xf: {  	s7 =	sadd.s32 s11, s8;
	s31 =	sor.u32 $0x10, s8;
	s14 =	sadd.s32 $0x8000, s5  }
0x10: {  	s15 =	sadd.s32 $0xC000, s5;
	s16 =	sadd.s32 $0x10000, s5;
	s8 =	sadd.s32 s9, s31  }
0x11: {  	s9 =	sadd.s32 s11, s31;
	s11 =	sadd.s32 $0x40200, s12;
	s12 =	smax.u32 s13, $0x1  }
0x12: {  	v0 =	vimm.f32 $0.0e+00;
	s13 =	sadd.s32 $0x4000, s5;
	s17 =	sadd.s32 $0x30, s7;
	s18 =	sadd.s32 $0x30, s6  }
.LBB2_1:
0x13: {  	s29 =	sand.u32 $0xFE00, s3  }
0x14: {  	s30 =	sand.u32 $0x70, s3;
	s31 =	sshrl.u32 s29, $0x2  }
0x15: {  	s29 =	simm.s32 $0x40;
	s31 =	sor.u32 s30, s31;
	s30 =	simm.s32 $0x0  }
.LBB2_2:
0x16: {  	p0 =	sne.s32 s29, $0xFFC0  }
0x17: {  	[tilespmem:s31+$0x200] =	vst v0;
	s30 =	sadd.s32 $0x10, s30;
	s31 =	smov.u32 s29;
	s29 =	sadd.s32 $0x40, s29  }
.Ltmp0:
0x18: {  	(pc) =	sbr.rel @p0 .LBB2_2-.Ltmp0, $4  }
0x19: {  	_ = 	snop  }
0x1a: {  	s31 =	sand.u32 $0xFE00, s31  }
0x1b: {  	s0 =	sand.u32 $0x70, s30;
	s31 =	sshrl.u32 s31, $0x2  }
0x1c: {  	s31 =	sor.u32 s0, s31  }
0x1d: {  	[tilespmem:s31+$0x200] =	vst v0  }
0x1e: {  	[spmem:s5] =	stream.linear.scatter [tilespmem:s19], [sflag:$0x3], $0x4000, $0x38;
	[tilespmem:$0x1C200] =	vst v63  }
0x1f: {  	_ =	swait.ge [sflag:s20], $0x4000  }
0x20: {  	[sflag:s20] =	ssyncset.done $0x0  }
0x21: {  	[sflag:s20] =	ssyncadd.s32 $0xFFFFC000  }
0x22: {  	[spmem:s13] =	stream.linear.scatter [tilespmem:s19], [sflag:$0x3], $0x4000, $0x38;
	[tilespmem:$0x1C200] =	vst v63  }
0x23: {  	_ =	swait.ge [sflag:s20], $0x4000  }
0x24: {  	[sflag:s20] =	ssyncset.done $0x0  }
0x25: {  	[sflag:s20] =	ssyncadd.s32 $0xFFFFC000  }
0x26: {  	[spmem:s14] =	stream.linear.scatter [tilespmem:s19], [sflag:$0x3], $0x4000, $0x38;
	[tilespmem:$0x1C200] =	vst v63  }
0x27: {  	_ =	swait.ge [sflag:s20], $0x4000  }
0x28: {  	[sflag:s20] =	ssyncset.done $0x0  }
0x29: {  	[sflag:s20] =	ssyncadd.s32 $0xFFFFC000  }
0x2a: {  	[spmem:s15] =	stream.linear.scatter [tilespmem:s19], [sflag:$0x3], $0x4000, $0x38;
	[tilespmem:$0x1C200] =	vst v63  }
0x2b: {  	_ =	swait.ge [sflag:s20], $0x4000  }
0x2c: {  	[sflag:s20] =	ssyncset.done $0x0  }
0x2d: {  	[sflag:s20] =	ssyncadd.s32 $0xFFFFC000  }
0x2e: {  	[spmem:s16] =	stream.linear.scatter [tilespmem:s19], [sflag:$0x3], $0x4000, $0x38;
	[tilespmem:$0x1C200] =	vst v63  }
0x2f: {  	_ =	swait.ge [sflag:s20], $0x4000  }
0x30: {  	[sflag:s20] =	ssyncset.done $0x0  }
0x31: {  	[sflag:s20] =	ssyncadd.s32 $0xFFFFC000  }
0x32: {  	[bflag:$0x0] =	sbarrier.arrive $0xFFFF  }
0x33: {  	[tilespmem:s3], [sflag:$0x3] =	stream.linear.gather [hbm4b:s6+s3], $0x80, $0x38;
	[tilespmem:$0x1C200] =	vst v63  }
0x34: {  	_ =	swait.ge [sflag:s20], $0x80  }
0x35: {  	[sflag:s20] =	ssyncset.done $0x0  }
0x36: {  	[sflag:s20] =	ssyncadd.s32 $0xFFFFFF80  }
0x37: {  	[tilespmem:s21], [sflag:$0x3] =	stream.linear.gather [hbm4b:s7+s3], $0x80, $0x38;
	[tilespmem:$0x1C200] =	vst v63  }
0x38: {  	_ =	swait.ge [sflag:s20], $0x80  }
0x39: {  	[sflag:s20] =	ssyncset.done $0x0  }
0x3a: {  	[sflag:s20] =	ssyncadd.s32 $0xFFFFFF80  }
0x3b: {  	[tilespmem:s19], [sflag:$0x1] =	stream.indirect.gather [hbm4b:s4+s21], $0x80, s3, s21, $0xb8;
	[tilespmem:$0x1C200] =	vst v63  }
0x3c: {  	_ = 	snop  }
0x3d: {  	[tilespmem:s22], [sflag:$0x3] =	stream.linear.gather [hbm4b:s8+s3], $0x80, $0x38;
	[tilespmem:$0x1C200] =	vst v63  }
0x3e: {  	_ =	swait.ge [sflag:s20], $0x80  }
0x3f: {  	[sflag:s20] =	ssyncset.done $0x0  }
0x40: {  	[sflag:s20] =	ssyncadd.s32 $0xFFFFFF80  }
0x41: {  	[tilespmem:s23], [sflag:$0x3] =	stream.linear.gather [hbm4b:s9+s3], $0x80, $0x38;
	[tilespmem:$0x1C200] =	vst v63  }
0x42: {  	_ =	swait.ge [sflag:s20], $0x80  }
0x43: {  	[sflag:s20] =	ssyncset.done $0x0  }
0x44: {  	[sflag:s20] =	ssyncadd.s32 $0xFFFFFF80  }
0x45: {  	[tilespmem:s24], [sflag:$0x2] =	stream.indirect.gather [hbm4b:s4+s21], $0x80, s22, s21, $0xb8;
	[tilespmem:$0x1C200] =	vst v63  }
0x46: {  	_ =	swait.ge [sflag:s25], $0x4000  }
0x47: {  	[sflag:s25] =	ssyncset.done $0x0  }
0x48: {  	[sflag:s25] =	ssyncadd.s32 $0xFFFFC000  }
0x49: {  	[spmem:s1] =	stream.indirect.scatter.add.f32 [tilespmem:s19], [sflag:$0x3], $0x80, s21, s21, $0xb8;
	[tilespmem:$0x1C200] =	vst v63  }
0x4a: {  	_ =	swait.ge [sflag:s20], $0x4000  }
0x4b: {  	[sflag:s20] =	ssyncset.done $0x0  }
0x4c: {  	s0 =	sadd.s32 $0xFFFFFFF0, s18;
	[sflag:s20] =	ssyncadd.s32 $0xFFFFC000  }
0x4d: {  	[tilespmem:s3], [sflag:$0x3] =	stream.linear.gather [hbm4b:s0+s3], $0x80, $0x38;
	[tilespmem:$0x1C200] =	vst v63  }
0x4e: {  	_ =	swait.ge [sflag:s20], $0x80  }
0x4f: {  	[sflag:s20] =	ssyncset.done $0x0  }
0x50: {  	s0 =	sadd.s32 $0xFFFFFFF0, s17;
	[sflag:s20] =	ssyncadd.s32 $0xFFFFFF80  }
0x51: {  	[tilespmem:s21], [sflag:$0x3] =	stream.linear.gather [hbm4b:s0+s3], $0x80, $0x38;
	[tilespmem:$0x1C200] =	vst v63  }
0x52: {  	_ =	swait.ge [sflag:s20], $0x80  }
0x53: {  	[sflag:s20] =	ssyncset.done $0x0  }
0x54: {  	[sflag:s20] =	ssyncadd.s32 $0xFFFFFF80  }
0x55: {  	[tilespmem:s19], [sflag:$0x1] =	stream.indirect.gather [hbm4b:s4+s21], $0x80, s3, s21, $0xb8;
	[tilespmem:$0x1C200] =	vst v63  }
0x56: {  	_ =	swait.ge [sflag:s26], $0x4000  }
0x57: {  	[sflag:s26] =	ssyncset.done $0x0  }
0x58: {  	[sflag:s26] =	ssyncadd.s32 $0xFFFFC000  }
0x59: {  	[spmem:s1] =	stream.indirect.scatter.add.f32 [tilespmem:s24], [sflag:$0x3], $0x80, s23, s21, $0xb8;
	[tilespmem:$0x1C200] =	vst v63  }
0x5a: {  	_ =	swait.ge [sflag:s20], $0x4000  }
0x5b: {  	[sflag:s20] =	ssyncset.done $0x0  }
0x5c: {  	[sflag:s20] =	ssyncadd.s32 $0xFFFFC000  }
0x5d: {  	[tilespmem:s22], [sflag:$0x3] =	stream.linear.gather [hbm4b:s18+s3], $0x80, $0x38;
	[tilespmem:$0x1C200] =	vst v63  }
0x5e: {  	_ =	swait.ge [sflag:s20], $0x80  }
0x5f: {  	p0 =	sne.s32 s10, $0x1;
	[sflag:s20] =	ssyncset.done $0x0  }
.Ltmp1:
0x60: {  	[sflag:s20] =	ssyncadd.s32 $0xFFFFFF80;
	(pc) =	sbr.rel @!p0 .LBB2_5-.Ltmp1, $4  }
0x61: {  	[tilespmem:s23], [sflag:$0x3] =	stream.linear.gather [hbm4b:s17+s3], $0x80, $0x38;
	[tilespmem:$0x1C200] =	vst v63  }
0x62: {  	_ =	swait.ge [sflag:s20], $0x80  }
0x63: {  	s29 =	sadd.s32 $0xFFFFFFFF, s10;
	[sflag:s20] =	ssyncset.done $0x0  }
0x64: {  	s30 =	sadd.s32 $0x20, s17;
	s31 =	sadd.s32 $0x20, s18;
	[sflag:s20] =	ssyncadd.s32 $0xFFFFFF80  }
.LBB2_4:
0x65: {  	[tilespmem:s24], [sflag:$0x2] =	stream.indirect.gather [hbm4b:s4+s21], $0x80, s22, s21, $0xb8;
	[tilespmem:$0x1C200] =	vst v63  }
0x66: {  	p0 =	sne.s32 s29, $0x1;
	s29 =	sadd.s32 $0xFFFFFFFF, s29;
	_ =	swait.ge [sflag:s25], $0x4000  }
0x67: {  	[sflag:s25] =	ssyncset.done $0x0  }
0x68: {  	[sflag:s25] =	ssyncadd.s32 $0xFFFFC000  }
0x69: {  	[spmem:s1] =	stream.indirect.scatter.add.f32 [tilespmem:s19], [sflag:$0x3], $0x80, s21, s21, $0xb8;
	[tilespmem:$0x1C200] =	vst v63  }
0x6a: {  	_ =	swait.ge [sflag:s20], $0x4000  }
0x6b: {  	[sflag:s20] =	ssyncset.done $0x0  }
0x6c: {  	s0 =	sadd.s32 $0xFFFFFFF0, s31;
	[sflag:s20] =	ssyncadd.s32 $0xFFFFC000  }
0x6d: {  	[tilespmem:s3], [sflag:$0x3] =	stream.linear.gather [hbm4b:s0+s3], $0x80, $0x38;
	[tilespmem:$0x1C200] =	vst v63  }
0x6e: {  	_ =	swait.ge [sflag:s20], $0x80  }
0x6f: {  	[sflag:s20] =	ssyncset.done $0x0  }
0x70: {  	s0 =	sadd.s32 $0xFFFFFFF0, s30;
	[sflag:s20] =	ssyncadd.s32 $0xFFFFFF80  }
0x71: {  	[tilespmem:s21], [sflag:$0x3] =	stream.linear.gather [hbm4b:s0+s3], $0x80, $0x38;
	[tilespmem:$0x1C200] =	vst v63  }
0x72: {  	_ =	swait.ge [sflag:s20], $0x80  }
0x73: {  	[sflag:s20] =	ssyncset.done $0x0  }
0x74: {  	[sflag:s20] =	ssyncadd.s32 $0xFFFFFF80  }
0x75: {  	[tilespmem:s19], [sflag:$0x1] =	stream.indirect.gather [hbm4b:s4+s21], $0x80, s3, s21, $0xb8;
	[tilespmem:$0x1C200] =	vst v63  }
0x76: {  	_ =	swait.ge [sflag:s26], $0x4000  }
0x77: {  	[sflag:s26] =	ssyncset.done $0x0  }
0x78: {  	[sflag:s26] =	ssyncadd.s32 $0xFFFFC000  }
0x79: {  	[spmem:s1] =	stream.indirect.scatter.add.f32 [tilespmem:s24], [sflag:$0x3], $0x80, s23, s21, $0xb8;
	[tilespmem:$0x1C200] =	vst v63  }
0x7a: {  	_ =	swait.ge [sflag:s20], $0x4000  }
0x7b: {  	[sflag:s20] =	ssyncset.done $0x0  }
0x7c: {  	[sflag:s20] =	ssyncadd.s32 $0xFFFFC000  }
0x7d: {  	[tilespmem:s22], [sflag:$0x3] =	stream.linear.gather [hbm4b:s31+s3], $0x80, $0x38;
	[tilespmem:$0x1C200] =	vst v63  }
0x7e: {  	_ =	swait.ge [sflag:s20], $0x80  }
0x7f: {  	[sflag:s20] =	ssyncset.done $0x0  }
.Ltmp2:
0x80: {  	[sflag:s20] =	ssyncadd.s32 $0xFFFFFF80;
	(pc) =	sbr.rel @p0 .LBB2_4-.Ltmp2, $4  }
0x81: {  	[tilespmem:s23], [sflag:$0x3] =	stream.linear.gather [hbm4b:s30+s3], $0x80, $0x38;
	[tilespmem:$0x1C200] =	vst v63  }
0x82: {  	_ =	swait.ge [sflag:s20], $0x80  }
0x83: {  	[sflag:s20] =	ssyncset.done $0x0  }
0x84: {  	s31 =	sadd.s32 $0x20, s31;
	s30 =	sadd.s32 $0x20, s30;
	[sflag:s20] =	ssyncadd.s32 $0xFFFFFF80  }
.LBB2_5:
0x85: {  	[tilespmem:s24], [sflag:$0x2] =	stream.indirect.gather [hbm4b:s4+s21], $0x80, s22, s21, $0xb8;
	[tilespmem:$0x1C200] =	vst v63  }
0x86: {  	_ =	swait.ge [sflag:s25], $0x4000  }
0x87: {  	[sflag:s25] =	ssyncset.done $0x0  }
0x88: {  	[sflag:s25] =	ssyncadd.s32 $0xFFFFC000  }
0x89: {  	[spmem:s1] =	stream.indirect.scatter.add.f32 [tilespmem:s19], [sflag:$0x3], $0x80, s21, s21, $0xb8;
	[tilespmem:$0x1C200] =	vst v63  }
0x8a: {  	_ =	swait.ge [sflag:s20], $0x4000  }
0x8b: {  	[sflag:s20] =	ssyncset.done $0x0  }
0x8c: {  	[sflag:s20] =	ssyncadd.s32 $0xFFFFC000  }
0x8d: {  	_ =	swait.ge [sflag:s26], $0x4000  }
0x8e: {  	[sflag:s26] =	ssyncset.done $0x0  }
0x8f: {  	[sflag:s26] =	ssyncadd.s32 $0xFFFFC000  }
0x90: {  	[spmem:s1] =	stream.indirect.scatter.add.f32 [tilespmem:s24], [sflag:$0x3], $0x80, s23, s21, $0xb8;
	[tilespmem:$0x1C200] =	vst v63  }
0x91: {  	_ =	swait.ge [sflag:s20], $0x4000  }
0x92: {  	s0 =	sshll.u32 s2, $0x6;
	s28 =	sadd.s32 $0x1, s28;
	[sflag:s20] =	ssyncset.done $0x0  }
0x93: {  	s29 =	sshrl.u32 s5, $0x3;
	p0 =	sne.s32 s28, s12;
	[sflag:s20] =	ssyncadd.s32 $0xFFFFC000  }
.Ltmp3:
0x94: {  	s0 =	sor.u32 $0x1C03, s0;
	[bflag:$0x0] =	sbarrier.arrive $0xFFFF;
	(pc) =	sbr.rel @p0 .LBB2_1-.Ltmp3, $4  }
0x95: {  	[hbm:s11], [sflag:s0] =	dma.local [spmem:s29], $0x2800  }
0x96: {  	_ =	swait.ge [sflag:s20], $0x2800  }
0x97: {  	[sflag:s20] =	ssyncset.done $0x0  }
0x98: {  	[sflag:s20] =	ssyncadd.s32 $0xFFFFD800  }
0x99: {  	_ =	sfence.sel $0x180000  }
0x9a: {  	[bflag:$0x0] =	sbarrier.arrive $0xFFFF  }
0x9b: {  	_ =	strace $0x9000004D  }
0x9c: {  	[bflag:$0x2] =	sbarrier.arrive $0xFFFF  }
0x9d: {  	p0 =	sne.s32 s2, $0x0;
	s0 =	rddreg [dreg:$0x2]  }
0x9e: {  	s0 =	sadd.s32 @!p0 $0x100000, s0  }
0x9f: {  	[sflag:s0] =	ssyncadd.tile.s32 @!p0 $0x1;
	_ =	shalt  }
.Lfunc_end2:
_tile_overlayer_lowered:
.L_overlay_start_2:
0xa0: {  	(tag) =	ssettag $0x2  }
0xa1: {  	s0 =	rddreg [dreg:$0x0];
	s2 =	stileid.u32  }
0xa2: {  	s1 =	rddreg [dreg:$0x1];
	p0 =	sne.s32 s2, $0x0  }
0xa3: {  	s3 =	rddreg [dreg:$0x2];
	[bflag:$0x3] =	sbarrier.arrive $0xFFFF;
	s2 =	simm.s32 @!p0 $0x1C03  }
0xa4: {  	[timem:s3], [sflag:s2] =	dma.local @!p0 [hbm:s0], s1  }
0xa5: {  	s0 =	simm.s32 @!p0 $0x3  }
0xa6: {  	_ =	swait.ge @!p0 [sflag:s0], s1  }
0xa7: {  	s1 =	ssub.s32 @!p0 $0x0, s1;
	[sflag:s0] =	ssyncset.done @!p0 $0x0  }
0xa8: {  	[sflag:s0] =	ssyncadd.s32 @!p0 s1  }
0xa9: {  	[bflag:$0x3] =	sbarrier.arrive $0xFFFF  }
0xaa: {  	_ =	shalt  }

// kernel: kernel.23.cloned.1.call-start
scs
__scs_entry_jumppad:
0x0: {  	(pc) =	sbr.rel $0x88, $3  }
0x1: {  	(tag) =	ssettag $0x0;
	lr =	simm.s32 $0x1  }
0x2: {  	[smem:$0x3F92] =	sst lr;
	_ =	strace $0xD0000000  }
0x3: {  	_ = 	snop  }
0x4: {  	_ = 	snop  }
0x5: {  	_ = 	snop  }
0x6: {  	_ = 	snop  }
0x7: {  	_ = 	snop  }
__scs_overlays_trampoline_lowered:
0x8: {  	[smem:$0x3FA1] =	sst s0  }
0x9: {  	[smem:$0x3FA2] =	sst s1  }
0xa: {  	[smem:$0x3FA3] =	sst s2  }
0xb: {  	[smem:$0x3FA4] =	sst s3  }
0xc: {  	[smem:$0x3FA5] =	sst s4  }
0xd: {  	[smem:$0x3FA6] =	sst s5  }
0xe: {  	[smem:$0x3FA7] =	sst s6  }
0xf: {  	[smem:$0x3FA8] =	sst s7  }
0x10: {  	[smem:$0x3FA9] =	sst s8  }
0x11: {  	[smem:$0x3FAA] =	sst s9;
	s0 =	simm.s32 @!p0 $0x0  }
0x12: {  	s1 =	sld [smem:$0x3F90];
	s0 =	simm.s32 @p0 $0x1  }
0x13: {  	[smem:$0x3FAB] =	sst s0;
	s0 =	simm.s32 @!p1 $0x0  }
0x14: {  	s2 =	sld [smem:$0x3F8F];
	s0 =	simm.s32 @p1 $0x1  }
0x15: {  	[smem:$0x3FAC] =	sst s0;
	s0 =	simm.s32 @!p2 $0x0  }
0x16: {  	s3 =	sld [smem:$0x3FDB];
	s0 =	simm.s32 @p2 $0x1  }
0x17: {  	s4 =	simm.s32 $0x1BF5;
	[smem:$0x3FAE] =	sst s0  }
0x18: {  	s0 =	sld [smem:$0x3F91];
	_ =	swait.ge [sflag:s4], $0x0  }
0x19: {  	s7 =	sld [smem:$0x3F92]  }
0x1a: {  	s8 =	sadd.s32 $0xFFFFE003, lr  }
0x1b: {  	s9 =	sadd.s32 $0xFFFFFEF7, lr;
	s5 =	simm.s32 $0xFFFFFFFF;
	p2 =	slt.u32 s8, $0xFFFFF086  }
0x1c: {  	p1 =	slt.u32 s9, $0xF7A;
	s5 =	simm.s32 @!p2 $0x0  }
0x1d: {  	s5 =	simm.s32 @p1 $0x1;
	p0 =	seq.s32 s7, s2  }
0x1e: {  	s7 =	smul.u32 @!p0 $0xF7A, s2;
	p2 =	seq.s32 @!p0 s5, $0x0  }
0x1f: {  	s9 =	smul.u32 $0xF7A, s1;
	s8 =	simm.s32 @!p0 $0x1BF5;
	p2 =	por !p2, p0  }
0x20: {  	[sflag:s8] =	ssyncset.s32 @!p0 $0xFFFFF086;
	s6 =	sadd.s32 @!p0 s3, s7;
	s7 =	simm.s32 @!p0 $0x108  }
0x21: {  	s3 =	sadd.s32 s3, s9;
	s6 =	sadd.s32 @!p0 $0x88, s6;
	s7 =	simm.s32 @p2 $0x1082  }
0x22: {  	[simem:s7], [sflag:s8] =	dma.local @!p0 [hbm:s6], $0xF7A  }
0x23: {  	s9 =	sor.u32 $0xD0000000, s2;
	s6 =	simm.s32 $0x108;
	_ =	swait.ge @!p0 [sflag:s8], $0x0  }
0x24: {  	s3 =	sadd.s32 $0x88, s3;
	s6 =	simm.s32 @!p1 $0x1082;
	[sflag:s4] =	ssyncset.s32 $0xFFFFF086  }
0x25: {  	[simem:s6], [sflag:s4] =	dma.local [hbm:s3], $0xF7A  }
0x26: {  	[smem:$0x3F92] =	sst s1;
	(tag) =	ssettag s2;
	_ =	strace s9  }
0x27: {  	s1 =	sld [smem:$0x3FA2]  }
0x28: {  	s2 =	sld [smem:$0x3FA3]  }
0x29: {  	s4 =	sld [smem:$0x3FA5]  }
0x2a: {  	p0 =	seq.s32 s5, $0x0;
	s5 =	sld [smem:$0x3FA6]  }
0x2b: {  	s6 =	sld [smem:$0x3FA7]  }
0x2c: {  	s7 =	sld [smem:$0x3FA8]  }
0x2d: {  	s3 =	simm.s32 $0x108;
	s8 =	sld [smem:$0x3FA9]  }
0x2e: {  	s3 =	simm.s32 @!p0 $0x1082;
	s9 =	sld [smem:$0x3FAA]  }
0x2f: {  	lr =	sadd.s32 s0, s3;
	s0 =	sld [smem:$0x3FA1]  }
0x30: {  	s3 =	sld [smem:$0x3FA4]  }
0x31: {  	[smem:$0x3FAD] =	sst s10  }
0x32: {  	s10 =	sld [smem:$0x3FAB];
	_ =	sdelay $0x3  }
0x33: {  	p0 =	seq.s32 s10, $0x1;
	s10 =	sld [smem:$0x3FAD];
	_ =	sdelay $0x3  }
0x34: {  	[smem:$0x3FAD] =	sst s10  }
0x35: {  	s10 =	sld [smem:$0x3FAC];
	_ =	sdelay $0x3  }
0x36: {  	p1 =	seq.s32 s10, $0x1;
	s10 =	sld [smem:$0x3FAD];
	_ =	sdelay $0x3  }
0x37: {  	[smem:$0x3FAD] =	sst s10  }
0x38: {  	s10 =	sld [smem:$0x3FAE]  }
0x39: {  	_ = 	snop;
	(pc) =	sbr.ind lr, $3  }
0x3a: {  	_ = 	snop  }
0x3b: {  	_ = 	snop  }
0x3c: {  	p2 =	seq.s32 s10, $0x1;
	s10 =	sld [smem:$0x3FAD]  }
0x3d: {  	_ =	shalt  }
0x3e: {  	_ =	shalt  }
0x3f: {  	_ =	shalt  }
0x40: {  	_ =	shalt  }
0x41: {  	_ =	shalt  }
0x42: {  	_ =	shalt  }
0x43: {  	_ =	shalt  }
0x44: {  	_ =	shalt  }
0x45: {  	_ =	shalt  }
0x46: {  	_ =	shalt  }
0x47: {  	_ =	shalt  }
0x48: {  	_ =	shalt  }
0x49: {  	_ =	shalt  }
0x4a: {  	_ =	shalt  }
0x4b: {  	_ =	shalt  }
0x4c: {  	_ =	shalt  }
0x4d: {  	_ =	shalt  }
0x4e: {  	_ =	shalt  }
0x4f: {  	_ =	shalt  }
0x50: {  	_ =	shalt  }
0x51: {  	_ =	shalt  }
0x52: {  	_ =	shalt  }
0x53: {  	_ =	shalt  }
0x54: {  	_ =	shalt  }
0x55: {  	_ =	shalt  }
0x56: {  	_ =	shalt  }
0x57: {  	_ =	shalt  }
0x58: {  	_ =	shalt  }
0x59: {  	_ =	shalt  }
0x5a: {  	_ =	shalt  }
0x5b: {  	_ =	shalt  }
0x5c: {  	_ =	shalt  }
0x5d: {  	_ =	shalt  }
0x5e: {  	_ =	shalt  }
0x5f: {  	_ =	shalt  }
0x60: {  	_ =	shalt  }
0x61: {  	_ =	shalt  }
0x62: {  	_ =	shalt  }
0x63: {  	_ =	shalt  }
0x64: {  	_ =	shalt  }
0x65: {  	_ =	shalt  }
0x66: {  	_ =	shalt  }
0x67: {  	_ =	shalt  }
0x68: {  	_ =	shalt  }
0x69: {  	_ =	shalt  }
0x6a: {  	_ =	shalt  }
0x6b: {  	_ =	shalt  }
0x6c: {  	_ =	shalt  }
0x6d: {  	_ =	shalt  }
0x6e: {  	_ =	shalt  }
0x6f: {  	_ =	shalt  }
0x70: {  	_ =	shalt  }
0x71: {  	_ =	shalt  }
0x72: {  	_ =	shalt  }
0x73: {  	_ =	shalt  }
0x74: {  	_ =	shalt  }
0x75: {  	_ =	shalt  }
0x76: {  	_ =	shalt  }
0x77: {  	_ =	shalt  }
0x78: {  	_ =	shalt  }
0x79: {  	_ =	shalt  }
0x7a: {  	_ =	shalt  }
0x7b: {  	_ =	shalt  }
0x7c: {  	_ =	shalt  }
0x7d: {  	_ =	shalt  }
0x7e: {  	_ =	shalt  }
0x7f: {  	_ =	shalt  }
0x80: {  	_ =	shalt  }
0x81: {  	_ =	shalt  }
0x82: {  	_ =	shalt  }
0x83: {  	_ =	shalt  }
0x84: {  	_ =	shalt  }
0x85: {  	_ =	shalt  }
0x86: {  	_ =	shalt  }
0x87: {  	_ =	shalt  }
.Lfunc_end0:
.L_simem_size_0:
called_computation.3_lowered:
.L_overlay_start_0:
0x88: {  	s2 =	sld [smem:$0x3FD9]  }
0x89: {  	s3 =	sld [smem:$0x3FFE];
	_ =	sdelay $0x1  }
0x8a: {  	s1 =	srdreg.scid  }
0x8b: {  	s0 =	sand.u32 $0x1, s1  }
0x8c: {  	s16 =	sshll.u32 s0, $0xA;
	s2 =	sadd.s32 s3, s2  }
0x8d: {  	s2 =	sadd.s32 s2, s16  }
0x8e: {  	[smem:$0x3FB9] =	sst s2  }
0x8f: {  	_ = 	snop  }
0x90: {  	(tm) =	ssettm $0x1  }
0x91: {  	s17 =	sld [smem:$0x3FFB];
	_ =	sdelay $0x3  }
0x92: {  	_ =	strace s17  }
0x93: {  	s2 =	sld [smem:$0x3FFC];
	_ =	sdelay $0x3  }
0x94: {  	_ =	strace s2  }
0x95: {  	s2 =	sld [smem:$0x3FFD];
	_ =	sdelay $0x3  }
0x96: {  	_ =	strace s2  }
0x97: {  	_ =	strace $0x8FFFFFFF  }
0x98: {  	s18 =	sld [smem:$0x3FDB];
	_ =	sdelay $0x1  }
0x99: {  	s19 =	simm.s32 $_scs_section_size  }
0x9a: {  	s4 =	simm.s32 $_size__tile_overlayer_lowered;
	s5 =	simm.s32 $_tile_overlayer_lowered  }
0x9b: {  	s22 =	simm.s32 $0x1BFF;
	s21 =	sshll.u32 s5, $0x1;
	s2 =	sadd.s32 s19, s18  }
0x9c: {  	s6 =	simm.s32 $0x0;
	s20 =	sshll.u32 s4, $0x1;
	s4 =	sadd.s32 s21, s2  }
0x9d: {  	[timem:s6], [sflag:s22] =	dma.local [hbm:s4], s20  }
0x9e: {  	_ =	swait.ge [sflag:s22], s20  }
0x9f: {  	s3 =	ssub.s32 $0x0, s20;
	[sflag:s22] =	ssyncset.done $0x0  }
0xa0: {  	[sflag:s22] =	ssyncadd.s32 s3;
	_ =	sdelay $0x1  }
0xa1: {  	s23 =	simm.s32 $0x1B8B  }
0xa2: {  	_ =	swait.ge [sflag:s23], $0x1  }
0xa3: {  	[sflag:s23] =	ssyncset.done $0x0  }
0xa4: {  	s25 =	simm.s32 $0x1B8E;
	s24 =	sld [smem:$0x3FFE];
	[sflag:s23] =	ssyncadd.s32 $0xFFFFFFFF  }
0xa5: {  	s26 =	simm.s32 $execute0_lowered;
	[smem:$0x3FD2] =	sst s25  }
0xa6: {  	s4 =	sshll.u32 s26, $0x1;
	_ =	strace $0x8000004F;
	[dreg:$0x1] =	wrdreg $0xFFFFFFFF  }
0xa7: {  	s28 =	simm.s32 $_size_execute0_lowered;
	s2 =	sadd.s32 s2, s4;
	[dreg:$0x0] =	wrdreg $0x0  }
0xa8: {  	s4 =	sshll.u32 s28, $0x1;
	[dreg:$0x2] =	wrdreg s2  }
0xa9: {  	[dreg:$0x3] =	wrdreg s4  }
0xaa: {  	[dreg:$0x4] =	wrdreg $0xC0  }
0xab: {  	_ =	task [dreg:s6], $0x5FFFF  }
0xac: {  	[dreg:$0x1] =	wrdreg $0xFFFFFFFF  }
0xad: {  	[dreg:$0x0] =	wrdreg $0x60  }
0xae: {  	[dreg:$0x2] =	wrdreg s24  }
0xaf: {  	[dreg:$0x3] =	wrdreg $0x82000  }
0xb0: {  	[dreg:$0x4] =	wrdreg $0x9  }
0xb1: {  	_ =	task.clear_ibuf [dreg:s6], $0x5FFFF;
	_ =	strace $0x9000004F  }
0xb2: {  	s29 =	simm.s32 $0x9;
	_ =	strace $0x80000051  }
0xb3: {  	_ =	swait.ge [sflag:s29], $0x1  }
0xb4: {  	[sflag:s29] =	ssyncadd.s32 $0xFFFFFFFF  }
0xb5: {  	_ =	strace $0x90000051  }
0xb6: {  	_ =	sfence  }
0xb7: {  	s30 =	sld [smem:$0x0];
	_ =	sdelay $0x2  }
0xb8: {  	s31 =	sshll.u32 s1, $0xD;
	s1 =	sshrl.u32 s1, $0x2  }
0xb9: {  	s3 =	sand.u32 $0x4000, s31;
	s1 =	sadd.s32 s1, s30  }
0xba: {  	s0 =	sor.u32 s3, s0;
	s1 =	sshll.u32 s1, $0x11  }
0xbb: {  	s0 =	sor.u32 s1, s0  }
0xbc: {  	s0 =	sadd.s32 $0x8F2B, s0  }
0xbd: {  	[sflag:s0] =	ssyncadd.remote.s32 $0x1  }
0xbe: {  	_ =	sfence.sel $0xFFFF  }
0xbf: {  	[dreg:$0x0] =	wrdreg $0xFFFFFFFF;
	(pc) =	sbr.abs _section_cstart, $3  }
0xc0: {  	[dreg:$0x1] =	wrdreg $0xFFFFFFFF  }
0xc1: {  	_ =	task.clear_ibuf [dreg:s6], $0x2FFFF;
	_ =	strace $0x9FFFFFFF  }
0xc2: {  	(tm) =	ssettm $0x7FFFFFFF  }
0xc3: {  	_ =	shalt  }
tec
execute0_lowered:
.L_overlay_start_1:
0x0: {  	(tag) =	ssettag $0x1  }
0x1: {  	s5 =	rddreg [dreg:$0x0]  }
0x2: {  	s1 =	rddreg [dreg:$0x1];
	s2 =	srdreg.scid;
	s3 =	simm.s32 $0x0  }
0x3: {  	s19 =	simm.s32 $0x200;
	s20 =	simm.s32 $0x3;
	s21 =	simm.s32 $0x80  }
0x4: {  	s22 =	simm.s32 $0x100;
	s23 =	simm.s32 $0x180;
	s24 =	simm.s32 $0x4200  }
0x5: {  	s25 =	simm.s32 $0x1;
	s6 =	sand.u32 $0x1, s2;
	s2 =	stileid.u32  }
0x6: {  	s28 =	simm.s32 $0x0;
	[smem:$0x7FF] =	sst s3;
	s7 =	smul.u32 $0x140000, s6  }
0x7: {  	s4 =	sadd.s32 $0x19000, s5;
	s9 =	sadd.s32 $0xF000, s5;
	s8 =	smul.u32 $0x14000, s2  }
0x8: {  	s11 =	sadd.s32 $0x5000, s5;
	_ =	strace $0x80000050;
	s10 =	smul.u32 $0x28, s2  }
0x9: {  	s26 =	smul.u32 $0x50000, s2;
	s29 =	ssub.s32 $0x2, s6;
	p0 =	seq.s32 s6, $0x0  }
0xa: {  	s30 =	sshrl.u32 s29, $0x1;
	s7 =	sadd.s32 s8, s7;
	s8 =	smul.u32 $0x78, s2  }
0xb: {  	s6 =	sadd.s32 $0x780, s10;
	s13 =	ssub.s32 s29, s30;
	s10 =	simm.s32 $0x3B  }
0xc: {  	s7 =	sshrl.u32 s7, $0x3;
	s10 =	simm.s32 @!p0 $0x13;
	s6 =	smov.u32 @p0 s8  }
0xd: {  	s12 =	sadd.s32 s7, s5;
	s5 =	sshrl.u32 s26, $0x2;
	s8 =	sshll.u32 s6, $0x4  }
0xe: {  	s26 =	simm.s32 $0x2;
	s5 =	sadd.s32 s5, s1;
	s6 =	sadd.s32 s9, s8  }
0xf: {  	s7 =	sadd.s32 s11, s8;
	s31 =	sor.u32 $0x10, s8;
	s14 =	sadd.s32 $0x8000, s5  }
0x10: {  	s15 =	sadd.s32 $0xC000, s5;
	s16 =	sadd.s32 $0x10000, s5;
	s8 =	sadd.s32 s9, s31  }
0x11: {  	s9 =	sadd.s32 s11, s31;
	s11 =	sadd.s32 $0x40200, s12;
	s12 =	smax.u32 s13, $0x1  }
0x12: {  	v0 =	vimm.f32 $0.0e+00;
	s13 =	sadd.s32 $0x4000, s5;
	s17 =	sadd.s32 $0x30, s7;
	s18 =	sadd.s32 $0x30, s6  }
.LBB2_1:
0x13: {  	s29 =	sand.u32 $0xFE00, s3  }
0x14: {  	s30 =	sand.u32 $0x70, s3;
	s31 =	sshrl.u32 s29, $0x2  }
0x15: {  	s29 =	simm.s32 $0x40;
	s31 =	sor.u32 s30, s31;
	s30 =	simm.s32 $0x0  }
.LBB2_2:
0x16: {  	p0 =	sne.s32 s29, $0xFFC0  }
0x17: {  	[tilespmem:s31+$0x200] =	vst v0;
	s30 =	sadd.s32 $0x10, s30;
	s31 =	smov.u32 s29;
	s29 =	sadd.s32 $0x40, s29  }
.Ltmp0:
0x18: {  	(pc) =	sbr.rel @p0 .LBB2_2-.Ltmp0, $4  }
0x19: {  	_ = 	snop  }
0x1a: {  	s31 =	sand.u32 $0xFE00, s31  }
0x1b: {  	s0 =	sand.u32 $0x70, s30;
	s31 =	sshrl.u32 s31, $0x2  }
0x1c: {  	s31 =	sor.u32 s0, s31  }
0x1d: {  	[tilespmem:s31+$0x200] =	vst v0  }
0x1e: {  	[spmem:s5] =	stream.linear.scatter [tilespmem:s19], [sflag:$0x3], $0x4000, $0x38;
	[tilespmem:$0x1C200] =	vst v63  }
0x1f: {  	_ =	swait.ge [sflag:s20], $0x4000  }
0x20: {  	[sflag:s20] =	ssyncset.done $0x0  }
0x21: {  	[sflag:s20] =	ssyncadd.s32 $0xFFFFC000  }
0x22: {  	[spmem:s13] =	stream.linear.scatter [tilespmem:s19], [sflag:$0x3], $0x4000, $0x38;
	[tilespmem:$0x1C200] =	vst v63  }
0x23: {  	_ =	swait.ge [sflag:s20], $0x4000  }
0x24: {  	[sflag:s20] =	ssyncset.done $0x0  }
0x25: {  	[sflag:s20] =	ssyncadd.s32 $0xFFFFC000  }
0x26: {  	[spmem:s14] =	stream.linear.scatter [tilespmem:s19], [sflag:$0x3], $0x4000, $0x38;
	[tilespmem:$0x1C200] =	vst v63  }
0x27: {  	_ =	swait.ge [sflag:s20], $0x4000  }
0x28: {  	[sflag:s20] =	ssyncset.done $0x0  }
0x29: {  	[sflag:s20] =	ssyncadd.s32 $0xFFFFC000  }
0x2a: {  	[spmem:s15] =	stream.linear.scatter [tilespmem:s19], [sflag:$0x3], $0x4000, $0x38;
	[tilespmem:$0x1C200] =	vst v63  }
0x2b: {  	_ =	swait.ge [sflag:s20], $0x4000  }
0x2c: {  	[sflag:s20] =	ssyncset.done $0x0  }
0x2d: {  	[sflag:s20] =	ssyncadd.s32 $0xFFFFC000  }
0x2e: {  	[spmem:s16] =	stream.linear.scatter [tilespmem:s19], [sflag:$0x3], $0x4000, $0x38;
	[tilespmem:$0x1C200] =	vst v63  }
0x2f: {  	_ =	swait.ge [sflag:s20], $0x4000  }
0x30: {  	[sflag:s20] =	ssyncset.done $0x0  }
0x31: {  	[sflag:s20] =	ssyncadd.s32 $0xFFFFC000  }
0x32: {  	[bflag:$0x0] =	sbarrier.arrive $0xFFFF  }
0x33: {  	[tilespmem:s3], [sflag:$0x3] =	stream.linear.gather [hbm4b:s6+s3], $0x80, $0x38;
	[tilespmem:$0x1C200] =	vst v63  }
0x34: {  	_ =	swait.ge [sflag:s20], $0x80  }
0x35: {  	[sflag:s20] =	ssyncset.done $0x0  }
0x36: {  	[sflag:s20] =	ssyncadd.s32 $0xFFFFFF80  }
0x37: {  	[tilespmem:s21], [sflag:$0x3] =	stream.linear.gather [hbm4b:s7+s3], $0x80, $0x38;
	[tilespmem:$0x1C200] =	vst v63  }
0x38: {  	_ =	swait.ge [sflag:s20], $0x80  }
0x39: {  	[sflag:s20] =	ssyncset.done $0x0  }
0x3a: {  	[sflag:s20] =	ssyncadd.s32 $0xFFFFFF80  }
0x3b: {  	[tilespmem:s19], [sflag:$0x1] =	stream.indirect.gather [hbm4b:s4+s21], $0x80, s3, s21, $0xb8;
	[tilespmem:$0x1C200] =	vst v63  }
0x3c: {  	_ = 	snop  }
0x3d: {  	[tilespmem:s22], [sflag:$0x3] =	stream.linear.gather [hbm4b:s8+s3], $0x80, $0x38;
	[tilespmem:$0x1C200] =	vst v63  }
0x3e: {  	_ =	swait.ge [sflag:s20], $0x80  }
0x3f: {  	[sflag:s20] =	ssyncset.done $0x0  }
0x40: {  	[sflag:s20] =	ssyncadd.s32 $0xFFFFFF80  }
0x41: {  	[tilespmem:s23], [sflag:$0x3] =	stream.linear.gather [hbm4b:s9+s3], $0x80, $0x38;
	[tilespmem:$0x1C200] =	vst v63  }
0x42: {  	_ =	swait.ge [sflag:s20], $0x80  }
0x43: {  	[sflag:s20] =	ssyncset.done $0x0  }
0x44: {  	[sflag:s20] =	ssyncadd.s32 $0xFFFFFF80  }
0x45: {  	[tilespmem:s24], [sflag:$0x2] =	stream.indirect.gather [hbm4b:s4+s21], $0x80, s22, s21, $0xb8;
	[tilespmem:$0x1C200] =	vst v63  }
0x46: {  	_ =	swait.ge [sflag:s25], $0x4000  }
0x47: {  	[sflag:s25] =	ssyncset.done $0x0  }
0x48: {  	[sflag:s25] =	ssyncadd.s32 $0xFFFFC000  }
0x49: {  	[spmem:s1] =	stream.indirect.scatter.add.f32 [tilespmem:s19], [sflag:$0x3], $0x80, s21, s21, $0xb8;
	[tilespmem:$0x1C200] =	vst v63  }
0x4a: {  	_ =	swait.ge [sflag:s20], $0x4000  }
0x4b: {  	[sflag:s20] =	ssyncset.done $0x0  }
0x4c: {  	s0 =	sadd.s32 $0xFFFFFFF0, s18;
	[sflag:s20] =	ssyncadd.s32 $0xFFFFC000  }
0x4d: {  	[tilespmem:s3], [sflag:$0x3] =	stream.linear.gather [hbm4b:s0+s3], $0x80, $0x38;
	[tilespmem:$0x1C200] =	vst v63  }
0x4e: {  	_ =	swait.ge [sflag:s20], $0x80  }
0x4f: {  	[sflag:s20] =	ssyncset.done $0x0  }
0x50: {  	s0 =	sadd.s32 $0xFFFFFFF0, s17;
	[sflag:s20] =	ssyncadd.s32 $0xFFFFFF80  }
0x51: {  	[tilespmem:s21], [sflag:$0x3] =	stream.linear.gather [hbm4b:s0+s3], $0x80, $0x38;
	[tilespmem:$0x1C200] =	vst v63  }
0x52: {  	_ =	swait.ge [sflag:s20], $0x80  }
0x53: {  	[sflag:s20] =	ssyncset.done $0x0  }
0x54: {  	[sflag:s20] =	ssyncadd.s32 $0xFFFFFF80  }
0x55: {  	[tilespmem:s19], [sflag:$0x1] =	stream.indirect.gather [hbm4b:s4+s21], $0x80, s3, s21, $0xb8;
	[tilespmem:$0x1C200] =	vst v63  }
0x56: {  	_ =	swait.ge [sflag:s26], $0x4000  }
0x57: {  	[sflag:s26] =	ssyncset.done $0x0  }
0x58: {  	[sflag:s26] =	ssyncadd.s32 $0xFFFFC000  }
0x59: {  	[spmem:s1] =	stream.indirect.scatter.add.f32 [tilespmem:s24], [sflag:$0x3], $0x80, s23, s21, $0xb8;
	[tilespmem:$0x1C200] =	vst v63  }
0x5a: {  	_ =	swait.ge [sflag:s20], $0x4000  }
0x5b: {  	[sflag:s20] =	ssyncset.done $0x0  }
0x5c: {  	[sflag:s20] =	ssyncadd.s32 $0xFFFFC000  }
0x5d: {  	[tilespmem:s22], [sflag:$0x3] =	stream.linear.gather [hbm4b:s18+s3], $0x80, $0x38;
	[tilespmem:$0x1C200] =	vst v63  }
0x5e: {  	_ =	swait.ge [sflag:s20], $0x80  }
0x5f: {  	p0 =	sne.s32 s10, $0x1;
	[sflag:s20] =	ssyncset.done $0x0  }
.Ltmp1:
0x60: {  	[sflag:s20] =	ssyncadd.s32 $0xFFFFFF80;
	(pc) =	sbr.rel @!p0 .LBB2_5-.Ltmp1, $4  }
0x61: {  	[tilespmem:s23], [sflag:$0x3] =	stream.linear.gather [hbm4b:s17+s3], $0x80, $0x38;
	[tilespmem:$0x1C200] =	vst v63  }
0x62: {  	_ =	swait.ge [sflag:s20], $0x80  }
0x63: {  	s29 =	sadd.s32 $0xFFFFFFFF, s10;
	[sflag:s20] =	ssyncset.done $0x0  }
0x64: {  	s30 =	sadd.s32 $0x20, s17;
	s31 =	sadd.s32 $0x20, s18;
	[sflag:s20] =	ssyncadd.s32 $0xFFFFFF80  }
.LBB2_4:
0x65: {  	[tilespmem:s24], [sflag:$0x2] =	stream.indirect.gather [hbm4b:s4+s21], $0x80, s22, s21, $0xb8;
	[tilespmem:$0x1C200] =	vst v63  }
0x66: {  	p0 =	sne.s32 s29, $0x1;
	s29 =	sadd.s32 $0xFFFFFFFF, s29;
	_ =	swait.ge [sflag:s25], $0x4000  }
0x67: {  	[sflag:s25] =	ssyncset.done $0x0  }
0x68: {  	[sflag:s25] =	ssyncadd.s32 $0xFFFFC000  }
0x69: {  	[spmem:s1] =	stream.indirect.scatter.add.f32 [tilespmem:s19], [sflag:$0x3], $0x80, s21, s21, $0xb8;
	[tilespmem:$0x1C200] =	vst v63  }
0x6a: {  	_ =	swait.ge [sflag:s20], $0x4000  }
0x6b: {  	[sflag:s20] =	ssyncset.done $0x0  }
0x6c: {  	s0 =	sadd.s32 $0xFFFFFFF0, s31;
	[sflag:s20] =	ssyncadd.s32 $0xFFFFC000  }
0x6d: {  	[tilespmem:s3], [sflag:$0x3] =	stream.linear.gather [hbm4b:s0+s3], $0x80, $0x38;
	[tilespmem:$0x1C200] =	vst v63  }
0x6e: {  	_ =	swait.ge [sflag:s20], $0x80  }
0x6f: {  	[sflag:s20] =	ssyncset.done $0x0  }
0x70: {  	s0 =	sadd.s32 $0xFFFFFFF0, s30;
	[sflag:s20] =	ssyncadd.s32 $0xFFFFFF80  }
0x71: {  	[tilespmem:s21], [sflag:$0x3] =	stream.linear.gather [hbm4b:s0+s3], $0x80, $0x38;
	[tilespmem:$0x1C200] =	vst v63  }
0x72: {  	_ =	swait.ge [sflag:s20], $0x80  }
0x73: {  	[sflag:s20] =	ssyncset.done $0x0  }
0x74: {  	[sflag:s20] =	ssyncadd.s32 $0xFFFFFF80  }
0x75: {  	[tilespmem:s19], [sflag:$0x1] =	stream.indirect.gather [hbm4b:s4+s21], $0x80, s3, s21, $0xb8;
	[tilespmem:$0x1C200] =	vst v63  }
0x76: {  	_ =	swait.ge [sflag:s26], $0x4000  }
0x77: {  	[sflag:s26] =	ssyncset.done $0x0  }
0x78: {  	[sflag:s26] =	ssyncadd.s32 $0xFFFFC000  }
0x79: {  	[spmem:s1] =	stream.indirect.scatter.add.f32 [tilespmem:s24], [sflag:$0x3], $0x80, s23, s21, $0xb8;
	[tilespmem:$0x1C200] =	vst v63  }
0x7a: {  	_ =	swait.ge [sflag:s20], $0x4000  }
0x7b: {  	[sflag:s20] =	ssyncset.done $0x0  }
0x7c: {  	[sflag:s20] =	ssyncadd.s32 $0xFFFFC000  }
0x7d: {  	[tilespmem:s22], [sflag:$0x3] =	stream.linear.gather [hbm4b:s31+s3], $0x80, $0x38;
	[tilespmem:$0x1C200] =	vst v63  }
0x7e: {  	_ =	swait.ge [sflag:s20], $0x80  }
0x7f: {  	[sflag:s20] =	ssyncset.done $0x0  }
.Ltmp2:
0x80: {  	[sflag:s20] =	ssyncadd.s32 $0xFFFFFF80;
	(pc) =	sbr.rel @p0 .LBB2_4-.Ltmp2, $4  }
0x81: {  	[tilespmem:s23], [sflag:$0x3] =	stream.linear.gather [hbm4b:s30+s3], $0x80, $0x38;
	[tilespmem:$0x1C200] =	vst v63  }
0x82: {  	_ =	swait.ge [sflag:s20], $0x80  }
0x83: {  	[sflag:s20] =	ssyncset.done $0x0  }
0x84: {  	s31 =	sadd.s32 $0x20, s31;
	s30 =	sadd.s32 $0x20, s30;
	[sflag:s20] =	ssyncadd.s32 $0xFFFFFF80  }
.LBB2_5:
0x85: {  	[tilespmem:s24], [sflag:$0x2] =	stream.indirect.gather [hbm4b:s4+s21], $0x80, s22, s21, $0xb8;
	[tilespmem:$0x1C200] =	vst v63  }
0x86: {  	_ =	swait.ge [sflag:s25], $0x4000  }
0x87: {  	[sflag:s25] =	ssyncset.done $0x0  }
0x88: {  	[sflag:s25] =	ssyncadd.s32 $0xFFFFC000  }
0x89: {  	[spmem:s1] =	stream.indirect.scatter.add.f32 [tilespmem:s19], [sflag:$0x3], $0x80, s21, s21, $0xb8;
	[tilespmem:$0x1C200] =	vst v63  }
0x8a: {  	_ =	swait.ge [sflag:s20], $0x4000  }
0x8b: {  	[sflag:s20] =	ssyncset.done $0x0  }
0x8c: {  	[sflag:s20] =	ssyncadd.s32 $0xFFFFC000  }
0x8d: {  	_ =	swait.ge [sflag:s26], $0x4000  }
0x8e: {  	[sflag:s26] =	ssyncset.done $0x0  }
0x8f: {  	[sflag:s26] =	ssyncadd.s32 $0xFFFFC000  }
0x90: {  	[spmem:s1] =	stream.indirect.scatter.add.f32 [tilespmem:s24], [sflag:$0x3], $0x80, s23, s21, $0xb8;
	[tilespmem:$0x1C200] =	vst v63  }
0x91: {  	_ =	swait.ge [sflag:s20], $0x4000  }
0x92: {  	s0 =	sshll.u32 s2, $0x6;
	s28 =	sadd.s32 $0x1, s28;
	[sflag:s20] =	ssyncset.done $0x0  }
0x93: {  	s29 =	sshrl.u32 s5, $0x3;
	p0 =	sne.s32 s28, s12;
	[sflag:s20] =	ssyncadd.s32 $0xFFFFC000  }
.Ltmp3:
0x94: {  	s0 =	sor.u32 $0x1C03, s0;
	[bflag:$0x0] =	sbarrier.arrive $0xFFFF;
	(pc) =	sbr.rel @p0 .LBB2_1-.Ltmp3, $4  }
0x95: {  	[hbm:s11], [sflag:s0] =	dma.local [spmem:s29], $0x2800  }
0x96: {  	_ =	swait.ge [sflag:s20], $0x2800  }
0x97: {  	[sflag:s20] =	ssyncset.done $0x0  }
0x98: {  	[sflag:s20] =	ssyncadd.s32 $0xFFFFD800  }
0x99: {  	_ =	sfence.sel $0x180000  }
0x9a: {  	[bflag:$0x0] =	sbarrier.arrive $0xFFFF  }
0x9b: {  	_ =	strace $0x90000050  }
0x9c: {  	[bflag:$0x2] =	sbarrier.arrive $0xFFFF  }
0x9d: {  	p0 =	sne.s32 s2, $0x0;
	s0 =	rddreg [dreg:$0x2]  }
0x9e: {  	s0 =	sadd.s32 @!p0 $0x100000, s0  }
0x9f: {  	[sflag:s0] =	ssyncadd.tile.s32 @!p0 $0x1;
	_ =	shalt  }
.Lfunc_end2:
_tile_overlayer_lowered:
.L_overlay_start_2:
0xa0: {  	(tag) =	ssettag $0x2  }
0xa1: {  	s0 =	rddreg [dreg:$0x0];
	s2 =	stileid.u32  }
0xa2: {  	s1 =	rddreg [dreg:$0x1];
	p0 =	sne.s32 s2, $0x0  }
0xa3: {  	s3 =	rddreg [dreg:$0x2];
	[bflag:$0x3] =	sbarrier.arrive $0xFFFF;
	s2 =	simm.s32 @!p0 $0x1C03  }
0xa4: {  	[timem:s3], [sflag:s2] =	dma.local @!p0 [hbm:s0], s1  }
0xa5: {  	s0 =	simm.s32 @!p0 $0x3  }
0xa6: {  	_ =	swait.ge @!p0 [sflag:s0], s1  }
0xa7: {  	s1 =	ssub.s32 @!p0 $0x0, s1;
	[sflag:s0] =	ssyncset.done @!p0 $0x0  }
0xa8: {  	[sflag:s0] =	ssyncadd.s32 @!p0 s1  }
0xa9: {  	[bflag:$0x3] =	sbarrier.arrive $0xFFFF  }
0xaa: {  	_ =	shalt  }

// kernel: kernel.26.cloned.1.call-start
scs
__scs_entry_jumppad:
0x0: {  	(pc) =	sbr.rel $0x88, $3  }
0x1: {  	(tag) =	ssettag $0x0;
	lr =	simm.s32 $0x1  }
0x2: {  	[smem:$0x3F92] =	sst lr;
	_ =	strace $0xD0000000  }
0x3: {  	_ = 	snop  }
0x4: {  	_ = 	snop  }
0x5: {  	_ = 	snop  }
0x6: {  	_ = 	snop  }
0x7: {  	_ = 	snop  }
__scs_overlays_trampoline_lowered:
0x8: {  	[smem:$0x3FA1] =	sst s0  }
0x9: {  	[smem:$0x3FA2] =	sst s1  }
0xa: {  	[smem:$0x3FA3] =	sst s2  }
0xb: {  	[smem:$0x3FA4] =	sst s3  }
0xc: {  	[smem:$0x3FA5] =	sst s4  }
0xd: {  	[smem:$0x3FA6] =	sst s5  }
0xe: {  	[smem:$0x3FA7] =	sst s6  }
0xf: {  	[smem:$0x3FA8] =	sst s7  }
0x10: {  	[smem:$0x3FA9] =	sst s8  }
0x11: {  	[smem:$0x3FAA] =	sst s9;
	s0 =	simm.s32 @!p0 $0x0  }
0x12: {  	s1 =	sld [smem:$0x3F90];
	s0 =	simm.s32 @p0 $0x1  }
0x13: {  	[smem:$0x3FAB] =	sst s0;
	s0 =	simm.s32 @!p1 $0x0  }
0x14: {  	s2 =	sld [smem:$0x3F8F];
	s0 =	simm.s32 @p1 $0x1  }
0x15: {  	[smem:$0x3FAC] =	sst s0;
	s0 =	simm.s32 @!p2 $0x0  }
0x16: {  	s3 =	sld [smem:$0x3FDB];
	s0 =	simm.s32 @p2 $0x1  }
0x17: {  	s4 =	simm.s32 $0x1BF5;
	[smem:$0x3FAE] =	sst s0  }
0x18: {  	s0 =	sld [smem:$0x3F91];
	_ =	swait.ge [sflag:s4], $0x0  }
0x19: {  	s7 =	sld [smem:$0x3F92]  }
0x1a: {  	s8 =	sadd.s32 $0xFFFFE003, lr  }
0x1b: {  	s9 =	sadd.s32 $0xFFFFFEF7, lr;
	s5 =	simm.s32 $0xFFFFFFFF;
	p2 =	slt.u32 s8, $0xFFFFF086  }
0x1c: {  	p1 =	slt.u32 s9, $0xF7A;
	s5 =	simm.s32 @!p2 $0x0  }
0x1d: {  	s5 =	simm.s32 @p1 $0x1;
	p0 =	seq.s32 s7, s2  }
0x1e: {  	s7 =	smul.u32 @!p0 $0xF7A, s2;
	p2 =	seq.s32 @!p0 s5, $0x0  }
0x1f: {  	s9 =	smul.u32 $0xF7A, s1;
	s8 =	simm.s32 @!p0 $0x1BF5;
	p2 =	por !p2, p0  }
0x20: {  	[sflag:s8] =	ssyncset.s32 @!p0 $0xFFFFF086;
	s6 =	sadd.s32 @!p0 s3, s7;
	s7 =	simm.s32 @!p0 $0x108  }
0x21: {  	s3 =	sadd.s32 s3, s9;
	s6 =	sadd.s32 @!p0 $0x88, s6;
	s7 =	simm.s32 @p2 $0x1082  }
0x22: {  	[simem:s7], [sflag:s8] =	dma.local @!p0 [hbm:s6], $0xF7A  }
0x23: {  	s9 =	sor.u32 $0xD0000000, s2;
	s6 =	simm.s32 $0x108;
	_ =	swait.ge @!p0 [sflag:s8], $0x0  }
0x24: {  	s3 =	sadd.s32 $0x88, s3;
	s6 =	simm.s32 @!p1 $0x1082;
	[sflag:s4] =	ssyncset.s32 $0xFFFFF086  }
0x25: {  	[simem:s6], [sflag:s4] =	dma.local [hbm:s3], $0xF7A  }
0x26: {  	[smem:$0x3F92] =	sst s1;
	(tag) =	ssettag s2;
	_ =	strace s9  }
0x27: {  	s1 =	sld [smem:$0x3FA2]  }
0x28: {  	s2 =	sld [smem:$0x3FA3]  }
0x29: {  	s4 =	sld [smem:$0x3FA5]  }
0x2a: {  	p0 =	seq.s32 s5, $0x0;
	s5 =	sld [smem:$0x3FA6]  }
0x2b: {  	s6 =	sld [smem:$0x3FA7]  }
0x2c: {  	s7 =	sld [smem:$0x3FA8]  }
0x2d: {  	s3 =	simm.s32 $0x108;
	s8 =	sld [smem:$0x3FA9]  }
0x2e: {  	s3 =	simm.s32 @!p0 $0x1082;
	s9 =	sld [smem:$0x3FAA]  }
0x2f: {  	lr =	sadd.s32 s0, s3;
	s0 =	sld [smem:$0x3FA1]  }
0x30: {  	s3 =	sld [smem:$0x3FA4]  }
0x31: {  	[smem:$0x3FAD] =	sst s10  }
0x32: {  	s10 =	sld [smem:$0x3FAB];
	_ =	sdelay $0x3  }
0x33: {  	p0 =	seq.s32 s10, $0x1;
	s10 =	sld [smem:$0x3FAD];
	_ =	sdelay $0x3  }
0x34: {  	[smem:$0x3FAD] =	sst s10  }
0x35: {  	s10 =	sld [smem:$0x3FAC];
	_ =	sdelay $0x3  }
0x36: {  	p1 =	seq.s32 s10, $0x1;
	s10 =	sld [smem:$0x3FAD];
	_ =	sdelay $0x3  }
0x37: {  	[smem:$0x3FAD] =	sst s10  }
0x38: {  	s10 =	sld [smem:$0x3FAE]  }
0x39: {  	_ = 	snop;
	(pc) =	sbr.ind lr, $3  }
0x3a: {  	_ = 	snop  }
0x3b: {  	_ = 	snop  }
0x3c: {  	p2 =	seq.s32 s10, $0x1;
	s10 =	sld [smem:$0x3FAD]  }
0x3d: {  	_ =	shalt  }
0x3e: {  	_ =	shalt  }
0x3f: {  	_ =	shalt  }
0x40: {  	_ =	shalt  }
0x41: {  	_ =	shalt  }
0x42: {  	_ =	shalt  }
0x43: {  	_ =	shalt  }
0x44: {  	_ =	shalt  }
0x45: {  	_ =	shalt  }
0x46: {  	_ =	shalt  }
0x47: {  	_ =	shalt  }
0x48: {  	_ =	shalt  }
0x49: {  	_ =	shalt  }
0x4a: {  	_ =	shalt  }
0x4b: {  	_ =	shalt  }
0x4c: {  	_ =	shalt  }
0x4d: {  	_ =	shalt  }
0x4e: {  	_ =	shalt  }
0x4f: {  	_ =	shalt  }
0x50: {  	_ =	shalt  }
0x51: {  	_ =	shalt  }
0x52: {  	_ =	shalt  }
0x53: {  	_ =	shalt  }
0x54: {  	_ =	shalt  }
0x55: {  	_ =	shalt  }
0x56: {  	_ =	shalt  }
0x57: {  	_ =	shalt  }
0x58: {  	_ =	shalt  }
0x59: {  	_ =	shalt  }
0x5a: {  	_ =	shalt  }
0x5b: {  	_ =	shalt  }
0x5c: {  	_ =	shalt  }
0x5d: {  	_ =	shalt  }
0x5e: {  	_ =	shalt  }
0x5f: {  	_ =	shalt  }
0x60: {  	_ =	shalt  }
0x61: {  	_ =	shalt  }
0x62: {  	_ =	shalt  }
0x63: {  	_ =	shalt  }
0x64: {  	_ =	shalt  }
0x65: {  	_ =	shalt  }
0x66: {  	_ =	shalt  }
0x67: {  	_ =	shalt  }
0x68: {  	_ =	shalt  }
0x69: {  	_ =	shalt  }
0x6a: {  	_ =	shalt  }
0x6b: {  	_ =	shalt  }
0x6c: {  	_ =	shalt  }
0x6d: {  	_ =	shalt  }
0x6e: {  	_ =	shalt  }
0x6f: {  	_ =	shalt  }
0x70: {  	_ =	shalt  }
0x71: {  	_ =	shalt  }
0x72: {  	_ =	shalt  }
0x73: {  	_ =	shalt  }
0x74: {  	_ =	shalt  }
0x75: {  	_ =	shalt  }
0x76: {  	_ =	shalt  }
0x77: {  	_ =	shalt  }
0x78: {  	_ =	shalt  }
0x79: {  	_ =	shalt  }
0x7a: {  	_ =	shalt  }
0x7b: {  	_ =	shalt  }
0x7c: {  	_ =	shalt  }
0x7d: {  	_ =	shalt  }
0x7e: {  	_ =	shalt  }
0x7f: {  	_ =	shalt  }
0x80: {  	_ =	shalt  }
0x81: {  	_ =	shalt  }
0x82: {  	_ =	shalt  }
0x83: {  	_ =	shalt  }
0x84: {  	_ =	shalt  }
0x85: {  	_ =	shalt  }
0x86: {  	_ =	shalt  }
0x87: {  	_ =	shalt  }
.Lfunc_end0:
.L_simem_size_0:
called_computation.4_lowered:
.L_overlay_start_0:
0x88: {  	s2 =	sld [smem:$0x3FD9]  }
0x89: {  	s3 =	sld [smem:$0x3FFE];
	_ =	sdelay $0x1  }
0x8a: {  	s1 =	srdreg.scid  }
0x8b: {  	s0 =	sand.u32 $0x1, s1  }
0x8c: {  	s16 =	sshll.u32 s0, $0xA;
	s2 =	sadd.s32 s3, s2  }
0x8d: {  	s2 =	sadd.s32 s2, s16  }
0x8e: {  	[smem:$0x3FB9] =	sst s2  }
0x8f: {  	_ = 	snop  }
0x90: {  	(tm) =	ssettm $0x1  }
0x91: {  	s17 =	sld [smem:$0x3FFB];
	_ =	sdelay $0x3  }
0x92: {  	_ =	strace s17  }
0x93: {  	s2 =	sld [smem:$0x3FFC];
	_ =	sdelay $0x3  }
0x94: {  	_ =	strace s2  }
0x95: {  	s2 =	sld [smem:$0x3FFD];
	_ =	sdelay $0x3  }
0x96: {  	_ =	strace s2  }
0x97: {  	_ =	strace $0x8FFFFFFF  }
0x98: {  	s18 =	sld [smem:$0x3FDB];
	_ =	sdelay $0x1  }
0x99: {  	s19 =	simm.s32 $_scs_section_size  }
0x9a: {  	s4 =	simm.s32 $_size__tile_overlayer_lowered;
	s5 =	simm.s32 $_tile_overlayer_lowered  }
0x9b: {  	s22 =	simm.s32 $0x1BFF;
	s21 =	sshll.u32 s5, $0x1;
	s2 =	sadd.s32 s19, s18  }
0x9c: {  	s6 =	simm.s32 $0x0;
	s20 =	sshll.u32 s4, $0x1;
	s4 =	sadd.s32 s21, s2  }
0x9d: {  	[timem:s6], [sflag:s22] =	dma.local [hbm:s4], s20  }
0x9e: {  	_ =	swait.ge [sflag:s22], s20  }
0x9f: {  	s3 =	ssub.s32 $0x0, s20;
	[sflag:s22] =	ssyncset.done $0x0  }
0xa0: {  	[sflag:s22] =	ssyncadd.s32 s3;
	_ =	sdelay $0x1  }
0xa1: {  	s23 =	simm.s32 $0x1B8B  }
0xa2: {  	_ =	swait.ge [sflag:s23], $0x1  }
0xa3: {  	[sflag:s23] =	ssyncset.done $0x0  }
0xa4: {  	s25 =	simm.s32 $0x1B8E;
	s24 =	sld [smem:$0x3FFE];
	[sflag:s23] =	ssyncadd.s32 $0xFFFFFFFF  }
0xa5: {  	s26 =	simm.s32 $execute0_lowered;
	[smem:$0x3FD2] =	sst s25  }
0xa6: {  	s4 =	sshll.u32 s26, $0x1;
	_ =	strace $0x80000052;
	[dreg:$0x1] =	wrdreg $0xFFFFFFFF  }
0xa7: {  	s28 =	simm.s32 $_size_execute0_lowered;
	s2 =	sadd.s32 s2, s4;
	[dreg:$0x0] =	wrdreg $0x0  }
0xa8: {  	s4 =	sshll.u32 s28, $0x1;
	[dreg:$0x2] =	wrdreg s2  }
0xa9: {  	[dreg:$0x3] =	wrdreg s4  }
0xaa: {  	[dreg:$0x4] =	wrdreg $0xC0  }
0xab: {  	_ =	task [dreg:s6], $0x5FFFF  }
0xac: {  	[dreg:$0x1] =	wrdreg $0xFFFFFFFF  }
0xad: {  	[dreg:$0x0] =	wrdreg $0x60  }
0xae: {  	[dreg:$0x2] =	wrdreg s24  }
0xaf: {  	[dreg:$0x3] =	wrdreg $0x82000  }
0xb0: {  	[dreg:$0x4] =	wrdreg $0x9  }
0xb1: {  	_ =	task.clear_ibuf [dreg:s6], $0x5FFFF;
	_ =	strace $0x90000052  }
0xb2: {  	s29 =	simm.s32 $0x9;
	_ =	strace $0x80000054  }
0xb3: {  	_ =	swait.ge [sflag:s29], $0x1  }
0xb4: {  	[sflag:s29] =	ssyncadd.s32 $0xFFFFFFFF  }
0xb5: {  	_ =	strace $0x90000054  }
0xb6: {  	_ =	sfence  }
0xb7: {  	s30 =	sld [smem:$0x0];
	_ =	sdelay $0x2  }
0xb8: {  	s31 =	sshll.u32 s1, $0xD;
	s1 =	sshrl.u32 s1, $0x2  }
0xb9: {  	s3 =	sand.u32 $0x4000, s31;
	s1 =	sadd.s32 s1, s30  }
0xba: {  	s0 =	sor.u32 s3, s0;
	s1 =	sshll.u32 s1, $0x11  }
0xbb: {  	s0 =	sor.u32 s1, s0  }
0xbc: {  	s0 =	sadd.s32 $0x8F2B, s0  }
0xbd: {  	[sflag:s0] =	ssyncadd.remote.s32 $0x1  }
0xbe: {  	_ =	sfence.sel $0xFFFF  }
0xbf: {  	[dreg:$0x0] =	wrdreg $0xFFFFFFFF;
	(pc) =	sbr.abs _section_cstart, $3  }
0xc0: {  	[dreg:$0x1] =	wrdreg $0xFFFFFFFF  }
0xc1: {  	_ =	task.clear_ibuf [dreg:s6], $0x2FFFF;
	_ =	strace $0x9FFFFFFF  }
0xc2: {  	(tm) =	ssettm $0x7FFFFFFF  }
0xc3: {  	_ =	shalt  }
tec
execute0_lowered:
.L_overlay_start_1:
0x0: {  	(tag) =	ssettag $0x1  }
0x1: {  	s5 =	rddreg [dreg:$0x0]  }
0x2: {  	s1 =	rddreg [dreg:$0x1];
	s2 =	srdreg.scid;
	s3 =	simm.s32 $0x0  }
0x3: {  	s19 =	simm.s32 $0x200;
	s20 =	simm.s32 $0x3;
	s21 =	simm.s32 $0x80  }
0x4: {  	s22 =	simm.s32 $0x100;
	s23 =	simm.s32 $0x180;
	s24 =	simm.s32 $0x4200  }
0x5: {  	s25 =	simm.s32 $0x1;
	s6 =	sand.u32 $0x1, s2;
	s2 =	stileid.u32  }
0x6: {  	s28 =	simm.s32 $0x0;
	[smem:$0x7FF] =	sst s3;
	s7 =	smul.u32 $0x140000, s6  }
0x7: {  	s4 =	sadd.s32 $0x19000, s5;
	s9 =	sadd.s32 $0xF000, s5;
	s8 =	smul.u32 $0x14000, s2  }
0x8: {  	s11 =	sadd.s32 $0x5000, s5;
	_ =	strace $0x80000053;
	s10 =	smul.u32 $0x28, s2  }
0x9: {  	s26 =	smul.u32 $0x50000, s2;
	s29 =	ssub.s32 $0x2, s6;
	p0 =	seq.s32 s6, $0x0  }
0xa: {  	s30 =	sshrl.u32 s29, $0x1;
	s7 =	sadd.s32 s8, s7;
	s8 =	smul.u32 $0x78, s2  }
0xb: {  	s6 =	sadd.s32 $0x780, s10;
	s13 =	ssub.s32 s29, s30;
	s10 =	simm.s32 $0x3B  }
0xc: {  	s7 =	sshrl.u32 s7, $0x3;
	s10 =	simm.s32 @!p0 $0x13;
	s6 =	smov.u32 @p0 s8  }
0xd: {  	s12 =	sadd.s32 s7, s5;
	s5 =	sshrl.u32 s26, $0x2;
	s8 =	sshll.u32 s6, $0x4  }
0xe: {  	s26 =	simm.s32 $0x2;
	s5 =	sadd.s32 s5, s1;
	s6 =	sadd.s32 s9, s8  }
0xf: {  	s7 =	sadd.s32 s11, s8;
	s31 =	sor.u32 $0x10, s8;
	s14 =	sadd.s32 $0x8000, s5  }
0x10: {  	s15 =	sadd.s32 $0xC000, s5;
	s16 =	sadd.s32 $0x10000, s5;
	s8 =	sadd.s32 s9, s31  }
0x11: {  	s9 =	sadd.s32 s11, s31;
	s11 =	sadd.s32 $0x40200, s12;
	s12 =	smax.u32 s13, $0x1  }
0x12: {  	v0 =	vimm.f32 $0.0e+00;
	s13 =	sadd.s32 $0x4000, s5;
	s17 =	sadd.s32 $0x30, s7;
	s18 =	sadd.s32 $0x30, s6  }
.LBB2_1:
0x13: {  	s29 =	sand.u32 $0xFE00, s3  }
0x14: {  	s30 =	sand.u32 $0x70, s3;
	s31 =	sshrl.u32 s29, $0x2  }
0x15: {  	s29 =	simm.s32 $0x40;
	s31 =	sor.u32 s30, s31;
	s30 =	simm.s32 $0x0  }
.LBB2_2:
0x16: {  	p0 =	sne.s32 s29, $0xFFC0  }
0x17: {  	[tilespmem:s31+$0x200] =	vst v0;
	s30 =	sadd.s32 $0x10, s30;
	s31 =	smov.u32 s29;
	s29 =	sadd.s32 $0x40, s29  }
.Ltmp0:
0x18: {  	(pc) =	sbr.rel @p0 .LBB2_2-.Ltmp0, $4  }
0x19: {  	_ = 	snop  }
0x1a: {  	s31 =	sand.u32 $0xFE00, s31  }
0x1b: {  	s0 =	sand.u32 $0x70, s30;
	s31 =	sshrl.u32 s31, $0x2  }
0x1c: {  	s31 =	sor.u32 s0, s31  }
0x1d: {  	[tilespmem:s31+$0x200] =	vst v0  }
0x1e: {  	[spmem:s5] =	stream.linear.scatter [tilespmem:s19], [sflag:$0x3], $0x4000, $0x38;
	[tilespmem:$0x1C200] =	vst v63  }
0x1f: {  	_ =	swait.ge [sflag:s20], $0x4000  }
0x20: {  	[sflag:s20] =	ssyncset.done $0x0  }
0x21: {  	[sflag:s20] =	ssyncadd.s32 $0xFFFFC000  }
0x22: {  	[spmem:s13] =	stream.linear.scatter [tilespmem:s19], [sflag:$0x3], $0x4000, $0x38;
	[tilespmem:$0x1C200] =	vst v63  }
0x23: {  	_ =	swait.ge [sflag:s20], $0x4000  }
0x24: {  	[sflag:s20] =	ssyncset.done $0x0  }
0x25: {  	[sflag:s20] =	ssyncadd.s32 $0xFFFFC000  }
0x26: {  	[spmem:s14] =	stream.linear.scatter [tilespmem:s19], [sflag:$0x3], $0x4000, $0x38;
	[tilespmem:$0x1C200] =	vst v63  }
0x27: {  	_ =	swait.ge [sflag:s20], $0x4000  }
0x28: {  	[sflag:s20] =	ssyncset.done $0x0  }
0x29: {  	[sflag:s20] =	ssyncadd.s32 $0xFFFFC000  }
0x2a: {  	[spmem:s15] =	stream.linear.scatter [tilespmem:s19], [sflag:$0x3], $0x4000, $0x38;
	[tilespmem:$0x1C200] =	vst v63  }
0x2b: {  	_ =	swait.ge [sflag:s20], $0x4000  }
0x2c: {  	[sflag:s20] =	ssyncset.done $0x0  }
0x2d: {  	[sflag:s20] =	ssyncadd.s32 $0xFFFFC000  }
0x2e: {  	[spmem:s16] =	stream.linear.scatter [tilespmem:s19], [sflag:$0x3], $0x4000, $0x38;
	[tilespmem:$0x1C200] =	vst v63  }
0x2f: {  	_ =	swait.ge [sflag:s20], $0x4000  }
0x30: {  	[sflag:s20] =	ssyncset.done $0x0  }
0x31: {  	[sflag:s20] =	ssyncadd.s32 $0xFFFFC000  }
0x32: {  	[bflag:$0x0] =	sbarrier.arrive $0xFFFF  }
0x33: {  	[tilespmem:s3], [sflag:$0x3] =	stream.linear.gather [hbm4b:s6+s3], $0x80, $0x38;
	[tilespmem:$0x1C200] =	vst v63  }
0x34: {  	_ =	swait.ge [sflag:s20], $0x80  }
0x35: {  	[sflag:s20] =	ssyncset.done $0x0  }
0x36: {  	[sflag:s20] =	ssyncadd.s32 $0xFFFFFF80  }
0x37: {  	[tilespmem:s21], [sflag:$0x3] =	stream.linear.gather [hbm4b:s7+s3], $0x80, $0x38;
	[tilespmem:$0x1C200] =	vst v63  }
0x38: {  	_ =	swait.ge [sflag:s20], $0x80  }
0x39: {  	[sflag:s20] =	ssyncset.done $0x0  }
0x3a: {  	[sflag:s20] =	ssyncadd.s32 $0xFFFFFF80  }
0x3b: {  	[tilespmem:s19], [sflag:$0x1] =	stream.indirect.gather [hbm4b:s4+s21], $0x80, s3, s21, $0xb8;
	[tilespmem:$0x1C200] =	vst v63  }
0x3c: {  	_ = 	snop  }
0x3d: {  	[tilespmem:s22], [sflag:$0x3] =	stream.linear.gather [hbm4b:s8+s3], $0x80, $0x38;
	[tilespmem:$0x1C200] =	vst v63  }
0x3e: {  	_ =	swait.ge [sflag:s20], $0x80  }
0x3f: {  	[sflag:s20] =	ssyncset.done $0x0  }
0x40: {  	[sflag:s20] =	ssyncadd.s32 $0xFFFFFF80  }
0x41: {  	[tilespmem:s23], [sflag:$0x3] =	stream.linear.gather [hbm4b:s9+s3], $0x80, $0x38;
	[tilespmem:$0x1C200] =	vst v63  }
0x42: {  	_ =	swait.ge [sflag:s20], $0x80  }
0x43: {  	[sflag:s20] =	ssyncset.done $0x0  }
0x44: {  	[sflag:s20] =	ssyncadd.s32 $0xFFFFFF80  }
0x45: {  	[tilespmem:s24], [sflag:$0x2] =	stream.indirect.gather [hbm4b:s4+s21], $0x80, s22, s21, $0xb8;
	[tilespmem:$0x1C200] =	vst v63  }
0x46: {  	_ =	swait.ge [sflag:s25], $0x4000  }
0x47: {  	[sflag:s25] =	ssyncset.done $0x0  }
0x48: {  	[sflag:s25] =	ssyncadd.s32 $0xFFFFC000  }
0x49: {  	[spmem:s1] =	stream.indirect.scatter.add.f32 [tilespmem:s19], [sflag:$0x3], $0x80, s21, s21, $0xb8;
	[tilespmem:$0x1C200] =	vst v63  }
0x4a: {  	_ =	swait.ge [sflag:s20], $0x4000  }
0x4b: {  	[sflag:s20] =	ssyncset.done $0x0  }
0x4c: {  	s0 =	sadd.s32 $0xFFFFFFF0, s18;
	[sflag:s20] =	ssyncadd.s32 $0xFFFFC000  }
0x4d: {  	[tilespmem:s3], [sflag:$0x3] =	stream.linear.gather [hbm4b:s0+s3], $0x80, $0x38;
	[tilespmem:$0x1C200] =	vst v63  }
0x4e: {  	_ =	swait.ge [sflag:s20], $0x80  }
0x4f: {  	[sflag:s20] =	ssyncset.done $0x0  }
0x50: {  	s0 =	sadd.s32 $0xFFFFFFF0, s17;
	[sflag:s20] =	ssyncadd.s32 $0xFFFFFF80  }
0x51: {  	[tilespmem:s21], [sflag:$0x3] =	stream.linear.gather [hbm4b:s0+s3], $0x80, $0x38;
	[tilespmem:$0x1C200] =	vst v63  }
0x52: {  	_ =	swait.ge [sflag:s20], $0x80  }
0x53: {  	[sflag:s20] =	ssyncset.done $0x0  }
0x54: {  	[sflag:s20] =	ssyncadd.s32 $0xFFFFFF80  }
0x55: {  	[tilespmem:s19], [sflag:$0x1] =	stream.indirect.gather [hbm4b:s4+s21], $0x80, s3, s21, $0xb8;
	[tilespmem:$0x1C200] =	vst v63  }
0x56: {  	_ =	swait.ge [sflag:s26], $0x4000  }
0x57: {  	[sflag:s26] =	ssyncset.done $0x0  }
0x58: {  	[sflag:s26] =	ssyncadd.s32 $0xFFFFC000  }
0x59: {  	[spmem:s1] =	stream.indirect.scatter.add.f32 [tilespmem:s24], [sflag:$0x3], $0x80, s23, s21, $0xb8;
	[tilespmem:$0x1C200] =	vst v63  }
0x5a: {  	_ =	swait.ge [sflag:s20], $0x4000  }
0x5b: {  	[sflag:s20] =	ssyncset.done $0x0  }
0x5c: {  	[sflag:s20] =	ssyncadd.s32 $0xFFFFC000  }
0x5d: {  	[tilespmem:s22], [sflag:$0x3] =	stream.linear.gather [hbm4b:s18+s3], $0x80, $0x38;
	[tilespmem:$0x1C200] =	vst v63  }
0x5e: {  	_ =	swait.ge [sflag:s20], $0x80  }
0x5f: {  	p0 =	sne.s32 s10, $0x1;
	[sflag:s20] =	ssyncset.done $0x0  }
.Ltmp1:
0x60: {  	[sflag:s20] =	ssyncadd.s32 $0xFFFFFF80;
	(pc) =	sbr.rel @!p0 .LBB2_5-.Ltmp1, $4  }
0x61: {  	[tilespmem:s23], [sflag:$0x3] =	stream.linear.gather [hbm4b:s17+s3], $0x80, $0x38;
	[tilespmem:$0x1C200] =	vst v63  }
0x62: {  	_ =	swait.ge [sflag:s20], $0x80  }
0x63: {  	s29 =	sadd.s32 $0xFFFFFFFF, s10;
	[sflag:s20] =	ssyncset.done $0x0  }
0x64: {  	s30 =	sadd.s32 $0x20, s17;
	s31 =	sadd.s32 $0x20, s18;
	[sflag:s20] =	ssyncadd.s32 $0xFFFFFF80  }
.LBB2_4:
0x65: {  	[tilespmem:s24], [sflag:$0x2] =	stream.indirect.gather [hbm4b:s4+s21], $0x80, s22, s21, $0xb8;
	[tilespmem:$0x1C200] =	vst v63  }
0x66: {  	p0 =	sne.s32 s29, $0x1;
	s29 =	sadd.s32 $0xFFFFFFFF, s29;
	_ =	swait.ge [sflag:s25], $0x4000  }
0x67: {  	[sflag:s25] =	ssyncset.done $0x0  }
0x68: {  	[sflag:s25] =	ssyncadd.s32 $0xFFFFC000  }
0x69: {  	[spmem:s1] =	stream.indirect.scatter.add.f32 [tilespmem:s19], [sflag:$0x3], $0x80, s21, s21, $0xb8;
	[tilespmem:$0x1C200] =	vst v63  }
0x6a: {  	_ =	swait.ge [sflag:s20], $0x4000  }
0x6b: {  	[sflag:s20] =	ssyncset.done $0x0  }
0x6c: {  	s0 =	sadd.s32 $0xFFFFFFF0, s31;
	[sflag:s20] =	ssyncadd.s32 $0xFFFFC000  }
0x6d: {  	[tilespmem:s3], [sflag:$0x3] =	stream.linear.gather [hbm4b:s0+s3], $0x80, $0x38;
	[tilespmem:$0x1C200] =	vst v63  }
0x6e: {  	_ =	swait.ge [sflag:s20], $0x80  }
0x6f: {  	[sflag:s20] =	ssyncset.done $0x0  }
0x70: {  	s0 =	sadd.s32 $0xFFFFFFF0, s30;
	[sflag:s20] =	ssyncadd.s32 $0xFFFFFF80  }
0x71: {  	[tilespmem:s21], [sflag:$0x3] =	stream.linear.gather [hbm4b:s0+s3], $0x80, $0x38;
	[tilespmem:$0x1C200] =	vst v63  }
0x72: {  	_ =	swait.ge [sflag:s20], $0x80  }
0x73: {  	[sflag:s20] =	ssyncset.done $0x0  }
0x74: {  	[sflag:s20] =	ssyncadd.s32 $0xFFFFFF80  }
0x75: {  	[tilespmem:s19], [sflag:$0x1] =	stream.indirect.gather [hbm4b:s4+s21], $0x80, s3, s21, $0xb8;
	[tilespmem:$0x1C200] =	vst v63  }
0x76: {  	_ =	swait.ge [sflag:s26], $0x4000  }
0x77: {  	[sflag:s26] =	ssyncset.done $0x0  }
0x78: {  	[sflag:s26] =	ssyncadd.s32 $0xFFFFC000  }
0x79: {  	[spmem:s1] =	stream.indirect.scatter.add.f32 [tilespmem:s24], [sflag:$0x3], $0x80, s23, s21, $0xb8;
	[tilespmem:$0x1C200] =	vst v63  }
0x7a: {  	_ =	swait.ge [sflag:s20], $0x4000  }
0x7b: {  	[sflag:s20] =	ssyncset.done $0x0  }
0x7c: {  	[sflag:s20] =	ssyncadd.s32 $0xFFFFC000  }
0x7d: {  	[tilespmem:s22], [sflag:$0x3] =	stream.linear.gather [hbm4b:s31+s3], $0x80, $0x38;
	[tilespmem:$0x1C200] =	vst v63  }
0x7e: {  	_ =	swait.ge [sflag:s20], $0x80  }
0x7f: {  	[sflag:s20] =	ssyncset.done $0x0  }
.Ltmp2:
0x80: {  	[sflag:s20] =	ssyncadd.s32 $0xFFFFFF80;
	(pc) =	sbr.rel @p0 .LBB2_4-.Ltmp2, $4  }
0x81: {  	[tilespmem:s23], [sflag:$0x3] =	stream.linear.gather [hbm4b:s30+s3], $0x80, $0x38;
	[tilespmem:$0x1C200] =	vst v63  }
0x82: {  	_ =	swait.ge [sflag:s20], $0x80  }
0x83: {  	[sflag:s20] =	ssyncset.done $0x0  }
0x84: {  	s31 =	sadd.s32 $0x20, s31;
	s30 =	sadd.s32 $0x20, s30;
	[sflag:s20] =	ssyncadd.s32 $0xFFFFFF80  }
.LBB2_5:
0x85: {  	[tilespmem:s24], [sflag:$0x2] =	stream.indirect.gather [hbm4b:s4+s21], $0x80, s22, s21, $0xb8;
	[tilespmem:$0x1C200] =	vst v63  }
0x86: {  	_ =	swait.ge [sflag:s25], $0x4000  }
0x87: {  	[sflag:s25] =	ssyncset.done $0x0  }
0x88: {  	[sflag:s25] =	ssyncadd.s32 $0xFFFFC000  }
0x89: {  	[spmem:s1] =	stream.indirect.scatter.add.f32 [tilespmem:s19], [sflag:$0x3], $0x80, s21, s21, $0xb8;
	[tilespmem:$0x1C200] =	vst v63  }
0x8a: {  	_ =	swait.ge [sflag:s20], $0x4000  }
0x8b: {  	[sflag:s20] =	ssyncset.done $0x0  }
0x8c: {  	[sflag:s20] =	ssyncadd.s32 $0xFFFFC000  }
0x8d: {  	_ =	swait.ge [sflag:s26], $0x4000  }
0x8e: {  	[sflag:s26] =	ssyncset.done $0x0  }
0x8f: {  	[sflag:s26] =	ssyncadd.s32 $0xFFFFC000  }
0x90: {  	[spmem:s1] =	stream.indirect.scatter.add.f32 [tilespmem:s24], [sflag:$0x3], $0x80, s23, s21, $0xb8;
	[tilespmem:$0x1C200] =	vst v63  }
0x91: {  	_ =	swait.ge [sflag:s20], $0x4000  }
0x92: {  	s0 =	sshll.u32 s2, $0x6;
	s28 =	sadd.s32 $0x1, s28;
	[sflag:s20] =	ssyncset.done $0x0  }
0x93: {  	s29 =	sshrl.u32 s5, $0x3;
	p0 =	sne.s32 s28, s12;
	[sflag:s20] =	ssyncadd.s32 $0xFFFFC000  }
.Ltmp3:
0x94: {  	s0 =	sor.u32 $0x1C03, s0;
	[bflag:$0x0] =	sbarrier.arrive $0xFFFF;
	(pc) =	sbr.rel @p0 .LBB2_1-.Ltmp3, $4  }
0x95: {  	[hbm:s11], [sflag:s0] =	dma.local [spmem:s29], $0x2800  }
0x96: {  	_ =	swait.ge [sflag:s20], $0x2800  }
0x97: {  	[sflag:s20] =	ssyncset.done $0x0  }
0x98: {  	[sflag:s20] =	ssyncadd.s32 $0xFFFFD800  }
0x99: {  	_ =	sfence.sel $0x180000  }
0x9a: {  	[bflag:$0x0] =	sbarrier.arrive $0xFFFF  }
0x9b: {  	_ =	strace $0x90000053  }
0x9c: {  	[bflag:$0x2] =	sbarrier.arrive $0xFFFF  }
0x9d: {  	p0 =	sne.s32 s2, $0x0;
	s0 =	rddreg [dreg:$0x2]  }
0x9e: {  	s0 =	sadd.s32 @!p0 $0x100000, s0  }
0x9f: {  	[sflag:s0] =	ssyncadd.tile.s32 @!p0 $0x1;
	_ =	shalt  }
.Lfunc_end2:
_tile_overlayer_lowered:
.L_overlay_start_2:
0xa0: {  	(tag) =	ssettag $0x2  }
0xa1: {  	s0 =	rddreg [dreg:$0x0];
	s2 =	stileid.u32  }
0xa2: {  	s1 =	rddreg [dreg:$0x1];
	p0 =	sne.s32 s2, $0x0  }
0xa3: {  	s3 =	rddreg [dreg:$0x2];
	[bflag:$0x3] =	sbarrier.arrive $0xFFFF;
	s2 =	simm.s32 @!p0 $0x1C03  }
0xa4: {  	[timem:s3], [sflag:s2] =	dma.local @!p0 [hbm:s0], s1  }
0xa5: {  	s0 =	simm.s32 @!p0 $0x3  }
0xa6: {  	_ =	swait.ge @!p0 [sflag:s0], s1  }
0xa7: {  	s1 =	ssub.s32 @!p0 $0x0, s1;
	[sflag:s0] =	ssyncset.done @!p0 $0x0  }
0xa8: {  	[sflag:s0] =	ssyncadd.s32 @!p0 s1  }
0xa9: {  	[bflag:$0x3] =	sbarrier.arrive $0xFFFF  }
0xaa: {  	_ =	shalt  }

// kernel: kernel.29.cloned.1.call-start
scs
__scs_entry_jumppad:
0x0: {  	(pc) =	sbr.rel $0x88, $3  }
0x1: {  	(tag) =	ssettag $0x0;
	lr =	simm.s32 $0x1  }
0x2: {  	[smem:$0x3F92] =	sst lr;
	_ =	strace $0xD0000000  }
0x3: {  	_ = 	snop  }
0x4: {  	_ = 	snop  }
0x5: {  	_ = 	snop  }
0x6: {  	_ = 	snop  }
0x7: {  	_ = 	snop  }
__scs_overlays_trampoline_lowered:
0x8: {  	[smem:$0x3FA1] =	sst s0  }
0x9: {  	[smem:$0x3FA2] =	sst s1  }
0xa: {  	[smem:$0x3FA3] =	sst s2  }
0xb: {  	[smem:$0x3FA4] =	sst s3  }
0xc: {  	[smem:$0x3FA5] =	sst s4  }
0xd: {  	[smem:$0x3FA6] =	sst s5  }
0xe: {  	[smem:$0x3FA7] =	sst s6  }
0xf: {  	[smem:$0x3FA8] =	sst s7  }
0x10: {  	[smem:$0x3FA9] =	sst s8  }
0x11: {  	[smem:$0x3FAA] =	sst s9;
	s0 =	simm.s32 @!p0 $0x0  }
0x12: {  	s1 =	sld [smem:$0x3F90];
	s0 =	simm.s32 @p0 $0x1  }
0x13: {  	[smem:$0x3FAB] =	sst s0;
	s0 =	simm.s32 @!p1 $0x0  }
0x14: {  	s2 =	sld [smem:$0x3F8F];
	s0 =	simm.s32 @p1 $0x1  }
0x15: {  	[smem:$0x3FAC] =	sst s0;
	s0 =	simm.s32 @!p2 $0x0  }
0x16: {  	s3 =	sld [smem:$0x3FDB];
	s0 =	simm.s32 @p2 $0x1  }
0x17: {  	s4 =	simm.s32 $0x1BF5;
	[smem:$0x3FAE] =	sst s0  }
0x18: {  	s0 =	sld [smem:$0x3F91];
	_ =	swait.ge [sflag:s4], $0x0  }
0x19: {  	s7 =	sld [smem:$0x3F92]  }
0x1a: {  	s8 =	sadd.s32 $0xFFFFE003, lr  }
0x1b: {  	s9 =	sadd.s32 $0xFFFFFEF7, lr;
	s5 =	simm.s32 $0xFFFFFFFF;
	p2 =	slt.u32 s8, $0xFFFFF086  }
0x1c: {  	p1 =	slt.u32 s9, $0xF7A;
	s5 =	simm.s32 @!p2 $0x0  }
0x1d: {  	s5 =	simm.s32 @p1 $0x1;
	p0 =	seq.s32 s7, s2  }
0x1e: {  	s7 =	smul.u32 @!p0 $0xF7A, s2;
	p2 =	seq.s32 @!p0 s5, $0x0  }
0x1f: {  	s9 =	smul.u32 $0xF7A, s1;
	s8 =	simm.s32 @!p0 $0x1BF5;
	p2 =	por !p2, p0  }
0x20: {  	[sflag:s8] =	ssyncset.s32 @!p0 $0xFFFFF086;
	s6 =	sadd.s32 @!p0 s3, s7;
	s7 =	simm.s32 @!p0 $0x108  }
0x21: {  	s3 =	sadd.s32 s3, s9;
	s6 =	sadd.s32 @!p0 $0x88, s6;
	s7 =	simm.s32 @p2 $0x1082  }
0x22: {  	[simem:s7], [sflag:s8] =	dma.local @!p0 [hbm:s6], $0xF7A  }
0x23: {  	s9 =	sor.u32 $0xD0000000, s2;
	s6 =	simm.s32 $0x108;
	_ =	swait.ge @!p0 [sflag:s8], $0x0  }
0x24: {  	s3 =	sadd.s32 $0x88, s3;
	s6 =	simm.s32 @!p1 $0x1082;
	[sflag:s4] =	ssyncset.s32 $0xFFFFF086  }
0x25: {  	[simem:s6], [sflag:s4] =	dma.local [hbm:s3], $0xF7A  }
0x26: {  	[smem:$0x3F92] =	sst s1;
	(tag) =	ssettag s2;
	_ =	strace s9  }
0x27: {  	s1 =	sld [smem:$0x3FA2]  }
0x28: {  	s2 =	sld [smem:$0x3FA3]  }
0x29: {  	s4 =	sld [smem:$0x3FA5]  }
0x2a: {  	p0 =	seq.s32 s5, $0x0;
	s5 =	sld [smem:$0x3FA6]  }
0x2b: {  	s6 =	sld [smem:$0x3FA7]  }
0x2c: {  	s7 =	sld [smem:$0x3FA8]  }
0x2d: {  	s3 =	simm.s32 $0x108;
	s8 =	sld [smem:$0x3FA9]  }
0x2e: {  	s3 =	simm.s32 @!p0 $0x1082;
	s9 =	sld [smem:$0x3FAA]  }
0x2f: {  	lr =	sadd.s32 s0, s3;
	s0 =	sld [smem:$0x3FA1]  }
0x30: {  	s3 =	sld [smem:$0x3FA4]  }
0x31: {  	[smem:$0x3FAD] =	sst s10  }
0x32: {  	s10 =	sld [smem:$0x3FAB];
	_ =	sdelay $0x3  }
0x33: {  	p0 =	seq.s32 s10, $0x1;
	s10 =	sld [smem:$0x3FAD];
	_ =	sdelay $0x3  }
0x34: {  	[smem:$0x3FAD] =	sst s10  }
0x35: {  	s10 =	sld [smem:$0x3FAC];
	_ =	sdelay $0x3  }
0x36: {  	p1 =	seq.s32 s10, $0x1;
	s10 =	sld [smem:$0x3FAD];
	_ =	sdelay $0x3  }
0x37: {  	[smem:$0x3FAD] =	sst s10  }
0x38: {  	s10 =	sld [smem:$0x3FAE]  }
0x39: {  	_ = 	snop;
	(pc) =	sbr.ind lr, $3  }
0x3a: {  	_ = 	snop  }
0x3b: {  	_ = 	snop  }
0x3c: {  	p2 =	seq.s32 s10, $0x1;
	s10 =	sld [smem:$0x3FAD]  }
0x3d: {  	_ =	shalt  }
0x3e: {  	_ =	shalt  }
0x3f: {  	_ =	shalt  }
0x40: {  	_ =	shalt  }
0x41: {  	_ =	shalt  }
0x42: {  	_ =	shalt  }
0x43: {  	_ =	shalt  }
0x44: {  	_ =	shalt  }
0x45: {  	_ =	shalt  }
0x46: {  	_ =	shalt  }
0x47: {  	_ =	shalt  }
0x48: {  	_ =	shalt  }
0x49: {  	_ =	shalt  }
0x4a: {  	_ =	shalt  }
0x4b: {  	_ =	shalt  }
0x4c: {  	_ =	shalt  }
0x4d: {  	_ =	shalt  }
0x4e: {  	_ =	shalt  }
0x4f: {  	_ =	shalt  }
0x50: {  	_ =	shalt  }
0x51: {  	_ =	shalt  }
0x52: {  	_ =	shalt  }
0x53: {  	_ =	shalt  }
0x54: {  	_ =	shalt  }
0x55: {  	_ =	shalt  }
0x56: {  	_ =	shalt  }
0x57: {  	_ =	shalt  }
0x58: {  	_ =	shalt  }
0x59: {  	_ =	shalt  }
0x5a: {  	_ =	shalt  }
0x5b: {  	_ =	shalt  }
0x5c: {  	_ =	shalt  }
0x5d: {  	_ =	shalt  }
0x5e: {  	_ =	shalt  }
0x5f: {  	_ =	shalt  }
0x60: {  	_ =	shalt  }
0x61: {  	_ =	shalt  }
0x62: {  	_ =	shalt  }
0x63: {  	_ =	shalt  }
0x64: {  	_ =	shalt  }
0x65: {  	_ =	shalt  }
0x66: {  	_ =	shalt  }
0x67: {  	_ =	shalt  }
0x68: {  	_ =	shalt  }
0x69: {  	_ =	shalt  }
0x6a: {  	_ =	shalt  }
0x6b: {  	_ =	shalt  }
0x6c: {  	_ =	shalt  }
0x6d: {  	_ =	shalt  }
0x6e: {  	_ =	shalt  }
0x6f: {  	_ =	shalt  }
0x70: {  	_ =	shalt  }
0x71: {  	_ =	shalt  }
0x72: {  	_ =	shalt  }
0x73: {  	_ =	shalt  }
0x74: {  	_ =	shalt  }
0x75: {  	_ =	shalt  }
0x76: {  	_ =	shalt  }
0x77: {  	_ =	shalt  }
0x78: {  	_ =	shalt  }
0x79: {  	_ =	shalt  }
0x7a: {  	_ =	shalt  }
0x7b: {  	_ =	shalt  }
0x7c: {  	_ =	shalt  }
0x7d: {  	_ =	shalt  }
0x7e: {  	_ =	shalt  }
0x7f: {  	_ =	shalt  }
0x80: {  	_ =	shalt  }
0x81: {  	_ =	shalt  }
0x82: {  	_ =	shalt  }
0x83: {  	_ =	shalt  }
0x84: {  	_ =	shalt  }
0x85: {  	_ =	shalt  }
0x86: {  	_ =	shalt  }
0x87: {  	_ =	shalt  }
.Lfunc_end0:
.L_simem_size_0:
called_computation.5_lowered:
.L_overlay_start_0:
0x88: {  	s2 =	sld [smem:$0x3FD9]  }
0x89: {  	s3 =	sld [smem:$0x3FFE];
	_ =	sdelay $0x1  }
0x8a: {  	s1 =	srdreg.scid  }
0x8b: {  	s0 =	sand.u32 $0x1, s1  }
0x8c: {  	s16 =	sshll.u32 s0, $0xA;
	s2 =	sadd.s32 s3, s2  }
0x8d: {  	s2 =	sadd.s32 s2, s16  }
0x8e: {  	[smem:$0x3FB9] =	sst s2  }
0x8f: {  	_ = 	snop  }
0x90: {  	(tm) =	ssettm $0x1  }
0x91: {  	s17 =	sld [smem:$0x3FFB];
	_ =	sdelay $0x3  }
0x92: {  	_ =	strace s17  }
0x93: {  	s2 =	sld [smem:$0x3FFC];
	_ =	sdelay $0x3  }
0x94: {  	_ =	strace s2  }
0x95: {  	s2 =	sld [smem:$0x3FFD];
	_ =	sdelay $0x3  }
0x96: {  	_ =	strace s2  }
0x97: {  	_ =	strace $0x8FFFFFFF  }
0x98: {  	s18 =	sld [smem:$0x3FDB];
	_ =	sdelay $0x1  }
0x99: {  	s19 =	simm.s32 $_scs_section_size  }
0x9a: {  	s4 =	simm.s32 $_size__tile_overlayer_lowered;
	s5 =	simm.s32 $_tile_overlayer_lowered  }
0x9b: {  	s22 =	simm.s32 $0x1BFF;
	s21 =	sshll.u32 s5, $0x1;
	s2 =	sadd.s32 s19, s18  }
0x9c: {  	s6 =	simm.s32 $0x0;
	s20 =	sshll.u32 s4, $0x1;
	s4 =	sadd.s32 s21, s2  }
0x9d: {  	[timem:s6], [sflag:s22] =	dma.local [hbm:s4], s20  }
0x9e: {  	_ =	swait.ge [sflag:s22], s20  }
0x9f: {  	s3 =	ssub.s32 $0x0, s20;
	[sflag:s22] =	ssyncset.done $0x0  }
0xa0: {  	[sflag:s22] =	ssyncadd.s32 s3;
	_ =	sdelay $0x1  }
0xa1: {  	s23 =	simm.s32 $0x1B8B  }
0xa2: {  	_ =	swait.ge [sflag:s23], $0x1  }
0xa3: {  	[sflag:s23] =	ssyncset.done $0x0  }
0xa4: {  	s25 =	simm.s32 $0x1B8E;
	s24 =	sld [smem:$0x3FFE];
	[sflag:s23] =	ssyncadd.s32 $0xFFFFFFFF  }
0xa5: {  	s26 =	simm.s32 $execute0_lowered;
	[smem:$0x3FD2] =	sst s25  }
0xa6: {  	s4 =	sshll.u32 s26, $0x1;
	_ =	strace $0x80000055;
	[dreg:$0x1] =	wrdreg $0xFFFFFFFF  }
0xa7: {  	s28 =	simm.s32 $_size_execute0_lowered;
	s2 =	sadd.s32 s2, s4;
	[dreg:$0x0] =	wrdreg $0x0  }
0xa8: {  	s4 =	sshll.u32 s28, $0x1;
	[dreg:$0x2] =	wrdreg s2  }
0xa9: {  	[dreg:$0x3] =	wrdreg s4  }
0xaa: {  	[dreg:$0x4] =	wrdreg $0xC0  }
0xab: {  	_ =	task [dreg:s6], $0x5FFFF  }
0xac: {  	[dreg:$0x1] =	wrdreg $0xFFFFFFFF  }
0xad: {  	[dreg:$0x0] =	wrdreg $0x60  }
0xae: {  	[dreg:$0x2] =	wrdreg s24  }
0xaf: {  	[dreg:$0x3] =	wrdreg $0x82000  }
0xb0: {  	[dreg:$0x4] =	wrdreg $0x9  }
0xb1: {  	_ =	task.clear_ibuf [dreg:s6], $0x5FFFF;
	_ =	strace $0x90000055  }
0xb2: {  	s29 =	simm.s32 $0x9;
	_ =	strace $0x80000057  }
0xb3: {  	_ =	swait.ge [sflag:s29], $0x1  }
0xb4: {  	[sflag:s29] =	ssyncadd.s32 $0xFFFFFFFF  }
0xb5: {  	_ =	strace $0x90000057  }
0xb6: {  	_ =	sfence  }
0xb7: {  	s30 =	sld [smem:$0x0];
	_ =	sdelay $0x2  }
0xb8: {  	s31 =	sshll.u32 s1, $0xD;
	s1 =	sshrl.u32 s1, $0x2  }
0xb9: {  	s3 =	sand.u32 $0x4000, s31;
	s1 =	sadd.s32 s1, s30  }
0xba: {  	s0 =	sor.u32 s3, s0;
	s1 =	sshll.u32 s1, $0x11  }
0xbb: {  	s0 =	sor.u32 s1, s0  }
0xbc: {  	s0 =	sadd.s32 $0x8F2B, s0  }
0xbd: {  	[sflag:s0] =	ssyncadd.remote.s32 $0x1  }
0xbe: {  	_ =	sfence.sel $0xFFFF  }
0xbf: {  	[dreg:$0x0] =	wrdreg $0xFFFFFFFF;
	(pc) =	sbr.abs _section_cstart, $3  }
0xc0: {  	[dreg:$0x1] =	wrdreg $0xFFFFFFFF  }
0xc1: {  	_ =	task.clear_ibuf [dreg:s6], $0x2FFFF;
	_ =	strace $0x9FFFFFFF  }
0xc2: {  	(tm) =	ssettm $0x7FFFFFFF  }
0xc3: {  	_ =	shalt  }
tec
execute0_lowered:
.L_overlay_start_1:
0x0: {  	(tag) =	ssettag $0x1  }
0x1: {  	s5 =	rddreg [dreg:$0x0]  }
0x2: {  	s1 =	rddreg [dreg:$0x1];
	s2 =	srdreg.scid;
	s3 =	simm.s32 $0x0  }
0x3: {  	s19 =	simm.s32 $0x200;
	s20 =	simm.s32 $0x3;
	s21 =	simm.s32 $0x80  }
0x4: {  	s22 =	simm.s32 $0x100;
	s23 =	simm.s32 $0x180;
	s24 =	simm.s32 $0x4200  }
0x5: {  	s25 =	simm.s32 $0x1;
	s6 =	sand.u32 $0x1, s2;
	s2 =	stileid.u32  }
0x6: {  	s28 =	simm.s32 $0x0;
	[smem:$0x7FF] =	sst s3;
	s7 =	smul.u32 $0x140000, s6  }
0x7: {  	s4 =	sadd.s32 $0x19000, s5;
	s9 =	sadd.s32 $0xF000, s5;
	s8 =	smul.u32 $0x14000, s2  }
0x8: {  	s11 =	sadd.s32 $0x5000, s5;
	_ =	strace $0x80000056;
	s10 =	smul.u32 $0x28, s2  }
0x9: {  	s26 =	smul.u32 $0x50000, s2;
	s29 =	ssub.s32 $0x2, s6;
	p0 =	seq.s32 s6, $0x0  }
0xa: {  	s30 =	sshrl.u32 s29, $0x1;
	s7 =	sadd.s32 s8, s7;
	s8 =	smul.u32 $0x78, s2  }
0xb: {  	s6 =	sadd.s32 $0x780, s10;
	s13 =	ssub.s32 s29, s30;
	s10 =	simm.s32 $0x3B  }
0xc: {  	s7 =	sshrl.u32 s7, $0x3;
	s10 =	simm.s32 @!p0 $0x13;
	s6 =	smov.u32 @p0 s8  }
0xd: {  	s12 =	sadd.s32 s7, s5;
	s5 =	sshrl.u32 s26, $0x2;
	s8 =	sshll.u32 s6, $0x4  }
0xe: {  	s26 =	simm.s32 $0x2;
	s5 =	sadd.s32 s5, s1;
	s6 =	sadd.s32 s9, s8  }
0xf: {  	s7 =	sadd.s32 s11, s8;
	s31 =	sor.u32 $0x10, s8;
	s14 =	sadd.s32 $0x8000, s5  }
0x10: {  	s15 =	sadd.s32 $0xC000, s5;
	s16 =	sadd.s32 $0x10000, s5;
	s8 =	sadd.s32 s9, s31  }
0x11: {  	s9 =	sadd.s32 s11, s31;
	s11 =	sadd.s32 $0x40200, s12;
	s12 =	smax.u32 s13, $0x1  }
0x12: {  	v0 =	vimm.f32 $0.0e+00;
	s13 =	sadd.s32 $0x4000, s5;
	s17 =	sadd.s32 $0x30, s7;
	s18 =	sadd.s32 $0x30, s6  }
.LBB2_1:
0x13: {  	s29 =	sand.u32 $0xFE00, s3  }
0x14: {  	s30 =	sand.u32 $0x70, s3;
	s31 =	sshrl.u32 s29, $0x2  }
0x15: {  	s29 =	simm.s32 $0x40;
	s31 =	sor.u32 s30, s31;
	s30 =	simm.s32 $0x0  }
.LBB2_2:
0x16: {  	p0 =	sne.s32 s29, $0xFFC0  }
0x17: {  	[tilespmem:s31+$0x200] =	vst v0;
	s30 =	sadd.s32 $0x10, s30;
	s31 =	smov.u32 s29;
	s29 =	sadd.s32 $0x40, s29  }
.Ltmp0:
0x18: {  	(pc) =	sbr.rel @p0 .LBB2_2-.Ltmp0, $4  }
0x19: {  	_ = 	snop  }
0x1a: {  	s31 =	sand.u32 $0xFE00, s31  }
0x1b: {  	s0 =	sand.u32 $0x70, s30;
	s31 =	sshrl.u32 s31, $0x2  }
0x1c: {  	s31 =	sor.u32 s0, s31  }
0x1d: {  	[tilespmem:s31+$0x200] =	vst v0  }
0x1e: {  	[spmem:s5] =	stream.linear.scatter [tilespmem:s19], [sflag:$0x3], $0x4000, $0x38;
	[tilespmem:$0x1C200] =	vst v63  }
0x1f: {  	_ =	swait.ge [sflag:s20], $0x4000  }
0x20: {  	[sflag:s20] =	ssyncset.done $0x0  }
0x21: {  	[sflag:s20] =	ssyncadd.s32 $0xFFFFC000  }
0x22: {  	[spmem:s13] =	stream.linear.scatter [tilespmem:s19], [sflag:$0x3], $0x4000, $0x38;
	[tilespmem:$0x1C200] =	vst v63  }
0x23: {  	_ =	swait.ge [sflag:s20], $0x4000  }
0x24: {  	[sflag:s20] =	ssyncset.done $0x0  }
0x25: {  	[sflag:s20] =	ssyncadd.s32 $0xFFFFC000  }
0x26: {  	[spmem:s14] =	stream.linear.scatter [tilespmem:s19], [sflag:$0x3], $0x4000, $0x38;
	[tilespmem:$0x1C200] =	vst v63  }
0x27: {  	_ =	swait.ge [sflag:s20], $0x4000  }
0x28: {  	[sflag:s20] =	ssyncset.done $0x0  }
0x29: {  	[sflag:s20] =	ssyncadd.s32 $0xFFFFC000  }
0x2a: {  	[spmem:s15] =	stream.linear.scatter [tilespmem:s19], [sflag:$0x3], $0x4000, $0x38;
	[tilespmem:$0x1C200] =	vst v63  }
0x2b: {  	_ =	swait.ge [sflag:s20], $0x4000  }
0x2c: {  	[sflag:s20] =	ssyncset.done $0x0  }
0x2d: {  	[sflag:s20] =	ssyncadd.s32 $0xFFFFC000  }
0x2e: {  	[spmem:s16] =	stream.linear.scatter [tilespmem:s19], [sflag:$0x3], $0x4000, $0x38;
	[tilespmem:$0x1C200] =	vst v63  }
0x2f: {  	_ =	swait.ge [sflag:s20], $0x4000  }
0x30: {  	[sflag:s20] =	ssyncset.done $0x0  }
0x31: {  	[sflag:s20] =	ssyncadd.s32 $0xFFFFC000  }
0x32: {  	[bflag:$0x0] =	sbarrier.arrive $0xFFFF  }
0x33: {  	[tilespmem:s3], [sflag:$0x3] =	stream.linear.gather [hbm4b:s6+s3], $0x80, $0x38;
	[tilespmem:$0x1C200] =	vst v63  }
0x34: {  	_ =	swait.ge [sflag:s20], $0x80  }
0x35: {  	[sflag:s20] =	ssyncset.done $0x0  }
0x36: {  	[sflag:s20] =	ssyncadd.s32 $0xFFFFFF80  }
0x37: {  	[tilespmem:s21], [sflag:$0x3] =	stream.linear.gather [hbm4b:s7+s3], $0x80, $0x38;
	[tilespmem:$0x1C200] =	vst v63  }
0x38: {  	_ =	swait.ge [sflag:s20], $0x80  }
0x39: {  	[sflag:s20] =	ssyncset.done $0x0  }
0x3a: {  	[sflag:s20] =	ssyncadd.s32 $0xFFFFFF80  }
0x3b: {  	[tilespmem:s19], [sflag:$0x1] =	stream.indirect.gather [hbm4b:s4+s21], $0x80, s3, s21, $0xb8;
	[tilespmem:$0x1C200] =	vst v63  }
0x3c: {  	_ = 	snop  }
0x3d: {  	[tilespmem:s22], [sflag:$0x3] =	stream.linear.gather [hbm4b:s8+s3], $0x80, $0x38;
	[tilespmem:$0x1C200] =	vst v63  }
0x3e: {  	_ =	swait.ge [sflag:s20], $0x80  }
0x3f: {  	[sflag:s20] =	ssyncset.done $0x0  }
0x40: {  	[sflag:s20] =	ssyncadd.s32 $0xFFFFFF80  }
0x41: {  	[tilespmem:s23], [sflag:$0x3] =	stream.linear.gather [hbm4b:s9+s3], $0x80, $0x38;
	[tilespmem:$0x1C200] =	vst v63  }
0x42: {  	_ =	swait.ge [sflag:s20], $0x80  }
0x43: {  	[sflag:s20] =	ssyncset.done $0x0  }
0x44: {  	[sflag:s20] =	ssyncadd.s32 $0xFFFFFF80  }
0x45: {  	[tilespmem:s24], [sflag:$0x2] =	stream.indirect.gather [hbm4b:s4+s21], $0x80, s22, s21, $0xb8;
	[tilespmem:$0x1C200] =	vst v63  }
0x46: {  	_ =	swait.ge [sflag:s25], $0x4000  }
0x47: {  	[sflag:s25] =	ssyncset.done $0x0  }
0x48: {  	[sflag:s25] =	ssyncadd.s32 $0xFFFFC000  }
0x49: {  	[spmem:s1] =	stream.indirect.scatter.add.f32 [tilespmem:s19], [sflag:$0x3], $0x80, s21, s21, $0xb8;
	[tilespmem:$0x1C200] =	vst v63  }
0x4a: {  	_ =	swait.ge [sflag:s20], $0x4000  }
0x4b: {  	[sflag:s20] =	ssyncset.done $0x0  }
0x4c: {  	s0 =	sadd.s32 $0xFFFFFFF0, s18;
	[sflag:s20] =	ssyncadd.s32 $0xFFFFC000  }
0x4d: {  	[tilespmem:s3], [sflag:$0x3] =	stream.linear.gather [hbm4b:s0+s3], $0x80, $0x38;
	[tilespmem:$0x1C200] =	vst v63  }
0x4e: {  	_ =	swait.ge [sflag:s20], $0x80  }
0x4f: {  	[sflag:s20] =	ssyncset.done $0x0  }
0x50: {  	s0 =	sadd.s32 $0xFFFFFFF0, s17;
	[sflag:s20] =	ssyncadd.s32 $0xFFFFFF80  }
0x51: {  	[tilespmem:s21], [sflag:$0x3] =	stream.linear.gather [hbm4b:s0+s3], $0x80, $0x38;
	[tilespmem:$0x1C200] =	vst v63  }
0x52: {  	_ =	swait.ge [sflag:s20], $0x80  }
0x53: {  	[sflag:s20] =	ssyncset.done $0x0  }
0x54: {  	[sflag:s20] =	ssyncadd.s32 $0xFFFFFF80  }
0x55: {  	[tilespmem:s19], [sflag:$0x1] =	stream.indirect.gather [hbm4b:s4+s21], $0x80, s3, s21, $0xb8;
	[tilespmem:$0x1C200] =	vst v63  }
0x56: {  	_ =	swait.ge [sflag:s26], $0x4000  }
0x57: {  	[sflag:s26] =	ssyncset.done $0x0  }
0x58: {  	[sflag:s26] =	ssyncadd.s32 $0xFFFFC000  }
0x59: {  	[spmem:s1] =	stream.indirect.scatter.add.f32 [tilespmem:s24], [sflag:$0x3], $0x80, s23, s21, $0xb8;
	[tilespmem:$0x1C200] =	vst v63  }
0x5a: {  	_ =	swait.ge [sflag:s20], $0x4000  }
0x5b: {  	[sflag:s20] =	ssyncset.done $0x0  }
0x5c: {  	[sflag:s20] =	ssyncadd.s32 $0xFFFFC000  }
0x5d: {  	[tilespmem:s22], [sflag:$0x3] =	stream.linear.gather [hbm4b:s18+s3], $0x80, $0x38;
	[tilespmem:$0x1C200] =	vst v63  }
0x5e: {  	_ =	swait.ge [sflag:s20], $0x80  }
0x5f: {  	p0 =	sne.s32 s10, $0x1;
	[sflag:s20] =	ssyncset.done $0x0  }
.Ltmp1:
0x60: {  	[sflag:s20] =	ssyncadd.s32 $0xFFFFFF80;
	(pc) =	sbr.rel @!p0 .LBB2_5-.Ltmp1, $4  }
0x61: {  	[tilespmem:s23], [sflag:$0x3] =	stream.linear.gather [hbm4b:s17+s3], $0x80, $0x38;
	[tilespmem:$0x1C200] =	vst v63  }
0x62: {  	_ =	swait.ge [sflag:s20], $0x80  }
0x63: {  	s29 =	sadd.s32 $0xFFFFFFFF, s10;
	[sflag:s20] =	ssyncset.done $0x0  }
0x64: {  	s30 =	sadd.s32 $0x20, s17;
	s31 =	sadd.s32 $0x20, s18;
	[sflag:s20] =	ssyncadd.s32 $0xFFFFFF80  }
.LBB2_4:
0x65: {  	[tilespmem:s24], [sflag:$0x2] =	stream.indirect.gather [hbm4b:s4+s21], $0x80, s22, s21, $0xb8;
	[tilespmem:$0x1C200] =	vst v63  }
0x66: {  	p0 =	sne.s32 s29, $0x1;
	s29 =	sadd.s32 $0xFFFFFFFF, s29;
	_ =	swait.ge [sflag:s25], $0x4000  }
0x67: {  	[sflag:s25] =	ssyncset.done $0x0  }
0x68: {  	[sflag:s25] =	ssyncadd.s32 $0xFFFFC000  }
0x69: {  	[spmem:s1] =	stream.indirect.scatter.add.f32 [tilespmem:s19], [sflag:$0x3], $0x80, s21, s21, $0xb8;
	[tilespmem:$0x1C200] =	vst v63  }
0x6a: {  	_ =	swait.ge [sflag:s20], $0x4000  }
0x6b: {  	[sflag:s20] =	ssyncset.done $0x0  }
0x6c: {  	s0 =	sadd.s32 $0xFFFFFFF0, s31;
	[sflag:s20] =	ssyncadd.s32 $0xFFFFC000  }
0x6d: {  	[tilespmem:s3], [sflag:$0x3] =	stream.linear.gather [hbm4b:s0+s3], $0x80, $0x38;
	[tilespmem:$0x1C200] =	vst v63  }
0x6e: {  	_ =	swait.ge [sflag:s20], $0x80  }
0x6f: {  	[sflag:s20] =	ssyncset.done $0x0  }
0x70: {  	s0 =	sadd.s32 $0xFFFFFFF0, s30;
	[sflag:s20] =	ssyncadd.s32 $0xFFFFFF80  }
0x71: {  	[tilespmem:s21], [sflag:$0x3] =	stream.linear.gather [hbm4b:s0+s3], $0x80, $0x38;
	[tilespmem:$0x1C200] =	vst v63  }
0x72: {  	_ =	swait.ge [sflag:s20], $0x80  }
0x73: {  	[sflag:s20] =	ssyncset.done $0x0  }
0x74: {  	[sflag:s20] =	ssyncadd.s32 $0xFFFFFF80  }
0x75: {  	[tilespmem:s19], [sflag:$0x1] =	stream.indirect.gather [hbm4b:s4+s21], $0x80, s3, s21, $0xb8;
	[tilespmem:$0x1C200] =	vst v63  }
0x76: {  	_ =	swait.ge [sflag:s26], $0x4000  }
0x77: {  	[sflag:s26] =	ssyncset.done $0x0  }
0x78: {  	[sflag:s26] =	ssyncadd.s32 $0xFFFFC000  }
0x79: {  	[spmem:s1] =	stream.indirect.scatter.add.f32 [tilespmem:s24], [sflag:$0x3], $0x80, s23, s21, $0xb8;
	[tilespmem:$0x1C200] =	vst v63  }
0x7a: {  	_ =	swait.ge [sflag:s20], $0x4000  }
0x7b: {  	[sflag:s20] =	ssyncset.done $0x0  }
0x7c: {  	[sflag:s20] =	ssyncadd.s32 $0xFFFFC000  }
0x7d: {  	[tilespmem:s22], [sflag:$0x3] =	stream.linear.gather [hbm4b:s31+s3], $0x80, $0x38;
	[tilespmem:$0x1C200] =	vst v63  }
0x7e: {  	_ =	swait.ge [sflag:s20], $0x80  }
0x7f: {  	[sflag:s20] =	ssyncset.done $0x0  }
.Ltmp2:
0x80: {  	[sflag:s20] =	ssyncadd.s32 $0xFFFFFF80;
	(pc) =	sbr.rel @p0 .LBB2_4-.Ltmp2, $4  }
0x81: {  	[tilespmem:s23], [sflag:$0x3] =	stream.linear.gather [hbm4b:s30+s3], $0x80, $0x38;
	[tilespmem:$0x1C200] =	vst v63  }
0x82: {  	_ =	swait.ge [sflag:s20], $0x80  }
0x83: {  	[sflag:s20] =	ssyncset.done $0x0  }
0x84: {  	s31 =	sadd.s32 $0x20, s31;
	s30 =	sadd.s32 $0x20, s30;
	[sflag:s20] =	ssyncadd.s32 $0xFFFFFF80  }
.LBB2_5:
0x85: {  	[tilespmem:s24], [sflag:$0x2] =	stream.indirect.gather [hbm4b:s4+s21], $0x80, s22, s21, $0xb8;
	[tilespmem:$0x1C200] =	vst v63  }
0x86: {  	_ =	swait.ge [sflag:s25], $0x4000  }
0x87: {  	[sflag:s25] =	ssyncset.done $0x0  }
0x88: {  	[sflag:s25] =	ssyncadd.s32 $0xFFFFC000  }
0x89: {  	[spmem:s1] =	stream.indirect.scatter.add.f32 [tilespmem:s19], [sflag:$0x3], $0x80, s21, s21, $0xb8;
	[tilespmem:$0x1C200] =	vst v63  }
0x8a: {  	_ =	swait.ge [sflag:s20], $0x4000  }
0x8b: {  	[sflag:s20] =	ssyncset.done $0x0  }
0x8c: {  	[sflag:s20] =	ssyncadd.s32 $0xFFFFC000  }
0x8d: {  	_ =	swait.ge [sflag:s26], $0x4000  }
0x8e: {  	[sflag:s26] =	ssyncset.done $0x0  }
0x8f: {  	[sflag:s26] =	ssyncadd.s32 $0xFFFFC000  }
0x90: {  	[spmem:s1] =	stream.indirect.scatter.add.f32 [tilespmem:s24], [sflag:$0x3], $0x80, s23, s21, $0xb8;
	[tilespmem:$0x1C200] =	vst v63  }
0x91: {  	_ =	swait.ge [sflag:s20], $0x4000  }
0x92: {  	s0 =	sshll.u32 s2, $0x6;
	s28 =	sadd.s32 $0x1, s28;
	[sflag:s20] =	ssyncset.done $0x0  }
0x93: {  	s29 =	sshrl.u32 s5, $0x3;
	p0 =	sne.s32 s28, s12;
	[sflag:s20] =	ssyncadd.s32 $0xFFFFC000  }
.Ltmp3:
0x94: {  	s0 =	sor.u32 $0x1C03, s0;
	[bflag:$0x0] =	sbarrier.arrive $0xFFFF;
	(pc) =	sbr.rel @p0 .LBB2_1-.Ltmp3, $4  }
0x95: {  	[hbm:s11], [sflag:s0] =	dma.local [spmem:s29], $0x2800  }
0x96: {  	_ =	swait.ge [sflag:s20], $0x2800  }
0x97: {  	[sflag:s20] =	ssyncset.done $0x0  }
0x98: {  	[sflag:s20] =	ssyncadd.s32 $0xFFFFD800  }
0x99: {  	_ =	sfence.sel $0x180000  }
0x9a: {  	[bflag:$0x0] =	sbarrier.arrive $0xFFFF  }
0x9b: {  	_ =	strace $0x90000056  }
0x9c: {  	[bflag:$0x2] =	sbarrier.arrive $0xFFFF  }
0x9d: {  	p0 =	sne.s32 s2, $0x0;
	s0 =	rddreg [dreg:$0x2]  }
0x9e: {  	s0 =	sadd.s32 @!p0 $0x100000, s0  }
0x9f: {  	[sflag:s0] =	ssyncadd.tile.s32 @!p0 $0x1;
	_ =	shalt  }
.Lfunc_end2:
_tile_overlayer_lowered:
.L_overlay_start_2:
0xa0: {  	(tag) =	ssettag $0x2  }
0xa1: {  	s0 =	rddreg [dreg:$0x0];
	s2 =	stileid.u32  }
0xa2: {  	s1 =	rddreg [dreg:$0x1];
	p0 =	sne.s32 s2, $0x0  }
0xa3: {  	s3 =	rddreg [dreg:$0x2];
	[bflag:$0x3] =	sbarrier.arrive $0xFFFF;
	s2 =	simm.s32 @!p0 $0x1C03  }
0xa4: {  	[timem:s3], [sflag:s2] =	dma.local @!p0 [hbm:s0], s1  }
0xa5: {  	s0 =	simm.s32 @!p0 $0x3  }
0xa6: {  	_ =	swait.ge @!p0 [sflag:s0], s1  }
0xa7: {  	s1 =	ssub.s32 @!p0 $0x0, s1;
	[sflag:s0] =	ssyncset.done @!p0 $0x0  }
0xa8: {  	[sflag:s0] =	ssyncadd.s32 @!p0 s1  }
0xa9: {  	[bflag:$0x3] =	sbarrier.arrive $0xFFFF  }
0xaa: {  	_ =	shalt  }

</sc_bundles>
